<compile_context>
chip_gen: v7x
topology: tpu7x:2x2x1
jax: 0.10.2.dev20260603
libtpu: 0.0.44.dev20260713+nightly
codegen_flags: <defaults>
</compile_context>

<pallas_src>
import functools

import jax
import jax.numpy as jnp
from jax import lax
from jax.experimental import pallas as pl
from jax.experimental.pallas import tpu as pltpu
from jax.experimental.pallas import tpu_sc as plsc

L = 16


@functools.lru_cache(maxsize=None)
def _build(B, S, D, MAXS):
    info = plsc.get_sparse_core_info()
    NC, NS = info.num_cores, info.num_subcores
    NW = NC * NS
    assert S % NW == 0 and D % L == 0 and (D & (D - 1)) == 0
    Dlog = D.bit_length() - 1
    rows_w = S // NW
    P = 16
    while rows_w % P:
        P //= 2
    n_chunks = rows_w // P
    CW = P * D
    STEPS = n_chunks * B

    mesh = plsc.VectorSubcoreMesh(core_axis_name="c", subcore_axis_name="s")

    NB = 5
    PD = NB - 2

    @functools.partial(
        pl.kernel,
        out_type=jax.ShapeDtypeStruct((B, S, D), jnp.float32),
        mesh=mesh,
        scratch_types=(
            [pltpu.VMEM((P, D), jnp.float32)] * (NB + 2)
            + [pltpu.SemaphoreType.DMA] * (2 * NB + 2)
        ),
    )
    def k(emb_hbm, pos_hbm, out_hbm, *bufs):
        ebuf = list(bufs[:NB])
        pbuf = list(bufs[NB:NB + 2])
        lsem = list(bufs[NB + 2:2 * NB + 2])
        ssem = list(bufs[2 * NB + 2:3 * NB + 2])
        qsem = list(bufs[3 * NB + 2:3 * NB + 4])

        wid = lax.axis_index("s") * NC + lax.axis_index("c")
        s_base = wid * rows_w

        def row0(i):
            return s_base + (i // B) * P

        def start_load(i):
            return pltpu.async_copy(
                emb_hbm.at[i % B, pl.ds(row0(i), P), :],
                ebuf[i % NB], lsem[i % NB])

        ld = [None] * NB
        st = [None] * NB
        pw = [None] * 2

        pw[0] = pltpu.async_copy(
            pos_hbm.at[pl.ds(row0(0), P), :], pbuf[0], qsem[0])
        for j in range(min(PD, STEPS)):
            ld[j % NB] = start_load(j)

        for i in range(STEPS):
            cs, b = divmod(i, B)
            bi = i % NB
            nbi = (i + PD) % NB
            if b == 0:
                if cs + 1 < n_chunks:
                    pw[(cs + 1) % 2] = pltpu.async_copy(
                        pos_hbm.at[pl.ds(s_base + (cs + 1) * P, P), :],
                        pbuf[(cs + 1) % 2], qsem[(cs + 1) % 2])
                pw[cs % 2].wait()
            if i + PD < STEPS:
                if st[nbi] is not None:
                    st[nbi].wait()
                ld[nbi] = start_load(i + PD)
            ld[bi].wait()
            eb = ebuf[bi]
            pb = pbuf[cs % 2]

            @plsc.parallel_loop(0, CW, step=L, unroll=4)
            def body(o):
                r = lax.shift_right_logical(o, Dlog)
                c = pl.multiple_of(lax.bitwise_and(o, D - 1), L)
                plsc.addupdate(eb.at[r, pl.ds(c, L)], pb[r, pl.ds(c, L)])

            st[bi] = pltpu.async_copy(
                eb, out_hbm.at[b, pl.ds(row0(i), P), :], ssem[bi])

        for j in range(STEPS - min(NB, STEPS), STEPS):
            st[j % NB].wait()

    return k


def kernel(embeddings, pos_table):
    B, S, D = embeddings.shape
    MAXS = pos_table.shape[0]
    return _build(B, S, D, MAXS)(embeddings, pos_table)

# --- scband reference (transcript-rebuilt; emitter-appended) ---
"""Pipeline reference for scband-learnable-positional-encoder-25391846654092 (READ-ONLY COPY).

The authoritative reference and input builder live on the scoring server;
editing this copy changes nothing except your own understanding.
"""

import jax, jax.numpy as jnp
import numpy as np

BATCH = 4
SEQ = 4096
DIM = 1024
MAX_SEQ = 8192

def setup_inputs(seed: int = 0) -> dict:
    key = jax.random.key(seed)
    k1, k2 = jax.random.split(key)
    embeddings = jax.random.normal(k1, (BATCH, SEQ, DIM), dtype=jnp.float32)
    pos_table = jax.random.normal(k2, (MAX_SEQ, DIM), dtype=jnp.float32) * 0.02
    return {"embeddings": embeddings, "pos_table": pos_table}

def reference(embeddings, pos_table):
    batch_size, sequence_length, embedding_dimension = embeddings.shape
    positions = jnp.arange(sequence_length, dtype=jnp.int32)[None, :]  # [1, S]
    pos_emb = jnp.take(pos_table, positions, axis=0)  # [1, S, D]
    return embeddings + pos_emb

if __name__ == "__main__":
    import jax
    _d = setup_inputs()
    print(jax.jit(kernel)(*tuple(_d.values())))

</pallas_src>

<mosaic_0001>
#map = affine_map<(d0, d1) -> (0, 0, 0)>
#map1 = affine_map<(d0, d1) -> (0, 0)>
module attributes {stable_mosaic.version = 14 : i64} {
  func.func @k(%arg0: i32, %arg1: i32, %arg2: memref<4x4096x1024xf32, #tpu.memory_space<hbm>>, %arg3: memref<8192x1024xf32, #tpu.memory_space<hbm>>, %arg4: memref<4x4096x1024xf32, #tpu.memory_space<hbm>>, %arg5: memref<16x1024xf32, #tpu.memory_space<vmem>>, %arg6: memref<16x1024xf32, #tpu.memory_space<vmem>>, %arg7: memref<16x1024xf32, #tpu.memory_space<vmem>>, %arg8: memref<16x1024xf32, #tpu.memory_space<vmem>>, %arg9: memref<16x1024xf32, #tpu.memory_space<vmem>>, %arg10: memref<16x1024xf32, #tpu.memory_space<vmem>>, %arg11: memref<16x1024xf32, #tpu.memory_space<vmem>>, %arg12: memref<!tpu.dma_semaphore, #tpu.memory_space<semaphore_mem>>, %arg13: memref<!tpu.dma_semaphore, #tpu.memory_space<semaphore_mem>>, %arg14: memref<!tpu.dma_semaphore, #tpu.memory_space<semaphore_mem>>, %arg15: memref<!tpu.dma_semaphore, #tpu.memory_space<semaphore_mem>>, %arg16: memref<!tpu.dma_semaphore, #tpu.memory_space<semaphore_mem>>, %arg17: memref<!tpu.dma_semaphore, #tpu.memory_space<semaphore_mem>>, %arg18: memref<!tpu.dma_semaphore, #tpu.memory_space<semaphore_mem>>, %arg19: memref<!tpu.dma_semaphore, #tpu.memory_space<semaphore_mem>>, %arg20: memref<!tpu.dma_semaphore, #tpu.memory_space<semaphore_mem>>, %arg21: memref<!tpu.dma_semaphore, #tpu.memory_space<semaphore_mem>>, %arg22: memref<!tpu.dma_semaphore, #tpu.memory_space<semaphore_mem>>, %arg23: memref<!tpu.dma_semaphore, #tpu.memory_space<semaphore_mem>>) attributes {dimension_semantics = [#tpu.dimension_semantics<core_parallel>, #tpu.dimension_semantics<subcore_parallel>], iteration_bounds = array<i64: 2, 16>, scalar_prefetch = 0 : i64, scratch_operands = 19 : i64, tpu.core_type = #tpu.core_type<sc_vector_subcore>, window_params = [{transform_indices = #map}, {transform_indices = #map1}, {transform_indices = #map}]} {
    %mul3A = arith.constant 2 : i32
    %mul3A_0 = arith.muli %arg1, %mul3A : i32
    %add3A = arith.addi %mul3A_0, %arg0 : i32
    %mul3A_1 = arith.constant 128 : i32
    %mul3A_2 = arith.muli %add3A, %mul3A_1 : i32
    %add3A_3 = arith.constant 0 : i32
    %add3A_4 = arith.addi %mul3A_2, %add3A_3 : i32
    %dma_start3A = arith.constant 0 : i32
    %dma_start3A_5 = tpu.memref_slice %arg3[%add3A_4, %dma_start3A] : memref<8192x1024xf32, #tpu.memory_space<hbm>> -> memref<16x1024xf32, #tpu.memory_space<hbm>>
    %dma_start3A_6 = arith.constant 0 : i32
    %dma_start3A_7 = tpu.memref_slice %arg3[%add3A_4, %dma_start3A_6] : memref<8192x1024xf32, #tpu.memory_space<hbm>> -> memref<16x1024xf32, #tpu.memory_space<hbm>>
    tpu.enqueue_dma source(%dma_start3A_7 : memref<16x1024xf32, #tpu.memory_space<hbm>>) target(%arg10 : memref<16x1024xf32, #tpu.memory_space<vmem>>) target_semaphore(%arg22 : memref<!tpu.dma_semaphore, #tpu.memory_space<semaphore_mem>>)
    %add3A_8 = arith.constant 0 : i32
    %add3A_9 = arith.addi %mul3A_2, %add3A_8 : i32
    %dma_start3A_10 = arith.constant 0 : i32
    %dma_start3A_11 = arith.constant 0 : i32
    %dma_start3A_12 = tpu.memref_slice %arg2[%dma_start3A_10, %add3A_9, %dma_start3A_11] : memref<4x4096x1024xf32, #tpu.memory_space<hbm>> -> memref<1x16x1024xf32, #tpu.memory_space<hbm>>
    %dma_start3A_13 = tpu.memref_squeeze %dma_start3A_12 : memref<1x16x1024xf32, #tpu.memory_space<hbm>> -> memref<16x1024xf32, #tpu.memory_space<hbm>>
    %dma_start3A_14 = arith.constant 0 : i32
    %dma_start3A_15 = tpu.memref_slice %arg2[%dma_start3A_10, %add3A_9, %dma_start3A_14] : memref<4x4096x1024xf32, #tpu.memory_space<hbm>> -> memref<1x16x1024xf32, #tpu.memory_space<hbm>>
    %dma_start3A_16 = tpu.memref_squeeze %dma_start3A_15 : memref<1x16x1024xf32, #tpu.memory_space<hbm>> -> memref<16x1024xf32, #tpu.memory_space<hbm>>
    tpu.enqueue_dma source(%dma_start3A_16 : memref<16x1024xf32, #tpu.memory_space<hbm>>) target(%arg5 : memref<16x1024xf32, #tpu.memory_space<vmem>>) target_semaphore(%arg12 : memref<!tpu.dma_semaphore, #tpu.memory_space<semaphore_mem>>)
    %add3A_17 = arith.constant 0 : i32
    %add3A_18 = arith.addi %mul3A_2, %add3A_17 : i32
    %dma_start3A_19 = arith.constant 1 : i32
    %dma_start3A_20 = arith.constant 0 : i32
    %dma_start3A_21 = tpu.memref_slice %arg2[%dma_start3A_19, %add3A_18, %dma_start3A_20] : memref<4x4096x1024xf32, #tpu.memory_space<hbm>> -> memref<1x16x1024xf32, #tpu.memory_space<hbm>>
    %dma_start3A_22 = tpu.memref_squeeze %dma_start3A_21 : memref<1x16x1024xf32, #tpu.memory_space<hbm>> -> memref<16x1024xf32, #tpu.memory_space<hbm>>
    %dma_start3A_23 = arith.constant 0 : i32
    %dma_start3A_24 = tpu.memref_slice %arg2[%dma_start3A_19, %add3A_18, %dma_start3A_23] : memref<4x4096x1024xf32, #tpu.memory_space<hbm>> -> memref<1x16x1024xf32, #tpu.memory_space<hbm>>
    %dma_start3A_25 = tpu.memref_squeeze %dma_start3A_24 : memref<1x16x1024xf32, #tpu.memory_space<hbm>> -> memref<16x1024xf32, #tpu.memory_space<hbm>>
    tpu.enqueue_dma source(%dma_start3A_25 : memref<16x1024xf32, #tpu.memory_space<hbm>>) target(%arg6 : memref<16x1024xf32, #tpu.memory_space<vmem>>) target_semaphore(%arg13 : memref<!tpu.dma_semaphore, #tpu.memory_space<semaphore_mem>>)
    %add3A_26 = arith.constant 0 : i32
    %add3A_27 = arith.addi %mul3A_2, %add3A_26 : i32
    %dma_start3A_28 = arith.constant 2 : i32
    %dma_start3A_29 = arith.constant 0 : i32
    %dma_start3A_30 = tpu.memref_slice %arg2[%dma_start3A_28, %add3A_27, %dma_start3A_29] : memref<4x4096x1024xf32, #tpu.memory_space<hbm>> -> memref<1x16x1024xf32, #tpu.memory_space<hbm>>
    %dma_start3A_31 = tpu.memref_squeeze %dma_start3A_30 : memref<1x16x1024xf32, #tpu.memory_space<hbm>> -> memref<16x1024xf32, #tpu.memory_space<hbm>>
    %dma_start3A_32 = arith.constant 0 : i32
    %dma_start3A_33 = tpu.memref_slice %arg2[%dma_start3A_28, %add3A_27, %dma_start3A_32] : memref<4x4096x1024xf32, #tpu.memory_space<hbm>> -> memref<1x16x1024xf32, #tpu.memory_space<hbm>>
    %dma_start3A_34 = tpu.memref_squeeze %dma_start3A_33 : memref<1x16x1024xf32, #tpu.memory_space<hbm>> -> memref<16x1024xf32, #tpu.memory_space<hbm>>
    tpu.enqueue_dma source(%dma_start3A_34 : memref<16x1024xf32, #tpu.memory_space<hbm>>) target(%arg7 : memref<16x1024xf32, #tpu.memory_space<vmem>>) target_semaphore(%arg14 : memref<!tpu.dma_semaphore, #tpu.memory_space<semaphore_mem>>)
    %add3A_35 = arith.constant 16 : i32
    %add3A_36 = arith.addi %mul3A_2, %add3A_35 : i32
    %dma_start3A_37 = arith.constant 0 : i32
    %dma_start3A_38 = tpu.memref_slice %arg3[%add3A_36, %dma_start3A_37] : memref<8192x1024xf32, #tpu.memory_space<hbm>> -> memref<16x1024xf32, #tpu.memory_space<hbm>>
    %dma_start3A_39 = arith.constant 0 : i32
    %dma_start3A_40 = tpu.memref_slice %arg3[%add3A_36, %dma_start3A_39] : memref<8192x1024xf32, #tpu.memory_space<hbm>> -> memref<16x1024xf32, #tpu.memory_space<hbm>>
    tpu.enqueue_dma source(%dma_start3A_40 : memref<16x1024xf32, #tpu.memory_space<hbm>>) target(%arg11 : memref<16x1024xf32, #tpu.memory_space<vmem>>) target_semaphore(%arg23 : memref<!tpu.dma_semaphore, #tpu.memory_space<semaphore_mem>>)
    %dma_wait3A = arith.constant 0 : i32
    %dma_wait3A_41 = tpu.memref_slice %arg3[%add3A_4, %dma_wait3A] : memref<8192x1024xf32, #tpu.memory_space<hbm>> -> memref<16x1024xf32, #tpu.memory_space<hbm>>
    %dma_wait3A_42 = arith.constant 0 : i32
    %dma_wait3A_43 = tpu.memref_slice %arg3[%add3A_4, %dma_wait3A_42] : memref<8192x1024xf32, #tpu.memory_space<hbm>> -> memref<16x1024xf32, #tpu.memory_space<hbm>>
    tpu.wait_dma2 semaphore(%arg22 : memref<!tpu.dma_semaphore, #tpu.memory_space<semaphore_mem>>) src(%dma_wait3A_43 : memref<16x1024xf32, #tpu.memory_space<hbm>>) dst(%arg10 : memref<16x1024xf32, #tpu.memory_space<vmem>>)
    %add3A_44 = arith.constant 0 : i32
    %add3A_45 = arith.addi %mul3A_2, %add3A_44 : i32
    %dma_start3A_46 = arith.constant 3 : i32
    %dma_start3A_47 = arith.constant 0 : i32
    %dma_start3A_48 = tpu.memref_slice %arg2[%dma_start3A_46, %add3A_45, %dma_start3A_47] : memref<4x4096x1024xf32, #tpu.memory_space<hbm>> -> memref<1x16x1024xf32, #tpu.memory_space<hbm>>
    %dma_start3A_49 = tpu.memref_squeeze %dma_start3A_48 : memref<1x16x1024xf32, #tpu.memory_space<hbm>> -> memref<16x1024xf32, #tpu.memory_space<hbm>>
    %dma_start3A_50 = arith.constant 0 : i32
    %dma_start3A_51 = tpu.memref_slice %arg2[%dma_start3A_46, %add3A_45, %dma_start3A_50] : memref<4x4096x1024xf32, #tpu.memory_space<hbm>> -> memref<1x16x1024xf32, #tpu.memory_space<hbm>>
    %dma_start3A_52 = tpu.memref_squeeze %dma_start3A_51 : memref<1x16x1024xf32, #tpu.memory_space<hbm>> -> memref<16x1024xf32, #tpu.memory_space<hbm>>
    tpu.enqueue_dma source(%dma_start3A_52 : memref<16x1024xf32, #tpu.memory_space<hbm>>) target(%arg8 : memref<16x1024xf32, #tpu.memory_space<vmem>>) target_semaphore(%arg15 : memref<!tpu.dma_semaphore, #tpu.memory_space<semaphore_mem>>)
    %dma_wait3A_53 = arith.constant 0 : i32
    %dma_wait3A_54 = arith.constant 0 : i32
    %dma_wait3A_55 = tpu.memref_slice %arg2[%dma_wait3A_53, %add3A_9, %dma_wait3A_54] : memref<4x4096x1024xf32, #tpu.memory_space<hbm>> -> memref<1x16x1024xf32, #tpu.memory_space<hbm>>
    %dma_wait3A_56 = tpu.memref_squeeze %dma_wait3A_55 : memref<1x16x1024xf32, #tpu.memory_space<hbm>> -> memref<16x1024xf32, #tpu.memory_space<hbm>>
    %dma_wait3A_57 = arith.constant 0 : i32
    %dma_wait3A_58 = tpu.memref_slice %arg2[%dma_wait3A_53, %add3A_9, %dma_wait3A_57] : memref<4x4096x1024xf32, #tpu.memory_space<hbm>> -> memref<1x16x1024xf32, #tpu.memory_space<hbm>>
    %dma_wait3A_59 = tpu.memref_squeeze %dma_wait3A_58 : memref<1x16x1024xf32, #tpu.memory_space<hbm>> -> memref<16x1024xf32, #tpu.memory_space<hbm>>
    tpu.wait_dma2 semaphore(%arg12 : memref<!tpu.dma_semaphore, #tpu.memory_space<semaphore_mem>>) src(%dma_wait3A_59 : memref<16x1024xf32, #tpu.memory_space<hbm>>) dst(%arg5 : memref<16x1024xf32, #tpu.memory_space<vmem>>)
    %parallel_loop3A = arith.constant 0 : i32
    %parallel_loop3A_60 = arith.constant 16384 : i32
    %parallel_loop3A_61 = arith.constant 16 : i32
    scf.for %parallel_loop3A_1200 = %parallel_loop3A to %parallel_loop3A_60 step %parallel_loop3A_61  : i32 {
      %parallel_loop3A_1201 = arith.constant 10 : i32
      %parallel_loop3A_1202 = arith.shrui %parallel_loop3A_1200, %parallel_loop3A_1201 : i32
      %parallel_loop3A_1203 = arith.constant 1023 : i32
      %parallel_loop3A_1204 = arith.andi %parallel_loop3A_1200, %parallel_loop3A_1203 : i32
      %parallel_loop3A_1205 = tpu.assume_multiple %parallel_loop3A_1204, 16 : i32
      %parallel_loop3A_1206 = arith.index_cast %parallel_loop3A_1202 : i32 to index
      %parallel_loop3A_1207 = arith.index_cast %parallel_loop3A_1205 : i32 to index
      %parallel_loop3A_1208 = tpu.vector_load %arg10[%parallel_loop3A_1206, %parallel_loop3A_1207] {strides = array<i32>} : memref<16x1024xf32, #tpu.memory_space<vmem>>, vector<1x16xf32>,
      %parallel_loop3A_1209 = vector.shape_cast %parallel_loop3A_1208 : vector<1x16xf32> to vector<16xf32>
      %parallel_loop3A_1210 = arith.index_cast %parallel_loop3A_1202 : i32 to index
      %parallel_loop3A_1211 = arith.index_cast %parallel_loop3A_1205 : i32 to index
      %parallel_loop3A_1212 = tpu.vector_load %arg5[%parallel_loop3A_1210, %parallel_loop3A_1211] {strides = array<i32>} : memref<16x1024xf32, #tpu.memory_space<vmem>>, vector<1x16xf32>,
      %parallel_loop3A_1213 = vector.shape_cast %parallel_loop3A_1212 : vector<1x16xf32> to vector<16xf32>
      %parallel_loop3A_1214 = vector.shape_cast %parallel_loop3A_1209 : vector<16xf32> to vector<1x16xf32>
      tpu.vector_store %arg5[%parallel_loop3A_1210, %parallel_loop3A_1211], %parallel_loop3A_1214 {add = true, strides = array<i32>} : memref<16x1024xf32, #tpu.memory_space<vmem>>, vector<1x16xf32>,
    } {sc.loop_unroll_factor = 4 : i64, sc.parallel_access}
    %add3A_62 = arith.constant 0 : i32
    %add3A_63 = arith.addi %mul3A_2, %add3A_62 : i32
    %dma_start3A_64 = arith.constant 0 : i32
    %dma_start3A_65 = arith.constant 0 : i32
    %dma_start3A_66 = tpu.memref_slice %arg4[%dma_start3A_64, %add3A_63, %dma_start3A_65] : memref<4x4096x1024xf32, #tpu.memory_space<hbm>> -> memref<1x16x1024xf32, #tpu.memory_space<hbm>>
    %dma_start3A_67 = tpu.memref_squeeze %dma_start3A_66 : memref<1x16x1024xf32, #tpu.memory_space<hbm>> -> memref<16x1024xf32, #tpu.memory_space<hbm>>
    %dma_start3A_68 = arith.constant 0 : i32
    %dma_start3A_69 = tpu.memref_slice %arg4[%dma_start3A_64, %add3A_63, %dma_start3A_68] : memref<4x4096x1024xf32, #tpu.memory_space<hbm>> -> memref<1x16x1024xf32, #tpu.memory_space<hbm>>
    %dma_start3A_70 = tpu.memref_squeeze %dma_start3A_69 : memref<1x16x1024xf32, #tpu.memory_space<hbm>> -> memref<16x1024xf32, #tpu.memory_space<hbm>>
    tpu.enqueue_dma source(%arg5 : memref<16x1024xf32, #tpu.memory_space<vmem>>) target(%dma_start3A_70 : memref<16x1024xf32, #tpu.memory_space<hbm>>) target_semaphore(%arg17 : memref<!tpu.dma_semaphore, #tpu.memory_space<semaphore_mem>>)
    %add3A_71 = arith.constant 16 : i32
    %add3A_72 = arith.addi %mul3A_2, %add3A_71 : i32
    %dma_start3A_73 = arith.constant 0 : i32
    %dma_start3A_74 = arith.constant 0 : i32
    %dma_start3A_75 = tpu.memref_slice %arg2[%dma_start3A_73, %add3A_72, %dma_start3A_74] : memref<4x4096x1024xf32, #tpu.memory_space<hbm>> -> memref<1x16x1024xf32, #tpu.memory_space<hbm>>
    %dma_start3A_76 = tpu.memref_squeeze %dma_start3A_75 : memref<1x16x1024xf32, #tpu.memory_space<hbm>> -> memref<16x1024xf32, #tpu.memory_space<hbm>>
    %dma_start3A_77 = arith.constant 0 : i32
    %dma_start3A_78 = tpu.memref_slice %arg2[%dma_start3A_73, %add3A_72, %dma_start3A_77] : memref<4x4096x1024xf32, #tpu.memory_space<hbm>> -> memref<1x16x1024xf32, #tpu.memory_space<hbm>>
    %dma_start3A_79 = tpu.memref_squeeze %dma_start3A_78 : memref<1x16x1024xf32, #tpu.memory_space<hbm>> -> memref<16x1024xf32, #tpu.memory_space<hbm>>
    tpu.enqueue_dma source(%dma_start3A_79 : memref<16x1024xf32, #tpu.memory_space<hbm>>) target(%arg9 : memref<16x1024xf32, #tpu.memory_space<vmem>>) target_semaphore(%arg16 : memref<!tpu.dma_semaphore, #tpu.memory_space<semaphore_mem>>)
    %dma_wait3A_80 = arith.constant 1 : i32
    %dma_wait3A_81 = arith.constant 0 : i32
    %dma_wait3A_82 = tpu.memref_slice %arg2[%dma_wait3A_80, %add3A_18, %dma_wait3A_81] : memref<4x4096x1024xf32, #tpu.memory_space<hbm>> -> memref<1x16x1024xf32, #tpu.memory_space<hbm>>
    %dma_wait3A_83 = tpu.memref_squeeze %dma_wait3A_82 : memref<1x16x1024xf32, #tpu.memory_space<hbm>> -> memref<16x1024xf32, #tpu.memory_space<hbm>>
    %dma_wait3A_84 = arith.constant 0 : i32
    %dma_wait3A_85 = tpu.memref_slice %arg2[%dma_wait3A_80, %add3A_18, %dma_wait3A_84] : memref<4x4096x1024xf32, #tpu.memory_space<hbm>> -> memref<1x16x1024xf32, #tpu.memory_space<hbm>>
    %dma_wait3A_86 = tpu.memref_squeeze %dma_wait3A_85 : memref<1x16x1024xf32, #tpu.memory_space<hbm>> -> memref<16x1024xf32, #tpu.memory_space<hbm>>
    tpu.wait_dma2 semaphore(%arg13 : memref<!tpu.dma_semaphore, #tpu.memory_space<semaphore_mem>>) src(%dma_wait3A_86 : memref<16x1024xf32, #tpu.memory_space<hbm>>) dst(%arg6 : memref<16x1024xf32, #tpu.memory_space<vmem>>)
    %parallel_loop3A_87 = arith.constant 0 : i32
    %parallel_loop3A_88 = arith.constant 16384 : i32
    %parallel_loop3A_89 = arith.constant 16 : i32
    scf.for %parallel_loop3A_1200 = %parallel_loop3A_87 to %parallel_loop3A_88 step %parallel_loop3A_89  : i32 {
      %parallel_loop3A_1201 = arith.constant 10 : i32
      %parallel_loop3A_1202 = arith.shrui %parallel_loop3A_1200, %parallel_loop3A_1201 : i32
      %parallel_loop3A_1203 = arith.constant 1023 : i32
      %parallel_loop3A_1204 = arith.andi %parallel_loop3A_1200, %parallel_loop3A_1203 : i32
      %parallel_loop3A_1205 = tpu.assume_multiple %parallel_loop3A_1204, 16 : i32
      %parallel_loop3A_1206 = arith.index_cast %parallel_loop3A_1202 : i32 to index
      %parallel_loop3A_1207 = arith.index_cast %parallel_loop3A_1205 : i32 to index
      %parallel_loop3A_1208 = tpu.vector_load %arg10[%parallel_loop3A_1206, %parallel_loop3A_1207] {strides = array<i32>} : memref<16x1024xf32, #tpu.memory_space<vmem>>, vector<1x16xf32>,
      %parallel_loop3A_1209 = vector.shape_cast %parallel_loop3A_1208 : vector<1x16xf32> to vector<16xf32>
      %parallel_loop3A_1210 = arith.index_cast %parallel_loop3A_1202 : i32 to index
      %parallel_loop3A_1211 = arith.index_cast %parallel_loop3A_1205 : i32 to index
      %parallel_loop3A_1212 = tpu.vector_load %arg6[%parallel_loop3A_1210, %parallel_loop3A_1211] {strides = array<i32>} : memref<16x1024xf32, #tpu.memory_space<vmem>>, vector<1x16xf32>,
      %parallel_loop3A_1213 = vector.shape_cast %parallel_loop3A_1212 : vector<1x16xf32> to vector<16xf32>
      %parallel_loop3A_1214 = vector.shape_cast %parallel_loop3A_1209 : vector<16xf32> to vector<1x16xf32>
      tpu.vector_store %arg6[%parallel_loop3A_1210, %parallel_loop3A_1211], %parallel_loop3A_1214 {add = true, strides = array<i32>} : memref<16x1024xf32, #tpu.memory_space<vmem>>, vector<1x16xf32>,
    } {sc.loop_unroll_factor = 4 : i64, sc.parallel_access}
    %add3A_90 = arith.constant 0 : i32
    %add3A_91 = arith.addi %mul3A_2, %add3A_90 : i32
    %dma_start3A_92 = arith.constant 1 : i32
    %dma_start3A_93 = arith.constant 0 : i32
    %dma_start3A_94 = tpu.memref_slice %arg4[%dma_start3A_92, %add3A_91, %dma_start3A_93] : memref<4x4096x1024xf32, #tpu.memory_space<hbm>> -> memref<1x16x1024xf32, #tpu.memory_space<hbm>>
    %dma_start3A_95 = tpu.memref_squeeze %dma_start3A_94 : memref<1x16x1024xf32, #tpu.memory_space<hbm>> -> memref<16x1024xf32, #tpu.memory_space<hbm>>
    %dma_start3A_96 = arith.constant 0 : i32
    %dma_start3A_97 = tpu.memref_slice %arg4[%dma_start3A_92, %add3A_91, %dma_start3A_96] : memref<4x4096x1024xf32, #tpu.memory_space<hbm>> -> memref<1x16x1024xf32, #tpu.memory_space<hbm>>
    %dma_start3A_98 = tpu.memref_squeeze %dma_start3A_97 : memref<1x16x1024xf32, #tpu.memory_space<hbm>> -> memref<16x1024xf32, #tpu.memory_space<hbm>>
    tpu.enqueue_dma source(%arg6 : memref<16x1024xf32, #tpu.memory_space<vmem>>) target(%dma_start3A_98 : memref<16x1024xf32, #tpu.memory_space<hbm>>) target_semaphore(%arg18 : memref<!tpu.dma_semaphore, #tpu.memory_space<semaphore_mem>>)
    %dma_wait3A_99 = arith.constant 0 : i32
    %dma_wait3A_100 = arith.constant 0 : i32
    %dma_wait3A_101 = tpu.memref_slice %arg4[%dma_wait3A_99, %add3A_63, %dma_wait3A_100] : memref<4x4096x1024xf32, #tpu.memory_space<hbm>> -> memref<1x16x1024xf32, #tpu.memory_space<hbm>>
    %dma_wait3A_102 = tpu.memref_squeeze %dma_wait3A_101 : memref<1x16x1024xf32, #tpu.memory_space<hbm>> -> memref<16x1024xf32, #tpu.memory_space<hbm>>
    %dma_wait3A_103 = arith.constant 0 : i32
    %dma_wait3A_104 = tpu.memref_slice %arg4[%dma_wait3A_99, %add3A_63, %dma_wait3A_103] : memref<4x4096x1024xf32, #tpu.memory_space<hbm>> -> memref<1x16x1024xf32, #tpu.memory_space<hbm>>
    %dma_wait3A_105 = tpu.memref_squeeze %dma_wait3A_104 : memref<1x16x1024xf32, #tpu.memory_space<hbm>> -> memref<16x1024xf32, #tpu.memory_space<hbm>>
    tpu.wait_dma2 semaphore(%arg17 : memref<!tpu.dma_semaphore, #tpu.memory_space<semaphore_mem>>) src(%arg5 : memref<16x1024xf32, #tpu.memory_space<vmem>>) dst(%dma_wait3A_105 : memref<16x1024xf32, #tpu.memory_space<hbm>>)
    %add3A_106 = arith.constant 16 : i32
    %add3A_107 = arith.addi %mul3A_2, %add3A_106 : i32
    %dma_start3A_108 = arith.constant 1 : i32
    %dma_start3A_109 = arith.constant 0 : i32
    %dma_start3A_110 = tpu.memref_slice %arg2[%dma_start3A_108, %add3A_107, %dma_start3A_109] : memref<4x4096x1024xf32, #tpu.memory_space<hbm>> -> memref<1x16x1024xf32, #tpu.memory_space<hbm>>
    %dma_start3A_111 = tpu.memref_squeeze %dma_start3A_110 : memref<1x16x1024xf32, #tpu.memory_space<hbm>> -> memref<16x1024xf32, #tpu.memory_space<hbm>>
    %dma_start3A_112 = arith.constant 0 : i32
    %dma_start3A_113 = tpu.memref_slice %arg2[%dma_start3A_108, %add3A_107, %dma_start3A_112] : memref<4x4096x1024xf32, #tpu.memory_space<hbm>> -> memref<1x16x1024xf32, #tpu.memory_space<hbm>>
    %dma_start3A_114 = tpu.memref_squeeze %dma_start3A_113 : memref<1x16x1024xf32, #tpu.memory_space<hbm>> -> memref<16x1024xf32, #tpu.memory_space<hbm>>
    tpu.enqueue_dma source(%dma_start3A_114 : memref<16x1024xf32, #tpu.memory_space<hbm>>) target(%arg5 : memref<16x1024xf32, #tpu.memory_space<vmem>>) target_semaphore(%arg12 : memref<!tpu.dma_semaphore, #tpu.memory_space<semaphore_mem>>)
    %dma_wait3A_115 = arith.constant 2 : i32
    %dma_wait3A_116 = arith.constant 0 : i32
    %dma_wait3A_117 = tpu.memref_slice %arg2[%dma_wait3A_115, %add3A_27, %dma_wait3A_116] : memref<4x4096x1024xf32, #tpu.memory_space<hbm>> -> memref<1x16x1024xf32, #tpu.memory_space<hbm>>
    %dma_wait3A_118 = tpu.memref_squeeze %dma_wait3A_117 : memref<1x16x1024xf32, #tpu.memory_space<hbm>> -> memref<16x1024xf32, #tpu.memory_space<hbm>>
    %dma_wait3A_119 = arith.constant 0 : i32
    %dma_wait3A_120 = tpu.memref_slice %arg2[%dma_wait3A_115, %add3A_27, %dma_wait3A_119] : memref<4x4096x1024xf32, #tpu.memory_space<hbm>> -> memref<1x16x1024xf32, #tpu.memory_space<hbm>>
    %dma_wait3A_121 = tpu.memref_squeeze %dma_wait3A_120 : memref<1x16x1024xf32, #tpu.memory_space<hbm>> -> memref<16x1024xf32, #tpu.memory_space<hbm>>
    tpu.wait_dma2 semaphore(%arg14 : memref<!tpu.dma_semaphore, #tpu.memory_space<semaphore_mem>>) src(%dma_wait3A_121 : memref<16x1024xf32, #tpu.memory_space<hbm>>) dst(%arg7 : memref<16x1024xf32, #tpu.memory_space<vmem>>)
    %parallel_loop3A_122 = arith.constant 0 : i32
    %parallel_loop3A_123 = arith.constant 16384 : i32
    %parallel_loop3A_124 = arith.constant 16 : i32
    scf.for %parallel_loop3A_1200 = %parallel_loop3A_122 to %parallel_loop3A_123 step %parallel_loop3A_124  : i32 {
      %parallel_loop3A_1201 = arith.constant 10 : i32
      %parallel_loop3A_1202 = arith.shrui %parallel_loop3A_1200, %parallel_loop3A_1201 : i32
      %parallel_loop3A_1203 = arith.constant 1023 : i32
      %parallel_loop3A_1204 = arith.andi %parallel_loop3A_1200, %parallel_loop3A_1203 : i32
      %parallel_loop3A_1205 = tpu.assume_multiple %parallel_loop3A_1204, 16 : i32
      %parallel_loop3A_1206 = arith.index_cast %parallel_loop3A_1202 : i32 to index
      %parallel_loop3A_1207 = arith.index_cast %parallel_loop3A_1205 : i32 to index
      %parallel_loop3A_1208 = tpu.vector_load %arg10[%parallel_loop3A_1206, %parallel_loop3A_1207] {strides = array<i32>} : memref<16x1024xf32, #tpu.memory_space<vmem>>, vector<1x16xf32>,
      %parallel_loop3A_1209 = vector.shape_cast %parallel_loop3A_1208 : vector<1x16xf32> to vector<16xf32>
      %parallel_loop3A_1210 = arith.index_cast %parallel_loop3A_1202 : i32 to index
      %parallel_loop3A_1211 = arith.index_cast %parallel_loop3A_1205 : i32 to index
      %parallel_loop3A_1212 = tpu.vector_load %arg7[%parallel_loop3A_1210, %parallel_loop3A_1211] {strides = array<i32>} : memref<16x1024xf32, #tpu.memory_space<vmem>>, vector<1x16xf32>,
      %parallel_loop3A_1213 = vector.shape_cast %parallel_loop3A_1212 : vector<1x16xf32> to vector<16xf32>
      %parallel_loop3A_1214 = vector.shape_cast %parallel_loop3A_1209 : vector<16xf32> to vector<1x16xf32>
      tpu.vector_store %arg7[%parallel_loop3A_1210, %parallel_loop3A_1211], %parallel_loop3A_1214 {add = true, strides = array<i32>} : memref<16x1024xf32, #tpu.memory_space<vmem>>, vector<1x16xf32>,
    } {sc.loop_unroll_factor = 4 : i64, sc.parallel_access}
    %add3A_125 = arith.constant 0 : i32
    %add3A_126 = arith.addi %mul3A_2, %add3A_125 : i32
    %dma_start3A_127 = arith.constant 2 : i32
    %dma_start3A_128 = arith.constant 0 : i32
    %dma_start3A_129 = tpu.memref_slice %arg4[%dma_start3A_127, %add3A_126, %dma_start3A_128] : memref<4x4096x1024xf32, #tpu.memory_space<hbm>> -> memref<1x16x1024xf32, #tpu.memory_space<hbm>>
    %dma_start3A_130 = tpu.memref_squeeze %dma_start3A_129 : memref<1x16x1024xf32, #tpu.memory_space<hbm>> -> memref<16x1024xf32, #tpu.memory_space<hbm>>
    %dma_start3A_131 = arith.constant 0 : i32
    %dma_start3A_132 = tpu.memref_slice %arg4[%dma_start3A_127, %add3A_126, %dma_start3A_131] : memref<4x4096x1024xf32, #tpu.memory_space<hbm>> -> memref<1x16x1024xf32, #tpu.memory_space<hbm>>
    %dma_start3A_133 = tpu.memref_squeeze %dma_start3A_132 : memref<1x16x1024xf32, #tpu.memory_space<hbm>> -> memref<16x1024xf32, #tpu.memory_space<hbm>>
    tpu.enqueue_dma source(%arg7 : memref<16x1024xf32, #tpu.memory_space<vmem>>) target(%dma_start3A_133 : memref<16x1024xf32, #tpu.memory_space<hbm>>) target_semaphore(%arg19 : memref<!tpu.dma_semaphore, #tpu.memory_space<semaphore_mem>>)
    %dma_wait3A_134 = arith.constant 1 : i32
    %dma_wait3A_135 = arith.constant 0 : i32
    %dma_wait3A_136 = tpu.memref_slice %arg4[%dma_wait3A_134, %add3A_91, %dma_wait3A_135] : memref<4x4096x1024xf32, #tpu.memory_space<hbm>> -> memref<1x16x1024xf32, #tpu.memory_space<hbm>>
    %dma_wait3A_137 = tpu.memref_squeeze %dma_wait3A_136 : memref<1x16x1024xf32, #tpu.memory_space<hbm>> -> memref<16x1024xf32, #tpu.memory_space<hbm>>
    %dma_wait3A_138 = arith.constant 0 : i32
    %dma_wait3A_139 = tpu.memref_slice %arg4[%dma_wait3A_134, %add3A_91, %dma_wait3A_138] : memref<4x4096x1024xf32, #tpu.memory_space<hbm>> -> memref<1x16x1024xf32, #tpu.memory_space<hbm>>
    %dma_wait3A_140 = tpu.memref_squeeze %dma_wait3A_139 : memref<1x16x1024xf32, #tpu.memory_space<hbm>> -> memref<16x1024xf32, #tpu.memory_space<hbm>>
    tpu.wait_dma2 semaphore(%arg18 : memref<!tpu.dma_semaphore, #tpu.memory_space<semaphore_mem>>) src(%arg6 : memref<16x1024xf32, #tpu.memory_space<vmem>>) dst(%dma_wait3A_140 : memref<16x1024xf32, #tpu.memory_space<hbm>>)
    %add3A_141 = arith.constant 16 : i32
    %add3A_142 = arith.addi %mul3A_2, %add3A_141 : i32
    %dma_start3A_143 = arith.constant 2 : i32
    %dma_start3A_144 = arith.constant 0 : i32
    %dma_start3A_145 = tpu.memref_slice %arg2[%dma_start3A_143, %add3A_142, %dma_start3A_144] : memref<4x4096x1024xf32, #tpu.memory_space<hbm>> -> memref<1x16x1024xf32, #tpu.memory_space<hbm>>
    %dma_start3A_146 = tpu.memref_squeeze %dma_start3A_145 : memref<1x16x1024xf32, #tpu.memory_space<hbm>> -> memref<16x1024xf32, #tpu.memory_space<hbm>>
    %dma_start3A_147 = arith.constant 0 : i32
    %dma_start3A_148 = tpu.memref_slice %arg2[%dma_start3A_143, %add3A_142, %dma_start3A_147] : memref<4x4096x1024xf32, #tpu.memory_space<hbm>> -> memref<1x16x1024xf32, #tpu.memory_space<hbm>>
    %dma_start3A_149 = tpu.memref_squeeze %dma_start3A_148 : memref<1x16x1024xf32, #tpu.memory_space<hbm>> -> memref<16x1024xf32, #tpu.memory_space<hbm>>
    tpu.enqueue_dma source(%dma_start3A_149 : memref<16x1024xf32, #tpu.memory_space<hbm>>) target(%arg6 : memref<16x1024xf32, #tpu.memory_space<vmem>>) target_semaphore(%arg13 : memref<!tpu.dma_semaphore, #tpu.memory_space<semaphore_mem>>)
    %dma_wait3A_150 = arith.constant 3 : i32
    %dma_wait3A_151 = arith.constant 0 : i32
    %dma_wait3A_152 = tpu.memref_slice %arg2[%dma_wait3A_150, %add3A_45, %dma_wait3A_151] : memref<4x4096x1024xf32, #tpu.memory_space<hbm>> -> memref<1x16x1024xf32, #tpu.memory_space<hbm>>
    %dma_wait3A_153 = tpu.memref_squeeze %dma_wait3A_152 : memref<1x16x1024xf32, #tpu.memory_space<hbm>> -> memref<16x1024xf32, #tpu.memory_space<hbm>>
    %dma_wait3A_154 = arith.constant 0 : i32
    %dma_wait3A_155 = tpu.memref_slice %arg2[%dma_wait3A_150, %add3A_45, %dma_wait3A_154] : memref<4x4096x1024xf32, #tpu.memory_space<hbm>> -> memref<1x16x1024xf32, #tpu.memory_space<hbm>>
    %dma_wait3A_156 = tpu.memref_squeeze %dma_wait3A_155 : memref<1x16x1024xf32, #tpu.memory_space<hbm>> -> memref<16x1024xf32, #tpu.memory_space<hbm>>
    tpu.wait_dma2 semaphore(%arg15 : memref<!tpu.dma_semaphore, #tpu.memory_space<semaphore_mem>>) src(%dma_wait3A_156 : memref<16x1024xf32, #tpu.memory_space<hbm>>) dst(%arg8 : memref<16x1024xf32, #tpu.memory_space<vmem>>)
    %parallel_loop3A_157 = arith.constant 0 : i32
    %parallel_loop3A_158 = arith.constant 16384 : i32
    %parallel_loop3A_159 = arith.constant 16 : i32
    scf.for %parallel_loop3A_1200 = %parallel_loop3A_157 to %parallel_loop3A_158 step %parallel_loop3A_159  : i32 {
      %parallel_loop3A_1201 = arith.constant 10 : i32
      %parallel_loop3A_1202 = arith.shrui %parallel_loop3A_1200, %parallel_loop3A_1201 : i32
      %parallel_loop3A_1203 = arith.constant 1023 : i32
      %parallel_loop3A_1204 = arith.andi %parallel_loop3A_1200, %parallel_loop3A_1203 : i32
      %parallel_loop3A_1205 = tpu.assume_multiple %parallel_loop3A_1204, 16 : i32
      %parallel_loop3A_1206 = arith.index_cast %parallel_loop3A_1202 : i32 to index
      %parallel_loop3A_1207 = arith.index_cast %parallel_loop3A_1205 : i32 to index
      %parallel_loop3A_1208 = tpu.vector_load %arg10[%parallel_loop3A_1206, %parallel_loop3A_1207] {strides = array<i32>} : memref<16x1024xf32, #tpu.memory_space<vmem>>, vector<1x16xf32>,
      %parallel_loop3A_1209 = vector.shape_cast %parallel_loop3A_1208 : vector<1x16xf32> to vector<16xf32>
      %parallel_loop3A_1210 = arith.index_cast %parallel_loop3A_1202 : i32 to index
      %parallel_loop3A_1211 = arith.index_cast %parallel_loop3A_1205 : i32 to index
      %parallel_loop3A_1212 = tpu.vector_load %arg8[%parallel_loop3A_1210, %parallel_loop3A_1211] {strides = array<i32>} : memref<16x1024xf32, #tpu.memory_space<vmem>>, vector<1x16xf32>,
      %parallel_loop3A_1213 = vector.shape_cast %parallel_loop3A_1212 : vector<1x16xf32> to vector<16xf32>
      %parallel_loop3A_1214 = vector.shape_cast %parallel_loop3A_1209 : vector<16xf32> to vector<1x16xf32>
      tpu.vector_store %arg8[%parallel_loop3A_1210, %parallel_loop3A_1211], %parallel_loop3A_1214 {add = true, strides = array<i32>} : memref<16x1024xf32, #tpu.memory_space<vmem>>, vector<1x16xf32>,
    } {sc.loop_unroll_factor = 4 : i64, sc.parallel_access}
    %add3A_160 = arith.constant 0 : i32
    %add3A_161 = arith.addi %mul3A_2, %add3A_160 : i32
    %dma_start3A_162 = arith.constant 3 : i32
    %dma_start3A_163 = arith.constant 0 : i32
    %dma_start3A_164 = tpu.memref_slice %arg4[%dma_start3A_162, %add3A_161, %dma_start3A_163] : memref<4x4096x1024xf32, #tpu.memory_space<hbm>> -> memref<1x16x1024xf32, #tpu.memory_space<hbm>>
    %dma_start3A_165 = tpu.memref_squeeze %dma_start3A_164 : memref<1x16x1024xf32, #tpu.memory_space<hbm>> -> memref<16x1024xf32, #tpu.memory_space<hbm>>
    %dma_start3A_166 = arith.constant 0 : i32
    %dma_start3A_167 = tpu.memref_slice %arg4[%dma_start3A_162, %add3A_161, %dma_start3A_166] : memref<4x4096x1024xf32, #tpu.memory_space<hbm>> -> memref<1x16x1024xf32, #tpu.memory_space<hbm>>
    %dma_start3A_168 = tpu.memref_squeeze %dma_start3A_167 : memref<1x16x1024xf32, #tpu.memory_space<hbm>> -> memref<16x1024xf32, #tpu.memory_space<hbm>>
    tpu.enqueue_dma source(%arg8 : memref<16x1024xf32, #tpu.memory_space<vmem>>) target(%dma_start3A_168 : memref<16x1024xf32, #tpu.memory_space<hbm>>) target_semaphore(%arg20 : memref<!tpu.dma_semaphore, #tpu.memory_space<semaphore_mem>>)
    %add3A_169 = arith.constant 32 : i32
    %add3A_170 = arith.addi %mul3A_2, %add3A_169 : i32
    %dma_start3A_171 = arith.constant 0 : i32
    %dma_start3A_172 = tpu.memref_slice %arg3[%add3A_170, %dma_start3A_171] : memref<8192x1024xf32, #tpu.memory_space<hbm>> -> memref<16x1024xf32, #tpu.memory_space<hbm>>
    %dma_start3A_173 = arith.constant 0 : i32
    %dma_start3A_174 = tpu.memref_slice %arg3[%add3A_170, %dma_start3A_173] : memref<8192x1024xf32, #tpu.memory_space<hbm>> -> memref<16x1024xf32, #tpu.memory_space<hbm>>
    tpu.enqueue_dma source(%dma_start3A_174 : memref<16x1024xf32, #tpu.memory_space<hbm>>) target(%arg10 : memref<16x1024xf32, #tpu.memory_space<vmem>>) target_semaphore(%arg22 : memref<!tpu.dma_semaphore, #tpu.memory_space<semaphore_mem>>)
    %dma_wait3A_175 = arith.constant 0 : i32
    %dma_wait3A_176 = tpu.memref_slice %arg3[%add3A_36, %dma_wait3A_175] : memref<8192x1024xf32, #tpu.memory_space<hbm>> -> memref<16x1024xf32, #tpu.memory_space<hbm>>
    %dma_wait3A_177 = arith.constant 0 : i32
    %dma_wait3A_178 = tpu.memref_slice %arg3[%add3A_36, %dma_wait3A_177] : memref<8192x1024xf32, #tpu.memory_space<hbm>> -> memref<16x1024xf32, #tpu.memory_space<hbm>>
    tpu.wait_dma2 semaphore(%arg23 : memref<!tpu.dma_semaphore, #tpu.memory_space<semaphore_mem>>) src(%dma_wait3A_178 : memref<16x1024xf32, #tpu.memory_space<hbm>>) dst(%arg11 : memref<16x1024xf32, #tpu.memory_space<vmem>>)
    %dma_wait3A_179 = arith.constant 2 : i32
    %dma_wait3A_180 = arith.constant 0 : i32
    %dma_wait3A_181 = tpu.memref_slice %arg4[%dma_wait3A_179, %add3A_126, %dma_wait3A_180] : memref<4x4096x1024xf32, #tpu.memory_space<hbm>> -> memref<1x16x1024xf32, #tpu.memory_space<hbm>>
    %dma_wait3A_182 = tpu.memref_squeeze %dma_wait3A_181 : memref<1x16x1024xf32, #tpu.memory_space<hbm>> -> memref<16x1024xf32, #tpu.memory_space<hbm>>
    %dma_wait3A_183 = arith.constant 0 : i32
    %dma_wait3A_184 = tpu.memref_slice %arg4[%dma_wait3A_179, %add3A_126, %dma_wait3A_183] : memref<4x4096x1024xf32, #tpu.memory_space<hbm>> -> memref<1x16x1024xf32, #tpu.memory_space<hbm>>
    %dma_wait3A_185 = tpu.memref_squeeze %dma_wait3A_184 : memref<1x16x1024xf32, #tpu.memory_space<hbm>> -> memref<16x1024xf32, #tpu.memory_space<hbm>>
    tpu.wait_dma2 semaphore(%arg19 : memref<!tpu.dma_semaphore, #tpu.memory_space<semaphore_mem>>) src(%arg7 : memref<16x1024xf32, #tpu.memory_space<vmem>>) dst(%dma_wait3A_185 : memref<16x1024xf32, #tpu.memory_space<hbm>>)
    %add3A_186 = arith.constant 16 : i32
    %add3A_187 = arith.addi %mul3A_2, %add3A_186 : i32
    %dma_start3A_188 = arith.constant 3 : i32
    %dma_start3A_189 = arith.constant 0 : i32
    %dma_start3A_190 = tpu.memref_slice %arg2[%dma_start3A_188, %add3A_187, %dma_start3A_189] : memref<4x4096x1024xf32, #tpu.memory_space<hbm>> -> memref<1x16x1024xf32, #tpu.memory_space<hbm>>
    %dma_start3A_191 = tpu.memref_squeeze %dma_start3A_190 : memref<1x16x1024xf32, #tpu.memory_space<hbm>> -> memref<16x1024xf32, #tpu.memory_space<hbm>>
    %dma_start3A_192 = arith.constant 0 : i32
    %dma_start3A_193 = tpu.memref_slice %arg2[%dma_start3A_188, %add3A_187, %dma_start3A_192] : memref<4x4096x1024xf32, #tpu.memory_space<hbm>> -> memref<1x16x1024xf32, #tpu.memory_space<hbm>>
    %dma_start3A_194 = tpu.memref_squeeze %dma_start3A_193 : memref<1x16x1024xf32, #tpu.memory_space<hbm>> -> memref<16x1024xf32, #tpu.memory_space<hbm>>
    tpu.enqueue_dma source(%dma_start3A_194 : memref<16x1024xf32, #tpu.memory_space<hbm>>) target(%arg7 : memref<16x1024xf32, #tpu.memory_space<vmem>>) target_semaphore(%arg14 : memref<!tpu.dma_semaphore, #tpu.memory_space<semaphore_mem>>)
    %dma_wait3A_195 = arith.constant 0 : i32
    %dma_wait3A_196 = arith.constant 0 : i32
    %dma_wait3A_197 = tpu.memref_slice %arg2[%dma_wait3A_195, %add3A_72, %dma_wait3A_196] : memref<4x4096x1024xf32, #tpu.memory_space<hbm>> -> memref<1x16x1024xf32, #tpu.memory_space<hbm>>
    %dma_wait3A_198 = tpu.memref_squeeze %dma_wait3A_197 : memref<1x16x1024xf32, #tpu.memory_space<hbm>> -> memref<16x1024xf32, #tpu.memory_space<hbm>>
    %dma_wait3A_199 = arith.constant 0 : i32
    %dma_wait3A_200 = tpu.memref_slice %arg2[%dma_wait3A_195, %add3A_72, %dma_wait3A_199] : memref<4x4096x1024xf32, #tpu.memory_space<hbm>> -> memref<1x16x1024xf32, #tpu.memory_space<hbm>>
    %dma_wait3A_201 = tpu.memref_squeeze %dma_wait3A_200 : memref<1x16x1024xf32, #tpu.memory_space<hbm>> -> memref<16x1024xf32, #tpu.memory_space<hbm>>
    tpu.wait_dma2 semaphore(%arg16 : memref<!tpu.dma_semaphore, #tpu.memory_space<semaphore_mem>>) src(%dma_wait3A_201 : memref<16x1024xf32, #tpu.memory_space<hbm>>) dst(%arg9 : memref<16x1024xf32, #tpu.memory_space<vmem>>)
    %parallel_loop3A_202 = arith.constant 0 : i32
    %parallel_loop3A_203 = arith.constant 16384 : i32
    %parallel_loop3A_204 = arith.constant 16 : i32
    scf.for %parallel_loop3A_1200 = %parallel_loop3A_202 to %parallel_loop3A_203 step %parallel_loop3A_204  : i32 {
      %parallel_loop3A_1201 = arith.constant 10 : i32
      %parallel_loop3A_1202 = arith.shrui %parallel_loop3A_1200, %parallel_loop3A_1201 : i32
      %parallel_loop3A_1203 = arith.constant 1023 : i32
      %parallel_loop3A_1204 = arith.andi %parallel_loop3A_1200, %parallel_loop3A_1203 : i32
      %parallel_loop3A_1205 = tpu.assume_multiple %parallel_loop3A_1204, 16 : i32
      %parallel_loop3A_1206 = arith.index_cast %parallel_loop3A_1202 : i32 to index
      %parallel_loop3A_1207 = arith.index_cast %parallel_loop3A_1205 : i32 to index
      %parallel_loop3A_1208 = tpu.vector_load %arg11[%parallel_loop3A_1206, %parallel_loop3A_1207] {strides = array<i32>} : memref<16x1024xf32, #tpu.memory_space<vmem>>, vector<1x16xf32>,
      %parallel_loop3A_1209 = vector.shape_cast %parallel_loop3A_1208 : vector<1x16xf32> to vector<16xf32>
      %parallel_loop3A_1210 = arith.index_cast %parallel_loop3A_1202 : i32 to index
      %parallel_loop3A_1211 = arith.index_cast %parallel_loop3A_1205 : i32 to index
      %parallel_loop3A_1212 = tpu.vector_load %arg9[%parallel_loop3A_1210, %parallel_loop3A_1211] {strides = array<i32>} : memref<16x1024xf32, #tpu.memory_space<vmem>>, vector<1x16xf32>,
      %parallel_loop3A_1213 = vector.shape_cast %parallel_loop3A_1212 : vector<1x16xf32> to vector<16xf32>
      %parallel_loop3A_1214 = vector.shape_cast %parallel_loop3A_1209 : vector<16xf32> to vector<1x16xf32>
      tpu.vector_store %arg9[%parallel_loop3A_1210, %parallel_loop3A_1211], %parallel_loop3A_1214 {add = true, strides = array<i32>} : memref<16x1024xf32, #tpu.memory_space<vmem>>, vector<1x16xf32>,
    } {sc.loop_unroll_factor = 4 : i64, sc.parallel_access}
    %add3A_205 = arith.constant 16 : i32
    %add3A_206 = arith.addi %mul3A_2, %add3A_205 : i32
    %dma_start3A_207 = arith.constant 0 : i32
    %dma_start3A_208 = arith.constant 0 : i32
    %dma_start3A_209 = tpu.memref_slice %arg4[%dma_start3A_207, %add3A_206, %dma_start3A_208] : memref<4x4096x1024xf32, #tpu.memory_space<hbm>> -> memref<1x16x1024xf32, #tpu.memory_space<hbm>>
    %dma_start3A_210 = tpu.memref_squeeze %dma_start3A_209 : memref<1x16x1024xf32, #tpu.memory_space<hbm>> -> memref<16x1024xf32, #tpu.memory_space<hbm>>
    %dma_start3A_211 = arith.constant 0 : i32
    %dma_start3A_212 = tpu.memref_slice %arg4[%dma_start3A_207, %add3A_206, %dma_start3A_211] : memref<4x4096x1024xf32, #tpu.memory_space<hbm>> -> memref<1x16x1024xf32, #tpu.memory_space<hbm>>
    %dma_start3A_213 = tpu.memref_squeeze %dma_start3A_212 : memref<1x16x1024xf32, #tpu.memory_space<hbm>> -> memref<16x1024xf32, #tpu.memory_space<hbm>>
    tpu.enqueue_dma source(%arg9 : memref<16x1024xf32, #tpu.memory_space<vmem>>) target(%dma_start3A_213 : memref<16x1024xf32, #tpu.memory_space<hbm>>) target_semaphore(%arg21 : memref<!tpu.dma_semaphore, #tpu.memory_space<semaphore_mem>>)
    %dma_wait3A_214 = arith.constant 3 : i32
    %dma_wait3A_215 = arith.constant 0 : i32
    %dma_wait3A_216 = tpu.memref_slice %arg4[%dma_wait3A_214, %add3A_161, %dma_wait3A_215] : memref<4x4096x1024xf32, #tpu.memory_space<hbm>> -> memref<1x16x1024xf32, #tpu.memory_space<hbm>>
    %dma_wait3A_217 = tpu.memref_squeeze %dma_wait3A_216 : memref<1x16x1024xf32, #tpu.memory_space<hbm>> -> memref<16x1024xf32, #tpu.memory_space<hbm>>
    %dma_wait3A_218 = arith.constant 0 : i32
    %dma_wait3A_219 = tpu.memref_slice %arg4[%dma_wait3A_214, %add3A_161, %dma_wait3A_218] : memref<4x4096x1024xf32, #tpu.memory_space<hbm>> -> memref<1x16x1024xf32, #tpu.memory_space<hbm>>
    %dma_wait3A_220 = tpu.memref_squeeze %dma_wait3A_219 : memref<1x16x1024xf32, #tpu.memory_space<hbm>> -> memref<16x1024xf32, #tpu.memory_space<hbm>>
    tpu.wait_dma2 semaphore(%arg20 : memref<!tpu.dma_semaphore, #tpu.memory_space<semaphore_mem>>) src(%arg8 : memref<16x1024xf32, #tpu.memory_space<vmem>>) dst(%dma_wait3A_220 : memref<16x1024xf32, #tpu.memory_space<hbm>>)
    %add3A_221 = arith.constant 32 : i32
    %add3A_222 = arith.addi %mul3A_2, %add3A_221 : i32
    %dma_start3A_223 = arith.constant 0 : i32
    %dma_start3A_224 = arith.constant 0 : i32
    %dma_start3A_225 = tpu.memref_slice %arg2[%dma_start3A_223, %add3A_222, %dma_start3A_224] : memref<4x4096x1024xf32, #tpu.memory_space<hbm>> -> memref<1x16x1024xf32, #tpu.memory_space<hbm>>
    %dma_start3A_226 = tpu.memref_squeeze %dma_start3A_225 : memref<1x16x1024xf32, #tpu.memory_space<hbm>> -> memref<16x1024xf32, #tpu.memory_space<hbm>>
    %dma_start3A_227 = arith.constant 0 : i32
    %dma_start3A_228 = tpu.memref_slice %arg2[%dma_start3A_223, %add3A_222, %dma_start3A_227] : memref<4x4096x1024xf32, #tpu.memory_space<hbm>> -> memref<1x16x1024xf32, #tpu.memory_space<hbm>>
    %dma_start3A_229 = tpu.memref_squeeze %dma_start3A_228 : memref<1x16x1024xf32, #tpu.memory_space<hbm>> -> memref<16x1024xf32, #tpu.memory_space<hbm>>
    tpu.enqueue_dma source(%dma_start3A_229 : memref<16x1024xf32, #tpu.memory_space<hbm>>) target(%arg8 : memref<16x1024xf32, #tpu.memory_space<vmem>>) target_semaphore(%arg15 : memref<!tpu.dma_semaphore, #tpu.memory_space<semaphore_mem>>)
    %dma_wait3A_230 = arith.constant 1 : i32
    %dma_wait3A_231 = arith.constant 0 : i32
    %dma_wait3A_232 = tpu.memref_slice %arg2[%dma_wait3A_230, %add3A_107, %dma_wait3A_231] : memref<4x4096x1024xf32, #tpu.memory_space<hbm>> -> memref<1x16x1024xf32, #tpu.memory_space<hbm>>
    %dma_wait3A_233 = tpu.memref_squeeze %dma_wait3A_232 : memref<1x16x1024xf32, #tpu.memory_space<hbm>> -> memref<16x1024xf32, #tpu.memory_space<hbm>>
    %dma_wait3A_234 = arith.constant 0 : i32
    %dma_wait3A_235 = tpu.memref_slice %arg2[%dma_wait3A_230, %add3A_107, %dma_wait3A_234] : memref<4x4096x1024xf32, #tpu.memory_space<hbm>> -> memref<1x16x1024xf32, #tpu.memory_space<hbm>>
    %dma_wait3A_236 = tpu.memref_squeeze %dma_wait3A_235 : memref<1x16x1024xf32, #tpu.memory_space<hbm>> -> memref<16x1024xf32, #tpu.memory_space<hbm>>
    tpu.wait_dma2 semaphore(%arg12 : memref<!tpu.dma_semaphore, #tpu.memory_space<semaphore_mem>>) src(%dma_wait3A_236 : memref<16x1024xf32, #tpu.memory_space<hbm>>) dst(%arg5 : memref<16x1024xf32, #tpu.memory_space<vmem>>)
    %parallel_loop3A_237 = arith.constant 0 : i32
    %parallel_loop3A_238 = arith.constant 16384 : i32
    %parallel_loop3A_239 = arith.constant 16 : i32
    scf.for %parallel_loop3A_1200 = %parallel_loop3A_237 to %parallel_loop3A_238 step %parallel_loop3A_239  : i32 {
      %parallel_loop3A_1201 = arith.constant 10 : i32
      %parallel_loop3A_1202 = arith.shrui %parallel_loop3A_1200, %parallel_loop3A_1201 : i32
      %parallel_loop3A_1203 = arith.constant 1023 : i32
      %parallel_loop3A_1204 = arith.andi %parallel_loop3A_1200, %parallel_loop3A_1203 : i32
      %parallel_loop3A_1205 = tpu.assume_multiple %parallel_loop3A_1204, 16 : i32
      %parallel_loop3A_1206 = arith.index_cast %parallel_loop3A_1202 : i32 to index
      %parallel_loop3A_1207 = arith.index_cast %parallel_loop3A_1205 : i32 to index
      %parallel_loop3A_1208 = tpu.vector_load %arg11[%parallel_loop3A_1206, %parallel_loop3A_1207] {strides = array<i32>} : memref<16x1024xf32, #tpu.memory_space<vmem>>, vector<1x16xf32>,
      %parallel_loop3A_1209 = vector.shape_cast %parallel_loop3A_1208 : vector<1x16xf32> to vector<16xf32>
      %parallel_loop3A_1210 = arith.index_cast %parallel_loop3A_1202 : i32 to index
      %parallel_loop3A_1211 = arith.index_cast %parallel_loop3A_1205 : i32 to index
      %parallel_loop3A_1212 = tpu.vector_load %arg5[%parallel_loop3A_1210, %parallel_loop3A_1211] {strides = array<i32>} : memref<16x1024xf32, #tpu.memory_space<vmem>>, vector<1x16xf32>,
      %parallel_loop3A_1213 = vector.shape_cast %parallel_loop3A_1212 : vector<1x16xf32> to vector<16xf32>
      %parallel_loop3A_1214 = vector.shape_cast %parallel_loop3A_1209 : vector<16xf32> to vector<1x16xf32>
      tpu.vector_store %arg5[%parallel_loop3A_1210, %parallel_loop3A_1211], %parallel_loop3A_1214 {add = true, strides = array<i32>} : memref<16x1024xf32, #tpu.memory_space<vmem>>, vector<1x16xf32>,
    } {sc.loop_unroll_factor = 4 : i64, sc.parallel_access}
    %add3A_240 = arith.constant 16 : i32
    %add3A_241 = arith.addi %mul3A_2, %add3A_240 : i32
    %dma_start3A_242 = arith.constant 1 : i32
    %dma_start3A_243 = arith.constant 0 : i32
    %dma_start3A_244 = tpu.memref_slice %arg4[%dma_start3A_242, %add3A_241, %dma_start3A_243] : memref<4x4096x1024xf32, #tpu.memory_space<hbm>> -> memref<1x16x1024xf32, #tpu.memory_space<hbm>>
    %dma_start3A_245 = tpu.memref_squeeze %dma_start3A_244 : memref<1x16x1024xf32, #tpu.memory_space<hbm>> -> memref<16x1024xf32, #tpu.memory_space<hbm>>
    %dma_start3A_246 = arith.constant 0 : i32
    %dma_start3A_247 = tpu.memref_slice %arg4[%dma_start3A_242, %add3A_241, %dma_start3A_246] : memref<4x4096x1024xf32, #tpu.memory_space<hbm>> -> memref<1x16x1024xf32, #tpu.memory_space<hbm>>
    %dma_start3A_248 = tpu.memref_squeeze %dma_start3A_247 : memref<1x16x1024xf32, #tpu.memory_space<hbm>> -> memref<16x1024xf32, #tpu.memory_space<hbm>>
    tpu.enqueue_dma source(%arg5 : memref<16x1024xf32, #tpu.memory_space<vmem>>) target(%dma_start3A_248 : memref<16x1024xf32, #tpu.memory_space<hbm>>) target_semaphore(%arg17 : memref<!tpu.dma_semaphore, #tpu.memory_space<semaphore_mem>>)
    %dma_wait3A_249 = arith.constant 0 : i32
    %dma_wait3A_250 = arith.constant 0 : i32
    %dma_wait3A_251 = tpu.memref_slice %arg4[%dma_wait3A_249, %add3A_206, %dma_wait3A_250] : memref<4x4096x1024xf32, #tpu.memory_space<hbm>> -> memref<1x16x1024xf32, #tpu.memory_space<hbm>>
    %dma_wait3A_252 = tpu.memref_squeeze %dma_wait3A_251 : memref<1x16x1024xf32, #tpu.memory_space<hbm>> -> memref<16x1024xf32, #tpu.memory_space<hbm>>
    %dma_wait3A_253 = arith.constant 0 : i32
    %dma_wait3A_254 = tpu.memref_slice %arg4[%dma_wait3A_249, %add3A_206, %dma_wait3A_253] : memref<4x4096x1024xf32, #tpu.memory_space<hbm>> -> memref<1x16x1024xf32, #tpu.memory_space<hbm>>
    %dma_wait3A_255 = tpu.memref_squeeze %dma_wait3A_254 : memref<1x16x1024xf32, #tpu.memory_space<hbm>> -> memref<16x1024xf32, #tpu.memory_space<hbm>>
    tpu.wait_dma2 semaphore(%arg21 : memref<!tpu.dma_semaphore, #tpu.memory_space<semaphore_mem>>) src(%arg9 : memref<16x1024xf32, #tpu.memory_space<vmem>>) dst(%dma_wait3A_255 : memref<16x1024xf32, #tpu.memory_space<hbm>>)
    %add3A_256 = arith.constant 32 : i32
    %add3A_257 = arith.addi %mul3A_2, %add3A_256 : i32
    %dma_start3A_258 = arith.constant 1 : i32
    %dma_start3A_259 = arith.constant 0 : i32
    %dma_start3A_260 = tpu.memref_slice %arg2[%dma_start3A_258, %add3A_257, %dma_start3A_259] : memref<4x4096x1024xf32, #tpu.memory_space<hbm>> -> memref<1x16x1024xf32, #tpu.memory_space<hbm>>
    %dma_start3A_261 = tpu.memref_squeeze %dma_start3A_260 : memref<1x16x1024xf32, #tpu.memory_space<hbm>> -> memref<16x1024xf32, #tpu.memory_space<hbm>>
    %dma_start3A_262 = arith.constant 0 : i32
    %dma_start3A_263 = tpu.memref_slice %arg2[%dma_start3A_258, %add3A_257, %dma_start3A_262] : memref<4x4096x1024xf32, #tpu.memory_space<hbm>> -> memref<1x16x1024xf32, #tpu.memory_space<hbm>>
    %dma_start3A_264 = tpu.memref_squeeze %dma_start3A_263 : memref<1x16x1024xf32, #tpu.memory_space<hbm>> -> memref<16x1024xf32, #tpu.memory_space<hbm>>
    tpu.enqueue_dma source(%dma_start3A_264 : memref<16x1024xf32, #tpu.memory_space<hbm>>) target(%arg9 : memref<16x1024xf32, #tpu.memory_space<vmem>>) target_semaphore(%arg16 : memref<!tpu.dma_semaphore, #tpu.memory_space<semaphore_mem>>)
    %dma_wait3A_265 = arith.constant 2 : i32
    %dma_wait3A_266 = arith.constant 0 : i32
    %dma_wait3A_267 = tpu.memref_slice %arg2[%dma_wait3A_265, %add3A_142, %dma_wait3A_266] : memref<4x4096x1024xf32, #tpu.memory_space<hbm>> -> memref<1x16x1024xf32, #tpu.memory_space<hbm>>
    %dma_wait3A_268 = tpu.memref_squeeze %dma_wait3A_267 : memref<1x16x1024xf32, #tpu.memory_space<hbm>> -> memref<16x1024xf32, #tpu.memory_space<hbm>>
    %dma_wait3A_269 = arith.constant 0 : i32
    %dma_wait3A_270 = tpu.memref_slice %arg2[%dma_wait3A_265, %add3A_142, %dma_wait3A_269] : memref<4x4096x1024xf32, #tpu.memory_space<hbm>> -> memref<1x16x1024xf32, #tpu.memory_space<hbm>>
    %dma_wait3A_271 = tpu.memref_squeeze %dma_wait3A_270 : memref<1x16x1024xf32, #tpu.memory_space<hbm>> -> memref<16x1024xf32, #tpu.memory_space<hbm>>
    tpu.wait_dma2 semaphore(%arg13 : memref<!tpu.dma_semaphore, #tpu.memory_space<semaphore_mem>>) src(%dma_wait3A_271 : memref<16x1024xf32, #tpu.memory_space<hbm>>) dst(%arg6 : memref<16x1024xf32, #tpu.memory_space<vmem>>)
    %parallel_loop3A_272 = arith.constant 0 : i32
    %parallel_loop3A_273 = arith.constant 16384 : i32
    %parallel_loop3A_274 = arith.constant 16 : i32
    scf.for %parallel_loop3A_1200 = %parallel_loop3A_272 to %parallel_loop3A_273 step %parallel_loop3A_274  : i32 {
      %parallel_loop3A_1201 = arith.constant 10 : i32
      %parallel_loop3A_1202 = arith.shrui %parallel_loop3A_1200, %parallel_loop3A_1201 : i32
      %parallel_loop3A_1203 = arith.constant 1023 : i32
      %parallel_loop3A_1204 = arith.andi %parallel_loop3A_1200, %parallel_loop3A_1203 : i32
      %parallel_loop3A_1205 = tpu.assume_multiple %parallel_loop3A_1204, 16 : i32
      %parallel_loop3A_1206 = arith.index_cast %parallel_loop3A_1202 : i32 to index
      %parallel_loop3A_1207 = arith.index_cast %parallel_loop3A_1205 : i32 to index
      %parallel_loop3A_1208 = tpu.vector_load %arg11[%parallel_loop3A_1206, %parallel_loop3A_1207] {strides = array<i32>} : memref<16x1024xf32, #tpu.memory_space<vmem>>, vector<1x16xf32>,
      %parallel_loop3A_1209 = vector.shape_cast %parallel_loop3A_1208 : vector<1x16xf32> to vector<16xf32>
      %parallel_loop3A_1210 = arith.index_cast %parallel_loop3A_1202 : i32 to index
      %parallel_loop3A_1211 = arith.index_cast %parallel_loop3A_1205 : i32 to index
      %parallel_loop3A_1212 = tpu.vector_load %arg6[%parallel_loop3A_1210, %parallel_loop3A_1211] {strides = array<i32>} : memref<16x1024xf32, #tpu.memory_space<vmem>>, vector<1x16xf32>,
      %parallel_loop3A_1213 = vector.shape_cast %parallel_loop3A_1212 : vector<1x16xf32> to vector<16xf32>
      %parallel_loop3A_1214 = vector.shape_cast %parallel_loop3A_1209 : vector<16xf32> to vector<1x16xf32>
      tpu.vector_store %arg6[%parallel_loop3A_1210, %parallel_loop3A_1211], %parallel_loop3A_1214 {add = true, strides = array<i32>} : memref<16x1024xf32, #tpu.memory_space<vmem>>, vector<1x16xf32>,
    } {sc.loop_unroll_factor = 4 : i64, sc.parallel_access}
    %add3A_275 = arith.constant 16 : i32
    %add3A_276 = arith.addi %mul3A_2, %add3A_275 : i32
    %dma_start3A_277 = arith.constant 2 : i32
    %dma_start3A_278 = arith.constant 0 : i32
    %dma_start3A_279 = tpu.memref_slice %arg4[%dma_start3A_277, %add3A_276, %dma_start3A_278] : memref<4x4096x1024xf32, #tpu.memory_space<hbm>> -> memref<1x16x1024xf32, #tpu.memory_space<hbm>>
    %dma_start3A_280 = tpu.memref_squeeze %dma_start3A_279 : memref<1x16x1024xf32, #tpu.memory_space<hbm>> -> memref<16x1024xf32, #tpu.memory_space<hbm>>
    %dma_start3A_281 = arith.constant 0 : i32
    %dma_start3A_282 = tpu.memref_slice %arg4[%dma_start3A_277, %add3A_276, %dma_start3A_281] : memref<4x4096x1024xf32, #tpu.memory_space<hbm>> -> memref<1x16x1024xf32, #tpu.memory_space<hbm>>
    %dma_start3A_283 = tpu.memref_squeeze %dma_start3A_282 : memref<1x16x1024xf32, #tpu.memory_space<hbm>> -> memref<16x1024xf32, #tpu.memory_space<hbm>>
    tpu.enqueue_dma source(%arg6 : memref<16x1024xf32, #tpu.memory_space<vmem>>) target(%dma_start3A_283 : memref<16x1024xf32, #tpu.memory_space<hbm>>) target_semaphore(%arg18 : memref<!tpu.dma_semaphore, #tpu.memory_space<semaphore_mem>>)
    %dma_wait3A_284 = arith.constant 1 : i32
    %dma_wait3A_285 = arith.constant 0 : i32
    %dma_wait3A_286 = tpu.memref_slice %arg4[%dma_wait3A_284, %add3A_241, %dma_wait3A_285] : memref<4x4096x1024xf32, #tpu.memory_space<hbm>> -> memref<1x16x1024xf32, #tpu.memory_space<hbm>>
    %dma_wait3A_287 = tpu.memref_squeeze %dma_wait3A_286 : memref<1x16x1024xf32, #tpu.memory_space<hbm>> -> memref<16x1024xf32, #tpu.memory_space<hbm>>
    %dma_wait3A_288 = arith.constant 0 : i32
    %dma_wait3A_289 = tpu.memref_slice %arg4[%dma_wait3A_284, %add3A_241, %dma_wait3A_288] : memref<4x4096x1024xf32, #tpu.memory_space<hbm>> -> memref<1x16x1024xf32, #tpu.memory_space<hbm>>
    %dma_wait3A_290 = tpu.memref_squeeze %dma_wait3A_289 : memref<1x16x1024xf32, #tpu.memory_space<hbm>> -> memref<16x1024xf32, #tpu.memory_space<hbm>>
    tpu.wait_dma2 semaphore(%arg17 : memref<!tpu.dma_semaphore, #tpu.memory_space<semaphore_mem>>) src(%arg5 : memref<16x1024xf32, #tpu.memory_space<vmem>>) dst(%dma_wait3A_290 : memref<16x1024xf32, #tpu.memory_space<hbm>>)
    %add3A_291 = arith.constant 32 : i32
    %add3A_292 = arith.addi %mul3A_2, %add3A_291 : i32
    %dma_start3A_293 = arith.constant 2 : i32
    %dma_start3A_294 = arith.constant 0 : i32
    %dma_start3A_295 = tpu.memref_slice %arg2[%dma_start3A_293, %add3A_292, %dma_start3A_294] : memref<4x4096x1024xf32, #tpu.memory_space<hbm>> -> memref<1x16x1024xf32, #tpu.memory_space<hbm>>
    %dma_start3A_296 = tpu.memref_squeeze %dma_start3A_295 : memref<1x16x1024xf32, #tpu.memory_space<hbm>> -> memref<16x1024xf32, #tpu.memory_space<hbm>>
    %dma_start3A_297 = arith.constant 0 : i32
    %dma_start3A_298 = tpu.memref_slice %arg2[%dma_start3A_293, %add3A_292, %dma_start3A_297] : memref<4x4096x1024xf32, #tpu.memory_space<hbm>> -> memref<1x16x1024xf32, #tpu.memory_space<hbm>>
    %dma_start3A_299 = tpu.memref_squeeze %dma_start3A_298 : memref<1x16x1024xf32, #tpu.memory_space<hbm>> -> memref<16x1024xf32, #tpu.memory_space<hbm>>
    tpu.enqueue_dma source(%dma_start3A_299 : memref<16x1024xf32, #tpu.memory_space<hbm>>) target(%arg5 : memref<16x1024xf32, #tpu.memory_space<vmem>>) target_semaphore(%arg12 : memref<!tpu.dma_semaphore, #tpu.memory_space<semaphore_mem>>)
    %dma_wait3A_300 = arith.constant 3 : i32
    %dma_wait3A_301 = arith.constant 0 : i32
    %dma_wait3A_302 = tpu.memref_slice %arg2[%dma_wait3A_300, %add3A_187, %dma_wait3A_301] : memref<4x4096x1024xf32, #tpu.memory_space<hbm>> -> memref<1x16x1024xf32, #tpu.memory_space<hbm>>
    %dma_wait3A_303 = tpu.memref_squeeze %dma_wait3A_302 : memref<1x16x1024xf32, #tpu.memory_space<hbm>> -> memref<16x1024xf32, #tpu.memory_space<hbm>>
    %dma_wait3A_304 = arith.constant 0 : i32
    %dma_wait3A_305 = tpu.memref_slice %arg2[%dma_wait3A_300, %add3A_187, %dma_wait3A_304] : memref<4x4096x1024xf32, #tpu.memory_space<hbm>> -> memref<1x16x1024xf32, #tpu.memory_space<hbm>>
    %dma_wait3A_306 = tpu.memref_squeeze %dma_wait3A_305 : memref<1x16x1024xf32, #tpu.memory_space<hbm>> -> memref<16x1024xf32, #tpu.memory_space<hbm>>
    tpu.wait_dma2 semaphore(%arg14 : memref<!tpu.dma_semaphore, #tpu.memory_space<semaphore_mem>>) src(%dma_wait3A_306 : memref<16x1024xf32, #tpu.memory_space<hbm>>) dst(%arg7 : memref<16x1024xf32, #tpu.memory_space<vmem>>)
    %parallel_loop3A_307 = arith.constant 0 : i32
    %parallel_loop3A_308 = arith.constant 16384 : i32
    %parallel_loop3A_309 = arith.constant 16 : i32
    scf.for %parallel_loop3A_1200 = %parallel_loop3A_307 to %parallel_loop3A_308 step %parallel_loop3A_309  : i32 {
      %parallel_loop3A_1201 = arith.constant 10 : i32
      %parallel_loop3A_1202 = arith.shrui %parallel_loop3A_1200, %parallel_loop3A_1201 : i32
      %parallel_loop3A_1203 = arith.constant 1023 : i32
      %parallel_loop3A_1204 = arith.andi %parallel_loop3A_1200, %parallel_loop3A_1203 : i32
      %parallel_loop3A_1205 = tpu.assume_multiple %parallel_loop3A_1204, 16 : i32
      %parallel_loop3A_1206 = arith.index_cast %parallel_loop3A_1202 : i32 to index
      %parallel_loop3A_1207 = arith.index_cast %parallel_loop3A_1205 : i32 to index
      %parallel_loop3A_1208 = tpu.vector_load %arg11[%parallel_loop3A_1206, %parallel_loop3A_1207] {strides = array<i32>} : memref<16x1024xf32, #tpu.memory_space<vmem>>, vector<1x16xf32>,
      %parallel_loop3A_1209 = vector.shape_cast %parallel_loop3A_1208 : vector<1x16xf32> to vector<16xf32>
      %parallel_loop3A_1210 = arith.index_cast %parallel_loop3A_1202 : i32 to index
      %parallel_loop3A_1211 = arith.index_cast %parallel_loop3A_1205 : i32 to index
      %parallel_loop3A_1212 = tpu.vector_load %arg7[%parallel_loop3A_1210, %parallel_loop3A_1211] {strides = array<i32>} : memref<16x1024xf32, #tpu.memory_space<vmem>>, vector<1x16xf32>,
      %parallel_loop3A_1213 = vector.shape_cast %parallel_loop3A_1212 : vector<1x16xf32> to vector<16xf32>
      %parallel_loop3A_1214 = vector.shape_cast %parallel_loop3A_1209 : vector<16xf32> to vector<1x16xf32>
      tpu.vector_store %arg7[%parallel_loop3A_1210, %parallel_loop3A_1211], %parallel_loop3A_1214 {add = true, strides = array<i32>} : memref<16x1024xf32, #tpu.memory_space<vmem>>, vector<1x16xf32>,
    } {sc.loop_unroll_factor = 4 : i64, sc.parallel_access}
    %add3A_310 = arith.constant 16 : i32
    %add3A_311 = arith.addi %mul3A_2, %add3A_310 : i32
    %dma_start3A_312 = arith.constant 3 : i32
    %dma_start3A_313 = arith.constant 0 : i32
    %dma_start3A_314 = tpu.memref_slice %arg4[%dma_start3A_312, %add3A_311, %dma_start3A_313] : memref<4x4096x1024xf32, #tpu.memory_space<hbm>> -> memref<1x16x1024xf32, #tpu.memory_space<hbm>>
    %dma_start3A_315 = tpu.memref_squeeze %dma_start3A_314 : memref<1x16x1024xf32, #tpu.memory_space<hbm>> -> memref<16x1024xf32, #tpu.memory_space<hbm>>
    %dma_start3A_316 = arith.constant 0 : i32
    %dma_start3A_317 = tpu.memref_slice %arg4[%dma_start3A_312, %add3A_311, %dma_start3A_316] : memref<4x4096x1024xf32, #tpu.memory_space<hbm>> -> memref<1x16x1024xf32, #tpu.memory_space<hbm>>
    %dma_start3A_318 = tpu.memref_squeeze %dma_start3A_317 : memref<1x16x1024xf32, #tpu.memory_space<hbm>> -> memref<16x1024xf32, #tpu.memory_space<hbm>>
    tpu.enqueue_dma source(%arg7 : memref<16x1024xf32, #tpu.memory_space<vmem>>) target(%dma_start3A_318 : memref<16x1024xf32, #tpu.memory_space<hbm>>) target_semaphore(%arg19 : memref<!tpu.dma_semaphore, #tpu.memory_space<semaphore_mem>>)
    %add3A_319 = arith.constant 48 : i32
    %add3A_320 = arith.addi %mul3A_2, %add3A_319 : i32
    %dma_start3A_321 = arith.constant 0 : i32
    %dma_start3A_322 = tpu.memref_slice %arg3[%add3A_320, %dma_start3A_321] : memref<8192x1024xf32, #tpu.memory_space<hbm>> -> memref<16x1024xf32, #tpu.memory_space<hbm>>
    %dma_start3A_323 = arith.constant 0 : i32
    %dma_start3A_324 = tpu.memref_slice %arg3[%add3A_320, %dma_start3A_323] : memref<8192x1024xf32, #tpu.memory_space<hbm>> -> memref<16x1024xf32, #tpu.memory_space<hbm>>
    tpu.enqueue_dma source(%dma_start3A_324 : memref<16x1024xf32, #tpu.memory_space<hbm>>) target(%arg11 : memref<16x1024xf32, #tpu.memory_space<vmem>>) target_semaphore(%arg23 : memref<!tpu.dma_semaphore, #tpu.memory_space<semaphore_mem>>)
    %dma_wait3A_325 = arith.constant 0 : i32
    %dma_wait3A_326 = tpu.memref_slice %arg3[%add3A_170, %dma_wait3A_325] : memref<8192x1024xf32, #tpu.memory_space<hbm>> -> memref<16x1024xf32, #tpu.memory_space<hbm>>
    %dma_wait3A_327 = arith.constant 0 : i32
    %dma_wait3A_328 = tpu.memref_slice %arg3[%add3A_170, %dma_wait3A_327] : memref<8192x1024xf32, #tpu.memory_space<hbm>> -> memref<16x1024xf32, #tpu.memory_space<hbm>>
    tpu.wait_dma2 semaphore(%arg22 : memref<!tpu.dma_semaphore, #tpu.memory_space<semaphore_mem>>) src(%dma_wait3A_328 : memref<16x1024xf32, #tpu.memory_space<hbm>>) dst(%arg10 : memref<16x1024xf32, #tpu.memory_space<vmem>>)
    %dma_wait3A_329 = arith.constant 2 : i32
    %dma_wait3A_330 = arith.constant 0 : i32
    %dma_wait3A_331 = tpu.memref_slice %arg4[%dma_wait3A_329, %add3A_276, %dma_wait3A_330] : memref<4x4096x1024xf32, #tpu.memory_space<hbm>> -> memref<1x16x1024xf32, #tpu.memory_space<hbm>>
    %dma_wait3A_332 = tpu.memref_squeeze %dma_wait3A_331 : memref<1x16x1024xf32, #tpu.memory_space<hbm>> -> memref<16x1024xf32, #tpu.memory_space<hbm>>
    %dma_wait3A_333 = arith.constant 0 : i32
    %dma_wait3A_334 = tpu.memref_slice %arg4[%dma_wait3A_329, %add3A_276, %dma_wait3A_333] : memref<4x4096x1024xf32, #tpu.memory_space<hbm>> -> memref<1x16x1024xf32, #tpu.memory_space<hbm>>
    %dma_wait3A_335 = tpu.memref_squeeze %dma_wait3A_334 : memref<1x16x1024xf32, #tpu.memory_space<hbm>> -> memref<16x1024xf32, #tpu.memory_space<hbm>>
    tpu.wait_dma2 semaphore(%arg18 : memref<!tpu.dma_semaphore, #tpu.memory_space<semaphore_mem>>) src(%arg6 : memref<16x1024xf32, #tpu.memory_space<vmem>>) dst(%dma_wait3A_335 : memref<16x1024xf32, #tpu.memory_space<hbm>>)
    %add3A_336 = arith.constant 32 : i32
    %add3A_337 = arith.addi %mul3A_2, %add3A_336 : i32
    %dma_start3A_338 = arith.constant 3 : i32
    %dma_start3A_339 = arith.constant 0 : i32
    %dma_start3A_340 = tpu.memref_slice %arg2[%dma_start3A_338, %add3A_337, %dma_start3A_339] : memref<4x4096x1024xf32, #tpu.memory_space<hbm>> -> memref<1x16x1024xf32, #tpu.memory_space<hbm>>
    %dma_start3A_341 = tpu.memref_squeeze %dma_start3A_340 : memref<1x16x1024xf32, #tpu.memory_space<hbm>> -> memref<16x1024xf32, #tpu.memory_space<hbm>>
    %dma_start3A_342 = arith.constant 0 : i32
    %dma_start3A_343 = tpu.memref_slice %arg2[%dma_start3A_338, %add3A_337, %dma_start3A_342] : memref<4x4096x1024xf32, #tpu.memory_space<hbm>> -> memref<1x16x1024xf32, #tpu.memory_space<hbm>>
    %dma_start3A_344 = tpu.memref_squeeze %dma_start3A_343 : memref<1x16x1024xf32, #tpu.memory_space<hbm>> -> memref<16x1024xf32, #tpu.memory_space<hbm>>
    tpu.enqueue_dma source(%dma_start3A_344 : memref<16x1024xf32, #tpu.memory_space<hbm>>) target(%arg6 : memref<16x1024xf32, #tpu.memory_space<vmem>>) target_semaphore(%arg13 : memref<!tpu.dma_semaphore, #tpu.memory_space<semaphore_mem>>)
    %dma_wait3A_345 = arith.constant 0 : i32
    %dma_wait3A_346 = arith.constant 0 : i32
    %dma_wait3A_347 = tpu.memref_slice %arg2[%dma_wait3A_345, %add3A_222, %dma_wait3A_346] : memref<4x4096x1024xf32, #tpu.memory_space<hbm>> -> memref<1x16x1024xf32, #tpu.memory_space<hbm>>
    %dma_wait3A_348 = tpu.memref_squeeze %dma_wait3A_347 : memref<1x16x1024xf32, #tpu.memory_space<hbm>> -> memref<16x1024xf32, #tpu.memory_space<hbm>>
    %dma_wait3A_349 = arith.constant 0 : i32
    %dma_wait3A_350 = tpu.memref_slice %arg2[%dma_wait3A_345, %add3A_222, %dma_wait3A_349] : memref<4x4096x1024xf32, #tpu.memory_space<hbm>> -> memref<1x16x1024xf32, #tpu.memory_space<hbm>>
    %dma_wait3A_351 = tpu.memref_squeeze %dma_wait3A_350 : memref<1x16x1024xf32, #tpu.memory_space<hbm>> -> memref<16x1024xf32, #tpu.memory_space<hbm>>
    tpu.wait_dma2 semaphore(%arg15 : memref<!tpu.dma_semaphore, #tpu.memory_space<semaphore_mem>>) src(%dma_wait3A_351 : memref<16x1024xf32, #tpu.memory_space<hbm>>) dst(%arg8 : memref<16x1024xf32, #tpu.memory_space<vmem>>)
    %parallel_loop3A_352 = arith.constant 0 : i32
    %parallel_loop3A_353 = arith.constant 16384 : i32
    %parallel_loop3A_354 = arith.constant 16 : i32
    scf.for %parallel_loop3A_1200 = %parallel_loop3A_352 to %parallel_loop3A_353 step %parallel_loop3A_354  : i32 {
      %parallel_loop3A_1201 = arith.constant 10 : i32
      %parallel_loop3A_1202 = arith.shrui %parallel_loop3A_1200, %parallel_loop3A_1201 : i32
      %parallel_loop3A_1203 = arith.constant 1023 : i32
      %parallel_loop3A_1204 = arith.andi %parallel_loop3A_1200, %parallel_loop3A_1203 : i32
      %parallel_loop3A_1205 = tpu.assume_multiple %parallel_loop3A_1204, 16 : i32
      %parallel_loop3A_1206 = arith.index_cast %parallel_loop3A_1202 : i32 to index
      %parallel_loop3A_1207 = arith.index_cast %parallel_loop3A_1205 : i32 to index
      %parallel_loop3A_1208 = tpu.vector_load %arg10[%parallel_loop3A_1206, %parallel_loop3A_1207] {strides = array<i32>} : memref<16x1024xf32, #tpu.memory_space<vmem>>, vector<1x16xf32>,
      %parallel_loop3A_1209 = vector.shape_cast %parallel_loop3A_1208 : vector<1x16xf32> to vector<16xf32>
      %parallel_loop3A_1210 = arith.index_cast %parallel_loop3A_1202 : i32 to index
      %parallel_loop3A_1211 = arith.index_cast %parallel_loop3A_1205 : i32 to index
      %parallel_loop3A_1212 = tpu.vector_load %arg8[%parallel_loop3A_1210, %parallel_loop3A_1211] {strides = array<i32>} : memref<16x1024xf32, #tpu.memory_space<vmem>>, vector<1x16xf32>,
      %parallel_loop3A_1213 = vector.shape_cast %parallel_loop3A_1212 : vector<1x16xf32> to vector<16xf32>
      %parallel_loop3A_1214 = vector.shape_cast %parallel_loop3A_1209 : vector<16xf32> to vector<1x16xf32>
      tpu.vector_store %arg8[%parallel_loop3A_1210, %parallel_loop3A_1211], %parallel_loop3A_1214 {add = true, strides = array<i32>} : memref<16x1024xf32, #tpu.memory_space<vmem>>, vector<1x16xf32>,
    } {sc.loop_unroll_factor = 4 : i64, sc.parallel_access}
    %add3A_355 = arith.constant 32 : i32
    %add3A_356 = arith.addi %mul3A_2, %add3A_355 : i32
    %dma_start3A_357 = arith.constant 0 : i32
    %dma_start3A_358 = arith.constant 0 : i32
    %dma_start3A_359 = tpu.memref_slice %arg4[%dma_start3A_357, %add3A_356, %dma_start3A_358] : memref<4x4096x1024xf32, #tpu.memory_space<hbm>> -> memref<1x16x1024xf32, #tpu.memory_space<hbm>>
    %dma_start3A_360 = tpu.memref_squeeze %dma_start3A_359 : memref<1x16x1024xf32, #tpu.memory_space<hbm>> -> memref<16x1024xf32, #tpu.memory_space<hbm>>
    %dma_start3A_361 = arith.constant 0 : i32
    %dma_start3A_362 = tpu.memref_slice %arg4[%dma_start3A_357, %add3A_356, %dma_start3A_361] : memref<4x4096x1024xf32, #tpu.memory_space<hbm>> -> memref<1x16x1024xf32, #tpu.memory_space<hbm>>
    %dma_start3A_363 = tpu.memref_squeeze %dma_start3A_362 : memref<1x16x1024xf32, #tpu.memory_space<hbm>> -> memref<16x1024xf32, #tpu.memory_space<hbm>>
    tpu.enqueue_dma source(%arg8 : memref<16x1024xf32, #tpu.memory_space<vmem>>) target(%dma_start3A_363 : memref<16x1024xf32, #tpu.memory_space<hbm>>) target_semaphore(%arg20 : memref<!tpu.dma_semaphore, #tpu.memory_space<semaphore_mem>>)
    %dma_wait3A_364 = arith.constant 3 : i32
    %dma_wait3A_365 = arith.constant 0 : i32
    %dma_wait3A_366 = tpu.memref_slice %arg4[%dma_wait3A_364, %add3A_311, %dma_wait3A_365] : memref<4x4096x1024xf32, #tpu.memory_space<hbm>> -> memref<1x16x1024xf32, #tpu.memory_space<hbm>>
    %dma_wait3A_367 = tpu.memref_squeeze %dma_wait3A_366 : memref<1x16x1024xf32, #tpu.memory_space<hbm>> -> memref<16x1024xf32, #tpu.memory_space<hbm>>
    %dma_wait3A_368 = arith.constant 0 : i32
    %dma_wait3A_369 = tpu.memref_slice %arg4[%dma_wait3A_364, %add3A_311, %dma_wait3A_368] : memref<4x4096x1024xf32, #tpu.memory_space<hbm>> -> memref<1x16x1024xf32, #tpu.memory_space<hbm>>
    %dma_wait3A_370 = tpu.memref_squeeze %dma_wait3A_369 : memref<1x16x1024xf32, #tpu.memory_space<hbm>> -> memref<16x1024xf32, #tpu.memory_space<hbm>>
    tpu.wait_dma2 semaphore(%arg19 : memref<!tpu.dma_semaphore, #tpu.memory_space<semaphore_mem>>) src(%arg7 : memref<16x1024xf32, #tpu.memory_space<vmem>>) dst(%dma_wait3A_370 : memref<16x1024xf32, #tpu.memory_space<hbm>>)
    %add3A_371 = arith.constant 48 : i32
    %add3A_372 = arith.addi %mul3A_2, %add3A_371 : i32
    %dma_start3A_373 = arith.constant 0 : i32
    %dma_start3A_374 = arith.constant 0 : i32
    %dma_start3A_375 = tpu.memref_slice %arg2[%dma_start3A_373, %add3A_372, %dma_start3A_374] : memref<4x4096x1024xf32, #tpu.memory_space<hbm>> -> memref<1x16x1024xf32, #tpu.memory_space<hbm>>
    %dma_start3A_376 = tpu.memref_squeeze %dma_start3A_375 : memref<1x16x1024xf32, #tpu.memory_space<hbm>> -> memref<16x1024xf32, #tpu.memory_space<hbm>>
    %dma_start3A_377 = arith.constant 0 : i32
    %dma_start3A_378 = tpu.memref_slice %arg2[%dma_start3A_373, %add3A_372, %dma_start3A_377] : memref<4x4096x1024xf32, #tpu.memory_space<hbm>> -> memref<1x16x1024xf32, #tpu.memory_space<hbm>>
    %dma_start3A_379 = tpu.memref_squeeze %dma_start3A_378 : memref<1x16x1024xf32, #tpu.memory_space<hbm>> -> memref<16x1024xf32, #tpu.memory_space<hbm>>
    tpu.enqueue_dma source(%dma_start3A_379 : memref<16x1024xf32, #tpu.memory_space<hbm>>) target(%arg7 : memref<16x1024xf32, #tpu.memory_space<vmem>>) target_semaphore(%arg14 : memref<!tpu.dma_semaphore, #tpu.memory_space<semaphore_mem>>)
    %dma_wait3A_380 = arith.constant 1 : i32
    %dma_wait3A_381 = arith.constant 0 : i32
    %dma_wait3A_382 = tpu.memref_slice %arg2[%dma_wait3A_380, %add3A_257, %dma_wait3A_381] : memref<4x4096x1024xf32, #tpu.memory_space<hbm>> -> memref<1x16x1024xf32, #tpu.memory_space<hbm>>
    %dma_wait3A_383 = tpu.memref_squeeze %dma_wait3A_382 : memref<1x16x1024xf32, #tpu.memory_space<hbm>> -> memref<16x1024xf32, #tpu.memory_space<hbm>>
    %dma_wait3A_384 = arith.constant 0 : i32
    %dma_wait3A_385 = tpu.memref_slice %arg2[%dma_wait3A_380, %add3A_257, %dma_wait3A_384] : memref<4x4096x1024xf32, #tpu.memory_space<hbm>> -> memref<1x16x1024xf32, #tpu.memory_space<hbm>>
    %dma_wait3A_386 = tpu.memref_squeeze %dma_wait3A_385 : memref<1x16x1024xf32, #tpu.memory_space<hbm>> -> memref<16x1024xf32, #tpu.memory_space<hbm>>
    tpu.wait_dma2 semaphore(%arg16 : memref<!tpu.dma_semaphore, #tpu.memory_space<semaphore_mem>>) src(%dma_wait3A_386 : memref<16x1024xf32, #tpu.memory_space<hbm>>) dst(%arg9 : memref<16x1024xf32, #tpu.memory_space<vmem>>)
    %parallel_loop3A_387 = arith.constant 0 : i32
    %parallel_loop3A_388 = arith.constant 16384 : i32
    %parallel_loop3A_389 = arith.constant 16 : i32
    scf.for %parallel_loop3A_1200 = %parallel_loop3A_387 to %parallel_loop3A_388 step %parallel_loop3A_389  : i32 {
      %parallel_loop3A_1201 = arith.constant 10 : i32
      %parallel_loop3A_1202 = arith.shrui %parallel_loop3A_1200, %parallel_loop3A_1201 : i32
      %parallel_loop3A_1203 = arith.constant 1023 : i32
      %parallel_loop3A_1204 = arith.andi %parallel_loop3A_1200, %parallel_loop3A_1203 : i32
      %parallel_loop3A_1205 = tpu.assume_multiple %parallel_loop3A_1204, 16 : i32
      %parallel_loop3A_1206 = arith.index_cast %parallel_loop3A_1202 : i32 to index
      %parallel_loop3A_1207 = arith.index_cast %parallel_loop3A_1205 : i32 to index
      %parallel_loop3A_1208 = tpu.vector_load %arg10[%parallel_loop3A_1206, %parallel_loop3A_1207] {strides = array<i32>} : memref<16x1024xf32, #tpu.memory_space<vmem>>, vector<1x16xf32>,
      %parallel_loop3A_1209 = vector.shape_cast %parallel_loop3A_1208 : vector<1x16xf32> to vector<16xf32>
      %parallel_loop3A_1210 = arith.index_cast %parallel_loop3A_1202 : i32 to index
      %parallel_loop3A_1211 = arith.index_cast %parallel_loop3A_1205 : i32 to index
      %parallel_loop3A_1212 = tpu.vector_load %arg9[%parallel_loop3A_1210, %parallel_loop3A_1211] {strides = array<i32>} : memref<16x1024xf32, #tpu.memory_space<vmem>>, vector<1x16xf32>,
      %parallel_loop3A_1213 = vector.shape_cast %parallel_loop3A_1212 : vector<1x16xf32> to vector<16xf32>
      %parallel_loop3A_1214 = vector.shape_cast %parallel_loop3A_1209 : vector<16xf32> to vector<1x16xf32>
      tpu.vector_store %arg9[%parallel_loop3A_1210, %parallel_loop3A_1211], %parallel_loop3A_1214 {add = true, strides = array<i32>} : memref<16x1024xf32, #tpu.memory_space<vmem>>, vector<1x16xf32>,
    } {sc.loop_unroll_factor = 4 : i64, sc.parallel_access}
    %add3A_390 = arith.constant 32 : i32
    %add3A_391 = arith.addi %mul3A_2, %add3A_390 : i32
    %dma_start3A_392 = arith.constant 1 : i32
    %dma_start3A_393 = arith.constant 0 : i32
    %dma_start3A_394 = tpu.memref_slice %arg4[%dma_start3A_392, %add3A_391, %dma_start3A_393] : memref<4x4096x1024xf32, #tpu.memory_space<hbm>> -> memref<1x16x1024xf32, #tpu.memory_space<hbm>>
    %dma_start3A_395 = tpu.memref_squeeze %dma_start3A_394 : memref<1x16x1024xf32, #tpu.memory_space<hbm>> -> memref<16x1024xf32, #tpu.memory_space<hbm>>
    %dma_start3A_396 = arith.constant 0 : i32
    %dma_start3A_397 = tpu.memref_slice %arg4[%dma_start3A_392, %add3A_391, %dma_start3A_396] : memref<4x4096x1024xf32, #tpu.memory_space<hbm>> -> memref<1x16x1024xf32, #tpu.memory_space<hbm>>
    %dma_start3A_398 = tpu.memref_squeeze %dma_start3A_397 : memref<1x16x1024xf32, #tpu.memory_space<hbm>> -> memref<16x1024xf32, #tpu.memory_space<hbm>>
    tpu.enqueue_dma source(%arg9 : memref<16x1024xf32, #tpu.memory_space<vmem>>) target(%dma_start3A_398 : memref<16x1024xf32, #tpu.memory_space<hbm>>) target_semaphore(%arg21 : memref<!tpu.dma_semaphore, #tpu.memory_space<semaphore_mem>>)
    %dma_wait3A_399 = arith.constant 0 : i32
    %dma_wait3A_400 = arith.constant 0 : i32
    %dma_wait3A_401 = tpu.memref_slice %arg4[%dma_wait3A_399, %add3A_356, %dma_wait3A_400] : memref<4x4096x1024xf32, #tpu.memory_space<hbm>> -> memref<1x16x1024xf32, #tpu.memory_space<hbm>>
    %dma_wait3A_402 = tpu.memref_squeeze %dma_wait3A_401 : memref<1x16x1024xf32, #tpu.memory_space<hbm>> -> memref<16x1024xf32, #tpu.memory_space<hbm>>
    %dma_wait3A_403 = arith.constant 0 : i32
    %dma_wait3A_404 = tpu.memref_slice %arg4[%dma_wait3A_399, %add3A_356, %dma_wait3A_403] : memref<4x4096x1024xf32, #tpu.memory_space<hbm>> -> memref<1x16x1024xf32, #tpu.memory_space<hbm>>
    %dma_wait3A_405 = tpu.memref_squeeze %dma_wait3A_404 : memref<1x16x1024xf32, #tpu.memory_space<hbm>> -> memref<16x1024xf32, #tpu.memory_space<hbm>>
    tpu.wait_dma2 semaphore(%arg20 : memref<!tpu.dma_semaphore, #tpu.memory_space<semaphore_mem>>) src(%arg8 : memref<16x1024xf32, #tpu.memory_space<vmem>>) dst(%dma_wait3A_405 : memref<16x1024xf32, #tpu.memory_space<hbm>>)
    %add3A_406 = arith.constant 48 : i32
    %add3A_407 = arith.addi %mul3A_2, %add3A_406 : i32
    %dma_start3A_408 = arith.constant 1 : i32
    %dma_start3A_409 = arith.constant 0 : i32
    %dma_start3A_410 = tpu.memref_slice %arg2[%dma_start3A_408, %add3A_407, %dma_start3A_409] : memref<4x4096x1024xf32, #tpu.memory_space<hbm>> -> memref<1x16x1024xf32, #tpu.memory_space<hbm>>
    %dma_start3A_411 = tpu.memref_squeeze %dma_start3A_410 : memref<1x16x1024xf32, #tpu.memory_space<hbm>> -> memref<16x1024xf32, #tpu.memory_space<hbm>>
    %dma_start3A_412 = arith.constant 0 : i32
    %dma_start3A_413 = tpu.memref_slice %arg2[%dma_start3A_408, %add3A_407, %dma_start3A_412] : memref<4x4096x1024xf32, #tpu.memory_space<hbm>> -> memref<1x16x1024xf32, #tpu.memory_space<hbm>>
    %dma_start3A_414 = tpu.memref_squeeze %dma_start3A_413 : memref<1x16x1024xf32, #tpu.memory_space<hbm>> -> memref<16x1024xf32, #tpu.memory_space<hbm>>
    tpu.enqueue_dma source(%dma_start3A_414 : memref<16x1024xf32, #tpu.memory_space<hbm>>) target(%arg8 : memref<16x1024xf32, #tpu.memory_space<vmem>>) target_semaphore(%arg15 : memref<!tpu.dma_semaphore, #tpu.memory_space<semaphore_mem>>)
    %dma_wait3A_415 = arith.constant 2 : i32
    %dma_wait3A_416 = arith.constant 0 : i32
    %dma_wait3A_417 = tpu.memref_slice %arg2[%dma_wait3A_415, %add3A_292, %dma_wait3A_416] : memref<4x4096x1024xf32, #tpu.memory_space<hbm>> -> memref<1x16x1024xf32, #tpu.memory_space<hbm>>
    %dma_wait3A_418 = tpu.memref_squeeze %dma_wait3A_417 : memref<1x16x1024xf32, #tpu.memory_space<hbm>> -> memref<16x1024xf32, #tpu.memory_space<hbm>>
    %dma_wait3A_419 = arith.constant 0 : i32
    %dma_wait3A_420 = tpu.memref_slice %arg2[%dma_wait3A_415, %add3A_292, %dma_wait3A_419] : memref<4x4096x1024xf32, #tpu.memory_space<hbm>> -> memref<1x16x1024xf32, #tpu.memory_space<hbm>>
    %dma_wait3A_421 = tpu.memref_squeeze %dma_wait3A_420 : memref<1x16x1024xf32, #tpu.memory_space<hbm>> -> memref<16x1024xf32, #tpu.memory_space<hbm>>
    tpu.wait_dma2 semaphore(%arg12 : memref<!tpu.dma_semaphore, #tpu.memory_space<semaphore_mem>>) src(%dma_wait3A_421 : memref<16x1024xf32, #tpu.memory_space<hbm>>) dst(%arg5 : memref<16x1024xf32, #tpu.memory_space<vmem>>)
    %parallel_loop3A_422 = arith.constant 0 : i32
    %parallel_loop3A_423 = arith.constant 16384 : i32
    %parallel_loop3A_424 = arith.constant 16 : i32
    scf.for %parallel_loop3A_1200 = %parallel_loop3A_422 to %parallel_loop3A_423 step %parallel_loop3A_424  : i32 {
      %parallel_loop3A_1201 = arith.constant 10 : i32
      %parallel_loop3A_1202 = arith.shrui %parallel_loop3A_1200, %parallel_loop3A_1201 : i32
      %parallel_loop3A_1203 = arith.constant 1023 : i32
      %parallel_loop3A_1204 = arith.andi %parallel_loop3A_1200, %parallel_loop3A_1203 : i32
      %parallel_loop3A_1205 = tpu.assume_multiple %parallel_loop3A_1204, 16 : i32
      %parallel_loop3A_1206 = arith.index_cast %parallel_loop3A_1202 : i32 to index
      %parallel_loop3A_1207 = arith.index_cast %parallel_loop3A_1205 : i32 to index
      %parallel_loop3A_1208 = tpu.vector_load %arg10[%parallel_loop3A_1206, %parallel_loop3A_1207] {strides = array<i32>} : memref<16x1024xf32, #tpu.memory_space<vmem>>, vector<1x16xf32>,
      %parallel_loop3A_1209 = vector.shape_cast %parallel_loop3A_1208 : vector<1x16xf32> to vector<16xf32>
      %parallel_loop3A_1210 = arith.index_cast %parallel_loop3A_1202 : i32 to index
      %parallel_loop3A_1211 = arith.index_cast %parallel_loop3A_1205 : i32 to index
      %parallel_loop3A_1212 = tpu.vector_load %arg5[%parallel_loop3A_1210, %parallel_loop3A_1211] {strides = array<i32>} : memref<16x1024xf32, #tpu.memory_space<vmem>>, vector<1x16xf32>,
      %parallel_loop3A_1213 = vector.shape_cast %parallel_loop3A_1212 : vector<1x16xf32> to vector<16xf32>
      %parallel_loop3A_1214 = vector.shape_cast %parallel_loop3A_1209 : vector<16xf32> to vector<1x16xf32>
      tpu.vector_store %arg5[%parallel_loop3A_1210, %parallel_loop3A_1211], %parallel_loop3A_1214 {add = true, strides = array<i32>} : memref<16x1024xf32, #tpu.memory_space<vmem>>, vector<1x16xf32>,
    } {sc.loop_unroll_factor = 4 : i64, sc.parallel_access}
    %add3A_425 = arith.constant 32 : i32
    %add3A_426 = arith.addi %mul3A_2, %add3A_425 : i32
    %dma_start3A_427 = arith.constant 2 : i32
    %dma_start3A_428 = arith.constant 0 : i32
    %dma_start3A_429 = tpu.memref_slice %arg4[%dma_start3A_427, %add3A_426, %dma_start3A_428] : memref<4x4096x1024xf32, #tpu.memory_space<hbm>> -> memref<1x16x1024xf32, #tpu.memory_space<hbm>>
    %dma_start3A_430 = tpu.memref_squeeze %dma_start3A_429 : memref<1x16x1024xf32, #tpu.memory_space<hbm>> -> memref<16x1024xf32, #tpu.memory_space<hbm>>
    %dma_start3A_431 = arith.constant 0 : i32
    %dma_start3A_432 = tpu.memref_slice %arg4[%dma_start3A_427, %add3A_426, %dma_start3A_431] : memref<4x4096x1024xf32, #tpu.memory_space<hbm>> -> memref<1x16x1024xf32, #tpu.memory_space<hbm>>
    %dma_start3A_433 = tpu.memref_squeeze %dma_start3A_432 : memref<1x16x1024xf32, #tpu.memory_space<hbm>> -> memref<16x1024xf32, #tpu.memory_space<hbm>>
    tpu.enqueue_dma source(%arg5 : memref<16x1024xf32, #tpu.memory_space<vmem>>) target(%dma_start3A_433 : memref<16x1024xf32, #tpu.memory_space<hbm>>) target_semaphore(%arg17 : memref<!tpu.dma_semaphore, #tpu.memory_space<semaphore_mem>>)
    %dma_wait3A_434 = arith.constant 1 : i32
    %dma_wait3A_435 = arith.constant 0 : i32
    %dma_wait3A_436 = tpu.memref_slice %arg4[%dma_wait3A_434, %add3A_391, %dma_wait3A_435] : memref<4x4096x1024xf32, #tpu.memory_space<hbm>> -> memref<1x16x1024xf32, #tpu.memory_space<hbm>>
    %dma_wait3A_437 = tpu.memref_squeeze %dma_wait3A_436 : memref<1x16x1024xf32, #tpu.memory_space<hbm>> -> memref<16x1024xf32, #tpu.memory_space<hbm>>
    %dma_wait3A_438 = arith.constant 0 : i32
    %dma_wait3A_439 = tpu.memref_slice %arg4[%dma_wait3A_434, %add3A_391, %dma_wait3A_438] : memref<4x4096x1024xf32, #tpu.memory_space<hbm>> -> memref<1x16x1024xf32, #tpu.memory_space<hbm>>
    %dma_wait3A_440 = tpu.memref_squeeze %dma_wait3A_439 : memref<1x16x1024xf32, #tpu.memory_space<hbm>> -> memref<16x1024xf32, #tpu.memory_space<hbm>>
    tpu.wait_dma2 semaphore(%arg21 : memref<!tpu.dma_semaphore, #tpu.memory_space<semaphore_mem>>) src(%arg9 : memref<16x1024xf32, #tpu.memory_space<vmem>>) dst(%dma_wait3A_440 : memref<16x1024xf32, #tpu.memory_space<hbm>>)
    %add3A_441 = arith.constant 48 : i32
    %add3A_442 = arith.addi %mul3A_2, %add3A_441 : i32
    %dma_start3A_443 = arith.constant 2 : i32
    %dma_start3A_444 = arith.constant 0 : i32
    %dma_start3A_445 = tpu.memref_slice %arg2[%dma_start3A_443, %add3A_442, %dma_start3A_444] : memref<4x4096x1024xf32, #tpu.memory_space<hbm>> -> memref<1x16x1024xf32, #tpu.memory_space<hbm>>
    %dma_start3A_446 = tpu.memref_squeeze %dma_start3A_445 : memref<1x16x1024xf32, #tpu.memory_space<hbm>> -> memref<16x1024xf32, #tpu.memory_space<hbm>>
    %dma_start3A_447 = arith.constant 0 : i32
    %dma_start3A_448 = tpu.memref_slice %arg2[%dma_start3A_443, %add3A_442, %dma_start3A_447] : memref<4x4096x1024xf32, #tpu.memory_space<hbm>> -> memref<1x16x1024xf32, #tpu.memory_space<hbm>>
    %dma_start3A_449 = tpu.memref_squeeze %dma_start3A_448 : memref<1x16x1024xf32, #tpu.memory_space<hbm>> -> memref<16x1024xf32, #tpu.memory_space<hbm>>
    tpu.enqueue_dma source(%dma_start3A_449 : memref<16x1024xf32, #tpu.memory_space<hbm>>) target(%arg9 : memref<16x1024xf32, #tpu.memory_space<vmem>>) target_semaphore(%arg16 : memref<!tpu.dma_semaphore, #tpu.memory_space<semaphore_mem>>)
    %dma_wait3A_450 = arith.constant 3 : i32
    %dma_wait3A_451 = arith.constant 0 : i32
    %dma_wait3A_452 = tpu.memref_slice %arg2[%dma_wait3A_450, %add3A_337, %dma_wait3A_451] : memref<4x4096x1024xf32, #tpu.memory_space<hbm>> -> memref<1x16x1024xf32, #tpu.memory_space<hbm>>
    %dma_wait3A_453 = tpu.memref_squeeze %dma_wait3A_452 : memref<1x16x1024xf32, #tpu.memory_space<hbm>> -> memref<16x1024xf32, #tpu.memory_space<hbm>>
    %dma_wait3A_454 = arith.constant 0 : i32
    %dma_wait3A_455 = tpu.memref_slice %arg2[%dma_wait3A_450, %add3A_337, %dma_wait3A_454] : memref<4x4096x1024xf32, #tpu.memory_space<hbm>> -> memref<1x16x1024xf32, #tpu.memory_space<hbm>>
    %dma_wait3A_456 = tpu.memref_squeeze %dma_wait3A_455 : memref<1x16x1024xf32, #tpu.memory_space<hbm>> -> memref<16x1024xf32, #tpu.memory_space<hbm>>
    tpu.wait_dma2 semaphore(%arg13 : memref<!tpu.dma_semaphore, #tpu.memory_space<semaphore_mem>>) src(%dma_wait3A_456 : memref<16x1024xf32, #tpu.memory_space<hbm>>) dst(%arg6 : memref<16x1024xf32, #tpu.memory_space<vmem>>)
    %parallel_loop3A_457 = arith.constant 0 : i32
    %parallel_loop3A_458 = arith.constant 16384 : i32
    %parallel_loop3A_459 = arith.constant 16 : i32
    scf.for %parallel_loop3A_1200 = %parallel_loop3A_457 to %parallel_loop3A_458 step %parallel_loop3A_459  : i32 {
      %parallel_loop3A_1201 = arith.constant 10 : i32
      %parallel_loop3A_1202 = arith.shrui %parallel_loop3A_1200, %parallel_loop3A_1201 : i32
      %parallel_loop3A_1203 = arith.constant 1023 : i32
      %parallel_loop3A_1204 = arith.andi %parallel_loop3A_1200, %parallel_loop3A_1203 : i32
      %parallel_loop3A_1205 = tpu.assume_multiple %parallel_loop3A_1204, 16 : i32
      %parallel_loop3A_1206 = arith.index_cast %parallel_loop3A_1202 : i32 to index
      %parallel_loop3A_1207 = arith.index_cast %parallel_loop3A_1205 : i32 to index
      %parallel_loop3A_1208 = tpu.vector_load %arg10[%parallel_loop3A_1206, %parallel_loop3A_1207] {strides = array<i32>} : memref<16x1024xf32, #tpu.memory_space<vmem>>, vector<1x16xf32>,
      %parallel_loop3A_1209 = vector.shape_cast %parallel_loop3A_1208 : vector<1x16xf32> to vector<16xf32>
      %parallel_loop3A_1210 = arith.index_cast %parallel_loop3A_1202 : i32 to index
      %parallel_loop3A_1211 = arith.index_cast %parallel_loop3A_1205 : i32 to index
      %parallel_loop3A_1212 = tpu.vector_load %arg6[%parallel_loop3A_1210, %parallel_loop3A_1211] {strides = array<i32>} : memref<16x1024xf32, #tpu.memory_space<vmem>>, vector<1x16xf32>,
      %parallel_loop3A_1213 = vector.shape_cast %parallel_loop3A_1212 : vector<1x16xf32> to vector<16xf32>
      %parallel_loop3A_1214 = vector.shape_cast %parallel_loop3A_1209 : vector<16xf32> to vector<1x16xf32>
      tpu.vector_store %arg6[%parallel_loop3A_1210, %parallel_loop3A_1211], %parallel_loop3A_1214 {add = true, strides = array<i32>} : memref<16x1024xf32, #tpu.memory_space<vmem>>, vector<1x16xf32>,
    } {sc.loop_unroll_factor = 4 : i64, sc.parallel_access}
    %add3A_460 = arith.constant 32 : i32
    %add3A_461 = arith.addi %mul3A_2, %add3A_460 : i32
    %dma_start3A_462 = arith.constant 3 : i32
    %dma_start3A_463 = arith.constant 0 : i32
    %dma_start3A_464 = tpu.memref_slice %arg4[%dma_start3A_462, %add3A_461, %dma_start3A_463] : memref<4x4096x1024xf32, #tpu.memory_space<hbm>> -> memref<1x16x1024xf32, #tpu.memory_space<hbm>>
    %dma_start3A_465 = tpu.memref_squeeze %dma_start3A_464 : memref<1x16x1024xf32, #tpu.memory_space<hbm>> -> memref<16x1024xf32, #tpu.memory_space<hbm>>
    %dma_start3A_466 = arith.constant 0 : i32
    %dma_start3A_467 = tpu.memref_slice %arg4[%dma_start3A_462, %add3A_461, %dma_start3A_466] : memref<4x4096x1024xf32, #tpu.memory_space<hbm>> -> memref<1x16x1024xf32, #tpu.memory_space<hbm>>
    %dma_start3A_468 = tpu.memref_squeeze %dma_start3A_467 : memref<1x16x1024xf32, #tpu.memory_space<hbm>> -> memref<16x1024xf32, #tpu.memory_space<hbm>>
    tpu.enqueue_dma source(%arg6 : memref<16x1024xf32, #tpu.memory_space<vmem>>) target(%dma_start3A_468 : memref<16x1024xf32, #tpu.memory_space<hbm>>) target_semaphore(%arg18 : memref<!tpu.dma_semaphore, #tpu.memory_space<semaphore_mem>>)
    %add3A_469 = arith.constant 64 : i32
    %add3A_470 = arith.addi %mul3A_2, %add3A_469 : i32
    %dma_start3A_471 = arith.constant 0 : i32
    %dma_start3A_472 = tpu.memref_slice %arg3[%add3A_470, %dma_start3A_471] : memref<8192x1024xf32, #tpu.memory_space<hbm>> -> memref<16x1024xf32, #tpu.memory_space<hbm>>
    %dma_start3A_473 = arith.constant 0 : i32
    %dma_start3A_474 = tpu.memref_slice %arg3[%add3A_470, %dma_start3A_473] : memref<8192x1024xf32, #tpu.memory_space<hbm>> -> memref<16x1024xf32, #tpu.memory_space<hbm>>
    tpu.enqueue_dma source(%dma_start3A_474 : memref<16x1024xf32, #tpu.memory_space<hbm>>) target(%arg10 : memref<16x1024xf32, #tpu.memory_space<vmem>>) target_semaphore(%arg22 : memref<!tpu.dma_semaphore, #tpu.memory_space<semaphore_mem>>)
    %dma_wait3A_475 = arith.constant 0 : i32
    %dma_wait3A_476 = tpu.memref_slice %arg3[%add3A_320, %dma_wait3A_475] : memref<8192x1024xf32, #tpu.memory_space<hbm>> -> memref<16x1024xf32, #tpu.memory_space<hbm>>
    %dma_wait3A_477 = arith.constant 0 : i32
    %dma_wait3A_478 = tpu.memref_slice %arg3[%add3A_320, %dma_wait3A_477] : memref<8192x1024xf32, #tpu.memory_space<hbm>> -> memref<16x1024xf32, #tpu.memory_space<hbm>>
    tpu.wait_dma2 semaphore(%arg23 : memref<!tpu.dma_semaphore, #tpu.memory_space<semaphore_mem>>) src(%dma_wait3A_478 : memref<16x1024xf32, #tpu.memory_space<hbm>>) dst(%arg11 : memref<16x1024xf32, #tpu.memory_space<vmem>>)
    %dma_wait3A_479 = arith.constant 2 : i32
    %dma_wait3A_480 = arith.constant 0 : i32
    %dma_wait3A_481 = tpu.memref_slice %arg4[%dma_wait3A_479, %add3A_426, %dma_wait3A_480] : memref<4x4096x1024xf32, #tpu.memory_space<hbm>> -> memref<1x16x1024xf32, #tpu.memory_space<hbm>>
    %dma_wait3A_482 = tpu.memref_squeeze %dma_wait3A_481 : memref<1x16x1024xf32, #tpu.memory_space<hbm>> -> memref<16x1024xf32, #tpu.memory_space<hbm>>
    %dma_wait3A_483 = arith.constant 0 : i32
    %dma_wait3A_484 = tpu.memref_slice %arg4[%dma_wait3A_479, %add3A_426, %dma_wait3A_483] : memref<4x4096x1024xf32, #tpu.memory_space<hbm>> -> memref<1x16x1024xf32, #tpu.memory_space<hbm>>
    %dma_wait3A_485 = tpu.memref_squeeze %dma_wait3A_484 : memref<1x16x1024xf32, #tpu.memory_space<hbm>> -> memref<16x1024xf32, #tpu.memory_space<hbm>>
    tpu.wait_dma2 semaphore(%arg17 : memref<!tpu.dma_semaphore, #tpu.memory_space<semaphore_mem>>) src(%arg5 : memref<16x1024xf32, #tpu.memory_space<vmem>>) dst(%dma_wait3A_485 : memref<16x1024xf32, #tpu.memory_space<hbm>>)
    %add3A_486 = arith.constant 48 : i32
    %add3A_487 = arith.addi %mul3A_2, %add3A_486 : i32
    %dma_start3A_488 = arith.constant 3 : i32
    %dma_start3A_489 = arith.constant 0 : i32
    %dma_start3A_490 = tpu.memref_slice %arg2[%dma_start3A_488, %add3A_487, %dma_start3A_489] : memref<4x4096x1024xf32, #tpu.memory_space<hbm>> -> memref<1x16x1024xf32, #tpu.memory_space<hbm>>
    %dma_start3A_491 = tpu.memref_squeeze %dma_start3A_490 : memref<1x16x1024xf32, #tpu.memory_space<hbm>> -> memref<16x1024xf32, #tpu.memory_space<hbm>>
    %dma_start3A_492 = arith.constant 0 : i32
    %dma_start3A_493 = tpu.memref_slice %arg2[%dma_start3A_488, %add3A_487, %dma_start3A_492] : memref<4x4096x1024xf32, #tpu.memory_space<hbm>> -> memref<1x16x1024xf32, #tpu.memory_space<hbm>>
    %dma_start3A_494 = tpu.memref_squeeze %dma_start3A_493 : memref<1x16x1024xf32, #tpu.memory_space<hbm>> -> memref<16x1024xf32, #tpu.memory_space<hbm>>
    tpu.enqueue_dma source(%dma_start3A_494 : memref<16x1024xf32, #tpu.memory_space<hbm>>) target(%arg5 : memref<16x1024xf32, #tpu.memory_space<vmem>>) target_semaphore(%arg12 : memref<!tpu.dma_semaphore, #tpu.memory_space<semaphore_mem>>)
    %dma_wait3A_495 = arith.constant 0 : i32
    %dma_wait3A_496 = arith.constant 0 : i32
    %dma_wait3A_497 = tpu.memref_slice %arg2[%dma_wait3A_495, %add3A_372, %dma_wait3A_496] : memref<4x4096x1024xf32, #tpu.memory_space<hbm>> -> memref<1x16x1024xf32, #tpu.memory_space<hbm>>
    %dma_wait3A_498 = tpu.memref_squeeze %dma_wait3A_497 : memref<1x16x1024xf32, #tpu.memory_space<hbm>> -> memref<16x1024xf32, #tpu.memory_space<hbm>>
    %dma_wait3A_499 = arith.constant 0 : i32
    %dma_wait3A_500 = tpu.memref_slice %arg2[%dma_wait3A_495, %add3A_372, %dma_wait3A_499] : memref<4x4096x1024xf32, #tpu.memory_space<hbm>> -> memref<1x16x1024xf32, #tpu.memory_space<hbm>>
    %dma_wait3A_501 = tpu.memref_squeeze %dma_wait3A_500 : memref<1x16x1024xf32, #tpu.memory_space<hbm>> -> memref<16x1024xf32, #tpu.memory_space<hbm>>
    tpu.wait_dma2 semaphore(%arg14 : memref<!tpu.dma_semaphore, #tpu.memory_space<semaphore_mem>>) src(%dma_wait3A_501 : memref<16x1024xf32, #tpu.memory_space<hbm>>) dst(%arg7 : memref<16x1024xf32, #tpu.memory_space<vmem>>)
    %parallel_loop3A_502 = arith.constant 0 : i32
    %parallel_loop3A_503 = arith.constant 16384 : i32
    %parallel_loop3A_504 = arith.constant 16 : i32
    scf.for %parallel_loop3A_1200 = %parallel_loop3A_502 to %parallel_loop3A_503 step %parallel_loop3A_504  : i32 {
      %parallel_loop3A_1201 = arith.constant 10 : i32
      %parallel_loop3A_1202 = arith.shrui %parallel_loop3A_1200, %parallel_loop3A_1201 : i32
      %parallel_loop3A_1203 = arith.constant 1023 : i32
      %parallel_loop3A_1204 = arith.andi %parallel_loop3A_1200, %parallel_loop3A_1203 : i32
      %parallel_loop3A_1205 = tpu.assume_multiple %parallel_loop3A_1204, 16 : i32
      %parallel_loop3A_1206 = arith.index_cast %parallel_loop3A_1202 : i32 to index
      %parallel_loop3A_1207 = arith.index_cast %parallel_loop3A_1205 : i32 to index
      %parallel_loop3A_1208 = tpu.vector_load %arg11[%parallel_loop3A_1206, %parallel_loop3A_1207] {strides = array<i32>} : memref<16x1024xf32, #tpu.memory_space<vmem>>, vector<1x16xf32>,
      %parallel_loop3A_1209 = vector.shape_cast %parallel_loop3A_1208 : vector<1x16xf32> to vector<16xf32>
      %parallel_loop3A_1210 = arith.index_cast %parallel_loop3A_1202 : i32 to index
      %parallel_loop3A_1211 = arith.index_cast %parallel_loop3A_1205 : i32 to index
      %parallel_loop3A_1212 = tpu.vector_load %arg7[%parallel_loop3A_1210, %parallel_loop3A_1211] {strides = array<i32>} : memref<16x1024xf32, #tpu.memory_space<vmem>>, vector<1x16xf32>,
      %parallel_loop3A_1213 = vector.shape_cast %parallel_loop3A_1212 : vector<1x16xf32> to vector<16xf32>
      %parallel_loop3A_1214 = vector.shape_cast %parallel_loop3A_1209 : vector<16xf32> to vector<1x16xf32>
      tpu.vector_store %arg7[%parallel_loop3A_1210, %parallel_loop3A_1211], %parallel_loop3A_1214 {add = true, strides = array<i32>} : memref<16x1024xf32, #tpu.memory_space<vmem>>, vector<1x16xf32>,
    } {sc.loop_unroll_factor = 4 : i64, sc.parallel_access}
    %add3A_505 = arith.constant 48 : i32
    %add3A_506 = arith.addi %mul3A_2, %add3A_505 : i32
    %dma_start3A_507 = arith.constant 0 : i32
    %dma_start3A_508 = arith.constant 0 : i32
    %dma_start3A_509 = tpu.memref_slice %arg4[%dma_start3A_507, %add3A_506, %dma_start3A_508] : memref<4x4096x1024xf32, #tpu.memory_space<hbm>> -> memref<1x16x1024xf32, #tpu.memory_space<hbm>>
    %dma_start3A_510 = tpu.memref_squeeze %dma_start3A_509 : memref<1x16x1024xf32, #tpu.memory_space<hbm>> -> memref<16x1024xf32, #tpu.memory_space<hbm>>
    %dma_start3A_511 = arith.constant 0 : i32
    %dma_start3A_512 = tpu.memref_slice %arg4[%dma_start3A_507, %add3A_506, %dma_start3A_511] : memref<4x4096x1024xf32, #tpu.memory_space<hbm>> -> memref<1x16x1024xf32, #tpu.memory_space<hbm>>
    %dma_start3A_513 = tpu.memref_squeeze %dma_start3A_512 : memref<1x16x1024xf32, #tpu.memory_space<hbm>> -> memref<16x1024xf32, #tpu.memory_space<hbm>>
    tpu.enqueue_dma source(%arg7 : memref<16x1024xf32, #tpu.memory_space<vmem>>) target(%dma_start3A_513 : memref<16x1024xf32, #tpu.memory_space<hbm>>) target_semaphore(%arg19 : memref<!tpu.dma_semaphore, #tpu.memory_space<semaphore_mem>>)
    %dma_wait3A_514 = arith.constant 3 : i32
    %dma_wait3A_515 = arith.constant 0 : i32
    %dma_wait3A_516 = tpu.memref_slice %arg4[%dma_wait3A_514, %add3A_461, %dma_wait3A_515] : memref<4x4096x1024xf32, #tpu.memory_space<hbm>> -> memref<1x16x1024xf32, #tpu.memory_space<hbm>>
    %dma_wait3A_517 = tpu.memref_squeeze %dma_wait3A_516 : memref<1x16x1024xf32, #tpu.memory_space<hbm>> -> memref<16x1024xf32, #tpu.memory_space<hbm>>
    %dma_wait3A_518 = arith.constant 0 : i32
    %dma_wait3A_519 = tpu.memref_slice %arg4[%dma_wait3A_514, %add3A_461, %dma_wait3A_518] : memref<4x4096x1024xf32, #tpu.memory_space<hbm>> -> memref<1x16x1024xf32, #tpu.memory_space<hbm>>
    %dma_wait3A_520 = tpu.memref_squeeze %dma_wait3A_519 : memref<1x16x1024xf32, #tpu.memory_space<hbm>> -> memref<16x1024xf32, #tpu.memory_space<hbm>>
    tpu.wait_dma2 semaphore(%arg18 : memref<!tpu.dma_semaphore, #tpu.memory_space<semaphore_mem>>) src(%arg6 : memref<16x1024xf32, #tpu.memory_space<vmem>>) dst(%dma_wait3A_520 : memref<16x1024xf32, #tpu.memory_space<hbm>>)
    %add3A_521 = arith.constant 64 : i32
    %add3A_522 = arith.addi %mul3A_2, %add3A_521 : i32
    %dma_start3A_523 = arith.constant 0 : i32
    %dma_start3A_524 = arith.constant 0 : i32
    %dma_start3A_525 = tpu.memref_slice %arg2[%dma_start3A_523, %add3A_522, %dma_start3A_524] : memref<4x4096x1024xf32, #tpu.memory_space<hbm>> -> memref<1x16x1024xf32, #tpu.memory_space<hbm>>
    %dma_start3A_526 = tpu.memref_squeeze %dma_start3A_525 : memref<1x16x1024xf32, #tpu.memory_space<hbm>> -> memref<16x1024xf32, #tpu.memory_space<hbm>>
    %dma_start3A_527 = arith.constant 0 : i32
    %dma_start3A_528 = tpu.memref_slice %arg2[%dma_start3A_523, %add3A_522, %dma_start3A_527] : memref<4x4096x1024xf32, #tpu.memory_space<hbm>> -> memref<1x16x1024xf32, #tpu.memory_space<hbm>>
    %dma_start3A_529 = tpu.memref_squeeze %dma_start3A_528 : memref<1x16x1024xf32, #tpu.memory_space<hbm>> -> memref<16x1024xf32, #tpu.memory_space<hbm>>
    tpu.enqueue_dma source(%dma_start3A_529 : memref<16x1024xf32, #tpu.memory_space<hbm>>) target(%arg6 : memref<16x1024xf32, #tpu.memory_space<vmem>>) target_semaphore(%arg13 : memref<!tpu.dma_semaphore, #tpu.memory_space<semaphore_mem>>)
    %dma_wait3A_530 = arith.constant 1 : i32
    %dma_wait3A_531 = arith.constant 0 : i32
    %dma_wait3A_532 = tpu.memref_slice %arg2[%dma_wait3A_530, %add3A_407, %dma_wait3A_531] : memref<4x4096x1024xf32, #tpu.memory_space<hbm>> -> memref<1x16x1024xf32, #tpu.memory_space<hbm>>
    %dma_wait3A_533 = tpu.memref_squeeze %dma_wait3A_532 : memref<1x16x1024xf32, #tpu.memory_space<hbm>> -> memref<16x1024xf32, #tpu.memory_space<hbm>>
    %dma_wait3A_534 = arith.constant 0 : i32
    %dma_wait3A_535 = tpu.memref_slice %arg2[%dma_wait3A_530, %add3A_407, %dma_wait3A_534] : memref<4x4096x1024xf32, #tpu.memory_space<hbm>> -> memref<1x16x1024xf32, #tpu.memory_space<hbm>>
    %dma_wait3A_536 = tpu.memref_squeeze %dma_wait3A_535 : memref<1x16x1024xf32, #tpu.memory_space<hbm>> -> memref<16x1024xf32, #tpu.memory_space<hbm>>
    tpu.wait_dma2 semaphore(%arg15 : memref<!tpu.dma_semaphore, #tpu.memory_space<semaphore_mem>>) src(%dma_wait3A_536 : memref<16x1024xf32, #tpu.memory_space<hbm>>) dst(%arg8 : memref<16x1024xf32, #tpu.memory_space<vmem>>)
    %parallel_loop3A_537 = arith.constant 0 : i32
    %parallel_loop3A_538 = arith.constant 16384 : i32
    %parallel_loop3A_539 = arith.constant 16 : i32
    scf.for %parallel_loop3A_1200 = %parallel_loop3A_537 to %parallel_loop3A_538 step %parallel_loop3A_539  : i32 {
      %parallel_loop3A_1201 = arith.constant 10 : i32
      %parallel_loop3A_1202 = arith.shrui %parallel_loop3A_1200, %parallel_loop3A_1201 : i32
      %parallel_loop3A_1203 = arith.constant 1023 : i32
      %parallel_loop3A_1204 = arith.andi %parallel_loop3A_1200, %parallel_loop3A_1203 : i32
      %parallel_loop3A_1205 = tpu.assume_multiple %parallel_loop3A_1204, 16 : i32
      %parallel_loop3A_1206 = arith.index_cast %parallel_loop3A_1202 : i32 to index
      %parallel_loop3A_1207 = arith.index_cast %parallel_loop3A_1205 : i32 to index
      %parallel_loop3A_1208 = tpu.vector_load %arg11[%parallel_loop3A_1206, %parallel_loop3A_1207] {strides = array<i32>} : memref<16x1024xf32, #tpu.memory_space<vmem>>, vector<1x16xf32>,
      %parallel_loop3A_1209 = vector.shape_cast %parallel_loop3A_1208 : vector<1x16xf32> to vector<16xf32>
      %parallel_loop3A_1210 = arith.index_cast %parallel_loop3A_1202 : i32 to index
      %parallel_loop3A_1211 = arith.index_cast %parallel_loop3A_1205 : i32 to index
      %parallel_loop3A_1212 = tpu.vector_load %arg8[%parallel_loop3A_1210, %parallel_loop3A_1211] {strides = array<i32>} : memref<16x1024xf32, #tpu.memory_space<vmem>>, vector<1x16xf32>,
      %parallel_loop3A_1213 = vector.shape_cast %parallel_loop3A_1212 : vector<1x16xf32> to vector<16xf32>
      %parallel_loop3A_1214 = vector.shape_cast %parallel_loop3A_1209 : vector<16xf32> to vector<1x16xf32>
      tpu.vector_store %arg8[%parallel_loop3A_1210, %parallel_loop3A_1211], %parallel_loop3A_1214 {add = true, strides = array<i32>} : memref<16x1024xf32, #tpu.memory_space<vmem>>, vector<1x16xf32>,
    } {sc.loop_unroll_factor = 4 : i64, sc.parallel_access}
    %add3A_540 = arith.constant 48 : i32
    %add3A_541 = arith.addi %mul3A_2, %add3A_540 : i32
    %dma_start3A_542 = arith.constant 1 : i32
    %dma_start3A_543 = arith.constant 0 : i32
    %dma_start3A_544 = tpu.memref_slice %arg4[%dma_start3A_542, %add3A_541, %dma_start3A_543] : memref<4x4096x1024xf32, #tpu.memory_space<hbm>> -> memref<1x16x1024xf32, #tpu.memory_space<hbm>>
    %dma_start3A_545 = tpu.memref_squeeze %dma_start3A_544 : memref<1x16x1024xf32, #tpu.memory_space<hbm>> -> memref<16x1024xf32, #tpu.memory_space<hbm>>
    %dma_start3A_546 = arith.constant 0 : i32
    %dma_start3A_547 = tpu.memref_slice %arg4[%dma_start3A_542, %add3A_541, %dma_start3A_546] : memref<4x4096x1024xf32, #tpu.memory_space<hbm>> -> memref<1x16x1024xf32, #tpu.memory_space<hbm>>
    %dma_start3A_548 = tpu.memref_squeeze %dma_start3A_547 : memref<1x16x1024xf32, #tpu.memory_space<hbm>> -> memref<16x1024xf32, #tpu.memory_space<hbm>>
    tpu.enqueue_dma source(%arg8 : memref<16x1024xf32, #tpu.memory_space<vmem>>) target(%dma_start3A_548 : memref<16x1024xf32, #tpu.memory_space<hbm>>) target_semaphore(%arg20 : memref<!tpu.dma_semaphore, #tpu.memory_space<semaphore_mem>>)
    %dma_wait3A_549 = arith.constant 0 : i32
    %dma_wait3A_550 = arith.constant 0 : i32
    %dma_wait3A_551 = tpu.memref_slice %arg4[%dma_wait3A_549, %add3A_506, %dma_wait3A_550] : memref<4x4096x1024xf32, #tpu.memory_space<hbm>> -> memref<1x16x1024xf32, #tpu.memory_space<hbm>>
    %dma_wait3A_552 = tpu.memref_squeeze %dma_wait3A_551 : memref<1x16x1024xf32, #tpu.memory_space<hbm>> -> memref<16x1024xf32, #tpu.memory_space<hbm>>
    %dma_wait3A_553 = arith.constant 0 : i32
    %dma_wait3A_554 = tpu.memref_slice %arg4[%dma_wait3A_549, %add3A_506, %dma_wait3A_553] : memref<4x4096x1024xf32, #tpu.memory_space<hbm>> -> memref<1x16x1024xf32, #tpu.memory_space<hbm>>
    %dma_wait3A_555 = tpu.memref_squeeze %dma_wait3A_554 : memref<1x16x1024xf32, #tpu.memory_space<hbm>> -> memref<16x1024xf32, #tpu.memory_space<hbm>>
    tpu.wait_dma2 semaphore(%arg19 : memref<!tpu.dma_semaphore, #tpu.memory_space<semaphore_mem>>) src(%arg7 : memref<16x1024xf32, #tpu.memory_space<vmem>>) dst(%dma_wait3A_555 : memref<16x1024xf32, #tpu.memory_space<hbm>>)
    %add3A_556 = arith.constant 64 : i32
    %add3A_557 = arith.addi %mul3A_2, %add3A_556 : i32
    %dma_start3A_558 = arith.constant 1 : i32
    %dma_start3A_559 = arith.constant 0 : i32
    %dma_start3A_560 = tpu.memref_slice %arg2[%dma_start3A_558, %add3A_557, %dma_start3A_559] : memref<4x4096x1024xf32, #tpu.memory_space<hbm>> -> memref<1x16x1024xf32, #tpu.memory_space<hbm>>
    %dma_start3A_561 = tpu.memref_squeeze %dma_start3A_560 : memref<1x16x1024xf32, #tpu.memory_space<hbm>> -> memref<16x1024xf32, #tpu.memory_space<hbm>>
    %dma_start3A_562 = arith.constant 0 : i32
    %dma_start3A_563 = tpu.memref_slice %arg2[%dma_start3A_558, %add3A_557, %dma_start3A_562] : memref<4x4096x1024xf32, #tpu.memory_space<hbm>> -> memref<1x16x1024xf32, #tpu.memory_space<hbm>>
    %dma_start3A_564 = tpu.memref_squeeze %dma_start3A_563 : memref<1x16x1024xf32, #tpu.memory_space<hbm>> -> memref<16x1024xf32, #tpu.memory_space<hbm>>
    tpu.enqueue_dma source(%dma_start3A_564 : memref<16x1024xf32, #tpu.memory_space<hbm>>) target(%arg7 : memref<16x1024xf32, #tpu.memory_space<vmem>>) target_semaphore(%arg14 : memref<!tpu.dma_semaphore, #tpu.memory_space<semaphore_mem>>)
    %dma_wait3A_565 = arith.constant 2 : i32
    %dma_wait3A_566 = arith.constant 0 : i32
    %dma_wait3A_567 = tpu.memref_slice %arg2[%dma_wait3A_565, %add3A_442, %dma_wait3A_566] : memref<4x4096x1024xf32, #tpu.memory_space<hbm>> -> memref<1x16x1024xf32, #tpu.memory_space<hbm>>
    %dma_wait3A_568 = tpu.memref_squeeze %dma_wait3A_567 : memref<1x16x1024xf32, #tpu.memory_space<hbm>> -> memref<16x1024xf32, #tpu.memory_space<hbm>>
    %dma_wait3A_569 = arith.constant 0 : i32
    %dma_wait3A_570 = tpu.memref_slice %arg2[%dma_wait3A_565, %add3A_442, %dma_wait3A_569] : memref<4x4096x1024xf32, #tpu.memory_space<hbm>> -> memref<1x16x1024xf32, #tpu.memory_space<hbm>>
    %dma_wait3A_571 = tpu.memref_squeeze %dma_wait3A_570 : memref<1x16x1024xf32, #tpu.memory_space<hbm>> -> memref<16x1024xf32, #tpu.memory_space<hbm>>
    tpu.wait_dma2 semaphore(%arg16 : memref<!tpu.dma_semaphore, #tpu.memory_space<semaphore_mem>>) src(%dma_wait3A_571 : memref<16x1024xf32, #tpu.memory_space<hbm>>) dst(%arg9 : memref<16x1024xf32, #tpu.memory_space<vmem>>)
    %parallel_loop3A_572 = arith.constant 0 : i32
    %parallel_loop3A_573 = arith.constant 16384 : i32
    %parallel_loop3A_574 = arith.constant 16 : i32
    scf.for %parallel_loop3A_1200 = %parallel_loop3A_572 to %parallel_loop3A_573 step %parallel_loop3A_574  : i32 {
      %parallel_loop3A_1201 = arith.constant 10 : i32
      %parallel_loop3A_1202 = arith.shrui %parallel_loop3A_1200, %parallel_loop3A_1201 : i32
      %parallel_loop3A_1203 = arith.constant 1023 : i32
      %parallel_loop3A_1204 = arith.andi %parallel_loop3A_1200, %parallel_loop3A_1203 : i32
      %parallel_loop3A_1205 = tpu.assume_multiple %parallel_loop3A_1204, 16 : i32
      %parallel_loop3A_1206 = arith.index_cast %parallel_loop3A_1202 : i32 to index
      %parallel_loop3A_1207 = arith.index_cast %parallel_loop3A_1205 : i32 to index
      %parallel_loop3A_1208 = tpu.vector_load %arg11[%parallel_loop3A_1206, %parallel_loop3A_1207] {strides = array<i32>} : memref<16x1024xf32, #tpu.memory_space<vmem>>, vector<1x16xf32>,
      %parallel_loop3A_1209 = vector.shape_cast %parallel_loop3A_1208 : vector<1x16xf32> to vector<16xf32>
      %parallel_loop3A_1210 = arith.index_cast %parallel_loop3A_1202 : i32 to index
      %parallel_loop3A_1211 = arith.index_cast %parallel_loop3A_1205 : i32 to index
      %parallel_loop3A_1212 = tpu.vector_load %arg9[%parallel_loop3A_1210, %parallel_loop3A_1211] {strides = array<i32>} : memref<16x1024xf32, #tpu.memory_space<vmem>>, vector<1x16xf32>,
      %parallel_loop3A_1213 = vector.shape_cast %parallel_loop3A_1212 : vector<1x16xf32> to vector<16xf32>
      %parallel_loop3A_1214 = vector.shape_cast %parallel_loop3A_1209 : vector<16xf32> to vector<1x16xf32>
      tpu.vector_store %arg9[%parallel_loop3A_1210, %parallel_loop3A_1211], %parallel_loop3A_1214 {add = true, strides = array<i32>} : memref<16x1024xf32, #tpu.memory_space<vmem>>, vector<1x16xf32>,
    } {sc.loop_unroll_factor = 4 : i64, sc.parallel_access}
    %add3A_575 = arith.constant 48 : i32
    %add3A_576 = arith.addi %mul3A_2, %add3A_575 : i32
    %dma_start3A_577 = arith.constant 2 : i32
    %dma_start3A_578 = arith.constant 0 : i32
    %dma_start3A_579 = tpu.memref_slice %arg4[%dma_start3A_577, %add3A_576, %dma_start3A_578] : memref<4x4096x1024xf32, #tpu.memory_space<hbm>> -> memref<1x16x1024xf32, #tpu.memory_space<hbm>>
    %dma_start3A_580 = tpu.memref_squeeze %dma_start3A_579 : memref<1x16x1024xf32, #tpu.memory_space<hbm>> -> memref<16x1024xf32, #tpu.memory_space<hbm>>
    %dma_start3A_581 = arith.constant 0 : i32
    %dma_start3A_582 = tpu.memref_slice %arg4[%dma_start3A_577, %add3A_576, %dma_start3A_581] : memref<4x4096x1024xf32, #tpu.memory_space<hbm>> -> memref<1x16x1024xf32, #tpu.memory_space<hbm>>
    %dma_start3A_583 = tpu.memref_squeeze %dma_start3A_582 : memref<1x16x1024xf32, #tpu.memory_space<hbm>> -> memref<16x1024xf32, #tpu.memory_space<hbm>>
    tpu.enqueue_dma source(%arg9 : memref<16x1024xf32, #tpu.memory_space<vmem>>) target(%dma_start3A_583 : memref<16x1024xf32, #tpu.memory_space<hbm>>) target_semaphore(%arg21 : memref<!tpu.dma_semaphore, #tpu.memory_space<semaphore_mem>>)
    %dma_wait3A_584 = arith.constant 1 : i32
    %dma_wait3A_585 = arith.constant 0 : i32
    %dma_wait3A_586 = tpu.memref_slice %arg4[%dma_wait3A_584, %add3A_541, %dma_wait3A_585] : memref<4x4096x1024xf32, #tpu.memory_space<hbm>> -> memref<1x16x1024xf32, #tpu.memory_space<hbm>>
    %dma_wait3A_587 = tpu.memref_squeeze %dma_wait3A_586 : memref<1x16x1024xf32, #tpu.memory_space<hbm>> -> memref<16x1024xf32, #tpu.memory_space<hbm>>
    %dma_wait3A_588 = arith.constant 0 : i32
    %dma_wait3A_589 = tpu.memref_slice %arg4[%dma_wait3A_584, %add3A_541, %dma_wait3A_588] : memref<4x4096x1024xf32, #tpu.memory_space<hbm>> -> memref<1x16x1024xf32, #tpu.memory_space<hbm>>
    %dma_wait3A_590 = tpu.memref_squeeze %dma_wait3A_589 : memref<1x16x1024xf32, #tpu.memory_space<hbm>> -> memref<16x1024xf32, #tpu.memory_space<hbm>>
    tpu.wait_dma2 semaphore(%arg20 : memref<!tpu.dma_semaphore, #tpu.memory_space<semaphore_mem>>) src(%arg8 : memref<16x1024xf32, #tpu.memory_space<vmem>>) dst(%dma_wait3A_590 : memref<16x1024xf32, #tpu.memory_space<hbm>>)
    %add3A_591 = arith.constant 64 : i32
    %add3A_592 = arith.addi %mul3A_2, %add3A_591 : i32
    %dma_start3A_593 = arith.constant 2 : i32
    %dma_start3A_594 = arith.constant 0 : i32
    %dma_start3A_595 = tpu.memref_slice %arg2[%dma_start3A_593, %add3A_592, %dma_start3A_594] : memref<4x4096x1024xf32, #tpu.memory_space<hbm>> -> memref<1x16x1024xf32, #tpu.memory_space<hbm>>
    %dma_start3A_596 = tpu.memref_squeeze %dma_start3A_595 : memref<1x16x1024xf32, #tpu.memory_space<hbm>> -> memref<16x1024xf32, #tpu.memory_space<hbm>>
    %dma_start3A_597 = arith.constant 0 : i32
    %dma_start3A_598 = tpu.memref_slice %arg2[%dma_start3A_593, %add3A_592, %dma_start3A_597] : memref<4x4096x1024xf32, #tpu.memory_space<hbm>> -> memref<1x16x1024xf32, #tpu.memory_space<hbm>>
    %dma_start3A_599 = tpu.memref_squeeze %dma_start3A_598 : memref<1x16x1024xf32, #tpu.memory_space<hbm>> -> memref<16x1024xf32, #tpu.memory_space<hbm>>
    tpu.enqueue_dma source(%dma_start3A_599 : memref<16x1024xf32, #tpu.memory_space<hbm>>) target(%arg8 : memref<16x1024xf32, #tpu.memory_space<vmem>>) target_semaphore(%arg15 : memref<!tpu.dma_semaphore, #tpu.memory_space<semaphore_mem>>)
    %dma_wait3A_600 = arith.constant 3 : i32
    %dma_wait3A_601 = arith.constant 0 : i32
    %dma_wait3A_602 = tpu.memref_slice %arg2[%dma_wait3A_600, %add3A_487, %dma_wait3A_601] : memref<4x4096x1024xf32, #tpu.memory_space<hbm>> -> memref<1x16x1024xf32, #tpu.memory_space<hbm>>
    %dma_wait3A_603 = tpu.memref_squeeze %dma_wait3A_602 : memref<1x16x1024xf32, #tpu.memory_space<hbm>> -> memref<16x1024xf32, #tpu.memory_space<hbm>>
    %dma_wait3A_604 = arith.constant 0 : i32
    %dma_wait3A_605 = tpu.memref_slice %arg2[%dma_wait3A_600, %add3A_487, %dma_wait3A_604] : memref<4x4096x1024xf32, #tpu.memory_space<hbm>> -> memref<1x16x1024xf32, #tpu.memory_space<hbm>>
    %dma_wait3A_606 = tpu.memref_squeeze %dma_wait3A_605 : memref<1x16x1024xf32, #tpu.memory_space<hbm>> -> memref<16x1024xf32, #tpu.memory_space<hbm>>
    tpu.wait_dma2 semaphore(%arg12 : memref<!tpu.dma_semaphore, #tpu.memory_space<semaphore_mem>>) src(%dma_wait3A_606 : memref<16x1024xf32, #tpu.memory_space<hbm>>) dst(%arg5 : memref<16x1024xf32, #tpu.memory_space<vmem>>)
    %parallel_loop3A_607 = arith.constant 0 : i32
    %parallel_loop3A_608 = arith.constant 16384 : i32
    %parallel_loop3A_609 = arith.constant 16 : i32
    scf.for %parallel_loop3A_1200 = %parallel_loop3A_607 to %parallel_loop3A_608 step %parallel_loop3A_609  : i32 {
      %parallel_loop3A_1201 = arith.constant 10 : i32
      %parallel_loop3A_1202 = arith.shrui %parallel_loop3A_1200, %parallel_loop3A_1201 : i32
      %parallel_loop3A_1203 = arith.constant 1023 : i32
      %parallel_loop3A_1204 = arith.andi %parallel_loop3A_1200, %parallel_loop3A_1203 : i32
      %parallel_loop3A_1205 = tpu.assume_multiple %parallel_loop3A_1204, 16 : i32
      %parallel_loop3A_1206 = arith.index_cast %parallel_loop3A_1202 : i32 to index
      %parallel_loop3A_1207 = arith.index_cast %parallel_loop3A_1205 : i32 to index
      %parallel_loop3A_1208 = tpu.vector_load %arg11[%parallel_loop3A_1206, %parallel_loop3A_1207] {strides = array<i32>} : memref<16x1024xf32, #tpu.memory_space<vmem>>, vector<1x16xf32>,
      %parallel_loop3A_1209 = vector.shape_cast %parallel_loop3A_1208 : vector<1x16xf32> to vector<16xf32>
      %parallel_loop3A_1210 = arith.index_cast %parallel_loop3A_1202 : i32 to index
      %parallel_loop3A_1211 = arith.index_cast %parallel_loop3A_1205 : i32 to index
      %parallel_loop3A_1212 = tpu.vector_load %arg5[%parallel_loop3A_1210, %parallel_loop3A_1211] {strides = array<i32>} : memref<16x1024xf32, #tpu.memory_space<vmem>>, vector<1x16xf32>,
      %parallel_loop3A_1213 = vector.shape_cast %parallel_loop3A_1212 : vector<1x16xf32> to vector<16xf32>
      %parallel_loop3A_1214 = vector.shape_cast %parallel_loop3A_1209 : vector<16xf32> to vector<1x16xf32>
      tpu.vector_store %arg5[%parallel_loop3A_1210, %parallel_loop3A_1211], %parallel_loop3A_1214 {add = true, strides = array<i32>} : memref<16x1024xf32, #tpu.memory_space<vmem>>, vector<1x16xf32>,
    } {sc.loop_unroll_factor = 4 : i64, sc.parallel_access}
    %add3A_610 = arith.constant 48 : i32
    %add3A_611 = arith.addi %mul3A_2, %add3A_610 : i32
    %dma_start3A_612 = arith.constant 3 : i32
    %dma_start3A_613 = arith.constant 0 : i32
    %dma_start3A_614 = tpu.memref_slice %arg4[%dma_start3A_612, %add3A_611, %dma_start3A_613] : memref<4x4096x1024xf32, #tpu.memory_space<hbm>> -> memref<1x16x1024xf32, #tpu.memory_space<hbm>>
    %dma_start3A_615 = tpu.memref_squeeze %dma_start3A_614 : memref<1x16x1024xf32, #tpu.memory_space<hbm>> -> memref<16x1024xf32, #tpu.memory_space<hbm>>
    %dma_start3A_616 = arith.constant 0 : i32
    %dma_start3A_617 = tpu.memref_slice %arg4[%dma_start3A_612, %add3A_611, %dma_start3A_616] : memref<4x4096x1024xf32, #tpu.memory_space<hbm>> -> memref<1x16x1024xf32, #tpu.memory_space<hbm>>
    %dma_start3A_618 = tpu.memref_squeeze %dma_start3A_617 : memref<1x16x1024xf32, #tpu.memory_space<hbm>> -> memref<16x1024xf32, #tpu.memory_space<hbm>>
    tpu.enqueue_dma source(%arg5 : memref<16x1024xf32, #tpu.memory_space<vmem>>) target(%dma_start3A_618 : memref<16x1024xf32, #tpu.memory_space<hbm>>) target_semaphore(%arg17 : memref<!tpu.dma_semaphore, #tpu.memory_space<semaphore_mem>>)
    %add3A_619 = arith.constant 80 : i32
    %add3A_620 = arith.addi %mul3A_2, %add3A_619 : i32
    %dma_start3A_621 = arith.constant 0 : i32
    %dma_start3A_622 = tpu.memref_slice %arg3[%add3A_620, %dma_start3A_621] : memref<8192x1024xf32, #tpu.memory_space<hbm>> -> memref<16x1024xf32, #tpu.memory_space<hbm>>
    %dma_start3A_623 = arith.constant 0 : i32
    %dma_start3A_624 = tpu.memref_slice %arg3[%add3A_620, %dma_start3A_623] : memref<8192x1024xf32, #tpu.memory_space<hbm>> -> memref<16x1024xf32, #tpu.memory_space<hbm>>
    tpu.enqueue_dma source(%dma_start3A_624 : memref<16x1024xf32, #tpu.memory_space<hbm>>) target(%arg11 : memref<16x1024xf32, #tpu.memory_space<vmem>>) target_semaphore(%arg23 : memref<!tpu.dma_semaphore, #tpu.memory_space<semaphore_mem>>)
    %dma_wait3A_625 = arith.constant 0 : i32
    %dma_wait3A_626 = tpu.memref_slice %arg3[%add3A_470, %dma_wait3A_625] : memref<8192x1024xf32, #tpu.memory_space<hbm>> -> memref<16x1024xf32, #tpu.memory_space<hbm>>
    %dma_wait3A_627 = arith.constant 0 : i32
    %dma_wait3A_628 = tpu.memref_slice %arg3[%add3A_470, %dma_wait3A_627] : memref<8192x1024xf32, #tpu.memory_space<hbm>> -> memref<16x1024xf32, #tpu.memory_space<hbm>>
    tpu.wait_dma2 semaphore(%arg22 : memref<!tpu.dma_semaphore, #tpu.memory_space<semaphore_mem>>) src(%dma_wait3A_628 : memref<16x1024xf32, #tpu.memory_space<hbm>>) dst(%arg10 : memref<16x1024xf32, #tpu.memory_space<vmem>>)
    %dma_wait3A_629 = arith.constant 2 : i32
    %dma_wait3A_630 = arith.constant 0 : i32
    %dma_wait3A_631 = tpu.memref_slice %arg4[%dma_wait3A_629, %add3A_576, %dma_wait3A_630] : memref<4x4096x1024xf32, #tpu.memory_space<hbm>> -> memref<1x16x1024xf32, #tpu.memory_space<hbm>>
    %dma_wait3A_632 = tpu.memref_squeeze %dma_wait3A_631 : memref<1x16x1024xf32, #tpu.memory_space<hbm>> -> memref<16x1024xf32, #tpu.memory_space<hbm>>
    %dma_wait3A_633 = arith.constant 0 : i32
    %dma_wait3A_634 = tpu.memref_slice %arg4[%dma_wait3A_629, %add3A_576, %dma_wait3A_633] : memref<4x4096x1024xf32, #tpu.memory_space<hbm>> -> memref<1x16x1024xf32, #tpu.memory_space<hbm>>
    %dma_wait3A_635 = tpu.memref_squeeze %dma_wait3A_634 : memref<1x16x1024xf32, #tpu.memory_space<hbm>> -> memref<16x1024xf32, #tpu.memory_space<hbm>>
    tpu.wait_dma2 semaphore(%arg21 : memref<!tpu.dma_semaphore, #tpu.memory_space<semaphore_mem>>) src(%arg9 : memref<16x1024xf32, #tpu.memory_space<vmem>>) dst(%dma_wait3A_635 : memref<16x1024xf32, #tpu.memory_space<hbm>>)
    %add3A_636 = arith.constant 64 : i32
    %add3A_637 = arith.addi %mul3A_2, %add3A_636 : i32
    %dma_start3A_638 = arith.constant 3 : i32
    %dma_start3A_639 = arith.constant 0 : i32
    %dma_start3A_640 = tpu.memref_slice %arg2[%dma_start3A_638, %add3A_637, %dma_start3A_639] : memref<4x4096x1024xf32, #tpu.memory_space<hbm>> -> memref<1x16x1024xf32, #tpu.memory_space<hbm>>
    %dma_start3A_641 = tpu.memref_squeeze %dma_start3A_640 : memref<1x16x1024xf32, #tpu.memory_space<hbm>> -> memref<16x1024xf32, #tpu.memory_space<hbm>>
    %dma_start3A_642 = arith.constant 0 : i32
    %dma_start3A_643 = tpu.memref_slice %arg2[%dma_start3A_638, %add3A_637, %dma_start3A_642] : memref<4x4096x1024xf32, #tpu.memory_space<hbm>> -> memref<1x16x1024xf32, #tpu.memory_space<hbm>>
    %dma_start3A_644 = tpu.memref_squeeze %dma_start3A_643 : memref<1x16x1024xf32, #tpu.memory_space<hbm>> -> memref<16x1024xf32, #tpu.memory_space<hbm>>
    tpu.enqueue_dma source(%dma_start3A_644 : memref<16x1024xf32, #tpu.memory_space<hbm>>) target(%arg9 : memref<16x1024xf32, #tpu.memory_space<vmem>>) target_semaphore(%arg16 : memref<!tpu.dma_semaphore, #tpu.memory_space<semaphore_mem>>)
    %dma_wait3A_645 = arith.constant 0 : i32
    %dma_wait3A_646 = arith.constant 0 : i32
    %dma_wait3A_647 = tpu.memref_slice %arg2[%dma_wait3A_645, %add3A_522, %dma_wait3A_646] : memref<4x4096x1024xf32, #tpu.memory_space<hbm>> -> memref<1x16x1024xf32, #tpu.memory_space<hbm>>
    %dma_wait3A_648 = tpu.memref_squeeze %dma_wait3A_647 : memref<1x16x1024xf32, #tpu.memory_space<hbm>> -> memref<16x1024xf32, #tpu.memory_space<hbm>>
    %dma_wait3A_649 = arith.constant 0 : i32
    %dma_wait3A_650 = tpu.memref_slice %arg2[%dma_wait3A_645, %add3A_522, %dma_wait3A_649] : memref<4x4096x1024xf32, #tpu.memory_space<hbm>> -> memref<1x16x1024xf32, #tpu.memory_space<hbm>>
    %dma_wait3A_651 = tpu.memref_squeeze %dma_wait3A_650 : memref<1x16x1024xf32, #tpu.memory_space<hbm>> -> memref<16x1024xf32, #tpu.memory_space<hbm>>
    tpu.wait_dma2 semaphore(%arg13 : memref<!tpu.dma_semaphore, #tpu.memory_space<semaphore_mem>>) src(%dma_wait3A_651 : memref<16x1024xf32, #tpu.memory_space<hbm>>) dst(%arg6 : memref<16x1024xf32, #tpu.memory_space<vmem>>)
    %parallel_loop3A_652 = arith.constant 0 : i32
    %parallel_loop3A_653 = arith.constant 16384 : i32
    %parallel_loop3A_654 = arith.constant 16 : i32
    scf.for %parallel_loop3A_1200 = %parallel_loop3A_652 to %parallel_loop3A_653 step %parallel_loop3A_654  : i32 {
      %parallel_loop3A_1201 = arith.constant 10 : i32
      %parallel_loop3A_1202 = arith.shrui %parallel_loop3A_1200, %parallel_loop3A_1201 : i32
      %parallel_loop3A_1203 = arith.constant 1023 : i32
      %parallel_loop3A_1204 = arith.andi %parallel_loop3A_1200, %parallel_loop3A_1203 : i32
      %parallel_loop3A_1205 = tpu.assume_multiple %parallel_loop3A_1204, 16 : i32
      %parallel_loop3A_1206 = arith.index_cast %parallel_loop3A_1202 : i32 to index
      %parallel_loop3A_1207 = arith.index_cast %parallel_loop3A_1205 : i32 to index
      %parallel_loop3A_1208 = tpu.vector_load %arg10[%parallel_loop3A_1206, %parallel_loop3A_1207] {strides = array<i32>} : memref<16x1024xf32, #tpu.memory_space<vmem>>, vector<1x16xf32>,
      %parallel_loop3A_1209 = vector.shape_cast %parallel_loop3A_1208 : vector<1x16xf32> to vector<16xf32>
      %parallel_loop3A_1210 = arith.index_cast %parallel_loop3A_1202 : i32 to index
      %parallel_loop3A_1211 = arith.index_cast %parallel_loop3A_1205 : i32 to index
      %parallel_loop3A_1212 = tpu.vector_load %arg6[%parallel_loop3A_1210, %parallel_loop3A_1211] {strides = array<i32>} : memref<16x1024xf32, #tpu.memory_space<vmem>>, vector<1x16xf32>,
      %parallel_loop3A_1213 = vector.shape_cast %parallel_loop3A_1212 : vector<1x16xf32> to vector<16xf32>
      %parallel_loop3A_1214 = vector.shape_cast %parallel_loop3A_1209 : vector<16xf32> to vector<1x16xf32>
      tpu.vector_store %arg6[%parallel_loop3A_1210, %parallel_loop3A_1211], %parallel_loop3A_1214 {add = true, strides = array<i32>} : memref<16x1024xf32, #tpu.memory_space<vmem>>, vector<1x16xf32>,
    } {sc.loop_unroll_factor = 4 : i64, sc.parallel_access}
    %add3A_655 = arith.constant 64 : i32
    %add3A_656 = arith.addi %mul3A_2, %add3A_655 : i32
    %dma_start3A_657 = arith.constant 0 : i32
    %dma_start3A_658 = arith.constant 0 : i32
    %dma_start3A_659 = tpu.memref_slice %arg4[%dma_start3A_657, %add3A_656, %dma_start3A_658] : memref<4x4096x1024xf32, #tpu.memory_space<hbm>> -> memref<1x16x1024xf32, #tpu.memory_space<hbm>>
    %dma_start3A_660 = tpu.memref_squeeze %dma_start3A_659 : memref<1x16x1024xf32, #tpu.memory_space<hbm>> -> memref<16x1024xf32, #tpu.memory_space<hbm>>
    %dma_start3A_661 = arith.constant 0 : i32
    %dma_start3A_662 = tpu.memref_slice %arg4[%dma_start3A_657, %add3A_656, %dma_start3A_661] : memref<4x4096x1024xf32, #tpu.memory_space<hbm>> -> memref<1x16x1024xf32, #tpu.memory_space<hbm>>
    %dma_start3A_663 = tpu.memref_squeeze %dma_start3A_662 : memref<1x16x1024xf32, #tpu.memory_space<hbm>> -> memref<16x1024xf32, #tpu.memory_space<hbm>>
    tpu.enqueue_dma source(%arg6 : memref<16x1024xf32, #tpu.memory_space<vmem>>) target(%dma_start3A_663 : memref<16x1024xf32, #tpu.memory_space<hbm>>) target_semaphore(%arg18 : memref<!tpu.dma_semaphore, #tpu.memory_space<semaphore_mem>>)
    %dma_wait3A_664 = arith.constant 3 : i32
    %dma_wait3A_665 = arith.constant 0 : i32
    %dma_wait3A_666 = tpu.memref_slice %arg4[%dma_wait3A_664, %add3A_611, %dma_wait3A_665] : memref<4x4096x1024xf32, #tpu.memory_space<hbm>> -> memref<1x16x1024xf32, #tpu.memory_space<hbm>>
    %dma_wait3A_667 = tpu.memref_squeeze %dma_wait3A_666 : memref<1x16x1024xf32, #tpu.memory_space<hbm>> -> memref<16x1024xf32, #tpu.memory_space<hbm>>
    %dma_wait3A_668 = arith.constant 0 : i32
    %dma_wait3A_669 = tpu.memref_slice %arg4[%dma_wait3A_664, %add3A_611, %dma_wait3A_668] : memref<4x4096x1024xf32, #tpu.memory_space<hbm>> -> memref<1x16x1024xf32, #tpu.memory_space<hbm>>
    %dma_wait3A_670 = tpu.memref_squeeze %dma_wait3A_669 : memref<1x16x1024xf32, #tpu.memory_space<hbm>> -> memref<16x1024xf32, #tpu.memory_space<hbm>>
    tpu.wait_dma2 semaphore(%arg17 : memref<!tpu.dma_semaphore, #tpu.memory_space<semaphore_mem>>) src(%arg5 : memref<16x1024xf32, #tpu.memory_space<vmem>>) dst(%dma_wait3A_670 : memref<16x1024xf32, #tpu.memory_space<hbm>>)
    %add3A_671 = arith.constant 80 : i32
    %add3A_672 = arith.addi %mul3A_2, %add3A_671 : i32
    %dma_start3A_673 = arith.constant 0 : i32
    %dma_start3A_674 = arith.constant 0 : i32
    %dma_start3A_675 = tpu.memref_slice %arg2[%dma_start3A_673, %add3A_672, %dma_start3A_674] : memref<4x4096x1024xf32, #tpu.memory_space<hbm>> -> memref<1x16x1024xf32, #tpu.memory_space<hbm>>
    %dma_start3A_676 = tpu.memref_squeeze %dma_start3A_675 : memref<1x16x1024xf32, #tpu.memory_space<hbm>> -> memref<16x1024xf32, #tpu.memory_space<hbm>>
    %dma_start3A_677 = arith.constant 0 : i32
    %dma_start3A_678 = tpu.memref_slice %arg2[%dma_start3A_673, %add3A_672, %dma_start3A_677] : memref<4x4096x1024xf32, #tpu.memory_space<hbm>> -> memref<1x16x1024xf32, #tpu.memory_space<hbm>>
    %dma_start3A_679 = tpu.memref_squeeze %dma_start3A_678 : memref<1x16x1024xf32, #tpu.memory_space<hbm>> -> memref<16x1024xf32, #tpu.memory_space<hbm>>
    tpu.enqueue_dma source(%dma_start3A_679 : memref<16x1024xf32, #tpu.memory_space<hbm>>) target(%arg5 : memref<16x1024xf32, #tpu.memory_space<vmem>>) target_semaphore(%arg12 : memref<!tpu.dma_semaphore, #tpu.memory_space<semaphore_mem>>)
    %dma_wait3A_680 = arith.constant 1 : i32
    %dma_wait3A_681 = arith.constant 0 : i32
    %dma_wait3A_682 = tpu.memref_slice %arg2[%dma_wait3A_680, %add3A_557, %dma_wait3A_681] : memref<4x4096x1024xf32, #tpu.memory_space<hbm>> -> memref<1x16x1024xf32, #tpu.memory_space<hbm>>
    %dma_wait3A_683 = tpu.memref_squeeze %dma_wait3A_682 : memref<1x16x1024xf32, #tpu.memory_space<hbm>> -> memref<16x1024xf32, #tpu.memory_space<hbm>>
    %dma_wait3A_684 = arith.constant 0 : i32
    %dma_wait3A_685 = tpu.memref_slice %arg2[%dma_wait3A_680, %add3A_557, %dma_wait3A_684] : memref<4x4096x1024xf32, #tpu.memory_space<hbm>> -> memref<1x16x1024xf32, #tpu.memory_space<hbm>>
    %dma_wait3A_686 = tpu.memref_squeeze %dma_wait3A_685 : memref<1x16x1024xf32, #tpu.memory_space<hbm>> -> memref<16x1024xf32, #tpu.memory_space<hbm>>
    tpu.wait_dma2 semaphore(%arg14 : memref<!tpu.dma_semaphore, #tpu.memory_space<semaphore_mem>>) src(%dma_wait3A_686 : memref<16x1024xf32, #tpu.memory_space<hbm>>) dst(%arg7 : memref<16x1024xf32, #tpu.memory_space<vmem>>)
    %parallel_loop3A_687 = arith.constant 0 : i32
    %parallel_loop3A_688 = arith.constant 16384 : i32
    %parallel_loop3A_689 = arith.constant 16 : i32
    scf.for %parallel_loop3A_1200 = %parallel_loop3A_687 to %parallel_loop3A_688 step %parallel_loop3A_689  : i32 {
      %parallel_loop3A_1201 = arith.constant 10 : i32
      %parallel_loop3A_1202 = arith.shrui %parallel_loop3A_1200, %parallel_loop3A_1201 : i32
      %parallel_loop3A_1203 = arith.constant 1023 : i32
      %parallel_loop3A_1204 = arith.andi %parallel_loop3A_1200, %parallel_loop3A_1203 : i32
      %parallel_loop3A_1205 = tpu.assume_multiple %parallel_loop3A_1204, 16 : i32
      %parallel_loop3A_1206 = arith.index_cast %parallel_loop3A_1202 : i32 to index
      %parallel_loop3A_1207 = arith.index_cast %parallel_loop3A_1205 : i32 to index
      %parallel_loop3A_1208 = tpu.vector_load %arg10[%parallel_loop3A_1206, %parallel_loop3A_1207] {strides = array<i32>} : memref<16x1024xf32, #tpu.memory_space<vmem>>, vector<1x16xf32>,
      %parallel_loop3A_1209 = vector.shape_cast %parallel_loop3A_1208 : vector<1x16xf32> to vector<16xf32>
      %parallel_loop3A_1210 = arith.index_cast %parallel_loop3A_1202 : i32 to index
      %parallel_loop3A_1211 = arith.index_cast %parallel_loop3A_1205 : i32 to index
      %parallel_loop3A_1212 = tpu.vector_load %arg7[%parallel_loop3A_1210, %parallel_loop3A_1211] {strides = array<i32>} : memref<16x1024xf32, #tpu.memory_space<vmem>>, vector<1x16xf32>,
      %parallel_loop3A_1213 = vector.shape_cast %parallel_loop3A_1212 : vector<1x16xf32> to vector<16xf32>
      %parallel_loop3A_1214 = vector.shape_cast %parallel_loop3A_1209 : vector<16xf32> to vector<1x16xf32>
      tpu.vector_store %arg7[%parallel_loop3A_1210, %parallel_loop3A_1211], %parallel_loop3A_1214 {add = true, strides = array<i32>} : memref<16x1024xf32, #tpu.memory_space<vmem>>, vector<1x16xf32>,
    } {sc.loop_unroll_factor = 4 : i64, sc.parallel_access}
    %add3A_690 = arith.constant 64 : i32
    %add3A_691 = arith.addi %mul3A_2, %add3A_690 : i32
    %dma_start3A_692 = arith.constant 1 : i32
    %dma_start3A_693 = arith.constant 0 : i32
    %dma_start3A_694 = tpu.memref_slice %arg4[%dma_start3A_692, %add3A_691, %dma_start3A_693] : memref<4x4096x1024xf32, #tpu.memory_space<hbm>> -> memref<1x16x1024xf32, #tpu.memory_space<hbm>>
    %dma_start3A_695 = tpu.memref_squeeze %dma_start3A_694 : memref<1x16x1024xf32, #tpu.memory_space<hbm>> -> memref<16x1024xf32, #tpu.memory_space<hbm>>
    %dma_start3A_696 = arith.constant 0 : i32
    %dma_start3A_697 = tpu.memref_slice %arg4[%dma_start3A_692, %add3A_691, %dma_start3A_696] : memref<4x4096x1024xf32, #tpu.memory_space<hbm>> -> memref<1x16x1024xf32, #tpu.memory_space<hbm>>
    %dma_start3A_698 = tpu.memref_squeeze %dma_start3A_697 : memref<1x16x1024xf32, #tpu.memory_space<hbm>> -> memref<16x1024xf32, #tpu.memory_space<hbm>>
    tpu.enqueue_dma source(%arg7 : memref<16x1024xf32, #tpu.memory_space<vmem>>) target(%dma_start3A_698 : memref<16x1024xf32, #tpu.memory_space<hbm>>) target_semaphore(%arg19 : memref<!tpu.dma_semaphore, #tpu.memory_space<semaphore_mem>>)
    %dma_wait3A_699 = arith.constant 0 : i32
    %dma_wait3A_700 = arith.constant 0 : i32
    %dma_wait3A_701 = tpu.memref_slice %arg4[%dma_wait3A_699, %add3A_656, %dma_wait3A_700] : memref<4x4096x1024xf32, #tpu.memory_space<hbm>> -> memref<1x16x1024xf32, #tpu.memory_space<hbm>>
    %dma_wait3A_702 = tpu.memref_squeeze %dma_wait3A_701 : memref<1x16x1024xf32, #tpu.memory_space<hbm>> -> memref<16x1024xf32, #tpu.memory_space<hbm>>
    %dma_wait3A_703 = arith.constant 0 : i32
    %dma_wait3A_704 = tpu.memref_slice %arg4[%dma_wait3A_699, %add3A_656, %dma_wait3A_703] : memref<4x4096x1024xf32, #tpu.memory_space<hbm>> -> memref<1x16x1024xf32, #tpu.memory_space<hbm>>
    %dma_wait3A_705 = tpu.memref_squeeze %dma_wait3A_704 : memref<1x16x1024xf32, #tpu.memory_space<hbm>> -> memref<16x1024xf32, #tpu.memory_space<hbm>>
    tpu.wait_dma2 semaphore(%arg18 : memref<!tpu.dma_semaphore, #tpu.memory_space<semaphore_mem>>) src(%arg6 : memref<16x1024xf32, #tpu.memory_space<vmem>>) dst(%dma_wait3A_705 : memref<16x1024xf32, #tpu.memory_space<hbm>>)
    %add3A_706 = arith.constant 80 : i32
    %add3A_707 = arith.addi %mul3A_2, %add3A_706 : i32
    %dma_start3A_708 = arith.constant 1 : i32
    %dma_start3A_709 = arith.constant 0 : i32
    %dma_start3A_710 = tpu.memref_slice %arg2[%dma_start3A_708, %add3A_707, %dma_start3A_709] : memref<4x4096x1024xf32, #tpu.memory_space<hbm>> -> memref<1x16x1024xf32, #tpu.memory_space<hbm>>
    %dma_start3A_711 = tpu.memref_squeeze %dma_start3A_710 : memref<1x16x1024xf32, #tpu.memory_space<hbm>> -> memref<16x1024xf32, #tpu.memory_space<hbm>>
    %dma_start3A_712 = arith.constant 0 : i32
    %dma_start3A_713 = tpu.memref_slice %arg2[%dma_start3A_708, %add3A_707, %dma_start3A_712] : memref<4x4096x1024xf32, #tpu.memory_space<hbm>> -> memref<1x16x1024xf32, #tpu.memory_space<hbm>>
    %dma_start3A_714 = tpu.memref_squeeze %dma_start3A_713 : memref<1x16x1024xf32, #tpu.memory_space<hbm>> -> memref<16x1024xf32, #tpu.memory_space<hbm>>
    tpu.enqueue_dma source(%dma_start3A_714 : memref<16x1024xf32, #tpu.memory_space<hbm>>) target(%arg6 : memref<16x1024xf32, #tpu.memory_space<vmem>>) target_semaphore(%arg13 : memref<!tpu.dma_semaphore, #tpu.memory_space<semaphore_mem>>)
    %dma_wait3A_715 = arith.constant 2 : i32
    %dma_wait3A_716 = arith.constant 0 : i32
    %dma_wait3A_717 = tpu.memref_slice %arg2[%dma_wait3A_715, %add3A_592, %dma_wait3A_716] : memref<4x4096x1024xf32, #tpu.memory_space<hbm>> -> memref<1x16x1024xf32, #tpu.memory_space<hbm>>
    %dma_wait3A_718 = tpu.memref_squeeze %dma_wait3A_717 : memref<1x16x1024xf32, #tpu.memory_space<hbm>> -> memref<16x1024xf32, #tpu.memory_space<hbm>>
    %dma_wait3A_719 = arith.constant 0 : i32
    %dma_wait3A_720 = tpu.memref_slice %arg2[%dma_wait3A_715, %add3A_592, %dma_wait3A_719] : memref<4x4096x1024xf32, #tpu.memory_space<hbm>> -> memref<1x16x1024xf32, #tpu.memory_space<hbm>>
    %dma_wait3A_721 = tpu.memref_squeeze %dma_wait3A_720 : memref<1x16x1024xf32, #tpu.memory_space<hbm>> -> memref<16x1024xf32, #tpu.memory_space<hbm>>
    tpu.wait_dma2 semaphore(%arg15 : memref<!tpu.dma_semaphore, #tpu.memory_space<semaphore_mem>>) src(%dma_wait3A_721 : memref<16x1024xf32, #tpu.memory_space<hbm>>) dst(%arg8 : memref<16x1024xf32, #tpu.memory_space<vmem>>)
    %parallel_loop3A_722 = arith.constant 0 : i32
    %parallel_loop3A_723 = arith.constant 16384 : i32
    %parallel_loop3A_724 = arith.constant 16 : i32
    scf.for %parallel_loop3A_1200 = %parallel_loop3A_722 to %parallel_loop3A_723 step %parallel_loop3A_724  : i32 {
      %parallel_loop3A_1201 = arith.constant 10 : i32
      %parallel_loop3A_1202 = arith.shrui %parallel_loop3A_1200, %parallel_loop3A_1201 : i32
      %parallel_loop3A_1203 = arith.constant 1023 : i32
      %parallel_loop3A_1204 = arith.andi %parallel_loop3A_1200, %parallel_loop3A_1203 : i32
      %parallel_loop3A_1205 = tpu.assume_multiple %parallel_loop3A_1204, 16 : i32
      %parallel_loop3A_1206 = arith.index_cast %parallel_loop3A_1202 : i32 to index
      %parallel_loop3A_1207 = arith.index_cast %parallel_loop3A_1205 : i32 to index
      %parallel_loop3A_1208 = tpu.vector_load %arg10[%parallel_loop3A_1206, %parallel_loop3A_1207] {strides = array<i32>} : memref<16x1024xf32, #tpu.memory_space<vmem>>, vector<1x16xf32>,
      %parallel_loop3A_1209 = vector.shape_cast %parallel_loop3A_1208 : vector<1x16xf32> to vector<16xf32>
      %parallel_loop3A_1210 = arith.index_cast %parallel_loop3A_1202 : i32 to index
      %parallel_loop3A_1211 = arith.index_cast %parallel_loop3A_1205 : i32 to index
      %parallel_loop3A_1212 = tpu.vector_load %arg8[%parallel_loop3A_1210, %parallel_loop3A_1211] {strides = array<i32>} : memref<16x1024xf32, #tpu.memory_space<vmem>>, vector<1x16xf32>,
      %parallel_loop3A_1213 = vector.shape_cast %parallel_loop3A_1212 : vector<1x16xf32> to vector<16xf32>
      %parallel_loop3A_1214 = vector.shape_cast %parallel_loop3A_1209 : vector<16xf32> to vector<1x16xf32>
      tpu.vector_store %arg8[%parallel_loop3A_1210, %parallel_loop3A_1211], %parallel_loop3A_1214 {add = true, strides = array<i32>} : memref<16x1024xf32, #tpu.memory_space<vmem>>, vector<1x16xf32>,
    } {sc.loop_unroll_factor = 4 : i64, sc.parallel_access}
    %add3A_725 = arith.constant 64 : i32
    %add3A_726 = arith.addi %mul3A_2, %add3A_725 : i32
    %dma_start3A_727 = arith.constant 2 : i32
    %dma_start3A_728 = arith.constant 0 : i32
    %dma_start3A_729 = tpu.memref_slice %arg4[%dma_start3A_727, %add3A_726, %dma_start3A_728] : memref<4x4096x1024xf32, #tpu.memory_space<hbm>> -> memref<1x16x1024xf32, #tpu.memory_space<hbm>>
    %dma_start3A_730 = tpu.memref_squeeze %dma_start3A_729 : memref<1x16x1024xf32, #tpu.memory_space<hbm>> -> memref<16x1024xf32, #tpu.memory_space<hbm>>
    %dma_start3A_731 = arith.constant 0 : i32
    %dma_start3A_732 = tpu.memref_slice %arg4[%dma_start3A_727, %add3A_726, %dma_start3A_731] : memref<4x4096x1024xf32, #tpu.memory_space<hbm>> -> memref<1x16x1024xf32, #tpu.memory_space<hbm>>
    %dma_start3A_733 = tpu.memref_squeeze %dma_start3A_732 : memref<1x16x1024xf32, #tpu.memory_space<hbm>> -> memref<16x1024xf32, #tpu.memory_space<hbm>>
    tpu.enqueue_dma source(%arg8 : memref<16x1024xf32, #tpu.memory_space<vmem>>) target(%dma_start3A_733 : memref<16x1024xf32, #tpu.memory_space<hbm>>) target_semaphore(%arg20 : memref<!tpu.dma_semaphore, #tpu.memory_space<semaphore_mem>>)
    %dma_wait3A_734 = arith.constant 1 : i32
    %dma_wait3A_735 = arith.constant 0 : i32
    %dma_wait3A_736 = tpu.memref_slice %arg4[%dma_wait3A_734, %add3A_691, %dma_wait3A_735] : memref<4x4096x1024xf32, #tpu.memory_space<hbm>> -> memref<1x16x1024xf32, #tpu.memory_space<hbm>>
    %dma_wait3A_737 = tpu.memref_squeeze %dma_wait3A_736 : memref<1x16x1024xf32, #tpu.memory_space<hbm>> -> memref<16x1024xf32, #tpu.memory_space<hbm>>
    %dma_wait3A_738 = arith.constant 0 : i32
    %dma_wait3A_739 = tpu.memref_slice %arg4[%dma_wait3A_734, %add3A_691, %dma_wait3A_738] : memref<4x4096x1024xf32, #tpu.memory_space<hbm>> -> memref<1x16x1024xf32, #tpu.memory_space<hbm>>
    %dma_wait3A_740 = tpu.memref_squeeze %dma_wait3A_739 : memref<1x16x1024xf32, #tpu.memory_space<hbm>> -> memref<16x1024xf32, #tpu.memory_space<hbm>>
    tpu.wait_dma2 semaphore(%arg19 : memref<!tpu.dma_semaphore, #tpu.memory_space<semaphore_mem>>) src(%arg7 : memref<16x1024xf32, #tpu.memory_space<vmem>>) dst(%dma_wait3A_740 : memref<16x1024xf32, #tpu.memory_space<hbm>>)
    %add3A_741 = arith.constant 80 : i32
    %add3A_742 = arith.addi %mul3A_2, %add3A_741 : i32
    %dma_start3A_743 = arith.constant 2 : i32
    %dma_start3A_744 = arith.constant 0 : i32
    %dma_start3A_745 = tpu.memref_slice %arg2[%dma_start3A_743, %add3A_742, %dma_start3A_744] : memref<4x4096x1024xf32, #tpu.memory_space<hbm>> -> memref<1x16x1024xf32, #tpu.memory_space<hbm>>
    %dma_start3A_746 = tpu.memref_squeeze %dma_start3A_745 : memref<1x16x1024xf32, #tpu.memory_space<hbm>> -> memref<16x1024xf32, #tpu.memory_space<hbm>>
    %dma_start3A_747 = arith.constant 0 : i32
    %dma_start3A_748 = tpu.memref_slice %arg2[%dma_start3A_743, %add3A_742, %dma_start3A_747] : memref<4x4096x1024xf32, #tpu.memory_space<hbm>> -> memref<1x16x1024xf32, #tpu.memory_space<hbm>>
    %dma_start3A_749 = tpu.memref_squeeze %dma_start3A_748 : memref<1x16x1024xf32, #tpu.memory_space<hbm>> -> memref<16x1024xf32, #tpu.memory_space<hbm>>
    tpu.enqueue_dma source(%dma_start3A_749 : memref<16x1024xf32, #tpu.memory_space<hbm>>) target(%arg7 : memref<16x1024xf32, #tpu.memory_space<vmem>>) target_semaphore(%arg14 : memref<!tpu.dma_semaphore, #tpu.memory_space<semaphore_mem>>)
    %dma_wait3A_750 = arith.constant 3 : i32
    %dma_wait3A_751 = arith.constant 0 : i32
    %dma_wait3A_752 = tpu.memref_slice %arg2[%dma_wait3A_750, %add3A_637, %dma_wait3A_751] : memref<4x4096x1024xf32, #tpu.memory_space<hbm>> -> memref<1x16x1024xf32, #tpu.memory_space<hbm>>
    %dma_wait3A_753 = tpu.memref_squeeze %dma_wait3A_752 : memref<1x16x1024xf32, #tpu.memory_space<hbm>> -> memref<16x1024xf32, #tpu.memory_space<hbm>>
    %dma_wait3A_754 = arith.constant 0 : i32
    %dma_wait3A_755 = tpu.memref_slice %arg2[%dma_wait3A_750, %add3A_637, %dma_wait3A_754] : memref<4x4096x1024xf32, #tpu.memory_space<hbm>> -> memref<1x16x1024xf32, #tpu.memory_space<hbm>>
    %dma_wait3A_756 = tpu.memref_squeeze %dma_wait3A_755 : memref<1x16x1024xf32, #tpu.memory_space<hbm>> -> memref<16x1024xf32, #tpu.memory_space<hbm>>
    tpu.wait_dma2 semaphore(%arg16 : memref<!tpu.dma_semaphore, #tpu.memory_space<semaphore_mem>>) src(%dma_wait3A_756 : memref<16x1024xf32, #tpu.memory_space<hbm>>) dst(%arg9 : memref<16x1024xf32, #tpu.memory_space<vmem>>)
    %parallel_loop3A_757 = arith.constant 0 : i32
    %parallel_loop3A_758 = arith.constant 16384 : i32
    %parallel_loop3A_759 = arith.constant 16 : i32
    scf.for %parallel_loop3A_1200 = %parallel_loop3A_757 to %parallel_loop3A_758 step %parallel_loop3A_759  : i32 {
      %parallel_loop3A_1201 = arith.constant 10 : i32
      %parallel_loop3A_1202 = arith.shrui %parallel_loop3A_1200, %parallel_loop3A_1201 : i32
      %parallel_loop3A_1203 = arith.constant 1023 : i32
      %parallel_loop3A_1204 = arith.andi %parallel_loop3A_1200, %parallel_loop3A_1203 : i32
      %parallel_loop3A_1205 = tpu.assume_multiple %parallel_loop3A_1204, 16 : i32
      %parallel_loop3A_1206 = arith.index_cast %parallel_loop3A_1202 : i32 to index
      %parallel_loop3A_1207 = arith.index_cast %parallel_loop3A_1205 : i32 to index
      %parallel_loop3A_1208 = tpu.vector_load %arg10[%parallel_loop3A_1206, %parallel_loop3A_1207] {strides = array<i32>} : memref<16x1024xf32, #tpu.memory_space<vmem>>, vector<1x16xf32>,
      %parallel_loop3A_1209 = vector.shape_cast %parallel_loop3A_1208 : vector<1x16xf32> to vector<16xf32>
      %parallel_loop3A_1210 = arith.index_cast %parallel_loop3A_1202 : i32 to index
      %parallel_loop3A_1211 = arith.index_cast %parallel_loop3A_1205 : i32 to index
      %parallel_loop3A_1212 = tpu.vector_load %arg9[%parallel_loop3A_1210, %parallel_loop3A_1211] {strides = array<i32>} : memref<16x1024xf32, #tpu.memory_space<vmem>>, vector<1x16xf32>,
      %parallel_loop3A_1213 = vector.shape_cast %parallel_loop3A_1212 : vector<1x16xf32> to vector<16xf32>
      %parallel_loop3A_1214 = vector.shape_cast %parallel_loop3A_1209 : vector<16xf32> to vector<1x16xf32>
      tpu.vector_store %arg9[%parallel_loop3A_1210, %parallel_loop3A_1211], %parallel_loop3A_1214 {add = true, strides = array<i32>} : memref<16x1024xf32, #tpu.memory_space<vmem>>, vector<1x16xf32>,
    } {sc.loop_unroll_factor = 4 : i64, sc.parallel_access}
    %add3A_760 = arith.constant 64 : i32
    %add3A_761 = arith.addi %mul3A_2, %add3A_760 : i32
    %dma_start3A_762 = arith.constant 3 : i32
    %dma_start3A_763 = arith.constant 0 : i32
    %dma_start3A_764 = tpu.memref_slice %arg4[%dma_start3A_762, %add3A_761, %dma_start3A_763] : memref<4x4096x1024xf32, #tpu.memory_space<hbm>> -> memref<1x16x1024xf32, #tpu.memory_space<hbm>>
    %dma_start3A_765 = tpu.memref_squeeze %dma_start3A_764 : memref<1x16x1024xf32, #tpu.memory_space<hbm>> -> memref<16x1024xf32, #tpu.memory_space<hbm>>
    %dma_start3A_766 = arith.constant 0 : i32
    %dma_start3A_767 = tpu.memref_slice %arg4[%dma_start3A_762, %add3A_761, %dma_start3A_766] : memref<4x4096x1024xf32, #tpu.memory_space<hbm>> -> memref<1x16x1024xf32, #tpu.memory_space<hbm>>
    %dma_start3A_768 = tpu.memref_squeeze %dma_start3A_767 : memref<1x16x1024xf32, #tpu.memory_space<hbm>> -> memref<16x1024xf32, #tpu.memory_space<hbm>>
    tpu.enqueue_dma source(%arg9 : memref<16x1024xf32, #tpu.memory_space<vmem>>) target(%dma_start3A_768 : memref<16x1024xf32, #tpu.memory_space<hbm>>) target_semaphore(%arg21 : memref<!tpu.dma_semaphore, #tpu.memory_space<semaphore_mem>>)
    %add3A_769 = arith.constant 96 : i32
    %add3A_770 = arith.addi %mul3A_2, %add3A_769 : i32
    %dma_start3A_771 = arith.constant 0 : i32
    %dma_start3A_772 = tpu.memref_slice %arg3[%add3A_770, %dma_start3A_771] : memref<8192x1024xf32, #tpu.memory_space<hbm>> -> memref<16x1024xf32, #tpu.memory_space<hbm>>
    %dma_start3A_773 = arith.constant 0 : i32
    %dma_start3A_774 = tpu.memref_slice %arg3[%add3A_770, %dma_start3A_773] : memref<8192x1024xf32, #tpu.memory_space<hbm>> -> memref<16x1024xf32, #tpu.memory_space<hbm>>
    tpu.enqueue_dma source(%dma_start3A_774 : memref<16x1024xf32, #tpu.memory_space<hbm>>) target(%arg10 : memref<16x1024xf32, #tpu.memory_space<vmem>>) target_semaphore(%arg22 : memref<!tpu.dma_semaphore, #tpu.memory_space<semaphore_mem>>)
    %dma_wait3A_775 = arith.constant 0 : i32
    %dma_wait3A_776 = tpu.memref_slice %arg3[%add3A_620, %dma_wait3A_775] : memref<8192x1024xf32, #tpu.memory_space<hbm>> -> memref<16x1024xf32, #tpu.memory_space<hbm>>
    %dma_wait3A_777 = arith.constant 0 : i32
    %dma_wait3A_778 = tpu.memref_slice %arg3[%add3A_620, %dma_wait3A_777] : memref<8192x1024xf32, #tpu.memory_space<hbm>> -> memref<16x1024xf32, #tpu.memory_space<hbm>>
    tpu.wait_dma2 semaphore(%arg23 : memref<!tpu.dma_semaphore, #tpu.memory_space<semaphore_mem>>) src(%dma_wait3A_778 : memref<16x1024xf32, #tpu.memory_space<hbm>>) dst(%arg11 : memref<16x1024xf32, #tpu.memory_space<vmem>>)
    %dma_wait3A_779 = arith.constant 2 : i32
    %dma_wait3A_780 = arith.constant 0 : i32
    %dma_wait3A_781 = tpu.memref_slice %arg4[%dma_wait3A_779, %add3A_726, %dma_wait3A_780] : memref<4x4096x1024xf32, #tpu.memory_space<hbm>> -> memref<1x16x1024xf32, #tpu.memory_space<hbm>>
    %dma_wait3A_782 = tpu.memref_squeeze %dma_wait3A_781 : memref<1x16x1024xf32, #tpu.memory_space<hbm>> -> memref<16x1024xf32, #tpu.memory_space<hbm>>
    %dma_wait3A_783 = arith.constant 0 : i32
    %dma_wait3A_784 = tpu.memref_slice %arg4[%dma_wait3A_779, %add3A_726, %dma_wait3A_783] : memref<4x4096x1024xf32, #tpu.memory_space<hbm>> -> memref<1x16x1024xf32, #tpu.memory_space<hbm>>
    %dma_wait3A_785 = tpu.memref_squeeze %dma_wait3A_784 : memref<1x16x1024xf32, #tpu.memory_space<hbm>> -> memref<16x1024xf32, #tpu.memory_space<hbm>>
    tpu.wait_dma2 semaphore(%arg20 : memref<!tpu.dma_semaphore, #tpu.memory_space<semaphore_mem>>) src(%arg8 : memref<16x1024xf32, #tpu.memory_space<vmem>>) dst(%dma_wait3A_785 : memref<16x1024xf32, #tpu.memory_space<hbm>>)
    %add3A_786 = arith.constant 80 : i32
    %add3A_787 = arith.addi %mul3A_2, %add3A_786 : i32
    %dma_start3A_788 = arith.constant 3 : i32
    %dma_start3A_789 = arith.constant 0 : i32
    %dma_start3A_790 = tpu.memref_slice %arg2[%dma_start3A_788, %add3A_787, %dma_start3A_789] : memref<4x4096x1024xf32, #tpu.memory_space<hbm>> -> memref<1x16x1024xf32, #tpu.memory_space<hbm>>
    %dma_start3A_791 = tpu.memref_squeeze %dma_start3A_790 : memref<1x16x1024xf32, #tpu.memory_space<hbm>> -> memref<16x1024xf32, #tpu.memory_space<hbm>>
    %dma_start3A_792 = arith.constant 0 : i32
    %dma_start3A_793 = tpu.memref_slice %arg2[%dma_start3A_788, %add3A_787, %dma_start3A_792] : memref<4x4096x1024xf32, #tpu.memory_space<hbm>> -> memref<1x16x1024xf32, #tpu.memory_space<hbm>>
    %dma_start3A_794 = tpu.memref_squeeze %dma_start3A_793 : memref<1x16x1024xf32, #tpu.memory_space<hbm>> -> memref<16x1024xf32, #tpu.memory_space<hbm>>
    tpu.enqueue_dma source(%dma_start3A_794 : memref<16x1024xf32, #tpu.memory_space<hbm>>) target(%arg8 : memref<16x1024xf32, #tpu.memory_space<vmem>>) target_semaphore(%arg15 : memref<!tpu.dma_semaphore, #tpu.memory_space<semaphore_mem>>)
    %dma_wait3A_795 = arith.constant 0 : i32
    %dma_wait3A_796 = arith.constant 0 : i32
    %dma_wait3A_797 = tpu.memref_slice %arg2[%dma_wait3A_795, %add3A_672, %dma_wait3A_796] : memref<4x4096x1024xf32, #tpu.memory_space<hbm>> -> memref<1x16x1024xf32, #tpu.memory_space<hbm>>
    %dma_wait3A_798 = tpu.memref_squeeze %dma_wait3A_797 : memref<1x16x1024xf32, #tpu.memory_space<hbm>> -> memref<16x1024xf32, #tpu.memory_space<hbm>>
    %dma_wait3A_799 = arith.constant 0 : i32
    %dma_wait3A_800 = tpu.memref_slice %arg2[%dma_wait3A_795, %add3A_672, %dma_wait3A_799] : memref<4x4096x1024xf32, #tpu.memory_space<hbm>> -> memref<1x16x1024xf32, #tpu.memory_space<hbm>>
    %dma_wait3A_801 = tpu.memref_squeeze %dma_wait3A_800 : memref<1x16x1024xf32, #tpu.memory_space<hbm>> -> memref<16x1024xf32, #tpu.memory_space<hbm>>
    tpu.wait_dma2 semaphore(%arg12 : memref<!tpu.dma_semaphore, #tpu.memory_space<semaphore_mem>>) src(%dma_wait3A_801 : memref<16x1024xf32, #tpu.memory_space<hbm>>) dst(%arg5 : memref<16x1024xf32, #tpu.memory_space<vmem>>)
    %parallel_loop3A_802 = arith.constant 0 : i32
    %parallel_loop3A_803 = arith.constant 16384 : i32
    %parallel_loop3A_804 = arith.constant 16 : i32
    scf.for %parallel_loop3A_1200 = %parallel_loop3A_802 to %parallel_loop3A_803 step %parallel_loop3A_804  : i32 {
      %parallel_loop3A_1201 = arith.constant 10 : i32
      %parallel_loop3A_1202 = arith.shrui %parallel_loop3A_1200, %parallel_loop3A_1201 : i32
      %parallel_loop3A_1203 = arith.constant 1023 : i32
      %parallel_loop3A_1204 = arith.andi %parallel_loop3A_1200, %parallel_loop3A_1203 : i32
      %parallel_loop3A_1205 = tpu.assume_multiple %parallel_loop3A_1204, 16 : i32
      %parallel_loop3A_1206 = arith.index_cast %parallel_loop3A_1202 : i32 to index
      %parallel_loop3A_1207 = arith.index_cast %parallel_loop3A_1205 : i32 to index
      %parallel_loop3A_1208 = tpu.vector_load %arg11[%parallel_loop3A_1206, %parallel_loop3A_1207] {strides = array<i32>} : memref<16x1024xf32, #tpu.memory_space<vmem>>, vector<1x16xf32>,
      %parallel_loop3A_1209 = vector.shape_cast %parallel_loop3A_1208 : vector<1x16xf32> to vector<16xf32>
      %parallel_loop3A_1210 = arith.index_cast %parallel_loop3A_1202 : i32 to index
      %parallel_loop3A_1211 = arith.index_cast %parallel_loop3A_1205 : i32 to index
      %parallel_loop3A_1212 = tpu.vector_load %arg5[%parallel_loop3A_1210, %parallel_loop3A_1211] {strides = array<i32>} : memref<16x1024xf32, #tpu.memory_space<vmem>>, vector<1x16xf32>,
      %parallel_loop3A_1213 = vector.shape_cast %parallel_loop3A_1212 : vector<1x16xf32> to vector<16xf32>
      %parallel_loop3A_1214 = vector.shape_cast %parallel_loop3A_1209 : vector<16xf32> to vector<1x16xf32>
      tpu.vector_store %arg5[%parallel_loop3A_1210, %parallel_loop3A_1211], %parallel_loop3A_1214 {add = true, strides = array<i32>} : memref<16x1024xf32, #tpu.memory_space<vmem>>, vector<1x16xf32>,
    } {sc.loop_unroll_factor = 4 : i64, sc.parallel_access}
    %add3A_805 = arith.constant 80 : i32
    %add3A_806 = arith.addi %mul3A_2, %add3A_805 : i32
    %dma_start3A_807 = arith.constant 0 : i32
    %dma_start3A_808 = arith.constant 0 : i32
    %dma_start3A_809 = tpu.memref_slice %arg4[%dma_start3A_807, %add3A_806, %dma_start3A_808] : memref<4x4096x1024xf32, #tpu.memory_space<hbm>> -> memref<1x16x1024xf32, #tpu.memory_space<hbm>>
    %dma_start3A_810 = tpu.memref_squeeze %dma_start3A_809 : memref<1x16x1024xf32, #tpu.memory_space<hbm>> -> memref<16x1024xf32, #tpu.memory_space<hbm>>
    %dma_start3A_811 = arith.constant 0 : i32
    %dma_start3A_812 = tpu.memref_slice %arg4[%dma_start3A_807, %add3A_806, %dma_start3A_811] : memref<4x4096x1024xf32, #tpu.memory_space<hbm>> -> memref<1x16x1024xf32, #tpu.memory_space<hbm>>
    %dma_start3A_813 = tpu.memref_squeeze %dma_start3A_812 : memref<1x16x1024xf32, #tpu.memory_space<hbm>> -> memref<16x1024xf32, #tpu.memory_space<hbm>>
    tpu.enqueue_dma source(%arg5 : memref<16x1024xf32, #tpu.memory_space<vmem>>) target(%dma_start3A_813 : memref<16x1024xf32, #tpu.memory_space<hbm>>) target_semaphore(%arg17 : memref<!tpu.dma_semaphore, #tpu.memory_space<semaphore_mem>>)
    %dma_wait3A_814 = arith.constant 3 : i32
    %dma_wait3A_815 = arith.constant 0 : i32
    %dma_wait3A_816 = tpu.memref_slice %arg4[%dma_wait3A_814, %add3A_761, %dma_wait3A_815] : memref<4x4096x1024xf32, #tpu.memory_space<hbm>> -> memref<1x16x1024xf32, #tpu.memory_space<hbm>>
    %dma_wait3A_817 = tpu.memref_squeeze %dma_wait3A_816 : memref<1x16x1024xf32, #tpu.memory_space<hbm>> -> memref<16x1024xf32, #tpu.memory_space<hbm>>
    %dma_wait3A_818 = arith.constant 0 : i32
    %dma_wait3A_819 = tpu.memref_slice %arg4[%dma_wait3A_814, %add3A_761, %dma_wait3A_818] : memref<4x4096x1024xf32, #tpu.memory_space<hbm>> -> memref<1x16x1024xf32, #tpu.memory_space<hbm>>
    %dma_wait3A_820 = tpu.memref_squeeze %dma_wait3A_819 : memref<1x16x1024xf32, #tpu.memory_space<hbm>> -> memref<16x1024xf32, #tpu.memory_space<hbm>>
    tpu.wait_dma2 semaphore(%arg21 : memref<!tpu.dma_semaphore, #tpu.memory_space<semaphore_mem>>) src(%arg9 : memref<16x1024xf32, #tpu.memory_space<vmem>>) dst(%dma_wait3A_820 : memref<16x1024xf32, #tpu.memory_space<hbm>>)
    %add3A_821 = arith.constant 96 : i32
    %add3A_822 = arith.addi %mul3A_2, %add3A_821 : i32
    %dma_start3A_823 = arith.constant 0 : i32
    %dma_start3A_824 = arith.constant 0 : i32
    %dma_start3A_825 = tpu.memref_slice %arg2[%dma_start3A_823, %add3A_822, %dma_start3A_824] : memref<4x4096x1024xf32, #tpu.memory_space<hbm>> -> memref<1x16x1024xf32, #tpu.memory_space<hbm>>
    %dma_start3A_826 = tpu.memref_squeeze %dma_start3A_825 : memref<1x16x1024xf32, #tpu.memory_space<hbm>> -> memref<16x1024xf32, #tpu.memory_space<hbm>>
    %dma_start3A_827 = arith.constant 0 : i32
    %dma_start3A_828 = tpu.memref_slice %arg2[%dma_start3A_823, %add3A_822, %dma_start3A_827] : memref<4x4096x1024xf32, #tpu.memory_space<hbm>> -> memref<1x16x1024xf32, #tpu.memory_space<hbm>>
    %dma_start3A_829 = tpu.memref_squeeze %dma_start3A_828 : memref<1x16x1024xf32, #tpu.memory_space<hbm>> -> memref<16x1024xf32, #tpu.memory_space<hbm>>
    tpu.enqueue_dma source(%dma_start3A_829 : memref<16x1024xf32, #tpu.memory_space<hbm>>) target(%arg9 : memref<16x1024xf32, #tpu.memory_space<vmem>>) target_semaphore(%arg16 : memref<!tpu.dma_semaphore, #tpu.memory_space<semaphore_mem>>)
    %dma_wait3A_830 = arith.constant 1 : i32
    %dma_wait3A_831 = arith.constant 0 : i32
    %dma_wait3A_832 = tpu.memref_slice %arg2[%dma_wait3A_830, %add3A_707, %dma_wait3A_831] : memref<4x4096x1024xf32, #tpu.memory_space<hbm>> -> memref<1x16x1024xf32, #tpu.memory_space<hbm>>
    %dma_wait3A_833 = tpu.memref_squeeze %dma_wait3A_832 : memref<1x16x1024xf32, #tpu.memory_space<hbm>> -> memref<16x1024xf32, #tpu.memory_space<hbm>>
    %dma_wait3A_834 = arith.constant 0 : i32
    %dma_wait3A_835 = tpu.memref_slice %arg2[%dma_wait3A_830, %add3A_707, %dma_wait3A_834] : memref<4x4096x1024xf32, #tpu.memory_space<hbm>> -> memref<1x16x1024xf32, #tpu.memory_space<hbm>>
    %dma_wait3A_836 = tpu.memref_squeeze %dma_wait3A_835 : memref<1x16x1024xf32, #tpu.memory_space<hbm>> -> memref<16x1024xf32, #tpu.memory_space<hbm>>
    tpu.wait_dma2 semaphore(%arg13 : memref<!tpu.dma_semaphore, #tpu.memory_space<semaphore_mem>>) src(%dma_wait3A_836 : memref<16x1024xf32, #tpu.memory_space<hbm>>) dst(%arg6 : memref<16x1024xf32, #tpu.memory_space<vmem>>)
    %parallel_loop3A_837 = arith.constant 0 : i32
    %parallel_loop3A_838 = arith.constant 16384 : i32
    %parallel_loop3A_839 = arith.constant 16 : i32
    scf.for %parallel_loop3A_1200 = %parallel_loop3A_837 to %parallel_loop3A_838 step %parallel_loop3A_839  : i32 {
      %parallel_loop3A_1201 = arith.constant 10 : i32
      %parallel_loop3A_1202 = arith.shrui %parallel_loop3A_1200, %parallel_loop3A_1201 : i32
      %parallel_loop3A_1203 = arith.constant 1023 : i32
      %parallel_loop3A_1204 = arith.andi %parallel_loop3A_1200, %parallel_loop3A_1203 : i32
      %parallel_loop3A_1205 = tpu.assume_multiple %parallel_loop3A_1204, 16 : i32
      %parallel_loop3A_1206 = arith.index_cast %parallel_loop3A_1202 : i32 to index
      %parallel_loop3A_1207 = arith.index_cast %parallel_loop3A_1205 : i32 to index
      %parallel_loop3A_1208 = tpu.vector_load %arg11[%parallel_loop3A_1206, %parallel_loop3A_1207] {strides = array<i32>} : memref<16x1024xf32, #tpu.memory_space<vmem>>, vector<1x16xf32>,
      %parallel_loop3A_1209 = vector.shape_cast %parallel_loop3A_1208 : vector<1x16xf32> to vector<16xf32>
      %parallel_loop3A_1210 = arith.index_cast %parallel_loop3A_1202 : i32 to index
      %parallel_loop3A_1211 = arith.index_cast %parallel_loop3A_1205 : i32 to index
      %parallel_loop3A_1212 = tpu.vector_load %arg6[%parallel_loop3A_1210, %parallel_loop3A_1211] {strides = array<i32>} : memref<16x1024xf32, #tpu.memory_space<vmem>>, vector<1x16xf32>,
      %parallel_loop3A_1213 = vector.shape_cast %parallel_loop3A_1212 : vector<1x16xf32> to vector<16xf32>
      %parallel_loop3A_1214 = vector.shape_cast %parallel_loop3A_1209 : vector<16xf32> to vector<1x16xf32>
      tpu.vector_store %arg6[%parallel_loop3A_1210, %parallel_loop3A_1211], %parallel_loop3A_1214 {add = true, strides = array<i32>} : memref<16x1024xf32, #tpu.memory_space<vmem>>, vector<1x16xf32>,
    } {sc.loop_unroll_factor = 4 : i64, sc.parallel_access}
    %add3A_840 = arith.constant 80 : i32
    %add3A_841 = arith.addi %mul3A_2, %add3A_840 : i32
    %dma_start3A_842 = arith.constant 1 : i32
    %dma_start3A_843 = arith.constant 0 : i32
    %dma_start3A_844 = tpu.memref_slice %arg4[%dma_start3A_842, %add3A_841, %dma_start3A_843] : memref<4x4096x1024xf32, #tpu.memory_space<hbm>> -> memref<1x16x1024xf32, #tpu.memory_space<hbm>>
    %dma_start3A_845 = tpu.memref_squeeze %dma_start3A_844 : memref<1x16x1024xf32, #tpu.memory_space<hbm>> -> memref<16x1024xf32, #tpu.memory_space<hbm>>
    %dma_start3A_846 = arith.constant 0 : i32
    %dma_start3A_847 = tpu.memref_slice %arg4[%dma_start3A_842, %add3A_841, %dma_start3A_846] : memref<4x4096x1024xf32, #tpu.memory_space<hbm>> -> memref<1x16x1024xf32, #tpu.memory_space<hbm>>
    %dma_start3A_848 = tpu.memref_squeeze %dma_start3A_847 : memref<1x16x1024xf32, #tpu.memory_space<hbm>> -> memref<16x1024xf32, #tpu.memory_space<hbm>>
    tpu.enqueue_dma source(%arg6 : memref<16x1024xf32, #tpu.memory_space<vmem>>) target(%dma_start3A_848 : memref<16x1024xf32, #tpu.memory_space<hbm>>) target_semaphore(%arg18 : memref<!tpu.dma_semaphore, #tpu.memory_space<semaphore_mem>>)
    %dma_wait3A_849 = arith.constant 0 : i32
    %dma_wait3A_850 = arith.constant 0 : i32
    %dma_wait3A_851 = tpu.memref_slice %arg4[%dma_wait3A_849, %add3A_806, %dma_wait3A_850] : memref<4x4096x1024xf32, #tpu.memory_space<hbm>> -> memref<1x16x1024xf32, #tpu.memory_space<hbm>>
    %dma_wait3A_852 = tpu.memref_squeeze %dma_wait3A_851 : memref<1x16x1024xf32, #tpu.memory_space<hbm>> -> memref<16x1024xf32, #tpu.memory_space<hbm>>
    %dma_wait3A_853 = arith.constant 0 : i32
    %dma_wait3A_854 = tpu.memref_slice %arg4[%dma_wait3A_849, %add3A_806, %dma_wait3A_853] : memref<4x4096x1024xf32, #tpu.memory_space<hbm>> -> memref<1x16x1024xf32, #tpu.memory_space<hbm>>
    %dma_wait3A_855 = tpu.memref_squeeze %dma_wait3A_854 : memref<1x16x1024xf32, #tpu.memory_space<hbm>> -> memref<16x1024xf32, #tpu.memory_space<hbm>>
    tpu.wait_dma2 semaphore(%arg17 : memref<!tpu.dma_semaphore, #tpu.memory_space<semaphore_mem>>) src(%arg5 : memref<16x1024xf32, #tpu.memory_space<vmem>>) dst(%dma_wait3A_855 : memref<16x1024xf32, #tpu.memory_space<hbm>>)
    %add3A_856 = arith.constant 96 : i32
    %add3A_857 = arith.addi %mul3A_2, %add3A_856 : i32
    %dma_start3A_858 = arith.constant 1 : i32
    %dma_start3A_859 = arith.constant 0 : i32
    %dma_start3A_860 = tpu.memref_slice %arg2[%dma_start3A_858, %add3A_857, %dma_start3A_859] : memref<4x4096x1024xf32, #tpu.memory_space<hbm>> -> memref<1x16x1024xf32, #tpu.memory_space<hbm>>
    %dma_start3A_861 = tpu.memref_squeeze %dma_start3A_860 : memref<1x16x1024xf32, #tpu.memory_space<hbm>> -> memref<16x1024xf32, #tpu.memory_space<hbm>>
    %dma_start3A_862 = arith.constant 0 : i32
    %dma_start3A_863 = tpu.memref_slice %arg2[%dma_start3A_858, %add3A_857, %dma_start3A_862] : memref<4x4096x1024xf32, #tpu.memory_space<hbm>> -> memref<1x16x1024xf32, #tpu.memory_space<hbm>>
    %dma_start3A_864 = tpu.memref_squeeze %dma_start3A_863 : memref<1x16x1024xf32, #tpu.memory_space<hbm>> -> memref<16x1024xf32, #tpu.memory_space<hbm>>
    tpu.enqueue_dma source(%dma_start3A_864 : memref<16x1024xf32, #tpu.memory_space<hbm>>) target(%arg5 : memref<16x1024xf32, #tpu.memory_space<vmem>>) target_semaphore(%arg12 : memref<!tpu.dma_semaphore, #tpu.memory_space<semaphore_mem>>)
    %dma_wait3A_865 = arith.constant 2 : i32
    %dma_wait3A_866 = arith.constant 0 : i32
    %dma_wait3A_867 = tpu.memref_slice %arg2[%dma_wait3A_865, %add3A_742, %dma_wait3A_866] : memref<4x4096x1024xf32, #tpu.memory_space<hbm>> -> memref<1x16x1024xf32, #tpu.memory_space<hbm>>
    %dma_wait3A_868 = tpu.memref_squeeze %dma_wait3A_867 : memref<1x16x1024xf32, #tpu.memory_space<hbm>> -> memref<16x1024xf32, #tpu.memory_space<hbm>>
    %dma_wait3A_869 = arith.constant 0 : i32
    %dma_wait3A_870 = tpu.memref_slice %arg2[%dma_wait3A_865, %add3A_742, %dma_wait3A_869] : memref<4x4096x1024xf32, #tpu.memory_space<hbm>> -> memref<1x16x1024xf32, #tpu.memory_space<hbm>>
    %dma_wait3A_871 = tpu.memref_squeeze %dma_wait3A_870 : memref<1x16x1024xf32, #tpu.memory_space<hbm>> -> memref<16x1024xf32, #tpu.memory_space<hbm>>
    tpu.wait_dma2 semaphore(%arg14 : memref<!tpu.dma_semaphore, #tpu.memory_space<semaphore_mem>>) src(%dma_wait3A_871 : memref<16x1024xf32, #tpu.memory_space<hbm>>) dst(%arg7 : memref<16x1024xf32, #tpu.memory_space<vmem>>)
    %parallel_loop3A_872 = arith.constant 0 : i32
    %parallel_loop3A_873 = arith.constant 16384 : i32
    %parallel_loop3A_874 = arith.constant 16 : i32
    scf.for %parallel_loop3A_1200 = %parallel_loop3A_872 to %parallel_loop3A_873 step %parallel_loop3A_874  : i32 {
      %parallel_loop3A_1201 = arith.constant 10 : i32
      %parallel_loop3A_1202 = arith.shrui %parallel_loop3A_1200, %parallel_loop3A_1201 : i32
      %parallel_loop3A_1203 = arith.constant 1023 : i32
      %parallel_loop3A_1204 = arith.andi %parallel_loop3A_1200, %parallel_loop3A_1203 : i32
      %parallel_loop3A_1205 = tpu.assume_multiple %parallel_loop3A_1204, 16 : i32
      %parallel_loop3A_1206 = arith.index_cast %parallel_loop3A_1202 : i32 to index
      %parallel_loop3A_1207 = arith.index_cast %parallel_loop3A_1205 : i32 to index
      %parallel_loop3A_1208 = tpu.vector_load %arg11[%parallel_loop3A_1206, %parallel_loop3A_1207] {strides = array<i32>} : memref<16x1024xf32, #tpu.memory_space<vmem>>, vector<1x16xf32>,
      %parallel_loop3A_1209 = vector.shape_cast %parallel_loop3A_1208 : vector<1x16xf32> to vector<16xf32>
      %parallel_loop3A_1210 = arith.index_cast %parallel_loop3A_1202 : i32 to index
      %parallel_loop3A_1211 = arith.index_cast %parallel_loop3A_1205 : i32 to index
      %parallel_loop3A_1212 = tpu.vector_load %arg7[%parallel_loop3A_1210, %parallel_loop3A_1211] {strides = array<i32>} : memref<16x1024xf32, #tpu.memory_space<vmem>>, vector<1x16xf32>,
      %parallel_loop3A_1213 = vector.shape_cast %parallel_loop3A_1212 : vector<1x16xf32> to vector<16xf32>
      %parallel_loop3A_1214 = vector.shape_cast %parallel_loop3A_1209 : vector<16xf32> to vector<1x16xf32>
      tpu.vector_store %arg7[%parallel_loop3A_1210, %parallel_loop3A_1211], %parallel_loop3A_1214 {add = true, strides = array<i32>} : memref<16x1024xf32, #tpu.memory_space<vmem>>, vector<1x16xf32>,
    } {sc.loop_unroll_factor = 4 : i64, sc.parallel_access}
    %add3A_875 = arith.constant 80 : i32
    %add3A_876 = arith.addi %mul3A_2, %add3A_875 : i32
    %dma_start3A_877 = arith.constant 2 : i32
    %dma_start3A_878 = arith.constant 0 : i32
    %dma_start3A_879 = tpu.memref_slice %arg4[%dma_start3A_877, %add3A_876, %dma_start3A_878] : memref<4x4096x1024xf32, #tpu.memory_space<hbm>> -> memref<1x16x1024xf32, #tpu.memory_space<hbm>>
    %dma_start3A_880 = tpu.memref_squeeze %dma_start3A_879 : memref<1x16x1024xf32, #tpu.memory_space<hbm>> -> memref<16x1024xf32, #tpu.memory_space<hbm>>
    %dma_start3A_881 = arith.constant 0 : i32
    %dma_start3A_882 = tpu.memref_slice %arg4[%dma_start3A_877, %add3A_876, %dma_start3A_881] : memref<4x4096x1024xf32, #tpu.memory_space<hbm>> -> memref<1x16x1024xf32, #tpu.memory_space<hbm>>
    %dma_start3A_883 = tpu.memref_squeeze %dma_start3A_882 : memref<1x16x1024xf32, #tpu.memory_space<hbm>> -> memref<16x1024xf32, #tpu.memory_space<hbm>>
    tpu.enqueue_dma source(%arg7 : memref<16x1024xf32, #tpu.memory_space<vmem>>) target(%dma_start3A_883 : memref<16x1024xf32, #tpu.memory_space<hbm>>) target_semaphore(%arg19 : memref<!tpu.dma_semaphore, #tpu.memory_space<semaphore_mem>>)
    %dma_wait3A_884 = arith.constant 1 : i32
    %dma_wait3A_885 = arith.constant 0 : i32
    %dma_wait3A_886 = tpu.memref_slice %arg4[%dma_wait3A_884, %add3A_841, %dma_wait3A_885] : memref<4x4096x1024xf32, #tpu.memory_space<hbm>> -> memref<1x16x1024xf32, #tpu.memory_space<hbm>>
    %dma_wait3A_887 = tpu.memref_squeeze %dma_wait3A_886 : memref<1x16x1024xf32, #tpu.memory_space<hbm>> -> memref<16x1024xf32, #tpu.memory_space<hbm>>
    %dma_wait3A_888 = arith.constant 0 : i32
    %dma_wait3A_889 = tpu.memref_slice %arg4[%dma_wait3A_884, %add3A_841, %dma_wait3A_888] : memref<4x4096x1024xf32, #tpu.memory_space<hbm>> -> memref<1x16x1024xf32, #tpu.memory_space<hbm>>
    %dma_wait3A_890 = tpu.memref_squeeze %dma_wait3A_889 : memref<1x16x1024xf32, #tpu.memory_space<hbm>> -> memref<16x1024xf32, #tpu.memory_space<hbm>>
    tpu.wait_dma2 semaphore(%arg18 : memref<!tpu.dma_semaphore, #tpu.memory_space<semaphore_mem>>) src(%arg6 : memref<16x1024xf32, #tpu.memory_space<vmem>>) dst(%dma_wait3A_890 : memref<16x1024xf32, #tpu.memory_space<hbm>>)
    %add3A_891 = arith.constant 96 : i32
    %add3A_892 = arith.addi %mul3A_2, %add3A_891 : i32
    %dma_start3A_893 = arith.constant 2 : i32
    %dma_start3A_894 = arith.constant 0 : i32
    %dma_start3A_895 = tpu.memref_slice %arg2[%dma_start3A_893, %add3A_892, %dma_start3A_894] : memref<4x4096x1024xf32, #tpu.memory_space<hbm>> -> memref<1x16x1024xf32, #tpu.memory_space<hbm>>
    %dma_start3A_896 = tpu.memref_squeeze %dma_start3A_895 : memref<1x16x1024xf32, #tpu.memory_space<hbm>> -> memref<16x1024xf32, #tpu.memory_space<hbm>>
    %dma_start3A_897 = arith.constant 0 : i32
    %dma_start3A_898 = tpu.memref_slice %arg2[%dma_start3A_893, %add3A_892, %dma_start3A_897] : memref<4x4096x1024xf32, #tpu.memory_space<hbm>> -> memref<1x16x1024xf32, #tpu.memory_space<hbm>>
    %dma_start3A_899 = tpu.memref_squeeze %dma_start3A_898 : memref<1x16x1024xf32, #tpu.memory_space<hbm>> -> memref<16x1024xf32, #tpu.memory_space<hbm>>
    tpu.enqueue_dma source(%dma_start3A_899 : memref<16x1024xf32, #tpu.memory_space<hbm>>) target(%arg6 : memref<16x1024xf32, #tpu.memory_space<vmem>>) target_semaphore(%arg13 : memref<!tpu.dma_semaphore, #tpu.memory_space<semaphore_mem>>)
    %dma_wait3A_900 = arith.constant 3 : i32
    %dma_wait3A_901 = arith.constant 0 : i32
    %dma_wait3A_902 = tpu.memref_slice %arg2[%dma_wait3A_900, %add3A_787, %dma_wait3A_901] : memref<4x4096x1024xf32, #tpu.memory_space<hbm>> -> memref<1x16x1024xf32, #tpu.memory_space<hbm>>
    %dma_wait3A_903 = tpu.memref_squeeze %dma_wait3A_902 : memref<1x16x1024xf32, #tpu.memory_space<hbm>> -> memref<16x1024xf32, #tpu.memory_space<hbm>>
    %dma_wait3A_904 = arith.constant 0 : i32
    %dma_wait3A_905 = tpu.memref_slice %arg2[%dma_wait3A_900, %add3A_787, %dma_wait3A_904] : memref<4x4096x1024xf32, #tpu.memory_space<hbm>> -> memref<1x16x1024xf32, #tpu.memory_space<hbm>>
    %dma_wait3A_906 = tpu.memref_squeeze %dma_wait3A_905 : memref<1x16x1024xf32, #tpu.memory_space<hbm>> -> memref<16x1024xf32, #tpu.memory_space<hbm>>
    tpu.wait_dma2 semaphore(%arg15 : memref<!tpu.dma_semaphore, #tpu.memory_space<semaphore_mem>>) src(%dma_wait3A_906 : memref<16x1024xf32, #tpu.memory_space<hbm>>) dst(%arg8 : memref<16x1024xf32, #tpu.memory_space<vmem>>)
    %parallel_loop3A_907 = arith.constant 0 : i32
    %parallel_loop3A_908 = arith.constant 16384 : i32
    %parallel_loop3A_909 = arith.constant 16 : i32
    scf.for %parallel_loop3A_1200 = %parallel_loop3A_907 to %parallel_loop3A_908 step %parallel_loop3A_909  : i32 {
      %parallel_loop3A_1201 = arith.constant 10 : i32
      %parallel_loop3A_1202 = arith.shrui %parallel_loop3A_1200, %parallel_loop3A_1201 : i32
      %parallel_loop3A_1203 = arith.constant 1023 : i32
      %parallel_loop3A_1204 = arith.andi %parallel_loop3A_1200, %parallel_loop3A_1203 : i32
      %parallel_loop3A_1205 = tpu.assume_multiple %parallel_loop3A_1204, 16 : i32
      %parallel_loop3A_1206 = arith.index_cast %parallel_loop3A_1202 : i32 to index
      %parallel_loop3A_1207 = arith.index_cast %parallel_loop3A_1205 : i32 to index
      %parallel_loop3A_1208 = tpu.vector_load %arg11[%parallel_loop3A_1206, %parallel_loop3A_1207] {strides = array<i32>} : memref<16x1024xf32, #tpu.memory_space<vmem>>, vector<1x16xf32>,
      %parallel_loop3A_1209 = vector.shape_cast %parallel_loop3A_1208 : vector<1x16xf32> to vector<16xf32>
      %parallel_loop3A_1210 = arith.index_cast %parallel_loop3A_1202 : i32 to index
      %parallel_loop3A_1211 = arith.index_cast %parallel_loop3A_1205 : i32 to index
      %parallel_loop3A_1212 = tpu.vector_load %arg8[%parallel_loop3A_1210, %parallel_loop3A_1211] {strides = array<i32>} : memref<16x1024xf32, #tpu.memory_space<vmem>>, vector<1x16xf32>,
      %parallel_loop3A_1213 = vector.shape_cast %parallel_loop3A_1212 : vector<1x16xf32> to vector<16xf32>
      %parallel_loop3A_1214 = vector.shape_cast %parallel_loop3A_1209 : vector<16xf32> to vector<1x16xf32>
      tpu.vector_store %arg8[%parallel_loop3A_1210, %parallel_loop3A_1211], %parallel_loop3A_1214 {add = true, strides = array<i32>} : memref<16x1024xf32, #tpu.memory_space<vmem>>, vector<1x16xf32>,
    } {sc.loop_unroll_factor = 4 : i64, sc.parallel_access}
    %add3A_910 = arith.constant 80 : i32
    %add3A_911 = arith.addi %mul3A_2, %add3A_910 : i32
    %dma_start3A_912 = arith.constant 3 : i32
    %dma_start3A_913 = arith.constant 0 : i32
    %dma_start3A_914 = tpu.memref_slice %arg4[%dma_start3A_912, %add3A_911, %dma_start3A_913] : memref<4x4096x1024xf32, #tpu.memory_space<hbm>> -> memref<1x16x1024xf32, #tpu.memory_space<hbm>>
    %dma_start3A_915 = tpu.memref_squeeze %dma_start3A_914 : memref<1x16x1024xf32, #tpu.memory_space<hbm>> -> memref<16x1024xf32, #tpu.memory_space<hbm>>
    %dma_start3A_916 = arith.constant 0 : i32
    %dma_start3A_917 = tpu.memref_slice %arg4[%dma_start3A_912, %add3A_911, %dma_start3A_916] : memref<4x4096x1024xf32, #tpu.memory_space<hbm>> -> memref<1x16x1024xf32, #tpu.memory_space<hbm>>
    %dma_start3A_918 = tpu.memref_squeeze %dma_start3A_917 : memref<1x16x1024xf32, #tpu.memory_space<hbm>> -> memref<16x1024xf32, #tpu.memory_space<hbm>>
    tpu.enqueue_dma source(%arg8 : memref<16x1024xf32, #tpu.memory_space<vmem>>) target(%dma_start3A_918 : memref<16x1024xf32, #tpu.memory_space<hbm>>) target_semaphore(%arg20 : memref<!tpu.dma_semaphore, #tpu.memory_space<semaphore_mem>>)
    %add3A_919 = arith.constant 112 : i32
    %add3A_920 = arith.addi %mul3A_2, %add3A_919 : i32
    %dma_start3A_921 = arith.constant 0 : i32
    %dma_start3A_922 = tpu.memref_slice %arg3[%add3A_920, %dma_start3A_921] : memref<8192x1024xf32, #tpu.memory_space<hbm>> -> memref<16x1024xf32, #tpu.memory_space<hbm>>
    %dma_start3A_923 = arith.constant 0 : i32
    %dma_start3A_924 = tpu.memref_slice %arg3[%add3A_920, %dma_start3A_923] : memref<8192x1024xf32, #tpu.memory_space<hbm>> -> memref<16x1024xf32, #tpu.memory_space<hbm>>
    tpu.enqueue_dma source(%dma_start3A_924 : memref<16x1024xf32, #tpu.memory_space<hbm>>) target(%arg11 : memref<16x1024xf32, #tpu.memory_space<vmem>>) target_semaphore(%arg23 : memref<!tpu.dma_semaphore, #tpu.memory_space<semaphore_mem>>)
    %dma_wait3A_925 = arith.constant 0 : i32
    %dma_wait3A_926 = tpu.memref_slice %arg3[%add3A_770, %dma_wait3A_925] : memref<8192x1024xf32, #tpu.memory_space<hbm>> -> memref<16x1024xf32, #tpu.memory_space<hbm>>
    %dma_wait3A_927 = arith.constant 0 : i32
    %dma_wait3A_928 = tpu.memref_slice %arg3[%add3A_770, %dma_wait3A_927] : memref<8192x1024xf32, #tpu.memory_space<hbm>> -> memref<16x1024xf32, #tpu.memory_space<hbm>>
    tpu.wait_dma2 semaphore(%arg22 : memref<!tpu.dma_semaphore, #tpu.memory_space<semaphore_mem>>) src(%dma_wait3A_928 : memref<16x1024xf32, #tpu.memory_space<hbm>>) dst(%arg10 : memref<16x1024xf32, #tpu.memory_space<vmem>>)
    %dma_wait3A_929 = arith.constant 2 : i32
    %dma_wait3A_930 = arith.constant 0 : i32
    %dma_wait3A_931 = tpu.memref_slice %arg4[%dma_wait3A_929, %add3A_876, %dma_wait3A_930] : memref<4x4096x1024xf32, #tpu.memory_space<hbm>> -> memref<1x16x1024xf32, #tpu.memory_space<hbm>>
    %dma_wait3A_932 = tpu.memref_squeeze %dma_wait3A_931 : memref<1x16x1024xf32, #tpu.memory_space<hbm>> -> memref<16x1024xf32, #tpu.memory_space<hbm>>
    %dma_wait3A_933 = arith.constant 0 : i32
    %dma_wait3A_934 = tpu.memref_slice %arg4[%dma_wait3A_929, %add3A_876, %dma_wait3A_933] : memref<4x4096x1024xf32, #tpu.memory_space<hbm>> -> memref<1x16x1024xf32, #tpu.memory_space<hbm>>
    %dma_wait3A_935 = tpu.memref_squeeze %dma_wait3A_934 : memref<1x16x1024xf32, #tpu.memory_space<hbm>> -> memref<16x1024xf32, #tpu.memory_space<hbm>>
    tpu.wait_dma2 semaphore(%arg19 : memref<!tpu.dma_semaphore, #tpu.memory_space<semaphore_mem>>) src(%arg7 : memref<16x1024xf32, #tpu.memory_space<vmem>>) dst(%dma_wait3A_935 : memref<16x1024xf32, #tpu.memory_space<hbm>>)
    %add3A_936 = arith.constant 96 : i32
    %add3A_937 = arith.addi %mul3A_2, %add3A_936 : i32
    %dma_start3A_938 = arith.constant 3 : i32
    %dma_start3A_939 = arith.constant 0 : i32
    %dma_start3A_940 = tpu.memref_slice %arg2[%dma_start3A_938, %add3A_937, %dma_start3A_939] : memref<4x4096x1024xf32, #tpu.memory_space<hbm>> -> memref<1x16x1024xf32, #tpu.memory_space<hbm>>
    %dma_start3A_941 = tpu.memref_squeeze %dma_start3A_940 : memref<1x16x1024xf32, #tpu.memory_space<hbm>> -> memref<16x1024xf32, #tpu.memory_space<hbm>>
    %dma_start3A_942 = arith.constant 0 : i32
    %dma_start3A_943 = tpu.memref_slice %arg2[%dma_start3A_938, %add3A_937, %dma_start3A_942] : memref<4x4096x1024xf32, #tpu.memory_space<hbm>> -> memref<1x16x1024xf32, #tpu.memory_space<hbm>>
    %dma_start3A_944 = tpu.memref_squeeze %dma_start3A_943 : memref<1x16x1024xf32, #tpu.memory_space<hbm>> -> memref<16x1024xf32, #tpu.memory_space<hbm>>
    tpu.enqueue_dma source(%dma_start3A_944 : memref<16x1024xf32, #tpu.memory_space<hbm>>) target(%arg7 : memref<16x1024xf32, #tpu.memory_space<vmem>>) target_semaphore(%arg14 : memref<!tpu.dma_semaphore, #tpu.memory_space<semaphore_mem>>)
    %dma_wait3A_945 = arith.constant 0 : i32
    %dma_wait3A_946 = arith.constant 0 : i32
    %dma_wait3A_947 = tpu.memref_slice %arg2[%dma_wait3A_945, %add3A_822, %dma_wait3A_946] : memref<4x4096x1024xf32, #tpu.memory_space<hbm>> -> memref<1x16x1024xf32, #tpu.memory_space<hbm>>
    %dma_wait3A_948 = tpu.memref_squeeze %dma_wait3A_947 : memref<1x16x1024xf32, #tpu.memory_space<hbm>> -> memref<16x1024xf32, #tpu.memory_space<hbm>>
    %dma_wait3A_949 = arith.constant 0 : i32
    %dma_wait3A_950 = tpu.memref_slice %arg2[%dma_wait3A_945, %add3A_822, %dma_wait3A_949] : memref<4x4096x1024xf32, #tpu.memory_space<hbm>> -> memref<1x16x1024xf32, #tpu.memory_space<hbm>>
    %dma_wait3A_951 = tpu.memref_squeeze %dma_wait3A_950 : memref<1x16x1024xf32, #tpu.memory_space<hbm>> -> memref<16x1024xf32, #tpu.memory_space<hbm>>
    tpu.wait_dma2 semaphore(%arg16 : memref<!tpu.dma_semaphore, #tpu.memory_space<semaphore_mem>>) src(%dma_wait3A_951 : memref<16x1024xf32, #tpu.memory_space<hbm>>) dst(%arg9 : memref<16x1024xf32, #tpu.memory_space<vmem>>)
    %parallel_loop3A_952 = arith.constant 0 : i32
    %parallel_loop3A_953 = arith.constant 16384 : i32
    %parallel_loop3A_954 = arith.constant 16 : i32
    scf.for %parallel_loop3A_1200 = %parallel_loop3A_952 to %parallel_loop3A_953 step %parallel_loop3A_954  : i32 {
      %parallel_loop3A_1201 = arith.constant 10 : i32
      %parallel_loop3A_1202 = arith.shrui %parallel_loop3A_1200, %parallel_loop3A_1201 : i32
      %parallel_loop3A_1203 = arith.constant 1023 : i32
      %parallel_loop3A_1204 = arith.andi %parallel_loop3A_1200, %parallel_loop3A_1203 : i32
      %parallel_loop3A_1205 = tpu.assume_multiple %parallel_loop3A_1204, 16 : i32
      %parallel_loop3A_1206 = arith.index_cast %parallel_loop3A_1202 : i32 to index
      %parallel_loop3A_1207 = arith.index_cast %parallel_loop3A_1205 : i32 to index
      %parallel_loop3A_1208 = tpu.vector_load %arg10[%parallel_loop3A_1206, %parallel_loop3A_1207] {strides = array<i32>} : memref<16x1024xf32, #tpu.memory_space<vmem>>, vector<1x16xf32>,
      %parallel_loop3A_1209 = vector.shape_cast %parallel_loop3A_1208 : vector<1x16xf32> to vector<16xf32>
      %parallel_loop3A_1210 = arith.index_cast %parallel_loop3A_1202 : i32 to index
      %parallel_loop3A_1211 = arith.index_cast %parallel_loop3A_1205 : i32 to index
      %parallel_loop3A_1212 = tpu.vector_load %arg9[%parallel_loop3A_1210, %parallel_loop3A_1211] {strides = array<i32>} : memref<16x1024xf32, #tpu.memory_space<vmem>>, vector<1x16xf32>,
      %parallel_loop3A_1213 = vector.shape_cast %parallel_loop3A_1212 : vector<1x16xf32> to vector<16xf32>
      %parallel_loop3A_1214 = vector.shape_cast %parallel_loop3A_1209 : vector<16xf32> to vector<1x16xf32>
      tpu.vector_store %arg9[%parallel_loop3A_1210, %parallel_loop3A_1211], %parallel_loop3A_1214 {add = true, strides = array<i32>} : memref<16x1024xf32, #tpu.memory_space<vmem>>, vector<1x16xf32>,
    } {sc.loop_unroll_factor = 4 : i64, sc.parallel_access}
    %add3A_955 = arith.constant 96 : i32
    %add3A_956 = arith.addi %mul3A_2, %add3A_955 : i32
    %dma_start3A_957 = arith.constant 0 : i32
    %dma_start3A_958 = arith.constant 0 : i32
    %dma_start3A_959 = tpu.memref_slice %arg4[%dma_start3A_957, %add3A_956, %dma_start3A_958] : memref<4x4096x1024xf32, #tpu.memory_space<hbm>> -> memref<1x16x1024xf32, #tpu.memory_space<hbm>>
    %dma_start3A_960 = tpu.memref_squeeze %dma_start3A_959 : memref<1x16x1024xf32, #tpu.memory_space<hbm>> -> memref<16x1024xf32, #tpu.memory_space<hbm>>
    %dma_start3A_961 = arith.constant 0 : i32
    %dma_start3A_962 = tpu.memref_slice %arg4[%dma_start3A_957, %add3A_956, %dma_start3A_961] : memref<4x4096x1024xf32, #tpu.memory_space<hbm>> -> memref<1x16x1024xf32, #tpu.memory_space<hbm>>
    %dma_start3A_963 = tpu.memref_squeeze %dma_start3A_962 : memref<1x16x1024xf32, #tpu.memory_space<hbm>> -> memref<16x1024xf32, #tpu.memory_space<hbm>>
    tpu.enqueue_dma source(%arg9 : memref<16x1024xf32, #tpu.memory_space<vmem>>) target(%dma_start3A_963 : memref<16x1024xf32, #tpu.memory_space<hbm>>) target_semaphore(%arg21 : memref<!tpu.dma_semaphore, #tpu.memory_space<semaphore_mem>>)
    %dma_wait3A_964 = arith.constant 3 : i32
    %dma_wait3A_965 = arith.constant 0 : i32
    %dma_wait3A_966 = tpu.memref_slice %arg4[%dma_wait3A_964, %add3A_911, %dma_wait3A_965] : memref<4x4096x1024xf32, #tpu.memory_space<hbm>> -> memref<1x16x1024xf32, #tpu.memory_space<hbm>>
    %dma_wait3A_967 = tpu.memref_squeeze %dma_wait3A_966 : memref<1x16x1024xf32, #tpu.memory_space<hbm>> -> memref<16x1024xf32, #tpu.memory_space<hbm>>
    %dma_wait3A_968 = arith.constant 0 : i32
    %dma_wait3A_969 = tpu.memref_slice %arg4[%dma_wait3A_964, %add3A_911, %dma_wait3A_968] : memref<4x4096x1024xf32, #tpu.memory_space<hbm>> -> memref<1x16x1024xf32, #tpu.memory_space<hbm>>
    %dma_wait3A_970 = tpu.memref_squeeze %dma_wait3A_969 : memref<1x16x1024xf32, #tpu.memory_space<hbm>> -> memref<16x1024xf32, #tpu.memory_space<hbm>>
    tpu.wait_dma2 semaphore(%arg20 : memref<!tpu.dma_semaphore, #tpu.memory_space<semaphore_mem>>) src(%arg8 : memref<16x1024xf32, #tpu.memory_space<vmem>>) dst(%dma_wait3A_970 : memref<16x1024xf32, #tpu.memory_space<hbm>>)
    %add3A_971 = arith.constant 112 : i32
    %add3A_972 = arith.addi %mul3A_2, %add3A_971 : i32
    %dma_start3A_973 = arith.constant 0 : i32
    %dma_start3A_974 = arith.constant 0 : i32
    %dma_start3A_975 = tpu.memref_slice %arg2[%dma_start3A_973, %add3A_972, %dma_start3A_974] : memref<4x4096x1024xf32, #tpu.memory_space<hbm>> -> memref<1x16x1024xf32, #tpu.memory_space<hbm>>
    %dma_start3A_976 = tpu.memref_squeeze %dma_start3A_975 : memref<1x16x1024xf32, #tpu.memory_space<hbm>> -> memref<16x1024xf32, #tpu.memory_space<hbm>>
    %dma_start3A_977 = arith.constant 0 : i32
    %dma_start3A_978 = tpu.memref_slice %arg2[%dma_start3A_973, %add3A_972, %dma_start3A_977] : memref<4x4096x1024xf32, #tpu.memory_space<hbm>> -> memref<1x16x1024xf32, #tpu.memory_space<hbm>>
    %dma_start3A_979 = tpu.memref_squeeze %dma_start3A_978 : memref<1x16x1024xf32, #tpu.memory_space<hbm>> -> memref<16x1024xf32, #tpu.memory_space<hbm>>
    tpu.enqueue_dma source(%dma_start3A_979 : memref<16x1024xf32, #tpu.memory_space<hbm>>) target(%arg8 : memref<16x1024xf32, #tpu.memory_space<vmem>>) target_semaphore(%arg15 : memref<!tpu.dma_semaphore, #tpu.memory_space<semaphore_mem>>)
    %dma_wait3A_980 = arith.constant 1 : i32
    %dma_wait3A_981 = arith.constant 0 : i32
    %dma_wait3A_982 = tpu.memref_slice %arg2[%dma_wait3A_980, %add3A_857, %dma_wait3A_981] : memref<4x4096x1024xf32, #tpu.memory_space<hbm>> -> memref<1x16x1024xf32, #tpu.memory_space<hbm>>
    %dma_wait3A_983 = tpu.memref_squeeze %dma_wait3A_982 : memref<1x16x1024xf32, #tpu.memory_space<hbm>> -> memref<16x1024xf32, #tpu.memory_space<hbm>>
    %dma_wait3A_984 = arith.constant 0 : i32
    %dma_wait3A_985 = tpu.memref_slice %arg2[%dma_wait3A_980, %add3A_857, %dma_wait3A_984] : memref<4x4096x1024xf32, #tpu.memory_space<hbm>> -> memref<1x16x1024xf32, #tpu.memory_space<hbm>>
    %dma_wait3A_986 = tpu.memref_squeeze %dma_wait3A_985 : memref<1x16x1024xf32, #tpu.memory_space<hbm>> -> memref<16x1024xf32, #tpu.memory_space<hbm>>
    tpu.wait_dma2 semaphore(%arg12 : memref<!tpu.dma_semaphore, #tpu.memory_space<semaphore_mem>>) src(%dma_wait3A_986 : memref<16x1024xf32, #tpu.memory_space<hbm>>) dst(%arg5 : memref<16x1024xf32, #tpu.memory_space<vmem>>)
    %parallel_loop3A_987 = arith.constant 0 : i32
    %parallel_loop3A_988 = arith.constant 16384 : i32
    %parallel_loop3A_989 = arith.constant 16 : i32
    scf.for %parallel_loop3A_1200 = %parallel_loop3A_987 to %parallel_loop3A_988 step %parallel_loop3A_989  : i32 {
      %parallel_loop3A_1201 = arith.constant 10 : i32
      %parallel_loop3A_1202 = arith.shrui %parallel_loop3A_1200, %parallel_loop3A_1201 : i32
      %parallel_loop3A_1203 = arith.constant 1023 : i32
      %parallel_loop3A_1204 = arith.andi %parallel_loop3A_1200, %parallel_loop3A_1203 : i32
      %parallel_loop3A_1205 = tpu.assume_multiple %parallel_loop3A_1204, 16 : i32
      %parallel_loop3A_1206 = arith.index_cast %parallel_loop3A_1202 : i32 to index
      %parallel_loop3A_1207 = arith.index_cast %parallel_loop3A_1205 : i32 to index
      %parallel_loop3A_1208 = tpu.vector_load %arg10[%parallel_loop3A_1206, %parallel_loop3A_1207] {strides = array<i32>} : memref<16x1024xf32, #tpu.memory_space<vmem>>, vector<1x16xf32>,
      %parallel_loop3A_1209 = vector.shape_cast %parallel_loop3A_1208 : vector<1x16xf32> to vector<16xf32>
      %parallel_loop3A_1210 = arith.index_cast %parallel_loop3A_1202 : i32 to index
      %parallel_loop3A_1211 = arith.index_cast %parallel_loop3A_1205 : i32 to index
      %parallel_loop3A_1212 = tpu.vector_load %arg5[%parallel_loop3A_1210, %parallel_loop3A_1211] {strides = array<i32>} : memref<16x1024xf32, #tpu.memory_space<vmem>>, vector<1x16xf32>,
      %parallel_loop3A_1213 = vector.shape_cast %parallel_loop3A_1212 : vector<1x16xf32> to vector<16xf32>
      %parallel_loop3A_1214 = vector.shape_cast %parallel_loop3A_1209 : vector<16xf32> to vector<1x16xf32>
      tpu.vector_store %arg5[%parallel_loop3A_1210, %parallel_loop3A_1211], %parallel_loop3A_1214 {add = true, strides = array<i32>} : memref<16x1024xf32, #tpu.memory_space<vmem>>, vector<1x16xf32>,
    } {sc.loop_unroll_factor = 4 : i64, sc.parallel_access}
    %add3A_990 = arith.constant 96 : i32
    %add3A_991 = arith.addi %mul3A_2, %add3A_990 : i32
    %dma_start3A_992 = arith.constant 1 : i32
    %dma_start3A_993 = arith.constant 0 : i32
    %dma_start3A_994 = tpu.memref_slice %arg4[%dma_start3A_992, %add3A_991, %dma_start3A_993] : memref<4x4096x1024xf32, #tpu.memory_space<hbm>> -> memref<1x16x1024xf32, #tpu.memory_space<hbm>>
    %dma_start3A_995 = tpu.memref_squeeze %dma_start3A_994 : memref<1x16x1024xf32, #tpu.memory_space<hbm>> -> memref<16x1024xf32, #tpu.memory_space<hbm>>
    %dma_start3A_996 = arith.constant 0 : i32
    %dma_start3A_997 = tpu.memref_slice %arg4[%dma_start3A_992, %add3A_991, %dma_start3A_996] : memref<4x4096x1024xf32, #tpu.memory_space<hbm>> -> memref<1x16x1024xf32, #tpu.memory_space<hbm>>
    %dma_start3A_998 = tpu.memref_squeeze %dma_start3A_997 : memref<1x16x1024xf32, #tpu.memory_space<hbm>> -> memref<16x1024xf32, #tpu.memory_space<hbm>>
    tpu.enqueue_dma source(%arg5 : memref<16x1024xf32, #tpu.memory_space<vmem>>) target(%dma_start3A_998 : memref<16x1024xf32, #tpu.memory_space<hbm>>) target_semaphore(%arg17 : memref<!tpu.dma_semaphore, #tpu.memory_space<semaphore_mem>>)
    %dma_wait3A_999 = arith.constant 0 : i32
    %dma_wait3A_1000 = arith.constant 0 : i32
    %dma_wait3A_1001 = tpu.memref_slice %arg4[%dma_wait3A_999, %add3A_956, %dma_wait3A_1000] : memref<4x4096x1024xf32, #tpu.memory_space<hbm>> -> memref<1x16x1024xf32, #tpu.memory_space<hbm>>
    %dma_wait3A_1002 = tpu.memref_squeeze %dma_wait3A_1001 : memref<1x16x1024xf32, #tpu.memory_space<hbm>> -> memref<16x1024xf32, #tpu.memory_space<hbm>>
    %dma_wait3A_1003 = arith.constant 0 : i32
    %dma_wait3A_1004 = tpu.memref_slice %arg4[%dma_wait3A_999, %add3A_956, %dma_wait3A_1003] : memref<4x4096x1024xf32, #tpu.memory_space<hbm>> -> memref<1x16x1024xf32, #tpu.memory_space<hbm>>
    %dma_wait3A_1005 = tpu.memref_squeeze %dma_wait3A_1004 : memref<1x16x1024xf32, #tpu.memory_space<hbm>> -> memref<16x1024xf32, #tpu.memory_space<hbm>>
    tpu.wait_dma2 semaphore(%arg21 : memref<!tpu.dma_semaphore, #tpu.memory_space<semaphore_mem>>) src(%arg9 : memref<16x1024xf32, #tpu.memory_space<vmem>>) dst(%dma_wait3A_1005 : memref<16x1024xf32, #tpu.memory_space<hbm>>)
    %add3A_1006 = arith.constant 112 : i32
    %add3A_1007 = arith.addi %mul3A_2, %add3A_1006 : i32
    %dma_start3A_1008 = arith.constant 1 : i32
    %dma_start3A_1009 = arith.constant 0 : i32
    %dma_start3A_1010 = tpu.memref_slice %arg2[%dma_start3A_1008, %add3A_1007, %dma_start3A_1009] : memref<4x4096x1024xf32, #tpu.memory_space<hbm>> -> memref<1x16x1024xf32, #tpu.memory_space<hbm>>
    %dma_start3A_1011 = tpu.memref_squeeze %dma_start3A_1010 : memref<1x16x1024xf32, #tpu.memory_space<hbm>> -> memref<16x1024xf32, #tpu.memory_space<hbm>>
    %dma_start3A_1012 = arith.constant 0 : i32
    %dma_start3A_1013 = tpu.memref_slice %arg2[%dma_start3A_1008, %add3A_1007, %dma_start3A_1012] : memref<4x4096x1024xf32, #tpu.memory_space<hbm>> -> memref<1x16x1024xf32, #tpu.memory_space<hbm>>
    %dma_start3A_1014 = tpu.memref_squeeze %dma_start3A_1013 : memref<1x16x1024xf32, #tpu.memory_space<hbm>> -> memref<16x1024xf32, #tpu.memory_space<hbm>>
    tpu.enqueue_dma source(%dma_start3A_1014 : memref<16x1024xf32, #tpu.memory_space<hbm>>) target(%arg9 : memref<16x1024xf32, #tpu.memory_space<vmem>>) target_semaphore(%arg16 : memref<!tpu.dma_semaphore, #tpu.memory_space<semaphore_mem>>)
    %dma_wait3A_1015 = arith.constant 2 : i32
    %dma_wait3A_1016 = arith.constant 0 : i32
    %dma_wait3A_1017 = tpu.memref_slice %arg2[%dma_wait3A_1015, %add3A_892, %dma_wait3A_1016] : memref<4x4096x1024xf32, #tpu.memory_space<hbm>> -> memref<1x16x1024xf32, #tpu.memory_space<hbm>>
    %dma_wait3A_1018 = tpu.memref_squeeze %dma_wait3A_1017 : memref<1x16x1024xf32, #tpu.memory_space<hbm>> -> memref<16x1024xf32, #tpu.memory_space<hbm>>
    %dma_wait3A_1019 = arith.constant 0 : i32
    %dma_wait3A_1020 = tpu.memref_slice %arg2[%dma_wait3A_1015, %add3A_892, %dma_wait3A_1019] : memref<4x4096x1024xf32, #tpu.memory_space<hbm>> -> memref<1x16x1024xf32, #tpu.memory_space<hbm>>
    %dma_wait3A_1021 = tpu.memref_squeeze %dma_wait3A_1020 : memref<1x16x1024xf32, #tpu.memory_space<hbm>> -> memref<16x1024xf32, #tpu.memory_space<hbm>>
    tpu.wait_dma2 semaphore(%arg13 : memref<!tpu.dma_semaphore, #tpu.memory_space<semaphore_mem>>) src(%dma_wait3A_1021 : memref<16x1024xf32, #tpu.memory_space<hbm>>) dst(%arg6 : memref<16x1024xf32, #tpu.memory_space<vmem>>)
    %parallel_loop3A_1022 = arith.constant 0 : i32
    %parallel_loop3A_1023 = arith.constant 16384 : i32
    %parallel_loop3A_1024 = arith.constant 16 : i32
    scf.for %parallel_loop3A_1200 = %parallel_loop3A_1022 to %parallel_loop3A_1023 step %parallel_loop3A_1024  : i32 {
      %parallel_loop3A_1201 = arith.constant 10 : i32
      %parallel_loop3A_1202 = arith.shrui %parallel_loop3A_1200, %parallel_loop3A_1201 : i32
      %parallel_loop3A_1203 = arith.constant 1023 : i32
      %parallel_loop3A_1204 = arith.andi %parallel_loop3A_1200, %parallel_loop3A_1203 : i32
      %parallel_loop3A_1205 = tpu.assume_multiple %parallel_loop3A_1204, 16 : i32
      %parallel_loop3A_1206 = arith.index_cast %parallel_loop3A_1202 : i32 to index
      %parallel_loop3A_1207 = arith.index_cast %parallel_loop3A_1205 : i32 to index
      %parallel_loop3A_1208 = tpu.vector_load %arg10[%parallel_loop3A_1206, %parallel_loop3A_1207] {strides = array<i32>} : memref<16x1024xf32, #tpu.memory_space<vmem>>, vector<1x16xf32>,
      %parallel_loop3A_1209 = vector.shape_cast %parallel_loop3A_1208 : vector<1x16xf32> to vector<16xf32>
      %parallel_loop3A_1210 = arith.index_cast %parallel_loop3A_1202 : i32 to index
      %parallel_loop3A_1211 = arith.index_cast %parallel_loop3A_1205 : i32 to index
      %parallel_loop3A_1212 = tpu.vector_load %arg6[%parallel_loop3A_1210, %parallel_loop3A_1211] {strides = array<i32>} : memref<16x1024xf32, #tpu.memory_space<vmem>>, vector<1x16xf32>,
      %parallel_loop3A_1213 = vector.shape_cast %parallel_loop3A_1212 : vector<1x16xf32> to vector<16xf32>
      %parallel_loop3A_1214 = vector.shape_cast %parallel_loop3A_1209 : vector<16xf32> to vector<1x16xf32>
      tpu.vector_store %arg6[%parallel_loop3A_1210, %parallel_loop3A_1211], %parallel_loop3A_1214 {add = true, strides = array<i32>} : memref<16x1024xf32, #tpu.memory_space<vmem>>, vector<1x16xf32>,
    } {sc.loop_unroll_factor = 4 : i64, sc.parallel_access}
    %add3A_1025 = arith.constant 96 : i32
    %add3A_1026 = arith.addi %mul3A_2, %add3A_1025 : i32
    %dma_start3A_1027 = arith.constant 2 : i32
    %dma_start3A_1028 = arith.constant 0 : i32
    %dma_start3A_1029 = tpu.memref_slice %arg4[%dma_start3A_1027, %add3A_1026, %dma_start3A_1028] : memref<4x4096x1024xf32, #tpu.memory_space<hbm>> -> memref<1x16x1024xf32, #tpu.memory_space<hbm>>
    %dma_start3A_1030 = tpu.memref_squeeze %dma_start3A_1029 : memref<1x16x1024xf32, #tpu.memory_space<hbm>> -> memref<16x1024xf32, #tpu.memory_space<hbm>>
    %dma_start3A_1031 = arith.constant 0 : i32
    %dma_start3A_1032 = tpu.memref_slice %arg4[%dma_start3A_1027, %add3A_1026, %dma_start3A_1031] : memref<4x4096x1024xf32, #tpu.memory_space<hbm>> -> memref<1x16x1024xf32, #tpu.memory_space<hbm>>
    %dma_start3A_1033 = tpu.memref_squeeze %dma_start3A_1032 : memref<1x16x1024xf32, #tpu.memory_space<hbm>> -> memref<16x1024xf32, #tpu.memory_space<hbm>>
    tpu.enqueue_dma source(%arg6 : memref<16x1024xf32, #tpu.memory_space<vmem>>) target(%dma_start3A_1033 : memref<16x1024xf32, #tpu.memory_space<hbm>>) target_semaphore(%arg18 : memref<!tpu.dma_semaphore, #tpu.memory_space<semaphore_mem>>)
    %dma_wait3A_1034 = arith.constant 1 : i32
    %dma_wait3A_1035 = arith.constant 0 : i32
    %dma_wait3A_1036 = tpu.memref_slice %arg4[%dma_wait3A_1034, %add3A_991, %dma_wait3A_1035] : memref<4x4096x1024xf32, #tpu.memory_space<hbm>> -> memref<1x16x1024xf32, #tpu.memory_space<hbm>>
    %dma_wait3A_1037 = tpu.memref_squeeze %dma_wait3A_1036 : memref<1x16x1024xf32, #tpu.memory_space<hbm>> -> memref<16x1024xf32, #tpu.memory_space<hbm>>
    %dma_wait3A_1038 = arith.constant 0 : i32
    %dma_wait3A_1039 = tpu.memref_slice %arg4[%dma_wait3A_1034, %add3A_991, %dma_wait3A_1038] : memref<4x4096x1024xf32, #tpu.memory_space<hbm>> -> memref<1x16x1024xf32, #tpu.memory_space<hbm>>
    %dma_wait3A_1040 = tpu.memref_squeeze %dma_wait3A_1039 : memref<1x16x1024xf32, #tpu.memory_space<hbm>> -> memref<16x1024xf32, #tpu.memory_space<hbm>>
    tpu.wait_dma2 semaphore(%arg17 : memref<!tpu.dma_semaphore, #tpu.memory_space<semaphore_mem>>) src(%arg5 : memref<16x1024xf32, #tpu.memory_space<vmem>>) dst(%dma_wait3A_1040 : memref<16x1024xf32, #tpu.memory_space<hbm>>)
    %add3A_1041 = arith.constant 112 : i32
    %add3A_1042 = arith.addi %mul3A_2, %add3A_1041 : i32
    %dma_start3A_1043 = arith.constant 2 : i32
    %dma_start3A_1044 = arith.constant 0 : i32
    %dma_start3A_1045 = tpu.memref_slice %arg2[%dma_start3A_1043, %add3A_1042, %dma_start3A_1044] : memref<4x4096x1024xf32, #tpu.memory_space<hbm>> -> memref<1x16x1024xf32, #tpu.memory_space<hbm>>
    %dma_start3A_1046 = tpu.memref_squeeze %dma_start3A_1045 : memref<1x16x1024xf32, #tpu.memory_space<hbm>> -> memref<16x1024xf32, #tpu.memory_space<hbm>>
    %dma_start3A_1047 = arith.constant 0 : i32
    %dma_start3A_1048 = tpu.memref_slice %arg2[%dma_start3A_1043, %add3A_1042, %dma_start3A_1047] : memref<4x4096x1024xf32, #tpu.memory_space<hbm>> -> memref<1x16x1024xf32, #tpu.memory_space<hbm>>
    %dma_start3A_1049 = tpu.memref_squeeze %dma_start3A_1048 : memref<1x16x1024xf32, #tpu.memory_space<hbm>> -> memref<16x1024xf32, #tpu.memory_space<hbm>>
    tpu.enqueue_dma source(%dma_start3A_1049 : memref<16x1024xf32, #tpu.memory_space<hbm>>) target(%arg5 : memref<16x1024xf32, #tpu.memory_space<vmem>>) target_semaphore(%arg12 : memref<!tpu.dma_semaphore, #tpu.memory_space<semaphore_mem>>)
    %dma_wait3A_1050 = arith.constant 3 : i32
    %dma_wait3A_1051 = arith.constant 0 : i32
    %dma_wait3A_1052 = tpu.memref_slice %arg2[%dma_wait3A_1050, %add3A_937, %dma_wait3A_1051] : memref<4x4096x1024xf32, #tpu.memory_space<hbm>> -> memref<1x16x1024xf32, #tpu.memory_space<hbm>>
    %dma_wait3A_1053 = tpu.memref_squeeze %dma_wait3A_1052 : memref<1x16x1024xf32, #tpu.memory_space<hbm>> -> memref<16x1024xf32, #tpu.memory_space<hbm>>
    %dma_wait3A_1054 = arith.constant 0 : i32
    %dma_wait3A_1055 = tpu.memref_slice %arg2[%dma_wait3A_1050, %add3A_937, %dma_wait3A_1054] : memref<4x4096x1024xf32, #tpu.memory_space<hbm>> -> memref<1x16x1024xf32, #tpu.memory_space<hbm>>
    %dma_wait3A_1056 = tpu.memref_squeeze %dma_wait3A_1055 : memref<1x16x1024xf32, #tpu.memory_space<hbm>> -> memref<16x1024xf32, #tpu.memory_space<hbm>>
    tpu.wait_dma2 semaphore(%arg14 : memref<!tpu.dma_semaphore, #tpu.memory_space<semaphore_mem>>) src(%dma_wait3A_1056 : memref<16x1024xf32, #tpu.memory_space<hbm>>) dst(%arg7 : memref<16x1024xf32, #tpu.memory_space<vmem>>)
    %parallel_loop3A_1057 = arith.constant 0 : i32
    %parallel_loop3A_1058 = arith.constant 16384 : i32
    %parallel_loop3A_1059 = arith.constant 16 : i32
    scf.for %parallel_loop3A_1200 = %parallel_loop3A_1057 to %parallel_loop3A_1058 step %parallel_loop3A_1059  : i32 {
      %parallel_loop3A_1201 = arith.constant 10 : i32
      %parallel_loop3A_1202 = arith.shrui %parallel_loop3A_1200, %parallel_loop3A_1201 : i32
      %parallel_loop3A_1203 = arith.constant 1023 : i32
      %parallel_loop3A_1204 = arith.andi %parallel_loop3A_1200, %parallel_loop3A_1203 : i32
      %parallel_loop3A_1205 = tpu.assume_multiple %parallel_loop3A_1204, 16 : i32
      %parallel_loop3A_1206 = arith.index_cast %parallel_loop3A_1202 : i32 to index
      %parallel_loop3A_1207 = arith.index_cast %parallel_loop3A_1205 : i32 to index
      %parallel_loop3A_1208 = tpu.vector_load %arg10[%parallel_loop3A_1206, %parallel_loop3A_1207] {strides = array<i32>} : memref<16x1024xf32, #tpu.memory_space<vmem>>, vector<1x16xf32>,
      %parallel_loop3A_1209 = vector.shape_cast %parallel_loop3A_1208 : vector<1x16xf32> to vector<16xf32>
      %parallel_loop3A_1210 = arith.index_cast %parallel_loop3A_1202 : i32 to index
      %parallel_loop3A_1211 = arith.index_cast %parallel_loop3A_1205 : i32 to index
      %parallel_loop3A_1212 = tpu.vector_load %arg7[%parallel_loop3A_1210, %parallel_loop3A_1211] {strides = array<i32>} : memref<16x1024xf32, #tpu.memory_space<vmem>>, vector<1x16xf32>,
      %parallel_loop3A_1213 = vector.shape_cast %parallel_loop3A_1212 : vector<1x16xf32> to vector<16xf32>
      %parallel_loop3A_1214 = vector.shape_cast %parallel_loop3A_1209 : vector<16xf32> to vector<1x16xf32>
      tpu.vector_store %arg7[%parallel_loop3A_1210, %parallel_loop3A_1211], %parallel_loop3A_1214 {add = true, strides = array<i32>} : memref<16x1024xf32, #tpu.memory_space<vmem>>, vector<1x16xf32>,
    } {sc.loop_unroll_factor = 4 : i64, sc.parallel_access}
    %add3A_1060 = arith.constant 96 : i32
    %add3A_1061 = arith.addi %mul3A_2, %add3A_1060 : i32
    %dma_start3A_1062 = arith.constant 3 : i32
    %dma_start3A_1063 = arith.constant 0 : i32
    %dma_start3A_1064 = tpu.memref_slice %arg4[%dma_start3A_1062, %add3A_1061, %dma_start3A_1063] : memref<4x4096x1024xf32, #tpu.memory_space<hbm>> -> memref<1x16x1024xf32, #tpu.memory_space<hbm>>
    %dma_start3A_1065 = tpu.memref_squeeze %dma_start3A_1064 : memref<1x16x1024xf32, #tpu.memory_space<hbm>> -> memref<16x1024xf32, #tpu.memory_space<hbm>>
    %dma_start3A_1066 = arith.constant 0 : i32
    %dma_start3A_1067 = tpu.memref_slice %arg4[%dma_start3A_1062, %add3A_1061, %dma_start3A_1066] : memref<4x4096x1024xf32, #tpu.memory_space<hbm>> -> memref<1x16x1024xf32, #tpu.memory_space<hbm>>
    %dma_start3A_1068 = tpu.memref_squeeze %dma_start3A_1067 : memref<1x16x1024xf32, #tpu.memory_space<hbm>> -> memref<16x1024xf32, #tpu.memory_space<hbm>>
    tpu.enqueue_dma source(%arg7 : memref<16x1024xf32, #tpu.memory_space<vmem>>) target(%dma_start3A_1068 : memref<16x1024xf32, #tpu.memory_space<hbm>>) target_semaphore(%arg19 : memref<!tpu.dma_semaphore, #tpu.memory_space<semaphore_mem>>)
    %dma_wait3A_1069 = arith.constant 0 : i32
    %dma_wait3A_1070 = tpu.memref_slice %arg3[%add3A_920, %dma_wait3A_1069] : memref<8192x1024xf32, #tpu.memory_space<hbm>> -> memref<16x1024xf32, #tpu.memory_space<hbm>>
    %dma_wait3A_1071 = arith.constant 0 : i32
    %dma_wait3A_1072 = tpu.memref_slice %arg3[%add3A_920, %dma_wait3A_1071] : memref<8192x1024xf32, #tpu.memory_space<hbm>> -> memref<16x1024xf32, #tpu.memory_space<hbm>>
    tpu.wait_dma2 semaphore(%arg23 : memref<!tpu.dma_semaphore, #tpu.memory_space<semaphore_mem>>) src(%dma_wait3A_1072 : memref<16x1024xf32, #tpu.memory_space<hbm>>) dst(%arg11 : memref<16x1024xf32, #tpu.memory_space<vmem>>)
    %dma_wait3A_1073 = arith.constant 2 : i32
    %dma_wait3A_1074 = arith.constant 0 : i32
    %dma_wait3A_1075 = tpu.memref_slice %arg4[%dma_wait3A_1073, %add3A_1026, %dma_wait3A_1074] : memref<4x4096x1024xf32, #tpu.memory_space<hbm>> -> memref<1x16x1024xf32, #tpu.memory_space<hbm>>
    %dma_wait3A_1076 = tpu.memref_squeeze %dma_wait3A_1075 : memref<1x16x1024xf32, #tpu.memory_space<hbm>> -> memref<16x1024xf32, #tpu.memory_space<hbm>>
    %dma_wait3A_1077 = arith.constant 0 : i32
    %dma_wait3A_1078 = tpu.memref_slice %arg4[%dma_wait3A_1073, %add3A_1026, %dma_wait3A_1077] : memref<4x4096x1024xf32, #tpu.memory_space<hbm>> -> memref<1x16x1024xf32, #tpu.memory_space<hbm>>
    %dma_wait3A_1079 = tpu.memref_squeeze %dma_wait3A_1078 : memref<1x16x1024xf32, #tpu.memory_space<hbm>> -> memref<16x1024xf32, #tpu.memory_space<hbm>>
    tpu.wait_dma2 semaphore(%arg18 : memref<!tpu.dma_semaphore, #tpu.memory_space<semaphore_mem>>) src(%arg6 : memref<16x1024xf32, #tpu.memory_space<vmem>>) dst(%dma_wait3A_1079 : memref<16x1024xf32, #tpu.memory_space<hbm>>)
    %add3A_1080 = arith.constant 112 : i32
    %add3A_1081 = arith.addi %mul3A_2, %add3A_1080 : i32
    %dma_start3A_1082 = arith.constant 3 : i32
    %dma_start3A_1083 = arith.constant 0 : i32
    %dma_start3A_1084 = tpu.memref_slice %arg2[%dma_start3A_1082, %add3A_1081, %dma_start3A_1083] : memref<4x4096x1024xf32, #tpu.memory_space<hbm>> -> memref<1x16x1024xf32, #tpu.memory_space<hbm>>
    %dma_start3A_1085 = tpu.memref_squeeze %dma_start3A_1084 : memref<1x16x1024xf32, #tpu.memory_space<hbm>> -> memref<16x1024xf32, #tpu.memory_space<hbm>>
    %dma_start3A_1086 = arith.constant 0 : i32
    %dma_start3A_1087 = tpu.memref_slice %arg2[%dma_start3A_1082, %add3A_1081, %dma_start3A_1086] : memref<4x4096x1024xf32, #tpu.memory_space<hbm>> -> memref<1x16x1024xf32, #tpu.memory_space<hbm>>
    %dma_start3A_1088 = tpu.memref_squeeze %dma_start3A_1087 : memref<1x16x1024xf32, #tpu.memory_space<hbm>> -> memref<16x1024xf32, #tpu.memory_space<hbm>>
    tpu.enqueue_dma source(%dma_start3A_1088 : memref<16x1024xf32, #tpu.memory_space<hbm>>) target(%arg6 : memref<16x1024xf32, #tpu.memory_space<vmem>>) target_semaphore(%arg13 : memref<!tpu.dma_semaphore, #tpu.memory_space<semaphore_mem>>)
    %dma_wait3A_1089 = arith.constant 0 : i32
    %dma_wait3A_1090 = arith.constant 0 : i32
    %dma_wait3A_1091 = tpu.memref_slice %arg2[%dma_wait3A_1089, %add3A_972, %dma_wait3A_1090] : memref<4x4096x1024xf32, #tpu.memory_space<hbm>> -> memref<1x16x1024xf32, #tpu.memory_space<hbm>>
    %dma_wait3A_1092 = tpu.memref_squeeze %dma_wait3A_1091 : memref<1x16x1024xf32, #tpu.memory_space<hbm>> -> memref<16x1024xf32, #tpu.memory_space<hbm>>
    %dma_wait3A_1093 = arith.constant 0 : i32
    %dma_wait3A_1094 = tpu.memref_slice %arg2[%dma_wait3A_1089, %add3A_972, %dma_wait3A_1093] : memref<4x4096x1024xf32, #tpu.memory_space<hbm>> -> memref<1x16x1024xf32, #tpu.memory_space<hbm>>
    %dma_wait3A_1095 = tpu.memref_squeeze %dma_wait3A_1094 : memref<1x16x1024xf32, #tpu.memory_space<hbm>> -> memref<16x1024xf32, #tpu.memory_space<hbm>>
    tpu.wait_dma2 semaphore(%arg15 : memref<!tpu.dma_semaphore, #tpu.memory_space<semaphore_mem>>) src(%dma_wait3A_1095 : memref<16x1024xf32, #tpu.memory_space<hbm>>) dst(%arg8 : memref<16x1024xf32, #tpu.memory_space<vmem>>)
    %parallel_loop3A_1096 = arith.constant 0 : i32
    %parallel_loop3A_1097 = arith.constant 16384 : i32
    %parallel_loop3A_1098 = arith.constant 16 : i32
    scf.for %parallel_loop3A_1200 = %parallel_loop3A_1096 to %parallel_loop3A_1097 step %parallel_loop3A_1098  : i32 {
      %parallel_loop3A_1201 = arith.constant 10 : i32
      %parallel_loop3A_1202 = arith.shrui %parallel_loop3A_1200, %parallel_loop3A_1201 : i32
      %parallel_loop3A_1203 = arith.constant 1023 : i32
      %parallel_loop3A_1204 = arith.andi %parallel_loop3A_1200, %parallel_loop3A_1203 : i32
      %parallel_loop3A_1205 = tpu.assume_multiple %parallel_loop3A_1204, 16 : i32
      %parallel_loop3A_1206 = arith.index_cast %parallel_loop3A_1202 : i32 to index
      %parallel_loop3A_1207 = arith.index_cast %parallel_loop3A_1205 : i32 to index
      %parallel_loop3A_1208 = tpu.vector_load %arg11[%parallel_loop3A_1206, %parallel_loop3A_1207] {strides = array<i32>} : memref<16x1024xf32, #tpu.memory_space<vmem>>, vector<1x16xf32>,
      %parallel_loop3A_1209 = vector.shape_cast %parallel_loop3A_1208 : vector<1x16xf32> to vector<16xf32>
      %parallel_loop3A_1210 = arith.index_cast %parallel_loop3A_1202 : i32 to index
      %parallel_loop3A_1211 = arith.index_cast %parallel_loop3A_1205 : i32 to index
      %parallel_loop3A_1212 = tpu.vector_load %arg8[%parallel_loop3A_1210, %parallel_loop3A_1211] {strides = array<i32>} : memref<16x1024xf32, #tpu.memory_space<vmem>>, vector<1x16xf32>,
      %parallel_loop3A_1213 = vector.shape_cast %parallel_loop3A_1212 : vector<1x16xf32> to vector<16xf32>
      %parallel_loop3A_1214 = vector.shape_cast %parallel_loop3A_1209 : vector<16xf32> to vector<1x16xf32>
      tpu.vector_store %arg8[%parallel_loop3A_1210, %parallel_loop3A_1211], %parallel_loop3A_1214 {add = true, strides = array<i32>} : memref<16x1024xf32, #tpu.memory_space<vmem>>, vector<1x16xf32>,
    } {sc.loop_unroll_factor = 4 : i64, sc.parallel_access}
    %add3A_1099 = arith.constant 112 : i32
    %add3A_1100 = arith.addi %mul3A_2, %add3A_1099 : i32
    %dma_start3A_1101 = arith.constant 0 : i32
    %dma_start3A_1102 = arith.constant 0 : i32
    %dma_start3A_1103 = tpu.memref_slice %arg4[%dma_start3A_1101, %add3A_1100, %dma_start3A_1102] : memref<4x4096x1024xf32, #tpu.memory_space<hbm>> -> memref<1x16x1024xf32, #tpu.memory_space<hbm>>
    %dma_start3A_1104 = tpu.memref_squeeze %dma_start3A_1103 : memref<1x16x1024xf32, #tpu.memory_space<hbm>> -> memref<16x1024xf32, #tpu.memory_space<hbm>>
    %dma_start3A_1105 = arith.constant 0 : i32
    %dma_start3A_1106 = tpu.memref_slice %arg4[%dma_start3A_1101, %add3A_1100, %dma_start3A_1105] : memref<4x4096x1024xf32, #tpu.memory_space<hbm>> -> memref<1x16x1024xf32, #tpu.memory_space<hbm>>
    %dma_start3A_1107 = tpu.memref_squeeze %dma_start3A_1106 : memref<1x16x1024xf32, #tpu.memory_space<hbm>> -> memref<16x1024xf32, #tpu.memory_space<hbm>>
    tpu.enqueue_dma source(%arg8 : memref<16x1024xf32, #tpu.memory_space<vmem>>) target(%dma_start3A_1107 : memref<16x1024xf32, #tpu.memory_space<hbm>>) target_semaphore(%arg20 : memref<!tpu.dma_semaphore, #tpu.memory_space<semaphore_mem>>)
    %dma_wait3A_1108 = arith.constant 1 : i32
    %dma_wait3A_1109 = arith.constant 0 : i32
    %dma_wait3A_1110 = tpu.memref_slice %arg2[%dma_wait3A_1108, %add3A_1007, %dma_wait3A_1109] : memref<4x4096x1024xf32, #tpu.memory_space<hbm>> -> memref<1x16x1024xf32, #tpu.memory_space<hbm>>
    %dma_wait3A_1111 = tpu.memref_squeeze %dma_wait3A_1110 : memref<1x16x1024xf32, #tpu.memory_space<hbm>> -> memref<16x1024xf32, #tpu.memory_space<hbm>>
    %dma_wait3A_1112 = arith.constant 0 : i32
    %dma_wait3A_1113 = tpu.memref_slice %arg2[%dma_wait3A_1108, %add3A_1007, %dma_wait3A_1112] : memref<4x4096x1024xf32, #tpu.memory_space<hbm>> -> memref<1x16x1024xf32, #tpu.memory_space<hbm>>
    %dma_wait3A_1114 = tpu.memref_squeeze %dma_wait3A_1113 : memref<1x16x1024xf32, #tpu.memory_space<hbm>> -> memref<16x1024xf32, #tpu.memory_space<hbm>>
    tpu.wait_dma2 semaphore(%arg16 : memref<!tpu.dma_semaphore, #tpu.memory_space<semaphore_mem>>) src(%dma_wait3A_1114 : memref<16x1024xf32, #tpu.memory_space<hbm>>) dst(%arg9 : memref<16x1024xf32, #tpu.memory_space<vmem>>)
    %parallel_loop3A_1115 = arith.constant 0 : i32
    %parallel_loop3A_1116 = arith.constant 16384 : i32
    %parallel_loop3A_1117 = arith.constant 16 : i32
    scf.for %parallel_loop3A_1200 = %parallel_loop3A_1115 to %parallel_loop3A_1116 step %parallel_loop3A_1117  : i32 {
      %parallel_loop3A_1201 = arith.constant 10 : i32
      %parallel_loop3A_1202 = arith.shrui %parallel_loop3A_1200, %parallel_loop3A_1201 : i32
      %parallel_loop3A_1203 = arith.constant 1023 : i32
      %parallel_loop3A_1204 = arith.andi %parallel_loop3A_1200, %parallel_loop3A_1203 : i32
      %parallel_loop3A_1205 = tpu.assume_multiple %parallel_loop3A_1204, 16 : i32
      %parallel_loop3A_1206 = arith.index_cast %parallel_loop3A_1202 : i32 to index
      %parallel_loop3A_1207 = arith.index_cast %parallel_loop3A_1205 : i32 to index
      %parallel_loop3A_1208 = tpu.vector_load %arg11[%parallel_loop3A_1206, %parallel_loop3A_1207] {strides = array<i32>} : memref<16x1024xf32, #tpu.memory_space<vmem>>, vector<1x16xf32>,
      %parallel_loop3A_1209 = vector.shape_cast %parallel_loop3A_1208 : vector<1x16xf32> to vector<16xf32>
      %parallel_loop3A_1210 = arith.index_cast %parallel_loop3A_1202 : i32 to index
      %parallel_loop3A_1211 = arith.index_cast %parallel_loop3A_1205 : i32 to index
      %parallel_loop3A_1212 = tpu.vector_load %arg9[%parallel_loop3A_1210, %parallel_loop3A_1211] {strides = array<i32>} : memref<16x1024xf32, #tpu.memory_space<vmem>>, vector<1x16xf32>,
      %parallel_loop3A_1213 = vector.shape_cast %parallel_loop3A_1212 : vector<1x16xf32> to vector<16xf32>
      %parallel_loop3A_1214 = vector.shape_cast %parallel_loop3A_1209 : vector<16xf32> to vector<1x16xf32>
      tpu.vector_store %arg9[%parallel_loop3A_1210, %parallel_loop3A_1211], %parallel_loop3A_1214 {add = true, strides = array<i32>} : memref<16x1024xf32, #tpu.memory_space<vmem>>, vector<1x16xf32>,
    } {sc.loop_unroll_factor = 4 : i64, sc.parallel_access}
    %add3A_1118 = arith.constant 112 : i32
    %add3A_1119 = arith.addi %mul3A_2, %add3A_1118 : i32
    %dma_start3A_1120 = arith.constant 1 : i32
    %dma_start3A_1121 = arith.constant 0 : i32
    %dma_start3A_1122 = tpu.memref_slice %arg4[%dma_start3A_1120, %add3A_1119, %dma_start3A_1121] : memref<4x4096x1024xf32, #tpu.memory_space<hbm>> -> memref<1x16x1024xf32, #tpu.memory_space<hbm>>
    %dma_start3A_1123 = tpu.memref_squeeze %dma_start3A_1122 : memref<1x16x1024xf32, #tpu.memory_space<hbm>> -> memref<16x1024xf32, #tpu.memory_space<hbm>>
    %dma_start3A_1124 = arith.constant 0 : i32
    %dma_start3A_1125 = tpu.memref_slice %arg4[%dma_start3A_1120, %add3A_1119, %dma_start3A_1124] : memref<4x4096x1024xf32, #tpu.memory_space<hbm>> -> memref<1x16x1024xf32, #tpu.memory_space<hbm>>
    %dma_start3A_1126 = tpu.memref_squeeze %dma_start3A_1125 : memref<1x16x1024xf32, #tpu.memory_space<hbm>> -> memref<16x1024xf32, #tpu.memory_space<hbm>>
    tpu.enqueue_dma source(%arg9 : memref<16x1024xf32, #tpu.memory_space<vmem>>) target(%dma_start3A_1126 : memref<16x1024xf32, #tpu.memory_space<hbm>>) target_semaphore(%arg21 : memref<!tpu.dma_semaphore, #tpu.memory_space<semaphore_mem>>)
    %dma_wait3A_1127 = arith.constant 2 : i32
    %dma_wait3A_1128 = arith.constant 0 : i32
    %dma_wait3A_1129 = tpu.memref_slice %arg2[%dma_wait3A_1127, %add3A_1042, %dma_wait3A_1128] : memref<4x4096x1024xf32, #tpu.memory_space<hbm>> -> memref<1x16x1024xf32, #tpu.memory_space<hbm>>
    %dma_wait3A_1130 = tpu.memref_squeeze %dma_wait3A_1129 : memref<1x16x1024xf32, #tpu.memory_space<hbm>> -> memref<16x1024xf32, #tpu.memory_space<hbm>>
    %dma_wait3A_1131 = arith.constant 0 : i32
    %dma_wait3A_1132 = tpu.memref_slice %arg2[%dma_wait3A_1127, %add3A_1042, %dma_wait3A_1131] : memref<4x4096x1024xf32, #tpu.memory_space<hbm>> -> memref<1x16x1024xf32, #tpu.memory_space<hbm>>
    %dma_wait3A_1133 = tpu.memref_squeeze %dma_wait3A_1132 : memref<1x16x1024xf32, #tpu.memory_space<hbm>> -> memref<16x1024xf32, #tpu.memory_space<hbm>>
    tpu.wait_dma2 semaphore(%arg12 : memref<!tpu.dma_semaphore, #tpu.memory_space<semaphore_mem>>) src(%dma_wait3A_1133 : memref<16x1024xf32, #tpu.memory_space<hbm>>) dst(%arg5 : memref<16x1024xf32, #tpu.memory_space<vmem>>)
    %parallel_loop3A_1134 = arith.constant 0 : i32
    %parallel_loop3A_1135 = arith.constant 16384 : i32
    %parallel_loop3A_1136 = arith.constant 16 : i32
    scf.for %parallel_loop3A_1200 = %parallel_loop3A_1134 to %parallel_loop3A_1135 step %parallel_loop3A_1136  : i32 {
      %parallel_loop3A_1201 = arith.constant 10 : i32
      %parallel_loop3A_1202 = arith.shrui %parallel_loop3A_1200, %parallel_loop3A_1201 : i32
      %parallel_loop3A_1203 = arith.constant 1023 : i32
      %parallel_loop3A_1204 = arith.andi %parallel_loop3A_1200, %parallel_loop3A_1203 : i32
      %parallel_loop3A_1205 = tpu.assume_multiple %parallel_loop3A_1204, 16 : i32
      %parallel_loop3A_1206 = arith.index_cast %parallel_loop3A_1202 : i32 to index
      %parallel_loop3A_1207 = arith.index_cast %parallel_loop3A_1205 : i32 to index
      %parallel_loop3A_1208 = tpu.vector_load %arg11[%parallel_loop3A_1206, %parallel_loop3A_1207] {strides = array<i32>} : memref<16x1024xf32, #tpu.memory_space<vmem>>, vector<1x16xf32>,
      %parallel_loop3A_1209 = vector.shape_cast %parallel_loop3A_1208 : vector<1x16xf32> to vector<16xf32>
      %parallel_loop3A_1210 = arith.index_cast %parallel_loop3A_1202 : i32 to index
      %parallel_loop3A_1211 = arith.index_cast %parallel_loop3A_1205 : i32 to index
      %parallel_loop3A_1212 = tpu.vector_load %arg5[%parallel_loop3A_1210, %parallel_loop3A_1211] {strides = array<i32>} : memref<16x1024xf32, #tpu.memory_space<vmem>>, vector<1x16xf32>,
      %parallel_loop3A_1213 = vector.shape_cast %parallel_loop3A_1212 : vector<1x16xf32> to vector<16xf32>
      %parallel_loop3A_1214 = vector.shape_cast %parallel_loop3A_1209 : vector<16xf32> to vector<1x16xf32>
      tpu.vector_store %arg5[%parallel_loop3A_1210, %parallel_loop3A_1211], %parallel_loop3A_1214 {add = true, strides = array<i32>} : memref<16x1024xf32, #tpu.memory_space<vmem>>, vector<1x16xf32>,
    } {sc.loop_unroll_factor = 4 : i64, sc.parallel_access}
    %add3A_1137 = arith.constant 112 : i32
    %add3A_1138 = arith.addi %mul3A_2, %add3A_1137 : i32
    %dma_start3A_1139 = arith.constant 2 : i32
    %dma_start3A_1140 = arith.constant 0 : i32
    %dma_start3A_1141 = tpu.memref_slice %arg4[%dma_start3A_1139, %add3A_1138, %dma_start3A_1140] : memref<4x4096x1024xf32, #tpu.memory_space<hbm>> -> memref<1x16x1024xf32, #tpu.memory_space<hbm>>
    %dma_start3A_1142 = tpu.memref_squeeze %dma_start3A_1141 : memref<1x16x1024xf32, #tpu.memory_space<hbm>> -> memref<16x1024xf32, #tpu.memory_space<hbm>>
    %dma_start3A_1143 = arith.constant 0 : i32
    %dma_start3A_1144 = tpu.memref_slice %arg4[%dma_start3A_1139, %add3A_1138, %dma_start3A_1143] : memref<4x4096x1024xf32, #tpu.memory_space<hbm>> -> memref<1x16x1024xf32, #tpu.memory_space<hbm>>
    %dma_start3A_1145 = tpu.memref_squeeze %dma_start3A_1144 : memref<1x16x1024xf32, #tpu.memory_space<hbm>> -> memref<16x1024xf32, #tpu.memory_space<hbm>>
    tpu.enqueue_dma source(%arg5 : memref<16x1024xf32, #tpu.memory_space<vmem>>) target(%dma_start3A_1145 : memref<16x1024xf32, #tpu.memory_space<hbm>>) target_semaphore(%arg17 : memref<!tpu.dma_semaphore, #tpu.memory_space<semaphore_mem>>)
    %dma_wait3A_1146 = arith.constant 3 : i32
    %dma_wait3A_1147 = arith.constant 0 : i32
    %dma_wait3A_1148 = tpu.memref_slice %arg2[%dma_wait3A_1146, %add3A_1081, %dma_wait3A_1147] : memref<4x4096x1024xf32, #tpu.memory_space<hbm>> -> memref<1x16x1024xf32, #tpu.memory_space<hbm>>
    %dma_wait3A_1149 = tpu.memref_squeeze %dma_wait3A_1148 : memref<1x16x1024xf32, #tpu.memory_space<hbm>> -> memref<16x1024xf32, #tpu.memory_space<hbm>>
    %dma_wait3A_1150 = arith.constant 0 : i32
    %dma_wait3A_1151 = tpu.memref_slice %arg2[%dma_wait3A_1146, %add3A_1081, %dma_wait3A_1150] : memref<4x4096x1024xf32, #tpu.memory_space<hbm>> -> memref<1x16x1024xf32, #tpu.memory_space<hbm>>
    %dma_wait3A_1152 = tpu.memref_squeeze %dma_wait3A_1151 : memref<1x16x1024xf32, #tpu.memory_space<hbm>> -> memref<16x1024xf32, #tpu.memory_space<hbm>>
    tpu.wait_dma2 semaphore(%arg13 : memref<!tpu.dma_semaphore, #tpu.memory_space<semaphore_mem>>) src(%dma_wait3A_1152 : memref<16x1024xf32, #tpu.memory_space<hbm>>) dst(%arg6 : memref<16x1024xf32, #tpu.memory_space<vmem>>)
    %parallel_loop3A_1153 = arith.constant 0 : i32
    %parallel_loop3A_1154 = arith.constant 16384 : i32
    %parallel_loop3A_1155 = arith.constant 16 : i32
    scf.for %parallel_loop3A_1200 = %parallel_loop3A_1153 to %parallel_loop3A_1154 step %parallel_loop3A_1155  : i32 {
      %parallel_loop3A_1201 = arith.constant 10 : i32
      %parallel_loop3A_1202 = arith.shrui %parallel_loop3A_1200, %parallel_loop3A_1201 : i32
      %parallel_loop3A_1203 = arith.constant 1023 : i32
      %parallel_loop3A_1204 = arith.andi %parallel_loop3A_1200, %parallel_loop3A_1203 : i32
      %parallel_loop3A_1205 = tpu.assume_multiple %parallel_loop3A_1204, 16 : i32
      %parallel_loop3A_1206 = arith.index_cast %parallel_loop3A_1202 : i32 to index
      %parallel_loop3A_1207 = arith.index_cast %parallel_loop3A_1205 : i32 to index
      %parallel_loop3A_1208 = tpu.vector_load %arg11[%parallel_loop3A_1206, %parallel_loop3A_1207] {strides = array<i32>} : memref<16x1024xf32, #tpu.memory_space<vmem>>, vector<1x16xf32>,
      %parallel_loop3A_1209 = vector.shape_cast %parallel_loop3A_1208 : vector<1x16xf32> to vector<16xf32>
      %parallel_loop3A_1210 = arith.index_cast %parallel_loop3A_1202 : i32 to index
      %parallel_loop3A_1211 = arith.index_cast %parallel_loop3A_1205 : i32 to index
      %parallel_loop3A_1212 = tpu.vector_load %arg6[%parallel_loop3A_1210, %parallel_loop3A_1211] {strides = array<i32>} : memref<16x1024xf32, #tpu.memory_space<vmem>>, vector<1x16xf32>,
      %parallel_loop3A_1213 = vector.shape_cast %parallel_loop3A_1212 : vector<1x16xf32> to vector<16xf32>
      %parallel_loop3A_1214 = vector.shape_cast %parallel_loop3A_1209 : vector<16xf32> to vector<1x16xf32>
      tpu.vector_store %arg6[%parallel_loop3A_1210, %parallel_loop3A_1211], %parallel_loop3A_1214 {add = true, strides = array<i32>} : memref<16x1024xf32, #tpu.memory_space<vmem>>, vector<1x16xf32>,
    } {sc.loop_unroll_factor = 4 : i64, sc.parallel_access}
    %add3A_1156 = arith.constant 112 : i32
    %add3A_1157 = arith.addi %mul3A_2, %add3A_1156 : i32
    %dma_start3A_1158 = arith.constant 3 : i32
    %dma_start3A_1159 = arith.constant 0 : i32
    %dma_start3A_1160 = tpu.memref_slice %arg4[%dma_start3A_1158, %add3A_1157, %dma_start3A_1159] : memref<4x4096x1024xf32, #tpu.memory_space<hbm>> -> memref<1x16x1024xf32, #tpu.memory_space<hbm>>
    %dma_start3A_1161 = tpu.memref_squeeze %dma_start3A_1160 : memref<1x16x1024xf32, #tpu.memory_space<hbm>> -> memref<16x1024xf32, #tpu.memory_space<hbm>>
    %dma_start3A_1162 = arith.constant 0 : i32
    %dma_start3A_1163 = tpu.memref_slice %arg4[%dma_start3A_1158, %add3A_1157, %dma_start3A_1162] : memref<4x4096x1024xf32, #tpu.memory_space<hbm>> -> memref<1x16x1024xf32, #tpu.memory_space<hbm>>
    %dma_start3A_1164 = tpu.memref_squeeze %dma_start3A_1163 : memref<1x16x1024xf32, #tpu.memory_space<hbm>> -> memref<16x1024xf32, #tpu.memory_space<hbm>>
    tpu.enqueue_dma source(%arg6 : memref<16x1024xf32, #tpu.memory_space<vmem>>) target(%dma_start3A_1164 : memref<16x1024xf32, #tpu.memory_space<hbm>>) target_semaphore(%arg18 : memref<!tpu.dma_semaphore, #tpu.memory_space<semaphore_mem>>)
    %dma_wait3A_1165 = arith.constant 3 : i32
    %dma_wait3A_1166 = arith.constant 0 : i32
    %dma_wait3A_1167 = tpu.memref_slice %arg4[%dma_wait3A_1165, %add3A_1061, %dma_wait3A_1166] : memref<4x4096x1024xf32, #tpu.memory_space<hbm>> -> memref<1x16x1024xf32, #tpu.memory_space<hbm>>
    %dma_wait3A_1168 = tpu.memref_squeeze %dma_wait3A_1167 : memref<1x16x1024xf32, #tpu.memory_space<hbm>> -> memref<16x1024xf32, #tpu.memory_space<hbm>>
    %dma_wait3A_1169 = arith.constant 0 : i32
    %dma_wait3A_1170 = tpu.memref_slice %arg4[%dma_wait3A_1165, %add3A_1061, %dma_wait3A_1169] : memref<4x4096x1024xf32, #tpu.memory_space<hbm>> -> memref<1x16x1024xf32, #tpu.memory_space<hbm>>
    %dma_wait3A_1171 = tpu.memref_squeeze %dma_wait3A_1170 : memref<1x16x1024xf32, #tpu.memory_space<hbm>> -> memref<16x1024xf32, #tpu.memory_space<hbm>>
    tpu.wait_dma2 semaphore(%arg19 : memref<!tpu.dma_semaphore, #tpu.memory_space<semaphore_mem>>) src(%arg7 : memref<16x1024xf32, #tpu.memory_space<vmem>>) dst(%dma_wait3A_1171 : memref<16x1024xf32, #tpu.memory_space<hbm>>)
    %dma_wait3A_1172 = arith.constant 0 : i32
    %dma_wait3A_1173 = arith.constant 0 : i32
    %dma_wait3A_1174 = tpu.memref_slice %arg4[%dma_wait3A_1172, %add3A_1100, %dma_wait3A_1173] : memref<4x4096x1024xf32, #tpu.memory_space<hbm>> -> memref<1x16x1024xf32, #tpu.memory_space<hbm>>
    %dma_wait3A_1175 = tpu.memref_squeeze %dma_wait3A_1174 : memref<1x16x1024xf32, #tpu.memory_space<hbm>> -> memref<16x1024xf32, #tpu.memory_space<hbm>>
    %dma_wait3A_1176 = arith.constant 0 : i32
    %dma_wait3A_1177 = tpu.memref_slice %arg4[%dma_wait3A_1172, %add3A_1100, %dma_wait3A_1176] : memref<4x4096x1024xf32, #tpu.memory_space<hbm>> -> memref<1x16x1024xf32, #tpu.memory_space<hbm>>
    %dma_wait3A_1178 = tpu.memref_squeeze %dma_wait3A_1177 : memref<1x16x1024xf32, #tpu.memory_space<hbm>> -> memref<16x1024xf32, #tpu.memory_space<hbm>>
    tpu.wait_dma2 semaphore(%arg20 : memref<!tpu.dma_semaphore, #tpu.memory_space<semaphore_mem>>) src(%arg8 : memref<16x1024xf32, #tpu.memory_space<vmem>>) dst(%dma_wait3A_1178 : memref<16x1024xf32, #tpu.memory_space<hbm>>)
    %dma_wait3A_1179 = arith.constant 1 : i32
    %dma_wait3A_1180 = arith.constant 0 : i32
    %dma_wait3A_1181 = tpu.memref_slice %arg4[%dma_wait3A_1179, %add3A_1119, %dma_wait3A_1180] : memref<4x4096x1024xf32, #tpu.memory_space<hbm>> -> memref<1x16x1024xf32, #tpu.memory_space<hbm>>
    %dma_wait3A_1182 = tpu.memref_squeeze %dma_wait3A_1181 : memref<1x16x1024xf32, #tpu.memory_space<hbm>> -> memref<16x1024xf32, #tpu.memory_space<hbm>>
    %dma_wait3A_1183 = arith.constant 0 : i32
    %dma_wait3A_1184 = tpu.memref_slice %arg4[%dma_wait3A_1179, %add3A_1119, %dma_wait3A_1183] : memref<4x4096x1024xf32, #tpu.memory_space<hbm>> -> memref<1x16x1024xf32, #tpu.memory_space<hbm>>
    %dma_wait3A_1185 = tpu.memref_squeeze %dma_wait3A_1184 : memref<1x16x1024xf32, #tpu.memory_space<hbm>> -> memref<16x1024xf32, #tpu.memory_space<hbm>>
    tpu.wait_dma2 semaphore(%arg21 : memref<!tpu.dma_semaphore, #tpu.memory_space<semaphore_mem>>) src(%arg9 : memref<16x1024xf32, #tpu.memory_space<vmem>>) dst(%dma_wait3A_1185 : memref<16x1024xf32, #tpu.memory_space<hbm>>)
    %dma_wait3A_1186 = arith.constant 2 : i32
    %dma_wait3A_1187 = arith.constant 0 : i32
    %dma_wait3A_1188 = tpu.memref_slice %arg4[%dma_wait3A_1186, %add3A_1138, %dma_wait3A_1187] : memref<4x4096x1024xf32, #tpu.memory_space<hbm>> -> memref<1x16x1024xf32, #tpu.memory_space<hbm>>
    %dma_wait3A_1189 = tpu.memref_squeeze %dma_wait3A_1188 : memref<1x16x1024xf32, #tpu.memory_space<hbm>> -> memref<16x1024xf32, #tpu.memory_space<hbm>>
    %dma_wait3A_1190 = arith.constant 0 : i32
    %dma_wait3A_1191 = tpu.memref_slice %arg4[%dma_wait3A_1186, %add3A_1138, %dma_wait3A_1190] : memref<4x4096x1024xf32, #tpu.memory_space<hbm>> -> memref<1x16x1024xf32, #tpu.memory_space<hbm>>
    %dma_wait3A_1192 = tpu.memref_squeeze %dma_wait3A_1191 : memref<1x16x1024xf32, #tpu.memory_space<hbm>> -> memref<16x1024xf32, #tpu.memory_space<hbm>>
    tpu.wait_dma2 semaphore(%arg17 : memref<!tpu.dma_semaphore, #tpu.memory_space<semaphore_mem>>) src(%arg5 : memref<16x1024xf32, #tpu.memory_space<vmem>>) dst(%dma_wait3A_1192 : memref<16x1024xf32, #tpu.memory_space<hbm>>)
    %dma_wait3A_1193 = arith.constant 3 : i32
    %dma_wait3A_1194 = arith.constant 0 : i32
    %dma_wait3A_1195 = tpu.memref_slice %arg4[%dma_wait3A_1193, %add3A_1157, %dma_wait3A_1194] : memref<4x4096x1024xf32, #tpu.memory_space<hbm>> -> memref<1x16x1024xf32, #tpu.memory_space<hbm>>
    %dma_wait3A_1196 = tpu.memref_squeeze %dma_wait3A_1195 : memref<1x16x1024xf32, #tpu.memory_space<hbm>> -> memref<16x1024xf32, #tpu.memory_space<hbm>>
    %dma_wait3A_1197 = arith.constant 0 : i32
    %dma_wait3A_1198 = tpu.memref_slice %arg4[%dma_wait3A_1193, %add3A_1157, %dma_wait3A_1197] : memref<4x4096x1024xf32, #tpu.memory_space<hbm>> -> memref<1x16x1024xf32, #tpu.memory_space<hbm>>
    %dma_wait3A_1199 = tpu.memref_squeeze %dma_wait3A_1198 : memref<1x16x1024xf32, #tpu.memory_space<hbm>> -> memref<16x1024xf32, #tpu.memory_space<hbm>>
    tpu.wait_dma2 semaphore(%arg18 : memref<!tpu.dma_semaphore, #tpu.memory_space<semaphore_mem>>) src(%arg6 : memref<16x1024xf32, #tpu.memory_space<vmem>>) dst(%dma_wait3A_1199 : memref<16x1024xf32, #tpu.memory_space<hbm>>)
    return
  }
}

</mosaic_0001>

<sc_bundles>
// kernel: kernel.3.cloned.1.call-start
scs
__scs_entry_jumppad:
0x0: {  	(pc) =	sbr.rel $0x88, $3  }
0x1: {  	(tag) =	ssettag $0x0;
	lr =	simm.s32 $0x1  }
0x2: {  	[smem:$0x3F9F] =	sst lr;
	_ =	strace $0xD0000000  }
0x3: {  	_ = 	snop  }
0x4: {  	_ = 	snop  }
0x5: {  	_ = 	snop  }
0x6: {  	_ = 	snop  }
0x7: {  	_ = 	snop  }
__scs_overlays_trampoline_lowered:
0x8: {  	[smem:$0x3FAE] =	sst s0  }
0x9: {  	[smem:$0x3FAF] =	sst s1  }
0xa: {  	[smem:$0x3FB0] =	sst s2  }
0xb: {  	[smem:$0x3FB1] =	sst s3  }
0xc: {  	[smem:$0x3FB2] =	sst s4  }
0xd: {  	[smem:$0x3FB3] =	sst s5  }
0xe: {  	[smem:$0x3FB4] =	sst s6  }
0xf: {  	[smem:$0x3FB5] =	sst s7  }
0x10: {  	[smem:$0x3FB6] =	sst s8  }
0x11: {  	[smem:$0x3FB7] =	sst s9;
	s0 =	simm.s32 @!p0 $0x0  }
0x12: {  	s1 =	sld [smem:$0x3F9D];
	s0 =	simm.s32 @p0 $0x1  }
0x13: {  	[smem:$0x3FB8] =	sst s0;
	s0 =	simm.s32 @!p1 $0x0  }
0x14: {  	s2 =	sld [smem:$0x3F9C];
	s0 =	simm.s32 @p1 $0x1  }
0x15: {  	[smem:$0x3FB9] =	sst s0;
	s0 =	simm.s32 @!p2 $0x0  }
0x16: {  	s3 =	sld [smem:$0x3FDB];
	s0 =	simm.s32 @p2 $0x1  }
0x17: {  	s4 =	simm.s32 $0x1BF5;
	[smem:$0x3FBB] =	sst s0  }
0x18: {  	s0 =	sld [smem:$0x3F9E];
	_ =	swait.ge [sflag:s4], $0x0  }
0x19: {  	s7 =	sld [smem:$0x3F9F]  }
0x1a: {  	s8 =	sadd.s32 $0xFFFFE003, lr  }
0x1b: {  	s9 =	sadd.s32 $0xFFFFFEF7, lr;
	s5 =	simm.s32 $0xFFFFFFFF;
	p2 =	slt.u32 s8, $0xFFFFF086  }
0x1c: {  	p1 =	slt.u32 s9, $0xF7A;
	s5 =	simm.s32 @!p2 $0x0  }
0x1d: {  	s5 =	simm.s32 @p1 $0x1;
	p0 =	seq.s32 s7, s2  }
0x1e: {  	s7 =	smul.u32 @!p0 $0xF7A, s2;
	p2 =	seq.s32 @!p0 s5, $0x0  }
0x1f: {  	s9 =	smul.u32 $0xF7A, s1;
	s8 =	simm.s32 @!p0 $0x1BF5;
	p2 =	por !p2, p0  }
0x20: {  	[sflag:s8] =	ssyncset.s32 @!p0 $0xFFFFF086;
	s6 =	sadd.s32 @!p0 s3, s7;
	s7 =	simm.s32 @!p0 $0x108  }
0x21: {  	s3 =	sadd.s32 s3, s9;
	s6 =	sadd.s32 @!p0 $0x88, s6;
	s7 =	simm.s32 @p2 $0x1082  }
0x22: {  	[simem:s7], [sflag:s8] =	dma.local @!p0 [hbm:s6], $0xF7A  }
0x23: {  	s9 =	sor.u32 $0xD0000000, s2;
	s6 =	simm.s32 $0x108;
	_ =	swait.ge @!p0 [sflag:s8], $0x0  }
0x24: {  	s3 =	sadd.s32 $0x88, s3;
	s6 =	simm.s32 @!p1 $0x1082;
	[sflag:s4] =	ssyncset.s32 $0xFFFFF086  }
0x25: {  	[simem:s6], [sflag:s4] =	dma.local [hbm:s3], $0xF7A  }
0x26: {  	[smem:$0x3F9F] =	sst s1;
	(tag) =	ssettag s2;
	_ =	strace s9  }
0x27: {  	s1 =	sld [smem:$0x3FAF]  }
0x28: {  	s2 =	sld [smem:$0x3FB0]  }
0x29: {  	s4 =	sld [smem:$0x3FB2]  }
0x2a: {  	p0 =	seq.s32 s5, $0x0;
	s5 =	sld [smem:$0x3FB3]  }
0x2b: {  	s6 =	sld [smem:$0x3FB4]  }
0x2c: {  	s7 =	sld [smem:$0x3FB5]  }
0x2d: {  	s3 =	simm.s32 $0x108;
	s8 =	sld [smem:$0x3FB6]  }
0x2e: {  	s3 =	simm.s32 @!p0 $0x1082;
	s9 =	sld [smem:$0x3FB7]  }
0x2f: {  	lr =	sadd.s32 s0, s3;
	s0 =	sld [smem:$0x3FAE]  }
0x30: {  	s3 =	sld [smem:$0x3FB1]  }
0x31: {  	[smem:$0x3FBA] =	sst s10  }
0x32: {  	s10 =	sld [smem:$0x3FB8];
	_ =	sdelay $0x3  }
0x33: {  	p0 =	seq.s32 s10, $0x1;
	s10 =	sld [smem:$0x3FBA];
	_ =	sdelay $0x3  }
0x34: {  	[smem:$0x3FBA] =	sst s10  }
0x35: {  	s10 =	sld [smem:$0x3FB9];
	_ =	sdelay $0x3  }
0x36: {  	p1 =	seq.s32 s10, $0x1;
	s10 =	sld [smem:$0x3FBA];
	_ =	sdelay $0x3  }
0x37: {  	[smem:$0x3FBA] =	sst s10  }
0x38: {  	s10 =	sld [smem:$0x3FBB]  }
0x39: {  	_ = 	snop;
	(pc) =	sbr.ind lr, $3  }
0x3a: {  	_ = 	snop  }
0x3b: {  	_ = 	snop  }
0x3c: {  	p2 =	seq.s32 s10, $0x1;
	s10 =	sld [smem:$0x3FBA]  }
0x3d: {  	_ =	shalt  }
0x3e: {  	_ =	shalt  }
0x3f: {  	_ =	shalt  }
0x40: {  	_ =	shalt  }
0x41: {  	_ =	shalt  }
0x42: {  	_ =	shalt  }
0x43: {  	_ =	shalt  }
0x44: {  	_ =	shalt  }
0x45: {  	_ =	shalt  }
0x46: {  	_ =	shalt  }
0x47: {  	_ =	shalt  }
0x48: {  	_ =	shalt  }
0x49: {  	_ =	shalt  }
0x4a: {  	_ =	shalt  }
0x4b: {  	_ =	shalt  }
0x4c: {  	_ =	shalt  }
0x4d: {  	_ =	shalt  }
0x4e: {  	_ =	shalt  }
0x4f: {  	_ =	shalt  }
0x50: {  	_ =	shalt  }
0x51: {  	_ =	shalt  }
0x52: {  	_ =	shalt  }
0x53: {  	_ =	shalt  }
0x54: {  	_ =	shalt  }
0x55: {  	_ =	shalt  }
0x56: {  	_ =	shalt  }
0x57: {  	_ =	shalt  }
0x58: {  	_ =	shalt  }
0x59: {  	_ =	shalt  }
0x5a: {  	_ =	shalt  }
0x5b: {  	_ =	shalt  }
0x5c: {  	_ =	shalt  }
0x5d: {  	_ =	shalt  }
0x5e: {  	_ =	shalt  }
0x5f: {  	_ =	shalt  }
0x60: {  	_ =	shalt  }
0x61: {  	_ =	shalt  }
0x62: {  	_ =	shalt  }
0x63: {  	_ =	shalt  }
0x64: {  	_ =	shalt  }
0x65: {  	_ =	shalt  }
0x66: {  	_ =	shalt  }
0x67: {  	_ =	shalt  }
0x68: {  	_ =	shalt  }
0x69: {  	_ =	shalt  }
0x6a: {  	_ =	shalt  }
0x6b: {  	_ =	shalt  }
0x6c: {  	_ =	shalt  }
0x6d: {  	_ =	shalt  }
0x6e: {  	_ =	shalt  }
0x6f: {  	_ =	shalt  }
0x70: {  	_ =	shalt  }
0x71: {  	_ =	shalt  }
0x72: {  	_ =	shalt  }
0x73: {  	_ =	shalt  }
0x74: {  	_ =	shalt  }
0x75: {  	_ =	shalt  }
0x76: {  	_ =	shalt  }
0x77: {  	_ =	shalt  }
0x78: {  	_ =	shalt  }
0x79: {  	_ =	shalt  }
0x7a: {  	_ =	shalt  }
0x7b: {  	_ =	shalt  }
0x7c: {  	_ =	shalt  }
0x7d: {  	_ =	shalt  }
0x7e: {  	_ =	shalt  }
0x7f: {  	_ =	shalt  }
0x80: {  	_ =	shalt  }
0x81: {  	_ =	shalt  }
0x82: {  	_ =	shalt  }
0x83: {  	_ =	shalt  }
0x84: {  	_ =	shalt  }
0x85: {  	_ =	shalt  }
0x86: {  	_ =	shalt  }
0x87: {  	_ =	shalt  }
.Lfunc_end0:
.L_simem_size_0:
called_computation_lowered:
.L_overlay_start_0:
0x88: {  	s2 =	sld [smem:$0x3FD9]  }
0x89: {  	s3 =	sld [smem:$0x3FFE];
	_ =	sdelay $0x1  }
0x8a: {  	s1 =	srdreg.scid  }
0x8b: {  	s0 =	sand.u32 $0x1, s1  }
0x8c: {  	s18 =	sshll.u32 s0, $0xA;
	s2 =	sadd.s32 s3, s2  }
0x8d: {  	s2 =	sadd.s32 s2, s18  }
0x8e: {  	[smem:$0x3FC6] =	sst s2  }
0x8f: {  	_ = 	snop  }
0x90: {  	s2 =	sld [smem:$0x3FC9]  }
0x91: {  	s19 =	sld [smem:$0x3FC8]  }
0x92: {  	s4 =	sld [smem:$0x3FD0];
	(tm) =	ssettm $0x1  }
0x93: {  	s5 =	sld [smem:$0x3FFB];
	_ =	sdelay $0x3  }
0x94: {  	_ =	strace s5  }
0x95: {  	s5 =	sld [smem:$0x3FFC];
	_ =	sdelay $0x3  }
0x96: {  	_ =	strace s5  }
0x97: {  	s5 =	sld [smem:$0x3FFD];
	_ =	sdelay $0x3  }
0x98: {  	_ =	strace s5  }
0x99: {  	_ =	strace $0x8FFFFFFF  }
0x9a: {  	s20 =	sld [smem:$0x3FDB];
	_ =	sdelay $0x1  }
0x9b: {  	s6 =	simm.s32 $_scs_section_size  }
0x9c: {  	s7 =	simm.s32 $_size__tile_overlayer_lowered;
	s8 =	simm.s32 $_tile_overlayer_lowered  }
0x9d: {  	s23 =	simm.s32 $0x1BFF;
	s22 =	sshll.u32 s8, $0x1;
	s5 =	sadd.s32 s6, s20  }
0x9e: {  	s9 =	simm.s32 $0x0;
	s21 =	sshll.u32 s7, $0x1;
	s7 =	sadd.s32 s22, s5  }
0x9f: {  	[timem:s9], [sflag:s23] =	dma.local [hbm:s7], s21  }
0xa0: {  	_ =	swait.ge [sflag:s23], s21  }
0xa1: {  	s6 =	ssub.s32 $0x0, s21;
	[sflag:s23] =	ssyncset.done $0x0  }
0xa2: {  	[sflag:s23] =	ssyncadd.s32 s6;
	_ =	sdelay $0x1  }
0xa3: {  	s24 =	simm.s32 $0x1B8B  }
0xa4: {  	_ =	swait.ge [sflag:s24], $0x1  }
0xa5: {  	[sflag:s24] =	ssyncset.done $0x0  }
0xa6: {  	s25 =	simm.s32 $0x1B8E;
	[sflag:s24] =	ssyncadd.s32 $0xFFFFFFFF  }
0xa7: {  	s26 =	simm.s32 $execute0_lowered;
	[smem:$0x3FD2] =	sst s25  }
0xa8: {  	s6 =	sshll.u32 s26, $0x1;
	_ =	strace $0x80000046;
	[dreg:$0x1] =	wrdreg $0xFFFFFFFF  }
0xa9: {  	s28 =	simm.s32 $_size_execute0_lowered;
	s5 =	sadd.s32 s5, s6;
	[dreg:$0x0] =	wrdreg $0x0  }
0xaa: {  	s6 =	sshll.u32 s28, $0x1;
	[dreg:$0x2] =	wrdreg s5  }
0xab: {  	[dreg:$0x3] =	wrdreg s6  }
0xac: {  	[dreg:$0x4] =	wrdreg $0xC0  }
0xad: {  	_ =	task [dreg:s9], $0x5FFFF  }
0xae: {  	[dreg:$0x1] =	wrdreg $0xFFFFFFFF  }
0xaf: {  	[dreg:$0x0] =	wrdreg $0x60  }
0xb0: {  	[dreg:$0x2] =	wrdreg s2  }
0xb1: {  	[dreg:$0x3] =	wrdreg s19  }
0xb2: {  	[dreg:$0x4] =	wrdreg s4  }
0xb3: {  	[dreg:$0x5] =	wrdreg $0x9  }
0xb4: {  	_ =	task.clear_ibuf [dreg:s9], $0x6FFFF;
	_ =	strace $0x90000046  }
0xb5: {  	s29 =	simm.s32 $0x9;
	_ =	strace $0x80000048  }
0xb6: {  	_ =	swait.ge [sflag:s29], $0x1  }
0xb7: {  	[sflag:s29] =	ssyncadd.s32 $0xFFFFFFFF  }
0xb8: {  	_ =	strace $0x90000048  }
0xb9: {  	_ =	sfence  }
0xba: {  	s30 =	sld [smem:$0x0];
	_ =	sdelay $0x2  }
0xbb: {  	s31 =	sshll.u32 s1, $0xD;
	s1 =	sshrl.u32 s1, $0x2  }
0xbc: {  	s3 =	sand.u32 $0x4000, s31;
	s1 =	sadd.s32 s1, s30  }
0xbd: {  	s0 =	sor.u32 s3, s0;
	s1 =	sshll.u32 s1, $0x11  }
0xbe: {  	s0 =	sor.u32 s1, s0  }
0xbf: {  	s0 =	sadd.s32 $0x8F2B, s0  }
0xc0: {  	[sflag:s0] =	ssyncadd.remote.s32 $0x1  }
0xc1: {  	_ =	sfence.sel $0xFFFF  }
0xc2: {  	[dreg:$0x0] =	wrdreg $0xFFFFFFFF;
	(pc) =	sbr.abs _section_cstart, $3  }
0xc3: {  	[dreg:$0x1] =	wrdreg $0xFFFFFFFF  }
0xc4: {  	_ =	task.clear_ibuf [dreg:s9], $0x2FFFF;
	_ =	strace $0x9FFFFFFF  }
0xc5: {  	(tm) =	ssettm $0x7FFFFFFF  }
tec
execute0_lowered:
.L_overlay_start_1:
0x0: {  	(tag) =	ssettag $0x1  }
0x1: {  	s1 =	srdreg.scid  }
0x2: {  	s0 =	rddreg [dreg:$0x0];
	s2 =	stileid.u32;
	s1 =	sand.u32 $0x1, s1  }
0x3: {  	s4 =	rddreg [dreg:$0x1];
	s3 =	sshll.u32 s2, $0xF;
	s5 =	sshll.u32 s1, $0xE  }
0x4: {  	s2 =	rddreg [dreg:$0x2];
	s6 =	sor.u32 s5, s3  }
0x5: {  	s7 =	ssub.s32 $0x2, s1;
	s1 =	simm.s32 $0x0;
	s5 =	sor.u32 $0x80000, s6  }
0x6: {  	[smem:$0x7FF] =	sst s1;
	s26 =	sor.u32 $0x100000, s6;
	s25 =	sadd.s32 s0, s5  }
0x7: {  	s8 =	sor.u32 $0x800, s6;
	s10 =	sadd.s32 s0, s26;
	[dreg:$0x4] =	wrdreg s25  }
0x8: {  	s9 =	sor.u32 $0x180000, s6;
	s11 =	sadd.s32 s4, s8;
	[dreg:$0x5] =	wrdreg s10  }
0x9: {  	s12 =	sadd.s32 s0, s9;
	[dreg:$0x6] =	wrdreg s11  }
0xa: {  	s24 =	sshrl.u32 s7, $0x1;
	s13 =	sadd.s32 s0, s8;
	[dreg:$0x7] =	wrdreg s12  }
0xb: {  	s14 =	sor.u32 $0x80800, s6;
	s5 =	sadd.s32 s2, s5;
	[dreg:$0x8] =	wrdreg s13  }
0xc: {  	s3 =	ssub.s32 s7, s24;
	s15 =	sadd.s32 s0, s14;
	[dreg:$0x9] =	wrdreg s5  }
0xd: {  	s16 =	sor.u32 $0x100800, s6;
	s7 =	sadd.s32 s2, s26;
	[dreg:$0xa] =	wrdreg s15  }
0xe: {  	s17 =	sadd.s32 s0, s16;
	[dreg:$0xb] =	wrdreg s7  }
0xf: {  	s18 =	sor.u32 $0x1000, s6;
	s9 =	sadd.s32 s2, s9;
	[dreg:$0xc] =	wrdreg s17  }
0x10: {  	s19 =	sadd.s32 s4, s18;
	[dreg:$0xd] =	wrdreg s9  }
0x11: {  	s8 =	sadd.s32 s2, s8;
	[dreg:$0xe] =	wrdreg s19  }
0x12: {  	s21 =	sadd.s32 s0, s18;
	[dreg:$0x10] =	wrdreg s8  }
0x13: {  	s24 =	sadd.s32 s2, s18;
	[dreg:$0x11] =	wrdreg s21  }
0x14: {  	s5 =	sadd.s32 s2, s14;
	[dreg:$0x15] =	wrdreg s24  }
0x15: {  	s22 =	sor.u32 $0x81000, s6;
	s7 =	sadd.s32 s2, s16;
	[dreg:$0x12] =	wrdreg s5  }
0x16: {  	s26 =	sor.u32 $0x101000, s6;
	s25 =	sadd.s32 s0, s22;
	[dreg:$0x13] =	wrdreg s7  }
0x17: {  	s11 =	sor.u32 $0x180800, s6;
	s8 =	sadd.s32 s0, s26;
	[dreg:$0x16] =	wrdreg s25  }
0x18: {  	s20 =	sadd.s32 s0, s11;
	[dreg:$0x18] =	wrdreg s8  }
0x19: {  	s23 =	sadd.s32 s2, s11;
	[dreg:$0xf] =	wrdreg s20  }
0x1a: {  	s5 =	sadd.s32 s2, s22;
	[dreg:$0x14] =	wrdreg s23  }
0x1b: {  	s9 =	sor.u32 $0x181000, s6;
	s7 =	sadd.s32 s2, s26;
	[dreg:$0x17] =	wrdreg s5  }
0x1c: {  	s10 =	sor.u32 $0x1800, s6;
	s11 =	sadd.s32 s0, s9;
	[dreg:$0x19] =	wrdreg s7  }
0x1d: {  	s12 =	sadd.s32 s4, s10;
	[dreg:$0x1a] =	wrdreg s11  }
0x1e: {  	s13 =	sadd.s32 s0, s10;
	[dreg:$0x1c] =	wrdreg s12  }
0x1f: {  	s15 =	sor.u32 $0x81800, s6;
	s14 =	sadd.s32 s2, s10;
	[dreg:$0x1d] =	wrdreg s13  }
0x20: {  	s16 =	sor.u32 $0x101800, s6;
	s17 =	sadd.s32 s0, s15;
	[dreg:$0x1e] =	wrdreg s14  }
0x21: {  	s18 =	sadd.s32 s0, s16;
	[dreg:$0x1f] =	wrdreg s17  }
0x22: {  	s21 =	sor.u32 $0x181800, s6;
	s19 =	sadd.s32 s2, s16;
	[smem:$0x7D3] =	sst s18  }
0x23: {  	s22 =	sadd.s32 s0, s21;
	[smem:$0x7D4] =	sst s19  }
0x24: {  	s5 =	sadd.s32 s2, s9;
	[smem:$0x7D5] =	sst s22  }
0x25: {  	s25 =	sor.u32 $0x82000, s6;
	s7 =	sadd.s32 s2, s21;
	[dreg:$0x1b] =	wrdreg s5  }
0x26: {  	s8 =	sor.u32 $0x102000, s6;
	s26 =	sadd.s32 s0, s25;
	[smem:$0x7D6] =	sst s7  }
0x27: {  	s10 =	sor.u32 $0x182000, s6;
	s9 =	sadd.s32 s0, s8;
	[smem:$0x7DA] =	sst s26  }
0x28: {  	s11 =	sadd.s32 s0, s10;
	[smem:$0x7DC] =	sst s9  }
0x29: {  	s22 =	sadd.s32 s4, s6;
	[smem:$0x7DE] =	sst s11  }
0x2a: {  	s20 =	sor.u32 $0x2000, s6;
	s5 =	sadd.s32 s2, s15;
	[smem:$0x7E9] =	sst s22  }
0x2b: {  	s23 =	sadd.s32 s4, s20;
	[smem:$0x7D2] =	sst s5  }
0x2c: {  	s12 =	sor.u32 $0x2800, s6;
	s24 =	sadd.s32 s0, s20;
	[smem:$0x7D7] =	sst s23  }
0x2d: {  	s13 =	sadd.s32 s4, s12;
	[smem:$0x7D8] =	sst s24  }
0x2e: {  	s17 =	sor.u32 $0x102800, s6;
	s14 =	sadd.s32 s0, s12;
	[smem:$0x7E0] =	sst s13  }
0x2f: {  	s19 =	sor.u32 $0x182800, s6;
	s18 =	sadd.s32 s0, s17;
	[smem:$0x7E1] =	sst s14  }
0x30: {  	s21 =	sadd.s32 s2, s19;
	[smem:$0x7E5] =	sst s18  }
0x31: {  	s15 =	sor.u32 $0x82800, s6;
	s5 =	sadd.s32 s2, s20;
	[smem:$0x7E8] =	sst s21  }
0x32: {  	s16 =	sadd.s32 s0, s15;
	[smem:$0x7D9] =	sst s5  }
0x33: {  	s7 =	sadd.s32 s2, s15;
	[smem:$0x7E3] =	sst s16  }
0x34: {  	s11 =	sor.u32 $0x103000, s6;
	s20 =	sadd.s32 s0, s19;
	[smem:$0x7E4] =	sst s7  }
0x35: {  	s13 =	sadd.s32 s0, s11;
	[smem:$0x7E7] =	sst s20  }
0x36: {  	s18 =	sadd.s32 s2, s6;
	[smem:$0x7F0] =	sst s13  }
0x37: {  	s23 =	sor.u32 $0x3000, s6;
	s5 =	sadd.s32 s2, s25;
	[smem:$0x7F5] =	sst s18  }
0x38: {  	s24 =	sor.u32 $0x3800, s6;
	s25 =	sadd.s32 s4, s23;
	[smem:$0x7DB] =	sst s5  }
0x39: {  	s4 =	sadd.s32 s4, s24;
	[smem:$0x7EA] =	sst s25  }
0x3a: {  	s9 =	sadd.s32 s0, s23;
	[smem:$0x7EB] =	sst s4  }
0x3b: {  	s16 =	sadd.s32 s0, s6;
	[smem:$0x7EC] =	sst s9  }
0x3c: {  	s19 =	sor.u32 $0x103800, s6;
	s20 =	sadd.s32 s0, s24;
	[smem:$0x7F4] =	sst s16  }
0x3d: {  	s28 =	simm.s32 $0x4;
	s22 =	sadd.s32 s0, s19;
	[smem:$0x7F6] =	sst s20  }
0x3e: {  	s26 =	sor.u32 $0x83000, s6;
	s5 =	sadd.s32 s2, s8;
	[smem:$0x7F8] =	sst s22  }
0x3f: {  	s29 =	simm.s32 $0xC;
	s4 =	sadd.s32 s2, s26;
	[smem:$0x7DD] =	sst s5  }
0x40: {  	s30 =	simm.s32 $0x8;
	s25 =	sadd.s32 s2, s19;
	[smem:$0x7EF] =	sst s4  }
0x41: {  	s31 =	simm.s32 $0x5;
	s5 =	sadd.s32 s2, s10;
	[smem:$0x7FC] =	sst s25  }
0x42: {  	s18 =	simm.s32 $0x18000;
	s10 =	sadd.s32 s0, s26;
	[smem:$0x7DF] =	sst s5  }
0x43: {  	s16 =	simm.s32 $0x4000;
	s4 =	sadd.s32 s2, s11;
	[smem:$0x7EE] =	sst s10  }
0x44: {  	s19 =	simm.s32 $0xB;
	s5 =	sadd.s32 s2, s12;
	[smem:$0x7F1] =	sst s4  }
0x45: {  	s12 =	sor.u32 $0x183000, s6;
	[smem:$0x7E2] =	sst s5;
	s5 =	sadd.s32 s2, s17  }
0x46: {  	s20 =	simm.s32 $0xC000;
	s14 =	sadd.s32 s0, s12;
	[smem:$0x7E6] =	sst s5  }
0x47: {  	s22 =	simm.s32 $0x10000;
	s15 =	sadd.s32 s2, s12;
	[smem:$0x7F2] =	sst s14  }
0x48: {  	s17 =	sor.u32 $0x83800, s6;
	s5 =	sadd.s32 s2, s23;
	[smem:$0x7F3] =	sst s15  }
0x49: {  	s6 =	sor.u32 $0x183800, s6;
	s21 =	sadd.s32 s0, s17;
	[smem:$0x7ED] =	sst s5  }
0x4a: {  	s25 =	simm.s32 $0x3;
	s0 =	sadd.s32 s0, s6;
	[smem:$0x7F7] =	sst s21  }
0x4b: {  	s23 =	sadd.s32 s2, s24;
	s24 =	sadd.s32 s2, s17;
	[smem:$0x7F9] =	sst s0  }
0x4c: {  	s26 =	sadd.s32 s2, s6;
	s14 =	smax.u32 s3, $0x1;
	[smem:$0x7FA] =	sst s23  }
0x4d: {  	s15 =	simm.s32 $0x14000;
	s17 =	simm.s32 $0x8000;
	[smem:$0x7FB] =	sst s24  }
0x4e: {  	s2 =	simm.s32 $0xA;
	s3 =	simm.s32 $0x0;
	[smem:$0x7FD] =	sst s26  }
0x4f: {  	s21 =	simm.s32 $0x1;
	s23 =	simm.s32 $0x2;
	s24 =	simm.s32 $0x6  }
0x50: {  	s26 =	simm.s32 $0x7;
	s0 =	simm.s32 $0x9;
	_ =	strace $0x80000047  }
.LBB2_1:
0x51: {  	s4 =	sld [smem:$0x7E9];
	_ =	sdelay $0x1  }
0x52: {  	s5 =	sld [smem:$0x7F4]  }
0x53: {  	[tilespmem:s15], [sflag:$0xB] =	stream.linear.gather [hbm4b:s4+s1], $0x4000, $0x38;
	[tilespmem:$0x1C000] =	vst v63  }
0x54: {  	_ = 	snop  }
0x55: {  	[tilespmem:s1], [sflag:$0x1] =	stream.linear.gather [hbm4b:s5+s1], $0x4000, $0x38;
	[tilespmem:$0x1C000] =	vst v63  }
0x56: {  	s6 =	rddreg [dreg:$0x4]  }
0x57: {  	[tilespmem:s16], [sflag:$0x2] =	stream.linear.gather [hbm4b:s6+s1], $0x4000, $0x38;
	[tilespmem:$0x1C000] =	vst v63  }
0x58: {  	s7 =	rddreg [dreg:$0x5]  }
0x59: {  	[tilespmem:s17], [sflag:$0x3] =	stream.linear.gather [hbm4b:s7+s1], $0x4000, $0x38;
	[tilespmem:$0x1C000] =	vst v63  }
0x5a: {  	s8 =	rddreg [dreg:$0x6]  }
0x5b: {  	[tilespmem:s18], [sflag:$0xC] =	stream.linear.gather [hbm4b:s8+s1], $0x4000, $0x38;
	[tilespmem:$0x1C000] =	vst v63  }
0x5c: {  	s10 =	simm.s32 $0x0;
	_ =	swait.ge [sflag:s19], $0x4000  }
0x5d: {  	s5 =	sand.u32 $0x2000, s10;
	[sflag:s19] =	ssyncset.done $0x0  }
0x5e: {  	s6 =	sand.u32 $0x1C00, s1;
	s9 =	rddreg [dreg:$0x7];
	[sflag:s19] =	ssyncadd.s32 $0xFFFFC000  }
0x5f: {  	[tilespmem:s20], [sflag:$0x4] =	stream.linear.gather [hbm4b:s9+s1], $0x4000, $0x38;
	[tilespmem:$0x1C000] =	vst v63  }
0x60: {  	s11 =	sand.u32 $0x380, s1;
	s5 =	sor.u32 s5, s6;
	_ =	swait.ge [sflag:s21], $0x4000  }
0x61: {  	s4 =	sand.u32 $0x40, s10;
	s5 =	sor.u32 s11, s5;
	[sflag:s21] =	ssyncset.done $0x0  }
0x62: {  	s8 =	sor.u32 s4, s5;
	[sflag:s21] =	ssyncadd.s32 $0xFFFFC000  }
0x63: {  	v1 =	vld [tilespmem:s8+$0x14030]  }
0x64: {  	v2 =	vld [tilespmem:s8+$0x14000]  }
0x65: {  	v3 =	vld [tilespmem:s8+$0x14010]  }
0x66: {  	s6 =	simm.s32 $0x200;
	s4 =	simm.s32 $0x40;
	s5 =	simm.s32 $0x8  }
0x67: {  	s7 =	sand.u32 $0x2000, s4;
	s10 =	sor.u32 $0x30, s8;
	s9 =	sand.u32 $0x1C00, s6;
	v0 =	vld [tilespmem:s8+$0x14020]  }
0x68: {  	s12 =	sand.u32 $0x380, s5;
	s7 =	sor.u32 s7, s9;
	[tilespmem:s10+$0x0] =	vst.add.f32.msk $0xffff, v1  }
0x69: {  	s13 =	sor.u32 $0x10, s8;
	s11 =	sand.u32 $0x40, s4;
	s7 =	sor.u32 s12, s7;
	[tilespmem:s8+$0x0] =	vst.add.f32.msk $0xffff, v2  }
0x6a: {  	s7 =	sor.u32 s11, s7;
	[tilespmem:s13+$0x0] =	vst.add.f32.msk $0xffff, v3  }
0x6b: {  	v2 =	vld [tilespmem:s7+$0x14030]  }
0x6c: {  	v1 =	vld [tilespmem:s7+$0x14000]  }
0x6d: {  	s9 =	sor.u32 $0x20, s7;
	s10 =	sor.u32 $0x20, s8;
	s8 =	sor.u32 $0x10, s7;
	v3 =	vld [tilespmem:s7+$0x14010]  }
.LBB2_2:
0x6e: {  	s4 =	sadd.s32 $0x40, s4;
	v4 =	vld [tilespmem:s7+$0x14020];
	s5 =	sadd.s32 $0x8, s5;
	s6 =	sadd.s32 $0x200, s6  }
0x6f: {  	s13 =	sor.u32 $0x30, s7;
	s11 =	sand.u32 $0x2000, s4;
	s12 =	sand.u32 $0x1C00, s6;
	[tilespmem:s10+$0x0] =	vst.add.f32.msk $0xffff, v0  }
0x70: {  	p0 =	slt.u32 s4, $0x3FC0;
	s10 =	sor.u32 s11, s12;
	s11 =	sand.u32 $0x380, s5;
	[tilespmem:s13+$0x0] =	vst.add.f32.msk $0xffff, v2  }
.Ltmp0:
0x71: {  	s12 =	sand.u32 $0x40, s4;
	s10 =	sor.u32 s11, s10;
	[tilespmem:s7+$0x0] =	vst.add.f32.msk $0xffff, v1;
	(pc) =	sbr.rel @p0 .LBB2_2-.Ltmp0, $4  }
0x72: {  	s7 =	sor.u32 s12, s10;
	[tilespmem:s8+$0x0] =	vst.add.f32.msk $0xffff, v3;
	s10 =	smov.u32 s9  }
0x73: {  	s8 =	sor.u32 $0x10, s7;
	s9 =	sor.u32 $0x20, s7;
	v2 =	vld [tilespmem:s7+$0x14030];
	v0 =	vmov v4  }
0x74: {  	v1 =	vld [tilespmem:s7+$0x14000]  }
0x75: {  	v3 =	vld [tilespmem:s7+$0x14010]  }
0x76: {  	v4 =	vld [tilespmem:s7+$0x14020]  }
0x77: {  	s4 =	sor.u32 $0x30, s7;
	[tilespmem:s10+$0x0] =	vst.add.f32.msk $0xffff, v0  }
0x78: {  	[tilespmem:s4+$0x0] =	vst.add.f32.msk $0xffff, v2  }
0x79: {  	[tilespmem:s7+$0x0] =	vst.add.f32.msk $0xffff, v1  }
0x7a: {  	[tilespmem:s8+$0x0] =	vst.add.f32.msk $0xffff, v3  }
0x7b: {  	[tilespmem:s9+$0x0] =	vst.add.f32.msk $0xffff, v4  }
0x7c: {  	s5 =	sld [smem:$0x7F5];
	_ =	sdelay $0x1  }
0x7d: {  	s11 =	simm.s32 $0x0;
	s13 =	simm.s32 $0x0  }
0x7e: {  	[hbm4b:s5+s11] =	stream.linear.scatter [tilespmem:s11], [sflag:$0x6], $0x4000, $0x38;
	[tilespmem:$0x1C000] =	vst v63  }
0x7f: {  	s6 =	sand.u32 $0x2000, s13;
	s8 =	sand.u32 $0x1C00, s11;
	s12 =	rddreg [dreg:$0x8]  }
0x80: {  	[tilespmem:s22], [sflag:$0x5] =	stream.linear.gather [hbm4b:s12+s11], $0x4000, $0x38;
	[tilespmem:$0x1C000] =	vst v63  }
0x81: {  	s4 =	sand.u32 $0x380, s11;
	s6 =	sor.u32 s6, s8;
	_ =	swait.ge [sflag:s23], $0x4000  }
0x82: {  	s4 =	sor.u32 s4, s6;
	s5 =	sand.u32 $0x40, s13;
	[sflag:s23] =	ssyncset.done $0x0  }
0x83: {  	s7 =	sor.u32 s5, s4;
	[sflag:s23] =	ssyncadd.s32 $0xFFFFC000  }
0x84: {  	v1 =	vld [tilespmem:s7+$0x14030]  }
0x85: {  	v2 =	vld [tilespmem:s7+$0x14000]  }
0x86: {  	s6 =	simm.s32 $0x200;
	s4 =	simm.s32 $0x40  }
0x87: {  	s10 =	sand.u32 $0x1C00, s6;
	s5 =	simm.s32 $0x8;
	s9 =	sand.u32 $0x2000, s4;
	v3 =	vld [tilespmem:s7+$0x14010]  }
0x88: {  	s12 =	sor.u32 $0x4030, s7;
	s8 =	sor.u32 s9, s10;
	s9 =	sand.u32 $0x380, s5;
	v0 =	vld [tilespmem:s7+$0x14020]  }
0x89: {  	s11 =	sor.u32 $0x4000, s7;
	s13 =	sand.u32 $0x40, s4;
	s8 =	sor.u32 s9, s8;
	[tilespmem:s12+$0x0] =	vst.add.f32.msk $0xffff, v1  }
0x8a: {  	s10 =	sor.u32 s13, s8;
	[tilespmem:s11+$0x0] =	vst.add.f32.msk $0xffff, v2  }
0x8b: {  	v1 =	vld [tilespmem:s10+$0x14030]  }
0x8c: {  	s12 =	sor.u32 $0x4010, s7;
	v2 =	vld [tilespmem:s10+$0x14000]  }
0x8d: {  	s9 =	sor.u32 $0x4000, s10;
	[tilespmem:s12+$0x0] =	vst.add.f32.msk $0xffff, v3  }
0x8e: {  	s8 =	sor.u32 $0x4020, s10;
	s11 =	sor.u32 $0x4020, s7;
	s7 =	sor.u32 $0x4010, s10;
	v3 =	vld [tilespmem:s10+$0x14010]  }
.LBB2_4:
0x8f: {  	s4 =	sadd.s32 $0x40, s4;
	v4 =	vld [tilespmem:s10+$0x14020];
	s5 =	sadd.s32 $0x8, s5;
	s6 =	sadd.s32 $0x200, s6  }
0x90: {  	s10 =	sor.u32 $0x4030, s10;
	s12 =	sand.u32 $0x2000, s4;
	s13 =	sand.u32 $0x1C00, s6;
	[tilespmem:s11+$0x0] =	vst.add.f32.msk $0xffff, v0  }
0x91: {  	p0 =	slt.u32 s4, $0x3FC0;
	s11 =	sor.u32 s12, s13;
	s12 =	sand.u32 $0x380, s5;
	[tilespmem:s10+$0x0] =	vst.add.f32.msk $0xffff, v1  }
.Ltmp1:
0x92: {  	s10 =	sand.u32 $0x40, s4;
	s11 =	sor.u32 s12, s11;
	[tilespmem:s9+$0x0] =	vst.add.f32.msk $0xffff, v2;
	(pc) =	sbr.rel @p0 .LBB2_4-.Ltmp1, $4  }
0x93: {  	s10 =	sor.u32 s10, s11;
	[tilespmem:s7+$0x0] =	vst.add.f32.msk $0xffff, v3;
	s11 =	smov.u32 s8  }
0x94: {  	s9 =	sor.u32 $0x4000, s10;
	s7 =	sor.u32 $0x4010, s10;
	s8 =	sor.u32 $0x4020, s10;
	v1 =	vld [tilespmem:s10+$0x14030];
	v0 =	vmov v4  }
0x95: {  	v2 =	vld [tilespmem:s10+$0x14000]  }
0x96: {  	v3 =	vld [tilespmem:s10+$0x14010]  }
0x97: {  	v4 =	vld [tilespmem:s10+$0x14020]  }
0x98: {  	s4 =	sor.u32 $0x4030, s10;
	[tilespmem:s11+$0x0] =	vst.add.f32.msk $0xffff, v0  }
0x99: {  	[tilespmem:s4+$0x0] =	vst.add.f32.msk $0xffff, v1  }
0x9a: {  	[tilespmem:s9+$0x0] =	vst.add.f32.msk $0xffff, v2  }
0x9b: {  	[tilespmem:s7+$0x0] =	vst.add.f32.msk $0xffff, v3  }
0x9c: {  	[tilespmem:s8+$0x0] =	vst.add.f32.msk $0xffff, v4  }
0x9d: {  	s11 =	simm.s32 $0x0;
	s5 =	rddreg [dreg:$0x9]  }
0x9e: {  	[hbm4b:s5+s11] =	stream.linear.scatter [tilespmem:s16], [sflag:$0x7], $0x4000, $0x38;
	[tilespmem:$0x1C000] =	vst v63  }
0x9f: {  	s13 =	simm.s32 $0x0;
	_ =	swait.ge [sflag:s24], $0x4000  }
0xa0: {  	s6 =	sand.u32 $0x2000, s13;
	[sflag:s24] =	ssyncset.done $0x0  }
0xa1: {  	s8 =	sand.u32 $0x1C00, s11;
	s12 =	rddreg [dreg:$0xa];
	[sflag:s24] =	ssyncadd.s32 $0xFFFFC000  }
0xa2: {  	[tilespmem:s11], [sflag:$0x1] =	stream.linear.gather [hbm4b:s12+s11], $0x4000, $0x38;
	[tilespmem:$0x1C000] =	vst v63  }
0xa3: {  	s4 =	sand.u32 $0x380, s11;
	s6 =	sor.u32 s6, s8;
	_ =	swait.ge [sflag:s25], $0x4000  }
0xa4: {  	s5 =	sand.u32 $0x40, s13;
	s4 =	sor.u32 s4, s6;
	[sflag:s25] =	ssyncset.done $0x0  }
0xa5: {  	s7 =	sor.u32 s5, s4;
	[sflag:s25] =	ssyncadd.s32 $0xFFFFC000  }
0xa6: {  	v1 =	vld [tilespmem:s7+$0x14030]  }
0xa7: {  	v2 =	vld [tilespmem:s7+$0x14000]  }
0xa8: {  	s6 =	simm.s32 $0x200;
	s4 =	simm.s32 $0x40  }
0xa9: {  	s5 =	simm.s32 $0x8;
	s10 =	sand.u32 $0x1C00, s6;
	s9 =	sand.u32 $0x2000, s4;
	v3 =	vld [tilespmem:s7+$0x14010]  }
0xaa: {  	s8 =	sor.u32 s9, s10;
	s9 =	sand.u32 $0x380, s5;
	s12 =	sor.u32 $0x8030, s7;
	v0 =	vld [tilespmem:s7+$0x14020]  }
0xab: {  	s13 =	sand.u32 $0x40, s4;
	s11 =	sor.u32 $0x8000, s7;
	s8 =	sor.u32 s9, s8;
	[tilespmem:s12+$0x0] =	vst.add.f32.msk $0xffff, v1  }
0xac: {  	s10 =	sor.u32 s13, s8;
	[tilespmem:s11+$0x0] =	vst.add.f32.msk $0xffff, v2  }
0xad: {  	v1 =	vld [tilespmem:s10+$0x14030]  }
0xae: {  	s12 =	sor.u32 $0x8010, s7;
	v2 =	vld [tilespmem:s10+$0x14000]  }
0xaf: {  	s9 =	sor.u32 $0x8000, s10;
	[tilespmem:s12+$0x0] =	vst.add.f32.msk $0xffff, v3  }
0xb0: {  	s8 =	sor.u32 $0x8020, s10;
	s11 =	sor.u32 $0x8020, s7;
	s7 =	sor.u32 $0x8010, s10;
	v3 =	vld [tilespmem:s10+$0x14010]  }
.LBB2_6:
0xb1: {  	s4 =	sadd.s32 $0x40, s4;
	v4 =	vld [tilespmem:s10+$0x14020];
	s5 =	sadd.s32 $0x8, s5;
	s6 =	sadd.s32 $0x200, s6  }
0xb2: {  	s10 =	sor.u32 $0x8030, s10;
	s12 =	sand.u32 $0x2000, s4;
	s13 =	sand.u32 $0x1C00, s6;
	[tilespmem:s11+$0x0] =	vst.add.f32.msk $0xffff, v0  }
0xb3: {  	p0 =	slt.u32 s4, $0x3FC0;
	s11 =	sor.u32 s12, s13;
	s12 =	sand.u32 $0x380, s5;
	[tilespmem:s10+$0x0] =	vst.add.f32.msk $0xffff, v1  }
.Ltmp2:
0xb4: {  	s10 =	sand.u32 $0x40, s4;
	s11 =	sor.u32 s12, s11;
	[tilespmem:s9+$0x0] =	vst.add.f32.msk $0xffff, v2;
	(pc) =	sbr.rel @p0 .LBB2_6-.Ltmp2, $4  }
0xb5: {  	s10 =	sor.u32 s10, s11;
	[tilespmem:s7+$0x0] =	vst.add.f32.msk $0xffff, v3;
	s11 =	smov.u32 s8  }
0xb6: {  	s9 =	sor.u32 $0x8000, s10;
	s7 =	sor.u32 $0x8010, s10;
	s8 =	sor.u32 $0x8020, s10;
	v1 =	vld [tilespmem:s10+$0x14030];
	v0 =	vmov v4  }
0xb7: {  	v2 =	vld [tilespmem:s10+$0x14000]  }
0xb8: {  	v3 =	vld [tilespmem:s10+$0x14010]  }
0xb9: {  	v4 =	vld [tilespmem:s10+$0x14020]  }
0xba: {  	s4 =	sor.u32 $0x8030, s10;
	[tilespmem:s11+$0x0] =	vst.add.f32.msk $0xffff, v0  }
0xbb: {  	[tilespmem:s4+$0x0] =	vst.add.f32.msk $0xffff, v1  }
0xbc: {  	[tilespmem:s9+$0x0] =	vst.add.f32.msk $0xffff, v2  }
0xbd: {  	[tilespmem:s7+$0x0] =	vst.add.f32.msk $0xffff, v3  }
0xbe: {  	[tilespmem:s8+$0x0] =	vst.add.f32.msk $0xffff, v4  }
0xbf: {  	s11 =	simm.s32 $0x0;
	s5 =	rddreg [dreg:$0xb]  }
0xc0: {  	[hbm4b:s5+s11] =	stream.linear.scatter [tilespmem:s17], [sflag:$0x8], $0x4000, $0x38;
	[tilespmem:$0x1C000] =	vst v63  }
0xc1: {  	s13 =	simm.s32 $0x0;
	_ =	swait.ge [sflag:s26], $0x4000  }
0xc2: {  	s6 =	sand.u32 $0x2000, s13;
	[sflag:s26] =	ssyncset.done $0x0  }
0xc3: {  	s8 =	sand.u32 $0x1C00, s11;
	s12 =	rddreg [dreg:$0xc];
	[sflag:s26] =	ssyncadd.s32 $0xFFFFC000  }
0xc4: {  	[tilespmem:s16], [sflag:$0x2] =	stream.linear.gather [hbm4b:s12+s11], $0x4000, $0x38;
	[tilespmem:$0x1C000] =	vst v63  }
0xc5: {  	s4 =	sand.u32 $0x380, s11;
	s6 =	sor.u32 s6, s8;
	_ =	swait.ge [sflag:s28], $0x4000  }
0xc6: {  	s5 =	sand.u32 $0x40, s13;
	s4 =	sor.u32 s4, s6;
	[sflag:s28] =	ssyncset.done $0x0  }
0xc7: {  	s7 =	sor.u32 s5, s4;
	[sflag:s28] =	ssyncadd.s32 $0xFFFFC000  }
0xc8: {  	v1 =	vld [tilespmem:s7+$0x14030]  }
0xc9: {  	v2 =	vld [tilespmem:s7+$0x14000]  }
0xca: {  	s6 =	simm.s32 $0x200;
	s4 =	simm.s32 $0x40  }
0xcb: {  	s5 =	simm.s32 $0x8;
	s10 =	sand.u32 $0x1C00, s6;
	s9 =	sand.u32 $0x2000, s4;
	v3 =	vld [tilespmem:s7+$0x14010]  }
0xcc: {  	s8 =	sor.u32 s9, s10;
	s9 =	sand.u32 $0x380, s5;
	s12 =	sor.u32 $0xC030, s7;
	v0 =	vld [tilespmem:s7+$0x14020]  }
0xcd: {  	s13 =	sand.u32 $0x40, s4;
	s11 =	sor.u32 $0xC000, s7;
	s8 =	sor.u32 s9, s8;
	[tilespmem:s12+$0x0] =	vst.add.f32.msk $0xffff, v1  }
0xce: {  	s10 =	sor.u32 s13, s8;
	[tilespmem:s11+$0x0] =	vst.add.f32.msk $0xffff, v2  }
0xcf: {  	v1 =	vld [tilespmem:s10+$0x14030]  }
0xd0: {  	s12 =	sor.u32 $0xC010, s7;
	v2 =	vld [tilespmem:s10+$0x14000]  }
0xd1: {  	s9 =	sor.u32 $0xC000, s10;
	[tilespmem:s12+$0x0] =	vst.add.f32.msk $0xffff, v3  }
0xd2: {  	s8 =	sor.u32 $0xC020, s10;
	s11 =	sor.u32 $0xC020, s7;
	s7 =	sor.u32 $0xC010, s10;
	v3 =	vld [tilespmem:s10+$0x14010]  }
.LBB2_8:
0xd3: {  	s4 =	sadd.s32 $0x40, s4;
	v4 =	vld [tilespmem:s10+$0x14020];
	s5 =	sadd.s32 $0x8, s5;
	s6 =	sadd.s32 $0x200, s6  }
0xd4: {  	s10 =	sor.u32 $0xC030, s10;
	s12 =	sand.u32 $0x2000, s4;
	s13 =	sand.u32 $0x1C00, s6;
	[tilespmem:s11+$0x0] =	vst.add.f32.msk $0xffff, v0  }
0xd5: {  	p0 =	slt.u32 s4, $0x3FC0;
	s11 =	sor.u32 s12, s13;
	s12 =	sand.u32 $0x380, s5;
	[tilespmem:s10+$0x0] =	vst.add.f32.msk $0xffff, v1  }
.Ltmp3:
0xd6: {  	s10 =	sand.u32 $0x40, s4;
	s11 =	sor.u32 s12, s11;
	[tilespmem:s9+$0x0] =	vst.add.f32.msk $0xffff, v2;
	(pc) =	sbr.rel @p0 .LBB2_8-.Ltmp3, $4  }
0xd7: {  	s10 =	sor.u32 s10, s11;
	[tilespmem:s7+$0x0] =	vst.add.f32.msk $0xffff, v3;
	s11 =	smov.u32 s8  }
0xd8: {  	s9 =	sor.u32 $0xC000, s10;
	s7 =	sor.u32 $0xC010, s10;
	s8 =	sor.u32 $0xC020, s10;
	v1 =	vld [tilespmem:s10+$0x14030];
	v0 =	vmov v4  }
0xd9: {  	v2 =	vld [tilespmem:s10+$0x14000]  }
0xda: {  	v3 =	vld [tilespmem:s10+$0x14010]  }
0xdb: {  	v4 =	vld [tilespmem:s10+$0x14020]  }
0xdc: {  	s4 =	sor.u32 $0xC030, s10;
	[tilespmem:s11+$0x0] =	vst.add.f32.msk $0xffff, v0  }
0xdd: {  	[tilespmem:s4+$0x0] =	vst.add.f32.msk $0xffff, v1  }
0xde: {  	[tilespmem:s9+$0x0] =	vst.add.f32.msk $0xffff, v2  }
0xdf: {  	[tilespmem:s7+$0x0] =	vst.add.f32.msk $0xffff, v3  }
0xe0: {  	[tilespmem:s8+$0x0] =	vst.add.f32.msk $0xffff, v4  }
0xe1: {  	s10 =	simm.s32 $0x0;
	s5 =	rddreg [dreg:$0xd]  }
0xe2: {  	[hbm4b:s5+s10] =	stream.linear.scatter [tilespmem:s20], [sflag:$0x9], $0x4000, $0x38;
	[tilespmem:$0x1C000] =	vst v63  }
0xe3: {  	s11 =	rddreg [dreg:$0xe]  }
0xe4: {  	[tilespmem:s15], [sflag:$0xB] =	stream.linear.gather [hbm4b:s11+s10], $0x4000, $0x38;
	[tilespmem:$0x1C000] =	vst v63  }
0xe5: {  	_ =	swait.ge [sflag:s29], $0x4000  }
0xe6: {  	[sflag:s29] =	ssyncset.done $0x0  }
0xe7: {  	[sflag:s29] =	ssyncadd.s32 $0xFFFFC000  }
0xe8: {  	s13 =	simm.s32 $0x0;
	_ =	swait.ge [sflag:s30], $0x4000  }
0xe9: {  	s6 =	sand.u32 $0x2000, s13;
	[sflag:s30] =	ssyncset.done $0x0  }
0xea: {  	s8 =	sand.u32 $0x1C00, s10;
	s12 =	rddreg [dreg:$0xf];
	[sflag:s30] =	ssyncadd.s32 $0xFFFFC000  }
0xeb: {  	[tilespmem:s17], [sflag:$0x3] =	stream.linear.gather [hbm4b:s12+s10], $0x4000, $0x38;
	[tilespmem:$0x1C000] =	vst v63  }
0xec: {  	s4 =	sand.u32 $0x380, s10;
	s6 =	sor.u32 s6, s8;
	_ =	swait.ge [sflag:s31], $0x4000  }
0xed: {  	s5 =	sand.u32 $0x40, s13;
	s4 =	sor.u32 s4, s6;
	[sflag:s31] =	ssyncset.done $0x0  }
0xee: {  	s7 =	sor.u32 s5, s4;
	[sflag:s31] =	ssyncadd.s32 $0xFFFFC000  }
0xef: {  	v1 =	vld [tilespmem:s7+$0x18030]  }
0xf0: {  	v2 =	vld [tilespmem:s7+$0x18000]  }
0xf1: {  	s6 =	simm.s32 $0x200;
	s4 =	simm.s32 $0x40  }
0xf2: {  	s5 =	simm.s32 $0x8;
	s9 =	sand.u32 $0x2000, s4;
	s10 =	sand.u32 $0x1C00, s6;
	v3 =	vld [tilespmem:s7+$0x18010]  }
0xf3: {  	s12 =	sor.u32 $0x10030, s7;
	s8 =	sor.u32 s9, s10;
	s9 =	sand.u32 $0x380, s5;
	v0 =	vld [tilespmem:s7+$0x18020]  }
0xf4: {  	s11 =	sor.u32 $0x10000, s7;
	s13 =	sand.u32 $0x40, s4;
	s8 =	sor.u32 s9, s8;
	[tilespmem:s12+$0x0] =	vst.add.f32.msk $0xffff, v1  }
0xf5: {  	s10 =	sor.u32 s13, s8;
	[tilespmem:s11+$0x0] =	vst.add.f32.msk $0xffff, v2  }
0xf6: {  	v1 =	vld [tilespmem:s10+$0x18030]  }
0xf7: {  	s12 =	sor.u32 $0x10010, s7;
	v2 =	vld [tilespmem:s10+$0x18000]  }
0xf8: {  	s9 =	sor.u32 $0x10000, s10;
	[tilespmem:s12+$0x0] =	vst.add.f32.msk $0xffff, v3  }
0xf9: {  	s8 =	sor.u32 $0x10020, s10;
	s11 =	sor.u32 $0x10020, s7;
	s7 =	sor.u32 $0x10010, s10;
	v3 =	vld [tilespmem:s10+$0x18010]  }
.LBB2_10:
0xfa: {  	s4 =	sadd.s32 $0x40, s4;
	v4 =	vld [tilespmem:s10+$0x18020];
	s5 =	sadd.s32 $0x8, s5;
	s6 =	sadd.s32 $0x200, s6  }
0xfb: {  	s10 =	sor.u32 $0x10030, s10;
	s12 =	sand.u32 $0x2000, s4;
	s13 =	sand.u32 $0x1C00, s6;
	[tilespmem:s11+$0x0] =	vst.add.f32.msk $0xffff, v0  }
0xfc: {  	p0 =	slt.u32 s4, $0x3FC0;
	s11 =	sor.u32 s12, s13;
	s12 =	sand.u32 $0x380, s5;
	[tilespmem:s10+$0x0] =	vst.add.f32.msk $0xffff, v1  }
.Ltmp4:
0xfd: {  	s10 =	sand.u32 $0x40, s4;
	s11 =	sor.u32 s12, s11;
	[tilespmem:s9+$0x0] =	vst.add.f32.msk $0xffff, v2;
	(pc) =	sbr.rel @p0 .LBB2_10-.Ltmp4, $4  }
0xfe: {  	s10 =	sor.u32 s10, s11;
	[tilespmem:s7+$0x0] =	vst.add.f32.msk $0xffff, v3;
	s11 =	smov.u32 s8  }
0xff: {  	s9 =	sor.u32 $0x10000, s10;
	s7 =	sor.u32 $0x10010, s10;
	s8 =	sor.u32 $0x10020, s10;
	v1 =	vld [tilespmem:s10+$0x18030];
	v0 =	vmov v4  }
0x100: {  	v2 =	vld [tilespmem:s10+$0x18000]  }
0x101: {  	v3 =	vld [tilespmem:s10+$0x18010]  }
0x102: {  	v4 =	vld [tilespmem:s10+$0x18020]  }
0x103: {  	s4 =	sor.u32 $0x10030, s10;
	[tilespmem:s11+$0x0] =	vst.add.f32.msk $0xffff, v0  }
0x104: {  	[tilespmem:s4+$0x0] =	vst.add.f32.msk $0xffff, v1  }
0x105: {  	[tilespmem:s9+$0x0] =	vst.add.f32.msk $0xffff, v2  }
0x106: {  	[tilespmem:s7+$0x0] =	vst.add.f32.msk $0xffff, v3  }
0x107: {  	[tilespmem:s8+$0x0] =	vst.add.f32.msk $0xffff, v4  }
0x108: {  	s13 =	simm.s32 $0x0;
	s5 =	rddreg [dreg:$0x10]  }
0x109: {  	[hbm4b:s5+s13] =	stream.linear.scatter [tilespmem:s22], [sflag:$0xA], $0x4000, $0x38;
	[tilespmem:$0x1C000] =	vst v63  }
0x10a: {  	_ =	swait.ge [sflag:s0], $0x4000  }
0x10b: {  	s10 =	sand.u32 $0x1C00, s13;
	s9 =	simm.s32 $0x0;
	[sflag:s0] =	ssyncset.done $0x0  }
0x10c: {  	s6 =	sand.u32 $0x2000, s9;
	s8 =	rddreg [dreg:$0x11];
	[sflag:s0] =	ssyncadd.s32 $0xFFFFC000  }
0x10d: {  	[tilespmem:s20], [sflag:$0x4] =	stream.linear.gather [hbm4b:s8+s13], $0x4000, $0x38;
	[tilespmem:$0x1C000] =	vst v63  }
0x10e: {  	s4 =	sand.u32 $0x380, s13;
	s6 =	sor.u32 s6, s10;
	_ =	swait.ge [sflag:s21], $0x4000  }
0x10f: {  	s4 =	sor.u32 s4, s6;
	s5 =	sand.u32 $0x40, s9;
	[sflag:s21] =	ssyncset.done $0x0  }
0x110: {  	s8 =	sor.u32 s5, s4;
	[sflag:s21] =	ssyncadd.s32 $0xFFFFC000  }
0x111: {  	v1 =	vld [tilespmem:s8+$0x18030]  }
0x112: {  	v2 =	vld [tilespmem:s8+$0x18000]  }
0x113: {  	s6 =	simm.s32 $0x200;
	v3 =	vld [tilespmem:s8+$0x18010]  }
0x114: {  	s12 =	sand.u32 $0x1C00, s6;
	s4 =	simm.s32 $0x40  }
0x115: {  	s5 =	simm.s32 $0x8;
	s11 =	sand.u32 $0x2000, s4;
	s13 =	sor.u32 $0x30, s8;
	v0 =	vld [tilespmem:s8+$0x18020]  }
0x116: {  	s7 =	sor.u32 s11, s12;
	s11 =	sand.u32 $0x380, s5;
	[tilespmem:s13+$0x0] =	vst.add.f32.msk $0xffff, v1  }
0x117: {  	s12 =	sor.u32 $0x10, s8;
	s7 =	sor.u32 s11, s7;
	s13 =	sand.u32 $0x40, s4;
	[tilespmem:s8+$0x0] =	vst.add.f32.msk $0xffff, v2  }
0x118: {  	[tilespmem:s12+$0x0] =	vst.add.f32.msk $0xffff, v3;
	s7 =	sor.u32 s13, s7  }
0x119: {  	v2 =	vld [tilespmem:s7+$0x18030]  }
0x11a: {  	v1 =	vld [tilespmem:s7+$0x18000]  }
0x11b: {  	s10 =	sor.u32 $0x20, s8;
	s8 =	sor.u32 $0x10, s7;
	s9 =	sor.u32 $0x20, s7;
	v3 =	vld [tilespmem:s7+$0x18010]  }
.LBB2_12:
0x11c: {  	s4 =	sadd.s32 $0x40, s4;
	v4 =	vld [tilespmem:s7+$0x18020];
	s5 =	sadd.s32 $0x8, s5;
	s6 =	sadd.s32 $0x200, s6  }
0x11d: {  	s13 =	sor.u32 $0x30, s7;
	s11 =	sand.u32 $0x2000, s4;
	s12 =	sand.u32 $0x1C00, s6;
	[tilespmem:s10+$0x0] =	vst.add.f32.msk $0xffff, v0  }
0x11e: {  	p0 =	slt.u32 s4, $0x3FC0;
	s10 =	sor.u32 s11, s12;
	s11 =	sand.u32 $0x380, s5;
	[tilespmem:s13+$0x0] =	vst.add.f32.msk $0xffff, v2  }
.Ltmp5:
0x11f: {  	s12 =	sand.u32 $0x40, s4;
	s10 =	sor.u32 s11, s10;
	[tilespmem:s7+$0x0] =	vst.add.f32.msk $0xffff, v1;
	(pc) =	sbr.rel @p0 .LBB2_12-.Ltmp5, $4  }
0x120: {  	s7 =	sor.u32 s12, s10;
	[tilespmem:s8+$0x0] =	vst.add.f32.msk $0xffff, v3;
	s10 =	smov.u32 s9  }
0x121: {  	s8 =	sor.u32 $0x10, s7;
	s9 =	sor.u32 $0x20, s7;
	v2 =	vld [tilespmem:s7+$0x18030];
	v0 =	vmov v4  }
0x122: {  	v1 =	vld [tilespmem:s7+$0x18000]  }
0x123: {  	v3 =	vld [tilespmem:s7+$0x18010]  }
0x124: {  	v4 =	vld [tilespmem:s7+$0x18020]  }
0x125: {  	s4 =	sor.u32 $0x30, s7;
	[tilespmem:s10+$0x0] =	vst.add.f32.msk $0xffff, v0  }
0x126: {  	[tilespmem:s4+$0x0] =	vst.add.f32.msk $0xffff, v2  }
0x127: {  	[tilespmem:s7+$0x0] =	vst.add.f32.msk $0xffff, v1  }
0x128: {  	[tilespmem:s8+$0x0] =	vst.add.f32.msk $0xffff, v3  }
0x129: {  	[tilespmem:s9+$0x0] =	vst.add.f32.msk $0xffff, v4  }
0x12a: {  	s11 =	simm.s32 $0x0;
	s5 =	rddreg [dreg:$0x12]  }
0x12b: {  	[hbm4b:s5+s11] =	stream.linear.scatter [tilespmem:s11], [sflag:$0x6], $0x4000, $0x38;
	[tilespmem:$0x1C000] =	vst v63  }
0x12c: {  	s13 =	simm.s32 $0x0;
	_ =	swait.ge [sflag:s2], $0x4000  }
0x12d: {  	s6 =	sand.u32 $0x2000, s13;
	[sflag:s2] =	ssyncset.done $0x0  }
0x12e: {  	s8 =	sand.u32 $0x1C00, s11;
	s12 =	rddreg [dreg:$0x16];
	[sflag:s2] =	ssyncadd.s32 $0xFFFFC000  }
0x12f: {  	[tilespmem:s22], [sflag:$0x5] =	stream.linear.gather [hbm4b:s12+s11], $0x4000, $0x38;
	[tilespmem:$0x1C000] =	vst v63  }
0x130: {  	s4 =	sand.u32 $0x380, s11;
	s6 =	sor.u32 s6, s8;
	_ =	swait.ge [sflag:s23], $0x4000  }
0x131: {  	s4 =	sor.u32 s4, s6;
	s5 =	sand.u32 $0x40, s13;
	[sflag:s23] =	ssyncset.done $0x0  }
0x132: {  	s7 =	sor.u32 s5, s4;
	[sflag:s23] =	ssyncadd.s32 $0xFFFFC000  }
0x133: {  	v1 =	vld [tilespmem:s7+$0x18030]  }
0x134: {  	v2 =	vld [tilespmem:s7+$0x18000]  }
0x135: {  	s6 =	simm.s32 $0x200;
	s4 =	simm.s32 $0x40  }
0x136: {  	s10 =	sand.u32 $0x1C00, s6;
	s5 =	simm.s32 $0x8;
	s9 =	sand.u32 $0x2000, s4;
	v3 =	vld [tilespmem:s7+$0x18010]  }
0x137: {  	s8 =	sor.u32 s9, s10;
	s9 =	sand.u32 $0x380, s5;
	s12 =	sor.u32 $0x4030, s7;
	v0 =	vld [tilespmem:s7+$0x18020]  }
0x138: {  	s13 =	sand.u32 $0x40, s4;
	s11 =	sor.u32 $0x4000, s7;
	s8 =	sor.u32 s9, s8;
	[tilespmem:s12+$0x0] =	vst.add.f32.msk $0xffff, v1  }
0x139: {  	s10 =	sor.u32 s13, s8;
	[tilespmem:s11+$0x0] =	vst.add.f32.msk $0xffff, v2  }
0x13a: {  	v1 =	vld [tilespmem:s10+$0x18030]  }
0x13b: {  	s12 =	sor.u32 $0x4010, s7;
	v2 =	vld [tilespmem:s10+$0x18000]  }
0x13c: {  	s9 =	sor.u32 $0x4000, s10;
	[tilespmem:s12+$0x0] =	vst.add.f32.msk $0xffff, v3  }
0x13d: {  	s8 =	sor.u32 $0x4020, s10;
	s11 =	sor.u32 $0x4020, s7;
	s7 =	sor.u32 $0x4010, s10;
	v3 =	vld [tilespmem:s10+$0x18010]  }
.LBB2_14:
0x13e: {  	s4 =	sadd.s32 $0x40, s4;
	v4 =	vld [tilespmem:s10+$0x18020];
	s5 =	sadd.s32 $0x8, s5;
	s6 =	sadd.s32 $0x200, s6  }
0x13f: {  	s10 =	sor.u32 $0x4030, s10;
	s12 =	sand.u32 $0x2000, s4;
	s13 =	sand.u32 $0x1C00, s6;
	[tilespmem:s11+$0x0] =	vst.add.f32.msk $0xffff, v0  }
0x140: {  	p0 =	slt.u32 s4, $0x3FC0;
	s11 =	sor.u32 s12, s13;
	s12 =	sand.u32 $0x380, s5;
	[tilespmem:s10+$0x0] =	vst.add.f32.msk $0xffff, v1  }
.Ltmp6:
0x141: {  	s10 =	sand.u32 $0x40, s4;
	s11 =	sor.u32 s12, s11;
	[tilespmem:s9+$0x0] =	vst.add.f32.msk $0xffff, v2;
	(pc) =	sbr.rel @p0 .LBB2_14-.Ltmp6, $4  }
0x142: {  	s10 =	sor.u32 s10, s11;
	[tilespmem:s7+$0x0] =	vst.add.f32.msk $0xffff, v3;
	s11 =	smov.u32 s8  }
0x143: {  	s9 =	sor.u32 $0x4000, s10;
	s7 =	sor.u32 $0x4010, s10;
	s8 =	sor.u32 $0x4020, s10;
	v1 =	vld [tilespmem:s10+$0x18030];
	v0 =	vmov v4  }
0x144: {  	v2 =	vld [tilespmem:s10+$0x18000]  }
0x145: {  	v3 =	vld [tilespmem:s10+$0x18010]  }
0x146: {  	v4 =	vld [tilespmem:s10+$0x18020]  }
0x147: {  	s4 =	sor.u32 $0x4030, s10;
	[tilespmem:s11+$0x0] =	vst.add.f32.msk $0xffff, v0  }
0x148: {  	[tilespmem:s4+$0x0] =	vst.add.f32.msk $0xffff, v1  }
0x149: {  	[tilespmem:s9+$0x0] =	vst.add.f32.msk $0xffff, v2  }
0x14a: {  	[tilespmem:s7+$0x0] =	vst.add.f32.msk $0xffff, v3  }
0x14b: {  	[tilespmem:s8+$0x0] =	vst.add.f32.msk $0xffff, v4  }
0x14c: {  	s11 =	simm.s32 $0x0;
	s5 =	rddreg [dreg:$0x13]  }
0x14d: {  	[hbm4b:s5+s11] =	stream.linear.scatter [tilespmem:s16], [sflag:$0x7], $0x4000, $0x38;
	[tilespmem:$0x1C000] =	vst v63  }
0x14e: {  	s13 =	simm.s32 $0x0;
	_ =	swait.ge [sflag:s24], $0x4000  }
0x14f: {  	s6 =	sand.u32 $0x2000, s13;
	[sflag:s24] =	ssyncset.done $0x0  }
0x150: {  	s8 =	sand.u32 $0x1C00, s11;
	s12 =	rddreg [dreg:$0x18];
	[sflag:s24] =	ssyncadd.s32 $0xFFFFC000  }
0x151: {  	[tilespmem:s11], [sflag:$0x1] =	stream.linear.gather [hbm4b:s12+s11], $0x4000, $0x38;
	[tilespmem:$0x1C000] =	vst v63  }
0x152: {  	s4 =	sand.u32 $0x380, s11;
	s6 =	sor.u32 s6, s8;
	_ =	swait.ge [sflag:s25], $0x4000  }
0x153: {  	s5 =	sand.u32 $0x40, s13;
	s4 =	sor.u32 s4, s6;
	[sflag:s25] =	ssyncset.done $0x0  }
0x154: {  	s7 =	sor.u32 s5, s4;
	[sflag:s25] =	ssyncadd.s32 $0xFFFFC000  }
0x155: {  	v1 =	vld [tilespmem:s7+$0x18030]  }
0x156: {  	v2 =	vld [tilespmem:s7+$0x18000]  }
0x157: {  	s6 =	simm.s32 $0x200;
	s4 =	simm.s32 $0x40  }
0x158: {  	s5 =	simm.s32 $0x8;
	s10 =	sand.u32 $0x1C00, s6;
	s9 =	sand.u32 $0x2000, s4;
	v3 =	vld [tilespmem:s7+$0x18010]  }
0x159: {  	s8 =	sor.u32 s9, s10;
	s9 =	sand.u32 $0x380, s5;
	s12 =	sor.u32 $0x8030, s7;
	v0 =	vld [tilespmem:s7+$0x18020]  }
0x15a: {  	s13 =	sand.u32 $0x40, s4;
	s11 =	sor.u32 $0x8000, s7;
	s8 =	sor.u32 s9, s8;
	[tilespmem:s12+$0x0] =	vst.add.f32.msk $0xffff, v1  }
0x15b: {  	s10 =	sor.u32 s13, s8;
	[tilespmem:s11+$0x0] =	vst.add.f32.msk $0xffff, v2  }
0x15c: {  	v1 =	vld [tilespmem:s10+$0x18030]  }
0x15d: {  	s12 =	sor.u32 $0x8010, s7;
	v2 =	vld [tilespmem:s10+$0x18000]  }
0x15e: {  	s9 =	sor.u32 $0x8000, s10;
	[tilespmem:s12+$0x0] =	vst.add.f32.msk $0xffff, v3  }
0x15f: {  	s8 =	sor.u32 $0x8020, s10;
	s11 =	sor.u32 $0x8020, s7;
	s7 =	sor.u32 $0x8010, s10;
	v3 =	vld [tilespmem:s10+$0x18010]  }
.LBB2_16:
0x160: {  	s4 =	sadd.s32 $0x40, s4;
	v4 =	vld [tilespmem:s10+$0x18020];
	s5 =	sadd.s32 $0x8, s5;
	s6 =	sadd.s32 $0x200, s6  }
0x161: {  	s10 =	sor.u32 $0x8030, s10;
	s12 =	sand.u32 $0x2000, s4;
	s13 =	sand.u32 $0x1C00, s6;
	[tilespmem:s11+$0x0] =	vst.add.f32.msk $0xffff, v0  }
0x162: {  	p0 =	slt.u32 s4, $0x3FC0;
	s11 =	sor.u32 s12, s13;
	s12 =	sand.u32 $0x380, s5;
	[tilespmem:s10+$0x0] =	vst.add.f32.msk $0xffff, v1  }
.Ltmp7:
0x163: {  	s10 =	sand.u32 $0x40, s4;
	s11 =	sor.u32 s12, s11;
	[tilespmem:s9+$0x0] =	vst.add.f32.msk $0xffff, v2;
	(pc) =	sbr.rel @p0 .LBB2_16-.Ltmp7, $4  }
0x164: {  	s10 =	sor.u32 s10, s11;
	[tilespmem:s7+$0x0] =	vst.add.f32.msk $0xffff, v3;
	s11 =	smov.u32 s8  }
0x165: {  	s9 =	sor.u32 $0x8000, s10;
	s7 =	sor.u32 $0x8010, s10;
	s8 =	sor.u32 $0x8020, s10;
	v1 =	vld [tilespmem:s10+$0x18030];
	v0 =	vmov v4  }
0x166: {  	v2 =	vld [tilespmem:s10+$0x18000]  }
0x167: {  	v3 =	vld [tilespmem:s10+$0x18010]  }
0x168: {  	v4 =	vld [tilespmem:s10+$0x18020]  }
0x169: {  	s4 =	sor.u32 $0x8030, s10;
	[tilespmem:s11+$0x0] =	vst.add.f32.msk $0xffff, v0  }
0x16a: {  	[tilespmem:s4+$0x0] =	vst.add.f32.msk $0xffff, v1  }
0x16b: {  	[tilespmem:s9+$0x0] =	vst.add.f32.msk $0xffff, v2  }
0x16c: {  	[tilespmem:s7+$0x0] =	vst.add.f32.msk $0xffff, v3  }
0x16d: {  	[tilespmem:s8+$0x0] =	vst.add.f32.msk $0xffff, v4  }
0x16e: {  	s10 =	simm.s32 $0x0;
	s5 =	rddreg [dreg:$0x14]  }
0x16f: {  	[hbm4b:s5+s10] =	stream.linear.scatter [tilespmem:s17], [sflag:$0x8], $0x4000, $0x38;
	[tilespmem:$0x1C000] =	vst v63  }
0x170: {  	s11 =	rddreg [dreg:$0x1c]  }
0x171: {  	[tilespmem:s18], [sflag:$0xC] =	stream.linear.gather [hbm4b:s11+s10], $0x4000, $0x38;
	[tilespmem:$0x1C000] =	vst v63  }
0x172: {  	_ =	swait.ge [sflag:s19], $0x4000  }
0x173: {  	[sflag:s19] =	ssyncset.done $0x0  }
0x174: {  	[sflag:s19] =	ssyncadd.s32 $0xFFFFC000  }
0x175: {  	s13 =	simm.s32 $0x0;
	_ =	swait.ge [sflag:s26], $0x4000  }
0x176: {  	s6 =	sand.u32 $0x2000, s13;
	[sflag:s26] =	ssyncset.done $0x0  }
0x177: {  	s8 =	sand.u32 $0x1C00, s10;
	s12 =	rddreg [dreg:$0x1a];
	[sflag:s26] =	ssyncadd.s32 $0xFFFFC000  }
0x178: {  	[tilespmem:s16], [sflag:$0x2] =	stream.linear.gather [hbm4b:s12+s10], $0x4000, $0x38;
	[tilespmem:$0x1C000] =	vst v63  }
0x179: {  	s4 =	sand.u32 $0x380, s10;
	s6 =	sor.u32 s6, s8;
	_ =	swait.ge [sflag:s28], $0x4000  }
0x17a: {  	s5 =	sand.u32 $0x40, s13;
	s4 =	sor.u32 s4, s6;
	[sflag:s28] =	ssyncset.done $0x0  }
0x17b: {  	s7 =	sor.u32 s5, s4;
	[sflag:s28] =	ssyncadd.s32 $0xFFFFC000  }
0x17c: {  	v1 =	vld [tilespmem:s7+$0x14030]  }
0x17d: {  	v2 =	vld [tilespmem:s7+$0x14000]  }
0x17e: {  	s6 =	simm.s32 $0x200;
	s4 =	simm.s32 $0x40  }
0x17f: {  	s5 =	simm.s32 $0x8;
	s9 =	sand.u32 $0x2000, s4;
	s10 =	sand.u32 $0x1C00, s6;
	v3 =	vld [tilespmem:s7+$0x14010]  }
0x180: {  	s12 =	sor.u32 $0xC030, s7;
	s8 =	sor.u32 s9, s10;
	s9 =	sand.u32 $0x380, s5;
	v0 =	vld [tilespmem:s7+$0x14020]  }
0x181: {  	s11 =	sor.u32 $0xC000, s7;
	s13 =	sand.u32 $0x40, s4;
	s8 =	sor.u32 s9, s8;
	[tilespmem:s12+$0x0] =	vst.add.f32.msk $0xffff, v1  }
0x182: {  	s10 =	sor.u32 s13, s8;
	[tilespmem:s11+$0x0] =	vst.add.f32.msk $0xffff, v2  }
0x183: {  	v1 =	vld [tilespmem:s10+$0x14030]  }
0x184: {  	s12 =	sor.u32 $0xC010, s7;
	v2 =	vld [tilespmem:s10+$0x14000]  }
0x185: {  	s9 =	sor.u32 $0xC000, s10;
	[tilespmem:s12+$0x0] =	vst.add.f32.msk $0xffff, v3  }
0x186: {  	s8 =	sor.u32 $0xC020, s10;
	s11 =	sor.u32 $0xC020, s7;
	s7 =	sor.u32 $0xC010, s10;
	v3 =	vld [tilespmem:s10+$0x14010]  }
.LBB2_18:
0x187: {  	s4 =	sadd.s32 $0x40, s4;
	v4 =	vld [tilespmem:s10+$0x14020];
	s5 =	sadd.s32 $0x8, s5;
	s6 =	sadd.s32 $0x200, s6  }
0x188: {  	s10 =	sor.u32 $0xC030, s10;
	s12 =	sand.u32 $0x2000, s4;
	s13 =	sand.u32 $0x1C00, s6;
	[tilespmem:s11+$0x0] =	vst.add.f32.msk $0xffff, v0  }
0x189: {  	p0 =	slt.u32 s4, $0x3FC0;
	s11 =	sor.u32 s12, s13;
	s12 =	sand.u32 $0x380, s5;
	[tilespmem:s10+$0x0] =	vst.add.f32.msk $0xffff, v1  }
.Ltmp8:
0x18a: {  	s10 =	sand.u32 $0x40, s4;
	s11 =	sor.u32 s12, s11;
	[tilespmem:s9+$0x0] =	vst.add.f32.msk $0xffff, v2;
	(pc) =	sbr.rel @p0 .LBB2_18-.Ltmp8, $4  }
0x18b: {  	s10 =	sor.u32 s10, s11;
	[tilespmem:s7+$0x0] =	vst.add.f32.msk $0xffff, v3;
	s11 =	smov.u32 s8  }
0x18c: {  	s9 =	sor.u32 $0xC000, s10;
	s7 =	sor.u32 $0xC010, s10;
	s8 =	sor.u32 $0xC020, s10;
	v1 =	vld [tilespmem:s10+$0x14030];
	v0 =	vmov v4  }
0x18d: {  	v2 =	vld [tilespmem:s10+$0x14000]  }
0x18e: {  	v3 =	vld [tilespmem:s10+$0x14010]  }
0x18f: {  	v4 =	vld [tilespmem:s10+$0x14020]  }
0x190: {  	s4 =	sor.u32 $0xC030, s10;
	[tilespmem:s11+$0x0] =	vst.add.f32.msk $0xffff, v0  }
0x191: {  	[tilespmem:s4+$0x0] =	vst.add.f32.msk $0xffff, v1  }
0x192: {  	[tilespmem:s9+$0x0] =	vst.add.f32.msk $0xffff, v2  }
0x193: {  	[tilespmem:s7+$0x0] =	vst.add.f32.msk $0xffff, v3  }
0x194: {  	[tilespmem:s8+$0x0] =	vst.add.f32.msk $0xffff, v4  }
0x195: {  	s11 =	simm.s32 $0x0;
	s5 =	rddreg [dreg:$0x15]  }
0x196: {  	[hbm4b:s5+s11] =	stream.linear.scatter [tilespmem:s20], [sflag:$0x9], $0x4000, $0x38;
	[tilespmem:$0x1C000] =	vst v63  }
0x197: {  	s13 =	simm.s32 $0x0;
	_ =	swait.ge [sflag:s30], $0x4000  }
0x198: {  	s6 =	sand.u32 $0x2000, s13;
	[sflag:s30] =	ssyncset.done $0x0  }
0x199: {  	s8 =	sand.u32 $0x1C00, s11;
	s12 =	rddreg [dreg:$0x1d];
	[sflag:s30] =	ssyncadd.s32 $0xFFFFC000  }
0x19a: {  	[tilespmem:s17], [sflag:$0x3] =	stream.linear.gather [hbm4b:s12+s11], $0x4000, $0x38;
	[tilespmem:$0x1C000] =	vst v63  }
0x19b: {  	s4 =	sand.u32 $0x380, s11;
	s6 =	sor.u32 s6, s8;
	_ =	swait.ge [sflag:s31], $0x4000  }
0x19c: {  	s5 =	sand.u32 $0x40, s13;
	s4 =	sor.u32 s4, s6;
	[sflag:s31] =	ssyncset.done $0x0  }
0x19d: {  	s7 =	sor.u32 s5, s4;
	[sflag:s31] =	ssyncadd.s32 $0xFFFFC000  }
0x19e: {  	v1 =	vld [tilespmem:s7+$0x14030]  }
0x19f: {  	v2 =	vld [tilespmem:s7+$0x14000]  }
0x1a0: {  	s6 =	simm.s32 $0x200;
	s4 =	simm.s32 $0x40  }
0x1a1: {  	s5 =	simm.s32 $0x8;
	s10 =	sand.u32 $0x1C00, s6;
	s9 =	sand.u32 $0x2000, s4;
	v3 =	vld [tilespmem:s7+$0x14010]  }
0x1a2: {  	s8 =	sor.u32 s9, s10;
	s9 =	sand.u32 $0x380, s5;
	s12 =	sor.u32 $0x10030, s7;
	v0 =	vld [tilespmem:s7+$0x14020]  }
0x1a3: {  	s13 =	sand.u32 $0x40, s4;
	s11 =	sor.u32 $0x10000, s7;
	s8 =	sor.u32 s9, s8;
	[tilespmem:s12+$0x0] =	vst.add.f32.msk $0xffff, v1  }
0x1a4: {  	s10 =	sor.u32 s13, s8;
	[tilespmem:s11+$0x0] =	vst.add.f32.msk $0xffff, v2  }
0x1a5: {  	v1 =	vld [tilespmem:s10+$0x14030]  }
0x1a6: {  	s12 =	sor.u32 $0x10010, s7;
	v2 =	vld [tilespmem:s10+$0x14000]  }
0x1a7: {  	s9 =	sor.u32 $0x10000, s10;
	[tilespmem:s12+$0x0] =	vst.add.f32.msk $0xffff, v3  }
0x1a8: {  	s8 =	sor.u32 $0x10020, s10;
	s11 =	sor.u32 $0x10020, s7;
	s7 =	sor.u32 $0x10010, s10;
	v3 =	vld [tilespmem:s10+$0x14010]  }
.LBB2_20:
0x1a9: {  	s4 =	sadd.s32 $0x40, s4;
	v4 =	vld [tilespmem:s10+$0x14020];
	s5 =	sadd.s32 $0x8, s5;
	s6 =	sadd.s32 $0x200, s6  }
0x1aa: {  	s10 =	sor.u32 $0x10030, s10;
	s12 =	sand.u32 $0x2000, s4;
	s13 =	sand.u32 $0x1C00, s6;
	[tilespmem:s11+$0x0] =	vst.add.f32.msk $0xffff, v0  }
0x1ab: {  	p0 =	slt.u32 s4, $0x3FC0;
	s11 =	sor.u32 s12, s13;
	s12 =	sand.u32 $0x380, s5;
	[tilespmem:s10+$0x0] =	vst.add.f32.msk $0xffff, v1  }
.Ltmp9:
0x1ac: {  	s10 =	sand.u32 $0x40, s4;
	s11 =	sor.u32 s12, s11;
	[tilespmem:s9+$0x0] =	vst.add.f32.msk $0xffff, v2;
	(pc) =	sbr.rel @p0 .LBB2_20-.Ltmp9, $4  }
0x1ad: {  	s10 =	sor.u32 s10, s11;
	[tilespmem:s7+$0x0] =	vst.add.f32.msk $0xffff, v3;
	s11 =	smov.u32 s8  }
0x1ae: {  	s9 =	sor.u32 $0x10000, s10;
	s7 =	sor.u32 $0x10010, s10;
	s8 =	sor.u32 $0x10020, s10;
	v1 =	vld [tilespmem:s10+$0x14030];
	v0 =	vmov v4  }
0x1af: {  	v2 =	vld [tilespmem:s10+$0x14000]  }
0x1b0: {  	v3 =	vld [tilespmem:s10+$0x14010]  }
0x1b1: {  	v4 =	vld [tilespmem:s10+$0x14020]  }
0x1b2: {  	s4 =	sor.u32 $0x10030, s10;
	[tilespmem:s11+$0x0] =	vst.add.f32.msk $0xffff, v0  }
0x1b3: {  	[tilespmem:s4+$0x0] =	vst.add.f32.msk $0xffff, v1  }
0x1b4: {  	[tilespmem:s9+$0x0] =	vst.add.f32.msk $0xffff, v2  }
0x1b5: {  	[tilespmem:s7+$0x0] =	vst.add.f32.msk $0xffff, v3  }
0x1b6: {  	[tilespmem:s8+$0x0] =	vst.add.f32.msk $0xffff, v4  }
0x1b7: {  	s13 =	simm.s32 $0x0;
	s5 =	rddreg [dreg:$0x17]  }
0x1b8: {  	[hbm4b:s5+s13] =	stream.linear.scatter [tilespmem:s22], [sflag:$0xA], $0x4000, $0x38;
	[tilespmem:$0x1C000] =	vst v63  }
0x1b9: {  	_ =	swait.ge [sflag:s0], $0x4000  }
0x1ba: {  	s10 =	sand.u32 $0x1C00, s13;
	s9 =	simm.s32 $0x0;
	[sflag:s0] =	ssyncset.done $0x0  }
0x1bb: {  	s6 =	sand.u32 $0x2000, s9;
	s8 =	rddreg [dreg:$0x1f];
	[sflag:s0] =	ssyncadd.s32 $0xFFFFC000  }
0x1bc: {  	[tilespmem:s20], [sflag:$0x4] =	stream.linear.gather [hbm4b:s8+s13], $0x4000, $0x38;
	[tilespmem:$0x1C000] =	vst v63  }
0x1bd: {  	s4 =	sand.u32 $0x380, s13;
	s6 =	sor.u32 s6, s10;
	_ =	swait.ge [sflag:s21], $0x4000  }
0x1be: {  	s4 =	sor.u32 s4, s6;
	s5 =	sand.u32 $0x40, s9;
	[sflag:s21] =	ssyncset.done $0x0  }
0x1bf: {  	s8 =	sor.u32 s5, s4;
	[sflag:s21] =	ssyncadd.s32 $0xFFFFC000  }
0x1c0: {  	v1 =	vld [tilespmem:s8+$0x14030]  }
0x1c1: {  	v2 =	vld [tilespmem:s8+$0x14000]  }
0x1c2: {  	s6 =	simm.s32 $0x200;
	v3 =	vld [tilespmem:s8+$0x14010]  }
0x1c3: {  	s12 =	sand.u32 $0x1C00, s6;
	s4 =	simm.s32 $0x40  }
0x1c4: {  	s5 =	simm.s32 $0x8;
	s11 =	sand.u32 $0x2000, s4;
	s13 =	sor.u32 $0x30, s8;
	v0 =	vld [tilespmem:s8+$0x14020]  }
0x1c5: {  	s7 =	sor.u32 s11, s12;
	s11 =	sand.u32 $0x380, s5;
	[tilespmem:s13+$0x0] =	vst.add.f32.msk $0xffff, v1  }
0x1c6: {  	s12 =	sor.u32 $0x10, s8;
	s7 =	sor.u32 s11, s7;
	s13 =	sand.u32 $0x40, s4;
	[tilespmem:s8+$0x0] =	vst.add.f32.msk $0xffff, v2  }
0x1c7: {  	[tilespmem:s12+$0x0] =	vst.add.f32.msk $0xffff, v3;
	s7 =	sor.u32 s13, s7  }
0x1c8: {  	v2 =	vld [tilespmem:s7+$0x14030]  }
0x1c9: {  	v1 =	vld [tilespmem:s7+$0x14000]  }
0x1ca: {  	s10 =	sor.u32 $0x20, s8;
	s8 =	sor.u32 $0x10, s7;
	s9 =	sor.u32 $0x20, s7;
	v3 =	vld [tilespmem:s7+$0x14010]  }
.LBB2_22:
0x1cb: {  	s4 =	sadd.s32 $0x40, s4;
	v4 =	vld [tilespmem:s7+$0x14020];
	s5 =	sadd.s32 $0x8, s5;
	s6 =	sadd.s32 $0x200, s6  }
0x1cc: {  	s13 =	sor.u32 $0x30, s7;
	s11 =	sand.u32 $0x2000, s4;
	s12 =	sand.u32 $0x1C00, s6;
	[tilespmem:s10+$0x0] =	vst.add.f32.msk $0xffff, v0  }
0x1cd: {  	p0 =	slt.u32 s4, $0x3FC0;
	s10 =	sor.u32 s11, s12;
	s11 =	sand.u32 $0x380, s5;
	[tilespmem:s13+$0x0] =	vst.add.f32.msk $0xffff, v2  }
.Ltmp10:
0x1ce: {  	s12 =	sand.u32 $0x40, s4;
	s10 =	sor.u32 s11, s10;
	[tilespmem:s7+$0x0] =	vst.add.f32.msk $0xffff, v1;
	(pc) =	sbr.rel @p0 .LBB2_22-.Ltmp10, $4  }
0x1cf: {  	s7 =	sor.u32 s12, s10;
	[tilespmem:s8+$0x0] =	vst.add.f32.msk $0xffff, v3;
	s10 =	smov.u32 s9  }
0x1d0: {  	s8 =	sor.u32 $0x10, s7;
	s9 =	sor.u32 $0x20, s7;
	v2 =	vld [tilespmem:s7+$0x14030];
	v0 =	vmov v4  }
0x1d1: {  	v1 =	vld [tilespmem:s7+$0x14000]  }
0x1d2: {  	v3 =	vld [tilespmem:s7+$0x14010]  }
0x1d3: {  	v4 =	vld [tilespmem:s7+$0x14020]  }
0x1d4: {  	s4 =	sor.u32 $0x30, s7;
	[tilespmem:s10+$0x0] =	vst.add.f32.msk $0xffff, v0  }
0x1d5: {  	[tilespmem:s4+$0x0] =	vst.add.f32.msk $0xffff, v2  }
0x1d6: {  	[tilespmem:s7+$0x0] =	vst.add.f32.msk $0xffff, v1  }
0x1d7: {  	[tilespmem:s8+$0x0] =	vst.add.f32.msk $0xffff, v3  }
0x1d8: {  	[tilespmem:s9+$0x0] =	vst.add.f32.msk $0xffff, v4  }
0x1d9: {  	s11 =	simm.s32 $0x0;
	s5 =	rddreg [dreg:$0x19]  }
0x1da: {  	[hbm4b:s5+s11] =	stream.linear.scatter [tilespmem:s11], [sflag:$0x6], $0x4000, $0x38;
	[tilespmem:$0x1C000] =	vst v63  }
0x1db: {  	_ =	swait.ge [sflag:s2], $0x4000  }
0x1dc: {  	s12 =	sld [smem:$0x7D3]  }
0x1dd: {  	s13 =	simm.s32 $0x0;
	[sflag:s2] =	ssyncset.done $0x0  }
0x1de: {  	s6 =	sand.u32 $0x2000, s13;
	s8 =	sand.u32 $0x1C00, s11;
	[sflag:s2] =	ssyncadd.s32 $0xFFFFC000  }
0x1df: {  	[tilespmem:s22], [sflag:$0x5] =	stream.linear.gather [hbm4b:s12+s11], $0x4000, $0x38;
	[tilespmem:$0x1C000] =	vst v63  }
0x1e0: {  	s4 =	sand.u32 $0x380, s11;
	s6 =	sor.u32 s6, s8;
	_ =	swait.ge [sflag:s23], $0x4000  }
0x1e1: {  	s4 =	sor.u32 s4, s6;
	s5 =	sand.u32 $0x40, s13;
	[sflag:s23] =	ssyncset.done $0x0  }
0x1e2: {  	s7 =	sor.u32 s5, s4;
	[sflag:s23] =	ssyncadd.s32 $0xFFFFC000  }
0x1e3: {  	v1 =	vld [tilespmem:s7+$0x14030]  }
0x1e4: {  	v2 =	vld [tilespmem:s7+$0x14000]  }
0x1e5: {  	s6 =	simm.s32 $0x200;
	s4 =	simm.s32 $0x40  }
0x1e6: {  	s10 =	sand.u32 $0x1C00, s6;
	s5 =	simm.s32 $0x8;
	s9 =	sand.u32 $0x2000, s4;
	v3 =	vld [tilespmem:s7+$0x14010]  }
0x1e7: {  	s8 =	sor.u32 s9, s10;
	s9 =	sand.u32 $0x380, s5;
	s12 =	sor.u32 $0x4030, s7;
	v0 =	vld [tilespmem:s7+$0x14020]  }
0x1e8: {  	s13 =	sand.u32 $0x40, s4;
	s8 =	sor.u32 s9, s8;
	s11 =	sor.u32 $0x4000, s7;
	[tilespmem:s12+$0x0] =	vst.add.f32.msk $0xffff, v1  }
0x1e9: {  	s10 =	sor.u32 s13, s8;
	[tilespmem:s11+$0x0] =	vst.add.f32.msk $0xffff, v2  }
0x1ea: {  	v1 =	vld [tilespmem:s10+$0x14030]  }
0x1eb: {  	s12 =	sor.u32 $0x4010, s7;
	v2 =	vld [tilespmem:s10+$0x14000]  }
0x1ec: {  	s9 =	sor.u32 $0x4000, s10;
	[tilespmem:s12+$0x0] =	vst.add.f32.msk $0xffff, v3  }
0x1ed: {  	s8 =	sor.u32 $0x4020, s10;
	s11 =	sor.u32 $0x4020, s7;
	s7 =	sor.u32 $0x4010, s10;
	v3 =	vld [tilespmem:s10+$0x14010]  }
.LBB2_24:
0x1ee: {  	s4 =	sadd.s32 $0x40, s4;
	v4 =	vld [tilespmem:s10+$0x14020];
	s5 =	sadd.s32 $0x8, s5;
	s6 =	sadd.s32 $0x200, s6  }
0x1ef: {  	s10 =	sor.u32 $0x4030, s10;
	s12 =	sand.u32 $0x2000, s4;
	s13 =	sand.u32 $0x1C00, s6;
	[tilespmem:s11+$0x0] =	vst.add.f32.msk $0xffff, v0  }
0x1f0: {  	p0 =	slt.u32 s4, $0x3FC0;
	s11 =	sor.u32 s12, s13;
	s12 =	sand.u32 $0x380, s5;
	[tilespmem:s10+$0x0] =	vst.add.f32.msk $0xffff, v1  }
.Ltmp11:
0x1f1: {  	s10 =	sand.u32 $0x40, s4;
	s11 =	sor.u32 s12, s11;
	[tilespmem:s9+$0x0] =	vst.add.f32.msk $0xffff, v2;
	(pc) =	sbr.rel @p0 .LBB2_24-.Ltmp11, $4  }
0x1f2: {  	s10 =	sor.u32 s10, s11;
	[tilespmem:s7+$0x0] =	vst.add.f32.msk $0xffff, v3;
	s11 =	smov.u32 s8  }
0x1f3: {  	s9 =	sor.u32 $0x4000, s10;
	s7 =	sor.u32 $0x4010, s10;
	s8 =	sor.u32 $0x4020, s10;
	v1 =	vld [tilespmem:s10+$0x14030];
	v0 =	vmov v4  }
0x1f4: {  	v2 =	vld [tilespmem:s10+$0x14000]  }
0x1f5: {  	v3 =	vld [tilespmem:s10+$0x14010]  }
0x1f6: {  	v4 =	vld [tilespmem:s10+$0x14020]  }
0x1f7: {  	s4 =	sor.u32 $0x4030, s10;
	[tilespmem:s11+$0x0] =	vst.add.f32.msk $0xffff, v0  }
0x1f8: {  	[tilespmem:s4+$0x0] =	vst.add.f32.msk $0xffff, v1  }
0x1f9: {  	[tilespmem:s9+$0x0] =	vst.add.f32.msk $0xffff, v2  }
0x1fa: {  	[tilespmem:s7+$0x0] =	vst.add.f32.msk $0xffff, v3  }
0x1fb: {  	[tilespmem:s8+$0x0] =	vst.add.f32.msk $0xffff, v4  }
0x1fc: {  	s5 =	rddreg [dreg:$0x1b]  }
0x1fd: {  	s10 =	simm.s32 $0x0;
	s11 =	sld [smem:$0x7D7]  }
0x1fe: {  	[hbm4b:s5+s10] =	stream.linear.scatter [tilespmem:s16], [sflag:$0x7], $0x4000, $0x38;
	[tilespmem:$0x1C000] =	vst v63  }
0x1ff: {  	_ = 	snop  }
0x200: {  	[tilespmem:s15], [sflag:$0xB] =	stream.linear.gather [hbm4b:s11+s10], $0x4000, $0x38;
	[tilespmem:$0x1C000] =	vst v63  }
0x201: {  	_ =	swait.ge [sflag:s29], $0x4000  }
0x202: {  	[sflag:s29] =	ssyncset.done $0x0  }
0x203: {  	[sflag:s29] =	ssyncadd.s32 $0xFFFFC000  }
0x204: {  	_ =	swait.ge [sflag:s24], $0x4000  }
0x205: {  	s12 =	sld [smem:$0x7D5]  }
0x206: {  	s13 =	simm.s32 $0x0;
	[sflag:s24] =	ssyncset.done $0x0  }
0x207: {  	s6 =	sand.u32 $0x2000, s13;
	s8 =	sand.u32 $0x1C00, s10;
	[sflag:s24] =	ssyncadd.s32 $0xFFFFC000  }
0x208: {  	[tilespmem:s10], [sflag:$0x1] =	stream.linear.gather [hbm4b:s12+s10], $0x4000, $0x38;
	[tilespmem:$0x1C000] =	vst v63  }
0x209: {  	s4 =	sand.u32 $0x380, s10;
	s6 =	sor.u32 s6, s8;
	_ =	swait.ge [sflag:s25], $0x4000  }
0x20a: {  	s5 =	sand.u32 $0x40, s13;
	s4 =	sor.u32 s4, s6;
	[sflag:s25] =	ssyncset.done $0x0  }
0x20b: {  	s7 =	sor.u32 s5, s4;
	[sflag:s25] =	ssyncadd.s32 $0xFFFFC000  }
0x20c: {  	v1 =	vld [tilespmem:s7+$0x18030]  }
0x20d: {  	v2 =	vld [tilespmem:s7+$0x18000]  }
0x20e: {  	s6 =	simm.s32 $0x200;
	s4 =	simm.s32 $0x40  }
0x20f: {  	s5 =	simm.s32 $0x8;
	s9 =	sand.u32 $0x2000, s4;
	s10 =	sand.u32 $0x1C00, s6;
	v3 =	vld [tilespmem:s7+$0x18010]  }
0x210: {  	s12 =	sor.u32 $0x8030, s7;
	s8 =	sor.u32 s9, s10;
	s9 =	sand.u32 $0x380, s5;
	v0 =	vld [tilespmem:s7+$0x18020]  }
0x211: {  	s11 =	sor.u32 $0x8000, s7;
	s13 =	sand.u32 $0x40, s4;
	s8 =	sor.u32 s9, s8;
	[tilespmem:s12+$0x0] =	vst.add.f32.msk $0xffff, v1  }
0x212: {  	s10 =	sor.u32 s13, s8;
	[tilespmem:s11+$0x0] =	vst.add.f32.msk $0xffff, v2  }
0x213: {  	v1 =	vld [tilespmem:s10+$0x18030]  }
0x214: {  	s12 =	sor.u32 $0x8010, s7;
	v2 =	vld [tilespmem:s10+$0x18000]  }
0x215: {  	s9 =	sor.u32 $0x8000, s10;
	[tilespmem:s12+$0x0] =	vst.add.f32.msk $0xffff, v3  }
0x216: {  	s8 =	sor.u32 $0x8020, s10;
	s11 =	sor.u32 $0x8020, s7;
	s7 =	sor.u32 $0x8010, s10;
	v3 =	vld [tilespmem:s10+$0x18010]  }
.LBB2_26:
0x217: {  	s4 =	sadd.s32 $0x40, s4;
	v4 =	vld [tilespmem:s10+$0x18020];
	s5 =	sadd.s32 $0x8, s5;
	s6 =	sadd.s32 $0x200, s6  }
0x218: {  	s10 =	sor.u32 $0x8030, s10;
	s12 =	sand.u32 $0x2000, s4;
	s13 =	sand.u32 $0x1C00, s6;
	[tilespmem:s11+$0x0] =	vst.add.f32.msk $0xffff, v0  }
0x219: {  	p0 =	slt.u32 s4, $0x3FC0;
	s11 =	sor.u32 s12, s13;
	s12 =	sand.u32 $0x380, s5;
	[tilespmem:s10+$0x0] =	vst.add.f32.msk $0xffff, v1  }
.Ltmp12:
0x21a: {  	s10 =	sand.u32 $0x40, s4;
	s11 =	sor.u32 s12, s11;
	[tilespmem:s9+$0x0] =	vst.add.f32.msk $0xffff, v2;
	(pc) =	sbr.rel @p0 .LBB2_26-.Ltmp12, $4  }
0x21b: {  	s10 =	sor.u32 s10, s11;
	[tilespmem:s7+$0x0] =	vst.add.f32.msk $0xffff, v3;
	s11 =	smov.u32 s8  }
0x21c: {  	s9 =	sor.u32 $0x8000, s10;
	s7 =	sor.u32 $0x8010, s10;
	s8 =	sor.u32 $0x8020, s10;
	v1 =	vld [tilespmem:s10+$0x18030];
	v0 =	vmov v4  }
0x21d: {  	v2 =	vld [tilespmem:s10+$0x18000]  }
0x21e: {  	v3 =	vld [tilespmem:s10+$0x18010]  }
0x21f: {  	v4 =	vld [tilespmem:s10+$0x18020]  }
0x220: {  	s4 =	sor.u32 $0x8030, s10;
	[tilespmem:s11+$0x0] =	vst.add.f32.msk $0xffff, v0  }
0x221: {  	[tilespmem:s4+$0x0] =	vst.add.f32.msk $0xffff, v1  }
0x222: {  	[tilespmem:s9+$0x0] =	vst.add.f32.msk $0xffff, v2  }
0x223: {  	[tilespmem:s7+$0x0] =	vst.add.f32.msk $0xffff, v3  }
0x224: {  	[tilespmem:s8+$0x0] =	vst.add.f32.msk $0xffff, v4  }
0x225: {  	s11 =	simm.s32 $0x0;
	s5 =	rddreg [dreg:$0x1e]  }
0x226: {  	[hbm4b:s5+s11] =	stream.linear.scatter [tilespmem:s17], [sflag:$0x8], $0x4000, $0x38;
	[tilespmem:$0x1C000] =	vst v63  }
0x227: {  	_ =	swait.ge [sflag:s26], $0x4000  }
0x228: {  	s12 =	sld [smem:$0x7D8]  }
0x229: {  	s13 =	simm.s32 $0x0;
	[sflag:s26] =	ssyncset.done $0x0  }
0x22a: {  	s6 =	sand.u32 $0x2000, s13;
	s8 =	sand.u32 $0x1C00, s11;
	[sflag:s26] =	ssyncadd.s32 $0xFFFFC000  }
0x22b: {  	[tilespmem:s16], [sflag:$0x2] =	stream.linear.gather [hbm4b:s12+s11], $0x4000, $0x38;
	[tilespmem:$0x1C000] =	vst v63  }
0x22c: {  	s4 =	sand.u32 $0x380, s11;
	s6 =	sor.u32 s6, s8;
	_ =	swait.ge [sflag:s28], $0x4000  }
0x22d: {  	s5 =	sand.u32 $0x40, s13;
	s4 =	sor.u32 s4, s6;
	[sflag:s28] =	ssyncset.done $0x0  }
0x22e: {  	s7 =	sor.u32 s5, s4;
	[sflag:s28] =	ssyncadd.s32 $0xFFFFC000  }
0x22f: {  	v1 =	vld [tilespmem:s7+$0x18030]  }
0x230: {  	v2 =	vld [tilespmem:s7+$0x18000]  }
0x231: {  	s6 =	simm.s32 $0x200;
	s4 =	simm.s32 $0x40  }
0x232: {  	s5 =	simm.s32 $0x8;
	s10 =	sand.u32 $0x1C00, s6;
	s9 =	sand.u32 $0x2000, s4;
	v3 =	vld [tilespmem:s7+$0x18010]  }
0x233: {  	s8 =	sor.u32 s9, s10;
	s9 =	sand.u32 $0x380, s5;
	s12 =	sor.u32 $0xC030, s7;
	v0 =	vld [tilespmem:s7+$0x18020]  }
0x234: {  	s13 =	sand.u32 $0x40, s4;
	s8 =	sor.u32 s9, s8;
	s11 =	sor.u32 $0xC000, s7;
	[tilespmem:s12+$0x0] =	vst.add.f32.msk $0xffff, v1  }
0x235: {  	s10 =	sor.u32 s13, s8;
	[tilespmem:s11+$0x0] =	vst.add.f32.msk $0xffff, v2  }
0x236: {  	v1 =	vld [tilespmem:s10+$0x18030]  }
0x237: {  	s12 =	sor.u32 $0xC010, s7;
	v2 =	vld [tilespmem:s10+$0x18000]  }
0x238: {  	s9 =	sor.u32 $0xC000, s10;
	[tilespmem:s12+$0x0] =	vst.add.f32.msk $0xffff, v3  }
0x239: {  	s8 =	sor.u32 $0xC020, s10;
	s11 =	sor.u32 $0xC020, s7;
	s7 =	sor.u32 $0xC010, s10;
	v3 =	vld [tilespmem:s10+$0x18010]  }
.LBB2_28:
0x23a: {  	s4 =	sadd.s32 $0x40, s4;
	v4 =	vld [tilespmem:s10+$0x18020];
	s5 =	sadd.s32 $0x8, s5;
	s6 =	sadd.s32 $0x200, s6  }
0x23b: {  	s10 =	sor.u32 $0xC030, s10;
	s12 =	sand.u32 $0x2000, s4;
	s13 =	sand.u32 $0x1C00, s6;
	[tilespmem:s11+$0x0] =	vst.add.f32.msk $0xffff, v0  }
0x23c: {  	p0 =	slt.u32 s4, $0x3FC0;
	s11 =	sor.u32 s12, s13;
	s12 =	sand.u32 $0x380, s5;
	[tilespmem:s10+$0x0] =	vst.add.f32.msk $0xffff, v1  }
.Ltmp13:
0x23d: {  	s10 =	sand.u32 $0x40, s4;
	s11 =	sor.u32 s12, s11;
	[tilespmem:s9+$0x0] =	vst.add.f32.msk $0xffff, v2;
	(pc) =	sbr.rel @p0 .LBB2_28-.Ltmp13, $4  }
0x23e: {  	s10 =	sor.u32 s10, s11;
	[tilespmem:s7+$0x0] =	vst.add.f32.msk $0xffff, v3;
	s11 =	smov.u32 s8  }
0x23f: {  	s9 =	sor.u32 $0xC000, s10;
	s7 =	sor.u32 $0xC010, s10;
	s8 =	sor.u32 $0xC020, s10;
	v1 =	vld [tilespmem:s10+$0x18030];
	v0 =	vmov v4  }
0x240: {  	v2 =	vld [tilespmem:s10+$0x18000]  }
0x241: {  	v3 =	vld [tilespmem:s10+$0x18010]  }
0x242: {  	v4 =	vld [tilespmem:s10+$0x18020]  }
0x243: {  	s4 =	sor.u32 $0xC030, s10;
	[tilespmem:s11+$0x0] =	vst.add.f32.msk $0xffff, v0  }
0x244: {  	[tilespmem:s4+$0x0] =	vst.add.f32.msk $0xffff, v1  }
0x245: {  	[tilespmem:s9+$0x0] =	vst.add.f32.msk $0xffff, v2  }
0x246: {  	[tilespmem:s7+$0x0] =	vst.add.f32.msk $0xffff, v3  }
0x247: {  	[tilespmem:s8+$0x0] =	vst.add.f32.msk $0xffff, v4  }
0x248: {  	s5 =	sld [smem:$0x7D2];
	_ =	sdelay $0x1  }
0x249: {  	s11 =	simm.s32 $0x0  }
0x24a: {  	[hbm4b:s5+s11] =	stream.linear.scatter [tilespmem:s20], [sflag:$0x9], $0x4000, $0x38;
	[tilespmem:$0x1C000] =	vst v63  }
0x24b: {  	_ =	swait.ge [sflag:s30], $0x4000  }
0x24c: {  	s12 =	sld [smem:$0x7DA]  }
0x24d: {  	s13 =	simm.s32 $0x0;
	[sflag:s30] =	ssyncset.done $0x0  }
0x24e: {  	s6 =	sand.u32 $0x2000, s13;
	s8 =	sand.u32 $0x1C00, s11;
	[sflag:s30] =	ssyncadd.s32 $0xFFFFC000  }
0x24f: {  	[tilespmem:s17], [sflag:$0x3] =	stream.linear.gather [hbm4b:s12+s11], $0x4000, $0x38;
	[tilespmem:$0x1C000] =	vst v63  }
0x250: {  	s4 =	sand.u32 $0x380, s11;
	s6 =	sor.u32 s6, s8;
	_ =	swait.ge [sflag:s31], $0x4000  }
0x251: {  	s4 =	sor.u32 s4, s6;
	s5 =	sand.u32 $0x40, s13;
	[sflag:s31] =	ssyncset.done $0x0  }
0x252: {  	s7 =	sor.u32 s5, s4;
	[sflag:s31] =	ssyncadd.s32 $0xFFFFC000  }
0x253: {  	v1 =	vld [tilespmem:s7+$0x18030]  }
0x254: {  	v2 =	vld [tilespmem:s7+$0x18000]  }
0x255: {  	s6 =	simm.s32 $0x200;
	s4 =	simm.s32 $0x40  }
0x256: {  	s10 =	sand.u32 $0x1C00, s6;
	s5 =	simm.s32 $0x8;
	s9 =	sand.u32 $0x2000, s4;
	v3 =	vld [tilespmem:s7+$0x18010]  }
0x257: {  	s8 =	sor.u32 s9, s10;
	s9 =	sand.u32 $0x380, s5;
	s12 =	sor.u32 $0x10030, s7;
	v0 =	vld [tilespmem:s7+$0x18020]  }
0x258: {  	s13 =	sand.u32 $0x40, s4;
	s8 =	sor.u32 s9, s8;
	s11 =	sor.u32 $0x10000, s7;
	[tilespmem:s12+$0x0] =	vst.add.f32.msk $0xffff, v1  }
0x259: {  	s10 =	sor.u32 s13, s8;
	[tilespmem:s11+$0x0] =	vst.add.f32.msk $0xffff, v2  }
0x25a: {  	v1 =	vld [tilespmem:s10+$0x18030]  }
0x25b: {  	s12 =	sor.u32 $0x10010, s7;
	v2 =	vld [tilespmem:s10+$0x18000]  }
0x25c: {  	s9 =	sor.u32 $0x10000, s10;
	[tilespmem:s12+$0x0] =	vst.add.f32.msk $0xffff, v3  }
0x25d: {  	s8 =	sor.u32 $0x10020, s10;
	s11 =	sor.u32 $0x10020, s7;
	s7 =	sor.u32 $0x10010, s10;
	v3 =	vld [tilespmem:s10+$0x18010]  }
.LBB2_30:
0x25e: {  	s4 =	sadd.s32 $0x40, s4;
	v4 =	vld [tilespmem:s10+$0x18020];
	s5 =	sadd.s32 $0x8, s5;
	s6 =	sadd.s32 $0x200, s6  }
0x25f: {  	s10 =	sor.u32 $0x10030, s10;
	s12 =	sand.u32 $0x2000, s4;
	s13 =	sand.u32 $0x1C00, s6;
	[tilespmem:s11+$0x0] =	vst.add.f32.msk $0xffff, v0  }
0x260: {  	p0 =	slt.u32 s4, $0x3FC0;
	s11 =	sor.u32 s12, s13;
	s12 =	sand.u32 $0x380, s5;
	[tilespmem:s10+$0x0] =	vst.add.f32.msk $0xffff, v1  }
.Ltmp14:
0x261: {  	s10 =	sand.u32 $0x40, s4;
	s11 =	sor.u32 s12, s11;
	[tilespmem:s9+$0x0] =	vst.add.f32.msk $0xffff, v2;
	(pc) =	sbr.rel @p0 .LBB2_30-.Ltmp14, $4  }
0x262: {  	s10 =	sor.u32 s10, s11;
	[tilespmem:s7+$0x0] =	vst.add.f32.msk $0xffff, v3;
	s11 =	smov.u32 s8  }
0x263: {  	s9 =	sor.u32 $0x10000, s10;
	s7 =	sor.u32 $0x10010, s10;
	s8 =	sor.u32 $0x10020, s10;
	v1 =	vld [tilespmem:s10+$0x18030];
	v0 =	vmov v4  }
0x264: {  	v2 =	vld [tilespmem:s10+$0x18000]  }
0x265: {  	v3 =	vld [tilespmem:s10+$0x18010]  }
0x266: {  	v4 =	vld [tilespmem:s10+$0x18020]  }
0x267: {  	s4 =	sor.u32 $0x10030, s10;
	[tilespmem:s11+$0x0] =	vst.add.f32.msk $0xffff, v0  }
0x268: {  	[tilespmem:s4+$0x0] =	vst.add.f32.msk $0xffff, v1  }
0x269: {  	[tilespmem:s9+$0x0] =	vst.add.f32.msk $0xffff, v2  }
0x26a: {  	[tilespmem:s7+$0x0] =	vst.add.f32.msk $0xffff, v3  }
0x26b: {  	[tilespmem:s8+$0x0] =	vst.add.f32.msk $0xffff, v4  }
0x26c: {  	s5 =	sld [smem:$0x7D4];
	_ =	sdelay $0x1  }
0x26d: {  	s13 =	simm.s32 $0x0  }
0x26e: {  	[hbm4b:s5+s13] =	stream.linear.scatter [tilespmem:s22], [sflag:$0xA], $0x4000, $0x38;
	[tilespmem:$0x1C000] =	vst v63  }
0x26f: {  	_ =	swait.ge [sflag:s0], $0x4000  }
0x270: {  	s8 =	sld [smem:$0x7DC]  }
0x271: {  	s9 =	simm.s32 $0x0;
	[sflag:s0] =	ssyncset.done $0x0  }
0x272: {  	s10 =	sand.u32 $0x1C00, s13;
	s6 =	sand.u32 $0x2000, s9;
	[sflag:s0] =	ssyncadd.s32 $0xFFFFC000  }
0x273: {  	[tilespmem:s20], [sflag:$0x4] =	stream.linear.gather [hbm4b:s8+s13], $0x4000, $0x38;
	[tilespmem:$0x1C000] =	vst v63  }
0x274: {  	s4 =	sand.u32 $0x380, s13;
	s6 =	sor.u32 s6, s10;
	_ =	swait.ge [sflag:s21], $0x4000  }
0x275: {  	s4 =	sor.u32 s4, s6;
	s5 =	sand.u32 $0x40, s9;
	[sflag:s21] =	ssyncset.done $0x0  }
0x276: {  	s8 =	sor.u32 s5, s4;
	[sflag:s21] =	ssyncadd.s32 $0xFFFFC000  }
0x277: {  	v1 =	vld [tilespmem:s8+$0x18030]  }
0x278: {  	v2 =	vld [tilespmem:s8+$0x18000]  }
0x279: {  	s6 =	simm.s32 $0x200;
	v3 =	vld [tilespmem:s8+$0x18010]  }
0x27a: {  	s12 =	sand.u32 $0x1C00, s6;
	s4 =	simm.s32 $0x40  }
0x27b: {  	s5 =	simm.s32 $0x8;
	s11 =	sand.u32 $0x2000, s4;
	s13 =	sor.u32 $0x30, s8;
	v0 =	vld [tilespmem:s8+$0x18020]  }
0x27c: {  	s7 =	sor.u32 s11, s12;
	s11 =	sand.u32 $0x380, s5;
	[tilespmem:s13+$0x0] =	vst.add.f32.msk $0xffff, v1  }
0x27d: {  	s12 =	sor.u32 $0x10, s8;
	s7 =	sor.u32 s11, s7;
	s13 =	sand.u32 $0x40, s4;
	[tilespmem:s8+$0x0] =	vst.add.f32.msk $0xffff, v2  }
0x27e: {  	[tilespmem:s12+$0x0] =	vst.add.f32.msk $0xffff, v3;
	s7 =	sor.u32 s13, s7  }
0x27f: {  	v2 =	vld [tilespmem:s7+$0x18030]  }
0x280: {  	v1 =	vld [tilespmem:s7+$0x18000]  }
0x281: {  	s10 =	sor.u32 $0x20, s8;
	s8 =	sor.u32 $0x10, s7;
	s9 =	sor.u32 $0x20, s7;
	v3 =	vld [tilespmem:s7+$0x18010]  }
.LBB2_32:
0x282: {  	s4 =	sadd.s32 $0x40, s4;
	v4 =	vld [tilespmem:s7+$0x18020];
	s5 =	sadd.s32 $0x8, s5;
	s6 =	sadd.s32 $0x200, s6  }
0x283: {  	s13 =	sor.u32 $0x30, s7;
	s11 =	sand.u32 $0x2000, s4;
	s12 =	sand.u32 $0x1C00, s6;
	[tilespmem:s10+$0x0] =	vst.add.f32.msk $0xffff, v0  }
0x284: {  	p0 =	slt.u32 s4, $0x3FC0;
	s10 =	sor.u32 s11, s12;
	s11 =	sand.u32 $0x380, s5;
	[tilespmem:s13+$0x0] =	vst.add.f32.msk $0xffff, v2  }
.Ltmp15:
0x285: {  	s12 =	sand.u32 $0x40, s4;
	s10 =	sor.u32 s11, s10;
	[tilespmem:s7+$0x0] =	vst.add.f32.msk $0xffff, v1;
	(pc) =	sbr.rel @p0 .LBB2_32-.Ltmp15, $4  }
0x286: {  	s7 =	sor.u32 s12, s10;
	[tilespmem:s8+$0x0] =	vst.add.f32.msk $0xffff, v3;
	s10 =	smov.u32 s9  }
0x287: {  	s8 =	sor.u32 $0x10, s7;
	s9 =	sor.u32 $0x20, s7;
	v2 =	vld [tilespmem:s7+$0x18030];
	v0 =	vmov v4  }
0x288: {  	v1 =	vld [tilespmem:s7+$0x18000]  }
0x289: {  	v3 =	vld [tilespmem:s7+$0x18010]  }
0x28a: {  	v4 =	vld [tilespmem:s7+$0x18020]  }
0x28b: {  	s4 =	sor.u32 $0x30, s7;
	[tilespmem:s10+$0x0] =	vst.add.f32.msk $0xffff, v0  }
0x28c: {  	[tilespmem:s4+$0x0] =	vst.add.f32.msk $0xffff, v2  }
0x28d: {  	[tilespmem:s7+$0x0] =	vst.add.f32.msk $0xffff, v1  }
0x28e: {  	[tilespmem:s8+$0x0] =	vst.add.f32.msk $0xffff, v3  }
0x28f: {  	[tilespmem:s9+$0x0] =	vst.add.f32.msk $0xffff, v4  }
0x290: {  	s5 =	sld [smem:$0x7D6];
	_ =	sdelay $0x1  }
0x291: {  	s10 =	simm.s32 $0x0;
	s11 =	sld [smem:$0x7E0]  }
0x292: {  	[hbm4b:s5+s10] =	stream.linear.scatter [tilespmem:s10], [sflag:$0x6], $0x4000, $0x38;
	[tilespmem:$0x1C000] =	vst v63  }
0x293: {  	_ = 	snop  }
0x294: {  	[tilespmem:s18], [sflag:$0xC] =	stream.linear.gather [hbm4b:s11+s10], $0x4000, $0x38;
	[tilespmem:$0x1C000] =	vst v63  }
0x295: {  	_ =	swait.ge [sflag:s19], $0x4000  }
0x296: {  	[sflag:s19] =	ssyncset.done $0x0  }
0x297: {  	[sflag:s19] =	ssyncadd.s32 $0xFFFFC000  }
0x298: {  	_ =	swait.ge [sflag:s2], $0x4000  }
0x299: {  	s12 =	sld [smem:$0x7DE]  }
0x29a: {  	s13 =	simm.s32 $0x0;
	[sflag:s2] =	ssyncset.done $0x0  }
0x29b: {  	s6 =	sand.u32 $0x2000, s13;
	s8 =	sand.u32 $0x1C00, s10;
	[sflag:s2] =	ssyncadd.s32 $0xFFFFC000  }
0x29c: {  	[tilespmem:s22], [sflag:$0x5] =	stream.linear.gather [hbm4b:s12+s10], $0x4000, $0x38;
	[tilespmem:$0x1C000] =	vst v63  }
0x29d: {  	s4 =	sand.u32 $0x380, s10;
	s6 =	sor.u32 s6, s8;
	_ =	swait.ge [sflag:s23], $0x4000  }
0x29e: {  	s4 =	sor.u32 s4, s6;
	s5 =	sand.u32 $0x40, s13;
	[sflag:s23] =	ssyncset.done $0x0  }
0x29f: {  	s7 =	sor.u32 s5, s4;
	[sflag:s23] =	ssyncadd.s32 $0xFFFFC000  }
0x2a0: {  	v1 =	vld [tilespmem:s7+$0x14030]  }
0x2a1: {  	v2 =	vld [tilespmem:s7+$0x14000]  }
0x2a2: {  	s6 =	simm.s32 $0x200;
	s4 =	simm.s32 $0x40  }
0x2a3: {  	s5 =	simm.s32 $0x8;
	s9 =	sand.u32 $0x2000, s4;
	s10 =	sand.u32 $0x1C00, s6;
	v3 =	vld [tilespmem:s7+$0x14010]  }
0x2a4: {  	s12 =	sor.u32 $0x4030, s7;
	s8 =	sor.u32 s9, s10;
	s9 =	sand.u32 $0x380, s5;
	v0 =	vld [tilespmem:s7+$0x14020]  }
0x2a5: {  	s11 =	sor.u32 $0x4000, s7;
	s13 =	sand.u32 $0x40, s4;
	s8 =	sor.u32 s9, s8;
	[tilespmem:s12+$0x0] =	vst.add.f32.msk $0xffff, v1  }
0x2a6: {  	s10 =	sor.u32 s13, s8;
	[tilespmem:s11+$0x0] =	vst.add.f32.msk $0xffff, v2  }
0x2a7: {  	v1 =	vld [tilespmem:s10+$0x14030]  }
0x2a8: {  	s12 =	sor.u32 $0x4010, s7;
	v2 =	vld [tilespmem:s10+$0x14000]  }
0x2a9: {  	s9 =	sor.u32 $0x4000, s10;
	[tilespmem:s12+$0x0] =	vst.add.f32.msk $0xffff, v3  }
0x2aa: {  	s8 =	sor.u32 $0x4020, s10;
	s11 =	sor.u32 $0x4020, s7;
	s7 =	sor.u32 $0x4010, s10;
	v3 =	vld [tilespmem:s10+$0x14010]  }
.LBB2_34:
0x2ab: {  	s4 =	sadd.s32 $0x40, s4;
	v4 =	vld [tilespmem:s10+$0x14020];
	s5 =	sadd.s32 $0x8, s5;
	s6 =	sadd.s32 $0x200, s6  }
0x2ac: {  	s10 =	sor.u32 $0x4030, s10;
	s12 =	sand.u32 $0x2000, s4;
	s13 =	sand.u32 $0x1C00, s6;
	[tilespmem:s11+$0x0] =	vst.add.f32.msk $0xffff, v0  }
0x2ad: {  	p0 =	slt.u32 s4, $0x3FC0;
	s11 =	sor.u32 s12, s13;
	s12 =	sand.u32 $0x380, s5;
	[tilespmem:s10+$0x0] =	vst.add.f32.msk $0xffff, v1  }
.Ltmp16:
0x2ae: {  	s10 =	sand.u32 $0x40, s4;
	s11 =	sor.u32 s12, s11;
	[tilespmem:s9+$0x0] =	vst.add.f32.msk $0xffff, v2;
	(pc) =	sbr.rel @p0 .LBB2_34-.Ltmp16, $4  }
0x2af: {  	s10 =	sor.u32 s10, s11;
	[tilespmem:s7+$0x0] =	vst.add.f32.msk $0xffff, v3;
	s11 =	smov.u32 s8  }
0x2b0: {  	s9 =	sor.u32 $0x4000, s10;
	s7 =	sor.u32 $0x4010, s10;
	s8 =	sor.u32 $0x4020, s10;
	v1 =	vld [tilespmem:s10+$0x14030];
	v0 =	vmov v4  }
0x2b1: {  	v2 =	vld [tilespmem:s10+$0x14000]  }
0x2b2: {  	v3 =	vld [tilespmem:s10+$0x14010]  }
0x2b3: {  	v4 =	vld [tilespmem:s10+$0x14020]  }
0x2b4: {  	s4 =	sor.u32 $0x4030, s10;
	[tilespmem:s11+$0x0] =	vst.add.f32.msk $0xffff, v0  }
0x2b5: {  	[tilespmem:s4+$0x0] =	vst.add.f32.msk $0xffff, v1  }
0x2b6: {  	[tilespmem:s9+$0x0] =	vst.add.f32.msk $0xffff, v2  }
0x2b7: {  	[tilespmem:s7+$0x0] =	vst.add.f32.msk $0xffff, v3  }
0x2b8: {  	[tilespmem:s8+$0x0] =	vst.add.f32.msk $0xffff, v4  }
0x2b9: {  	s5 =	sld [smem:$0x7D9];
	_ =	sdelay $0x1  }
0x2ba: {  	s11 =	simm.s32 $0x0  }
0x2bb: {  	[hbm4b:s5+s11] =	stream.linear.scatter [tilespmem:s16], [sflag:$0x7], $0x4000, $0x38;
	[tilespmem:$0x1C000] =	vst v63  }
0x2bc: {  	_ =	swait.ge [sflag:s24], $0x4000  }
0x2bd: {  	s12 =	sld [smem:$0x7E1]  }
0x2be: {  	s13 =	simm.s32 $0x0;
	[sflag:s24] =	ssyncset.done $0x0  }
0x2bf: {  	s6 =	sand.u32 $0x2000, s13;
	s8 =	sand.u32 $0x1C00, s11;
	[sflag:s24] =	ssyncadd.s32 $0xFFFFC000  }
0x2c0: {  	[tilespmem:s11], [sflag:$0x1] =	stream.linear.gather [hbm4b:s12+s11], $0x4000, $0x38;
	[tilespmem:$0x1C000] =	vst v63  }
0x2c1: {  	s4 =	sand.u32 $0x380, s11;
	s6 =	sor.u32 s6, s8;
	_ =	swait.ge [sflag:s25], $0x4000  }
0x2c2: {  	s4 =	sor.u32 s4, s6;
	s5 =	sand.u32 $0x40, s13;
	[sflag:s25] =	ssyncset.done $0x0  }
0x2c3: {  	s7 =	sor.u32 s5, s4;
	[sflag:s25] =	ssyncadd.s32 $0xFFFFC000  }
0x2c4: {  	v1 =	vld [tilespmem:s7+$0x14030]  }
0x2c5: {  	v2 =	vld [tilespmem:s7+$0x14000]  }
0x2c6: {  	s6 =	simm.s32 $0x200;
	s4 =	simm.s32 $0x40  }
0x2c7: {  	s10 =	sand.u32 $0x1C00, s6;
	s5 =	simm.s32 $0x8;
	s9 =	sand.u32 $0x2000, s4;
	v3 =	vld [tilespmem:s7+$0x14010]  }
0x2c8: {  	s8 =	sor.u32 s9, s10;
	s9 =	sand.u32 $0x380, s5;
	s12 =	sor.u32 $0x8030, s7;
	v0 =	vld [tilespmem:s7+$0x14020]  }
0x2c9: {  	s13 =	sand.u32 $0x40, s4;
	s8 =	sor.u32 s9, s8;
	s11 =	sor.u32 $0x8000, s7;
	[tilespmem:s12+$0x0] =	vst.add.f32.msk $0xffff, v1  }
0x2ca: {  	s10 =	sor.u32 s13, s8;
	[tilespmem:s11+$0x0] =	vst.add.f32.msk $0xffff, v2  }
0x2cb: {  	v1 =	vld [tilespmem:s10+$0x14030]  }
0x2cc: {  	s12 =	sor.u32 $0x8010, s7;
	v2 =	vld [tilespmem:s10+$0x14000]  }
0x2cd: {  	s9 =	sor.u32 $0x8000, s10;
	[tilespmem:s12+$0x0] =	vst.add.f32.msk $0xffff, v3  }
0x2ce: {  	s8 =	sor.u32 $0x8020, s10;
	s11 =	sor.u32 $0x8020, s7;
	s7 =	sor.u32 $0x8010, s10;
	v3 =	vld [tilespmem:s10+$0x14010]  }
.LBB2_36:
0x2cf: {  	s4 =	sadd.s32 $0x40, s4;
	v4 =	vld [tilespmem:s10+$0x14020];
	s5 =	sadd.s32 $0x8, s5;
	s6 =	sadd.s32 $0x200, s6  }
0x2d0: {  	s10 =	sor.u32 $0x8030, s10;
	s12 =	sand.u32 $0x2000, s4;
	s13 =	sand.u32 $0x1C00, s6;
	[tilespmem:s11+$0x0] =	vst.add.f32.msk $0xffff, v0  }
0x2d1: {  	p0 =	slt.u32 s4, $0x3FC0;
	s11 =	sor.u32 s12, s13;
	s12 =	sand.u32 $0x380, s5;
	[tilespmem:s10+$0x0] =	vst.add.f32.msk $0xffff, v1  }
.Ltmp17:
0x2d2: {  	s10 =	sand.u32 $0x40, s4;
	s11 =	sor.u32 s12, s11;
	[tilespmem:s9+$0x0] =	vst.add.f32.msk $0xffff, v2;
	(pc) =	sbr.rel @p0 .LBB2_36-.Ltmp17, $4  }
0x2d3: {  	s10 =	sor.u32 s10, s11;
	[tilespmem:s7+$0x0] =	vst.add.f32.msk $0xffff, v3;
	s11 =	smov.u32 s8  }
0x2d4: {  	s9 =	sor.u32 $0x8000, s10;
	s7 =	sor.u32 $0x8010, s10;
	s8 =	sor.u32 $0x8020, s10;
	v1 =	vld [tilespmem:s10+$0x14030];
	v0 =	vmov v4  }
0x2d5: {  	v2 =	vld [tilespmem:s10+$0x14000]  }
0x2d6: {  	v3 =	vld [tilespmem:s10+$0x14010]  }
0x2d7: {  	v4 =	vld [tilespmem:s10+$0x14020]  }
0x2d8: {  	s4 =	sor.u32 $0x8030, s10;
	[tilespmem:s11+$0x0] =	vst.add.f32.msk $0xffff, v0  }
0x2d9: {  	[tilespmem:s4+$0x0] =	vst.add.f32.msk $0xffff, v1  }
0x2da: {  	[tilespmem:s9+$0x0] =	vst.add.f32.msk $0xffff, v2  }
0x2db: {  	[tilespmem:s7+$0x0] =	vst.add.f32.msk $0xffff, v3  }
0x2dc: {  	[tilespmem:s8+$0x0] =	vst.add.f32.msk $0xffff, v4  }
0x2dd: {  	s5 =	sld [smem:$0x7DB];
	_ =	sdelay $0x1  }
0x2de: {  	s11 =	simm.s32 $0x0  }
0x2df: {  	[hbm4b:s5+s11] =	stream.linear.scatter [tilespmem:s17], [sflag:$0x8], $0x4000, $0x38;
	[tilespmem:$0x1C000] =	vst v63  }
0x2e0: {  	_ =	swait.ge [sflag:s26], $0x4000  }
0x2e1: {  	s12 =	sld [smem:$0x7E3]  }
0x2e2: {  	s13 =	simm.s32 $0x0;
	[sflag:s26] =	ssyncset.done $0x0  }
0x2e3: {  	s6 =	sand.u32 $0x2000, s13;
	s8 =	sand.u32 $0x1C00, s11;
	[sflag:s26] =	ssyncadd.s32 $0xFFFFC000  }
0x2e4: {  	[tilespmem:s16], [sflag:$0x2] =	stream.linear.gather [hbm4b:s12+s11], $0x4000, $0x38;
	[tilespmem:$0x1C000] =	vst v63  }
0x2e5: {  	s4 =	sand.u32 $0x380, s11;
	s6 =	sor.u32 s6, s8;
	_ =	swait.ge [sflag:s28], $0x4000  }
0x2e6: {  	s4 =	sor.u32 s4, s6;
	s5 =	sand.u32 $0x40, s13;
	[sflag:s28] =	ssyncset.done $0x0  }
0x2e7: {  	s7 =	sor.u32 s5, s4;
	[sflag:s28] =	ssyncadd.s32 $0xFFFFC000  }
0x2e8: {  	v1 =	vld [tilespmem:s7+$0x14030]  }
0x2e9: {  	v2 =	vld [tilespmem:s7+$0x14000]  }
0x2ea: {  	s6 =	simm.s32 $0x200;
	s4 =	simm.s32 $0x40  }
0x2eb: {  	s10 =	sand.u32 $0x1C00, s6;
	s5 =	simm.s32 $0x8;
	s9 =	sand.u32 $0x2000, s4;
	v3 =	vld [tilespmem:s7+$0x14010]  }
0x2ec: {  	s8 =	sor.u32 s9, s10;
	s9 =	sand.u32 $0x380, s5;
	s12 =	sor.u32 $0xC030, s7;
	v0 =	vld [tilespmem:s7+$0x14020]  }
0x2ed: {  	s13 =	sand.u32 $0x40, s4;
	s8 =	sor.u32 s9, s8;
	s11 =	sor.u32 $0xC000, s7;
	[tilespmem:s12+$0x0] =	vst.add.f32.msk $0xffff, v1  }
0x2ee: {  	s10 =	sor.u32 s13, s8;
	[tilespmem:s11+$0x0] =	vst.add.f32.msk $0xffff, v2  }
0x2ef: {  	v1 =	vld [tilespmem:s10+$0x14030]  }
0x2f0: {  	s12 =	sor.u32 $0xC010, s7;
	v2 =	vld [tilespmem:s10+$0x14000]  }
0x2f1: {  	s9 =	sor.u32 $0xC000, s10;
	[tilespmem:s12+$0x0] =	vst.add.f32.msk $0xffff, v3  }
0x2f2: {  	s8 =	sor.u32 $0xC020, s10;
	s11 =	sor.u32 $0xC020, s7;
	s7 =	sor.u32 $0xC010, s10;
	v3 =	vld [tilespmem:s10+$0x14010]  }
.LBB2_38:
0x2f3: {  	s4 =	sadd.s32 $0x40, s4;
	v4 =	vld [tilespmem:s10+$0x14020];
	s5 =	sadd.s32 $0x8, s5;
	s6 =	sadd.s32 $0x200, s6  }
0x2f4: {  	s10 =	sor.u32 $0xC030, s10;
	s12 =	sand.u32 $0x2000, s4;
	s13 =	sand.u32 $0x1C00, s6;
	[tilespmem:s11+$0x0] =	vst.add.f32.msk $0xffff, v0  }
0x2f5: {  	p0 =	slt.u32 s4, $0x3FC0;
	s11 =	sor.u32 s12, s13;
	s12 =	sand.u32 $0x380, s5;
	[tilespmem:s10+$0x0] =	vst.add.f32.msk $0xffff, v1  }
.Ltmp18:
0x2f6: {  	s10 =	sand.u32 $0x40, s4;
	s11 =	sor.u32 s12, s11;
	[tilespmem:s9+$0x0] =	vst.add.f32.msk $0xffff, v2;
	(pc) =	sbr.rel @p0 .LBB2_38-.Ltmp18, $4  }
0x2f7: {  	s10 =	sor.u32 s10, s11;
	[tilespmem:s7+$0x0] =	vst.add.f32.msk $0xffff, v3;
	s11 =	smov.u32 s8  }
0x2f8: {  	s9 =	sor.u32 $0xC000, s10;
	s7 =	sor.u32 $0xC010, s10;
	s8 =	sor.u32 $0xC020, s10;
	v1 =	vld [tilespmem:s10+$0x14030];
	v0 =	vmov v4  }
0x2f9: {  	v2 =	vld [tilespmem:s10+$0x14000]  }
0x2fa: {  	v3 =	vld [tilespmem:s10+$0x14010]  }
0x2fb: {  	v4 =	vld [tilespmem:s10+$0x14020]  }
0x2fc: {  	s4 =	sor.u32 $0xC030, s10;
	[tilespmem:s11+$0x0] =	vst.add.f32.msk $0xffff, v0  }
0x2fd: {  	[tilespmem:s4+$0x0] =	vst.add.f32.msk $0xffff, v1  }
0x2fe: {  	[tilespmem:s9+$0x0] =	vst.add.f32.msk $0xffff, v2  }
0x2ff: {  	[tilespmem:s7+$0x0] =	vst.add.f32.msk $0xffff, v3  }
0x300: {  	[tilespmem:s8+$0x0] =	vst.add.f32.msk $0xffff, v4  }
0x301: {  	s5 =	sld [smem:$0x7DD];
	_ =	sdelay $0x1  }
0x302: {  	s11 =	simm.s32 $0x0  }
0x303: {  	[hbm4b:s5+s11] =	stream.linear.scatter [tilespmem:s20], [sflag:$0x9], $0x4000, $0x38;
	[tilespmem:$0x1C000] =	vst v63  }
0x304: {  	_ =	swait.ge [sflag:s30], $0x4000  }
0x305: {  	s12 =	sld [smem:$0x7E5]  }
0x306: {  	s13 =	simm.s32 $0x0;
	[sflag:s30] =	ssyncset.done $0x0  }
0x307: {  	s6 =	sand.u32 $0x2000, s13;
	s8 =	sand.u32 $0x1C00, s11;
	[sflag:s30] =	ssyncadd.s32 $0xFFFFC000  }
0x308: {  	[tilespmem:s17], [sflag:$0x3] =	stream.linear.gather [hbm4b:s12+s11], $0x4000, $0x38;
	[tilespmem:$0x1C000] =	vst v63  }
0x309: {  	s4 =	sand.u32 $0x380, s11;
	s6 =	sor.u32 s6, s8;
	_ =	swait.ge [sflag:s31], $0x4000  }
0x30a: {  	s4 =	sor.u32 s4, s6;
	s5 =	sand.u32 $0x40, s13;
	[sflag:s31] =	ssyncset.done $0x0  }
0x30b: {  	s7 =	sor.u32 s5, s4;
	[sflag:s31] =	ssyncadd.s32 $0xFFFFC000  }
0x30c: {  	v1 =	vld [tilespmem:s7+$0x14030]  }
0x30d: {  	v2 =	vld [tilespmem:s7+$0x14000]  }
0x30e: {  	s6 =	simm.s32 $0x200;
	s4 =	simm.s32 $0x40  }
0x30f: {  	s10 =	sand.u32 $0x1C00, s6;
	s5 =	simm.s32 $0x8;
	s9 =	sand.u32 $0x2000, s4;
	v3 =	vld [tilespmem:s7+$0x14010]  }
0x310: {  	s8 =	sor.u32 s9, s10;
	s9 =	sand.u32 $0x380, s5;
	s12 =	sor.u32 $0x10030, s7;
	v0 =	vld [tilespmem:s7+$0x14020]  }
0x311: {  	s13 =	sand.u32 $0x40, s4;
	s8 =	sor.u32 s9, s8;
	s11 =	sor.u32 $0x10000, s7;
	[tilespmem:s12+$0x0] =	vst.add.f32.msk $0xffff, v1  }
0x312: {  	s10 =	sor.u32 s13, s8;
	[tilespmem:s11+$0x0] =	vst.add.f32.msk $0xffff, v2  }
0x313: {  	v1 =	vld [tilespmem:s10+$0x14030]  }
0x314: {  	s12 =	sor.u32 $0x10010, s7;
	v2 =	vld [tilespmem:s10+$0x14000]  }
0x315: {  	s9 =	sor.u32 $0x10000, s10;
	[tilespmem:s12+$0x0] =	vst.add.f32.msk $0xffff, v3  }
0x316: {  	s8 =	sor.u32 $0x10020, s10;
	s11 =	sor.u32 $0x10020, s7;
	s7 =	sor.u32 $0x10010, s10;
	v3 =	vld [tilespmem:s10+$0x14010]  }
.LBB2_40:
0x317: {  	s4 =	sadd.s32 $0x40, s4;
	v4 =	vld [tilespmem:s10+$0x14020];
	s5 =	sadd.s32 $0x8, s5;
	s6 =	sadd.s32 $0x200, s6  }
0x318: {  	s10 =	sor.u32 $0x10030, s10;
	s12 =	sand.u32 $0x2000, s4;
	s13 =	sand.u32 $0x1C00, s6;
	[tilespmem:s11+$0x0] =	vst.add.f32.msk $0xffff, v0  }
0x319: {  	p0 =	slt.u32 s4, $0x3FC0;
	s11 =	sor.u32 s12, s13;
	s12 =	sand.u32 $0x380, s5;
	[tilespmem:s10+$0x0] =	vst.add.f32.msk $0xffff, v1  }
.Ltmp19:
0x31a: {  	s10 =	sand.u32 $0x40, s4;
	s11 =	sor.u32 s12, s11;
	[tilespmem:s9+$0x0] =	vst.add.f32.msk $0xffff, v2;
	(pc) =	sbr.rel @p0 .LBB2_40-.Ltmp19, $4  }
0x31b: {  	s10 =	sor.u32 s10, s11;
	[tilespmem:s7+$0x0] =	vst.add.f32.msk $0xffff, v3;
	s11 =	smov.u32 s8  }
0x31c: {  	s9 =	sor.u32 $0x10000, s10;
	s7 =	sor.u32 $0x10010, s10;
	s8 =	sor.u32 $0x10020, s10;
	v1 =	vld [tilespmem:s10+$0x14030];
	v0 =	vmov v4  }
0x31d: {  	v2 =	vld [tilespmem:s10+$0x14000]  }
0x31e: {  	v3 =	vld [tilespmem:s10+$0x14010]  }
0x31f: {  	v4 =	vld [tilespmem:s10+$0x14020]  }
0x320: {  	s4 =	sor.u32 $0x10030, s10;
	[tilespmem:s11+$0x0] =	vst.add.f32.msk $0xffff, v0  }
0x321: {  	[tilespmem:s4+$0x0] =	vst.add.f32.msk $0xffff, v1  }
0x322: {  	[tilespmem:s9+$0x0] =	vst.add.f32.msk $0xffff, v2  }
0x323: {  	[tilespmem:s7+$0x0] =	vst.add.f32.msk $0xffff, v3  }
0x324: {  	[tilespmem:s8+$0x0] =	vst.add.f32.msk $0xffff, v4  }
0x325: {  	s5 =	sld [smem:$0x7DF];
	_ =	sdelay $0x1  }
0x326: {  	s13 =	simm.s32 $0x0;
	s7 =	sld [smem:$0x7EA]  }
0x327: {  	[hbm4b:s5+s13] =	stream.linear.scatter [tilespmem:s22], [sflag:$0xA], $0x4000, $0x38;
	[tilespmem:$0x1C000] =	vst v63  }
0x328: {  	_ = 	snop  }
0x329: {  	[tilespmem:s15], [sflag:$0xB] =	stream.linear.gather [hbm4b:s7+s13], $0x4000, $0x38;
	[tilespmem:$0x1C000] =	vst v63  }
0x32a: {  	_ =	swait.ge [sflag:s29], $0x4000  }
0x32b: {  	[sflag:s29] =	ssyncset.done $0x0  }
0x32c: {  	[sflag:s29] =	ssyncadd.s32 $0xFFFFC000  }
0x32d: {  	_ =	swait.ge [sflag:s0], $0x4000  }
0x32e: {  	s8 =	sld [smem:$0x7E7]  }
0x32f: {  	s9 =	simm.s32 $0x0;
	[sflag:s0] =	ssyncset.done $0x0  }
0x330: {  	s10 =	sand.u32 $0x1C00, s13;
	s6 =	sand.u32 $0x2000, s9;
	[sflag:s0] =	ssyncadd.s32 $0xFFFFC000  }
0x331: {  	[tilespmem:s20], [sflag:$0x4] =	stream.linear.gather [hbm4b:s8+s13], $0x4000, $0x38;
	[tilespmem:$0x1C000] =	vst v63  }
0x332: {  	s4 =	sand.u32 $0x380, s13;
	s6 =	sor.u32 s6, s10;
	_ =	swait.ge [sflag:s21], $0x4000  }
0x333: {  	s4 =	sor.u32 s4, s6;
	s5 =	sand.u32 $0x40, s9;
	[sflag:s21] =	ssyncset.done $0x0  }
0x334: {  	s8 =	sor.u32 s5, s4;
	[sflag:s21] =	ssyncadd.s32 $0xFFFFC000  }
0x335: {  	v1 =	vld [tilespmem:s8+$0x18030]  }
0x336: {  	v2 =	vld [tilespmem:s8+$0x18000]  }
0x337: {  	s6 =	simm.s32 $0x200;
	v3 =	vld [tilespmem:s8+$0x18010]  }
0x338: {  	s12 =	sand.u32 $0x1C00, s6;
	s4 =	simm.s32 $0x40  }
0x339: {  	s5 =	simm.s32 $0x8;
	s11 =	sand.u32 $0x2000, s4;
	s13 =	sor.u32 $0x30, s8;
	v0 =	vld [tilespmem:s8+$0x18020]  }
0x33a: {  	s7 =	sor.u32 s11, s12;
	s11 =	sand.u32 $0x380, s5;
	[tilespmem:s13+$0x0] =	vst.add.f32.msk $0xffff, v1  }
0x33b: {  	s12 =	sor.u32 $0x10, s8;
	s7 =	sor.u32 s11, s7;
	s13 =	sand.u32 $0x40, s4;
	[tilespmem:s8+$0x0] =	vst.add.f32.msk $0xffff, v2  }
0x33c: {  	[tilespmem:s12+$0x0] =	vst.add.f32.msk $0xffff, v3;
	s7 =	sor.u32 s13, s7  }
0x33d: {  	v2 =	vld [tilespmem:s7+$0x18030]  }
0x33e: {  	v1 =	vld [tilespmem:s7+$0x18000]  }
0x33f: {  	s10 =	sor.u32 $0x20, s8;
	s8 =	sor.u32 $0x10, s7;
	s9 =	sor.u32 $0x20, s7;
	v3 =	vld [tilespmem:s7+$0x18010]  }
.LBB2_42:
0x340: {  	s4 =	sadd.s32 $0x40, s4;
	v4 =	vld [tilespmem:s7+$0x18020];
	s5 =	sadd.s32 $0x8, s5;
	s6 =	sadd.s32 $0x200, s6  }
0x341: {  	s13 =	sor.u32 $0x30, s7;
	s11 =	sand.u32 $0x2000, s4;
	s12 =	sand.u32 $0x1C00, s6;
	[tilespmem:s10+$0x0] =	vst.add.f32.msk $0xffff, v0  }
0x342: {  	p0 =	slt.u32 s4, $0x3FC0;
	s10 =	sor.u32 s11, s12;
	s11 =	sand.u32 $0x380, s5;
	[tilespmem:s13+$0x0] =	vst.add.f32.msk $0xffff, v2  }
.Ltmp20:
0x343: {  	s12 =	sand.u32 $0x40, s4;
	s10 =	sor.u32 s11, s10;
	[tilespmem:s7+$0x0] =	vst.add.f32.msk $0xffff, v1;
	(pc) =	sbr.rel @p0 .LBB2_42-.Ltmp20, $4  }
0x344: {  	s7 =	sor.u32 s12, s10;
	[tilespmem:s8+$0x0] =	vst.add.f32.msk $0xffff, v3;
	s10 =	smov.u32 s9  }
0x345: {  	s8 =	sor.u32 $0x10, s7;
	s9 =	sor.u32 $0x20, s7;
	v2 =	vld [tilespmem:s7+$0x18030];
	v0 =	vmov v4  }
0x346: {  	v1 =	vld [tilespmem:s7+$0x18000]  }
0x347: {  	v3 =	vld [tilespmem:s7+$0x18010]  }
0x348: {  	v4 =	vld [tilespmem:s7+$0x18020]  }
0x349: {  	s4 =	sor.u32 $0x30, s7;
	[tilespmem:s10+$0x0] =	vst.add.f32.msk $0xffff, v0  }
0x34a: {  	[tilespmem:s4+$0x0] =	vst.add.f32.msk $0xffff, v2  }
0x34b: {  	[tilespmem:s7+$0x0] =	vst.add.f32.msk $0xffff, v1  }
0x34c: {  	[tilespmem:s8+$0x0] =	vst.add.f32.msk $0xffff, v3  }
0x34d: {  	[tilespmem:s9+$0x0] =	vst.add.f32.msk $0xffff, v4  }
0x34e: {  	s5 =	sld [smem:$0x7E2];
	_ =	sdelay $0x1  }
0x34f: {  	s11 =	simm.s32 $0x0  }
0x350: {  	[hbm4b:s5+s11] =	stream.linear.scatter [tilespmem:s11], [sflag:$0x6], $0x4000, $0x38;
	[tilespmem:$0x1C000] =	vst v63  }
0x351: {  	_ =	swait.ge [sflag:s2], $0x4000  }
0x352: {  	s12 =	sld [smem:$0x7EC]  }
0x353: {  	s13 =	simm.s32 $0x0;
	[sflag:s2] =	ssyncset.done $0x0  }
0x354: {  	s6 =	sand.u32 $0x2000, s13;
	s8 =	sand.u32 $0x1C00, s11;
	[sflag:s2] =	ssyncadd.s32 $0xFFFFC000  }
0x355: {  	[tilespmem:s22], [sflag:$0x5] =	stream.linear.gather [hbm4b:s12+s11], $0x4000, $0x38;
	[tilespmem:$0x1C000] =	vst v63  }
0x356: {  	s4 =	sand.u32 $0x380, s11;
	s6 =	sor.u32 s6, s8;
	_ =	swait.ge [sflag:s23], $0x4000  }
0x357: {  	s4 =	sor.u32 s4, s6;
	s5 =	sand.u32 $0x40, s13;
	[sflag:s23] =	ssyncset.done $0x0  }
0x358: {  	s7 =	sor.u32 s5, s4;
	[sflag:s23] =	ssyncadd.s32 $0xFFFFC000  }
0x359: {  	v1 =	vld [tilespmem:s7+$0x18030]  }
0x35a: {  	v2 =	vld [tilespmem:s7+$0x18000]  }
0x35b: {  	s6 =	simm.s32 $0x200;
	s4 =	simm.s32 $0x40  }
0x35c: {  	s10 =	sand.u32 $0x1C00, s6;
	s5 =	simm.s32 $0x8;
	s9 =	sand.u32 $0x2000, s4;
	v3 =	vld [tilespmem:s7+$0x18010]  }
0x35d: {  	s8 =	sor.u32 s9, s10;
	s9 =	sand.u32 $0x380, s5;
	s12 =	sor.u32 $0x4030, s7;
	v0 =	vld [tilespmem:s7+$0x18020]  }
0x35e: {  	s13 =	sand.u32 $0x40, s4;
	s8 =	sor.u32 s9, s8;
	s11 =	sor.u32 $0x4000, s7;
	[tilespmem:s12+$0x0] =	vst.add.f32.msk $0xffff, v1  }
0x35f: {  	s10 =	sor.u32 s13, s8;
	[tilespmem:s11+$0x0] =	vst.add.f32.msk $0xffff, v2  }
0x360: {  	v1 =	vld [tilespmem:s10+$0x18030]  }
0x361: {  	s12 =	sor.u32 $0x4010, s7;
	v2 =	vld [tilespmem:s10+$0x18000]  }
0x362: {  	s9 =	sor.u32 $0x4000, s10;
	[tilespmem:s12+$0x0] =	vst.add.f32.msk $0xffff, v3  }
0x363: {  	s8 =	sor.u32 $0x4020, s10;
	s11 =	sor.u32 $0x4020, s7;
	s7 =	sor.u32 $0x4010, s10;
	v3 =	vld [tilespmem:s10+$0x18010]  }
.LBB2_44:
0x364: {  	s4 =	sadd.s32 $0x40, s4;
	v4 =	vld [tilespmem:s10+$0x18020];
	s5 =	sadd.s32 $0x8, s5;
	s6 =	sadd.s32 $0x200, s6  }
0x365: {  	s10 =	sor.u32 $0x4030, s10;
	s12 =	sand.u32 $0x2000, s4;
	s13 =	sand.u32 $0x1C00, s6;
	[tilespmem:s11+$0x0] =	vst.add.f32.msk $0xffff, v0  }
0x366: {  	p0 =	slt.u32 s4, $0x3FC0;
	s11 =	sor.u32 s12, s13;
	s12 =	sand.u32 $0x380, s5;
	[tilespmem:s10+$0x0] =	vst.add.f32.msk $0xffff, v1  }
.Ltmp21:
0x367: {  	s10 =	sand.u32 $0x40, s4;
	s11 =	sor.u32 s12, s11;
	[tilespmem:s9+$0x0] =	vst.add.f32.msk $0xffff, v2;
	(pc) =	sbr.rel @p0 .LBB2_44-.Ltmp21, $4  }
0x368: {  	s10 =	sor.u32 s10, s11;
	[tilespmem:s7+$0x0] =	vst.add.f32.msk $0xffff, v3;
	s11 =	smov.u32 s8  }
0x369: {  	s9 =	sor.u32 $0x4000, s10;
	s7 =	sor.u32 $0x4010, s10;
	s8 =	sor.u32 $0x4020, s10;
	v1 =	vld [tilespmem:s10+$0x18030];
	v0 =	vmov v4  }
0x36a: {  	v2 =	vld [tilespmem:s10+$0x18000]  }
0x36b: {  	v3 =	vld [tilespmem:s10+$0x18010]  }
0x36c: {  	v4 =	vld [tilespmem:s10+$0x18020]  }
0x36d: {  	s4 =	sor.u32 $0x4030, s10;
	[tilespmem:s11+$0x0] =	vst.add.f32.msk $0xffff, v0  }
0x36e: {  	[tilespmem:s4+$0x0] =	vst.add.f32.msk $0xffff, v1  }
0x36f: {  	[tilespmem:s9+$0x0] =	vst.add.f32.msk $0xffff, v2  }
0x370: {  	[tilespmem:s7+$0x0] =	vst.add.f32.msk $0xffff, v3  }
0x371: {  	[tilespmem:s8+$0x0] =	vst.add.f32.msk $0xffff, v4  }
0x372: {  	s5 =	sld [smem:$0x7E4];
	_ =	sdelay $0x1  }
0x373: {  	s11 =	simm.s32 $0x0  }
0x374: {  	[hbm4b:s5+s11] =	stream.linear.scatter [tilespmem:s16], [sflag:$0x7], $0x4000, $0x38;
	[tilespmem:$0x1C000] =	vst v63  }
0x375: {  	_ =	swait.ge [sflag:s24], $0x4000  }
0x376: {  	s12 =	sld [smem:$0x7EE]  }
0x377: {  	s13 =	simm.s32 $0x0;
	[sflag:s24] =	ssyncset.done $0x0  }
0x378: {  	s6 =	sand.u32 $0x2000, s13;
	s8 =	sand.u32 $0x1C00, s11;
	[sflag:s24] =	ssyncadd.s32 $0xFFFFC000  }
0x379: {  	[tilespmem:s11], [sflag:$0x1] =	stream.linear.gather [hbm4b:s12+s11], $0x4000, $0x38;
	[tilespmem:$0x1C000] =	vst v63  }
0x37a: {  	s4 =	sand.u32 $0x380, s11;
	s6 =	sor.u32 s6, s8;
	_ =	swait.ge [sflag:s25], $0x4000  }
0x37b: {  	s4 =	sor.u32 s4, s6;
	s5 =	sand.u32 $0x40, s13;
	[sflag:s25] =	ssyncset.done $0x0  }
0x37c: {  	s7 =	sor.u32 s5, s4;
	[sflag:s25] =	ssyncadd.s32 $0xFFFFC000  }
0x37d: {  	v1 =	vld [tilespmem:s7+$0x18030]  }
0x37e: {  	v2 =	vld [tilespmem:s7+$0x18000]  }
0x37f: {  	s6 =	simm.s32 $0x200;
	s4 =	simm.s32 $0x40  }
0x380: {  	s10 =	sand.u32 $0x1C00, s6;
	s5 =	simm.s32 $0x8;
	s9 =	sand.u32 $0x2000, s4;
	v3 =	vld [tilespmem:s7+$0x18010]  }
0x381: {  	s8 =	sor.u32 s9, s10;
	s9 =	sand.u32 $0x380, s5;
	s12 =	sor.u32 $0x8030, s7;
	v0 =	vld [tilespmem:s7+$0x18020]  }
0x382: {  	s13 =	sand.u32 $0x40, s4;
	s8 =	sor.u32 s9, s8;
	s11 =	sor.u32 $0x8000, s7;
	[tilespmem:s12+$0x0] =	vst.add.f32.msk $0xffff, v1  }
0x383: {  	s10 =	sor.u32 s13, s8;
	[tilespmem:s11+$0x0] =	vst.add.f32.msk $0xffff, v2  }
0x384: {  	v1 =	vld [tilespmem:s10+$0x18030]  }
0x385: {  	s12 =	sor.u32 $0x8010, s7;
	v2 =	vld [tilespmem:s10+$0x18000]  }
0x386: {  	s9 =	sor.u32 $0x8000, s10;
	[tilespmem:s12+$0x0] =	vst.add.f32.msk $0xffff, v3  }
0x387: {  	s8 =	sor.u32 $0x8020, s10;
	s11 =	sor.u32 $0x8020, s7;
	s7 =	sor.u32 $0x8010, s10;
	v3 =	vld [tilespmem:s10+$0x18010]  }
.LBB2_46:
0x388: {  	s4 =	sadd.s32 $0x40, s4;
	v4 =	vld [tilespmem:s10+$0x18020];
	s5 =	sadd.s32 $0x8, s5;
	s6 =	sadd.s32 $0x200, s6  }
0x389: {  	s10 =	sor.u32 $0x8030, s10;
	s12 =	sand.u32 $0x2000, s4;
	s13 =	sand.u32 $0x1C00, s6;
	[tilespmem:s11+$0x0] =	vst.add.f32.msk $0xffff, v0  }
0x38a: {  	p0 =	slt.u32 s4, $0x3FC0;
	s11 =	sor.u32 s12, s13;
	s12 =	sand.u32 $0x380, s5;
	[tilespmem:s10+$0x0] =	vst.add.f32.msk $0xffff, v1  }
.Ltmp22:
0x38b: {  	s10 =	sand.u32 $0x40, s4;
	s11 =	sor.u32 s12, s11;
	[tilespmem:s9+$0x0] =	vst.add.f32.msk $0xffff, v2;
	(pc) =	sbr.rel @p0 .LBB2_46-.Ltmp22, $4  }
0x38c: {  	s10 =	sor.u32 s10, s11;
	[tilespmem:s7+$0x0] =	vst.add.f32.msk $0xffff, v3;
	s11 =	smov.u32 s8  }
0x38d: {  	s9 =	sor.u32 $0x8000, s10;
	s7 =	sor.u32 $0x8010, s10;
	s8 =	sor.u32 $0x8020, s10;
	v1 =	vld [tilespmem:s10+$0x18030];
	v0 =	vmov v4  }
0x38e: {  	v2 =	vld [tilespmem:s10+$0x18000]  }
0x38f: {  	v3 =	vld [tilespmem:s10+$0x18010]  }
0x390: {  	v4 =	vld [tilespmem:s10+$0x18020]  }
0x391: {  	s4 =	sor.u32 $0x8030, s10;
	[tilespmem:s11+$0x0] =	vst.add.f32.msk $0xffff, v0  }
0x392: {  	[tilespmem:s4+$0x0] =	vst.add.f32.msk $0xffff, v1  }
0x393: {  	[tilespmem:s9+$0x0] =	vst.add.f32.msk $0xffff, v2  }
0x394: {  	[tilespmem:s7+$0x0] =	vst.add.f32.msk $0xffff, v3  }
0x395: {  	[tilespmem:s8+$0x0] =	vst.add.f32.msk $0xffff, v4  }
0x396: {  	s5 =	sld [smem:$0x7E6];
	_ =	sdelay $0x1  }
0x397: {  	s11 =	simm.s32 $0x0  }
0x398: {  	[hbm4b:s5+s11] =	stream.linear.scatter [tilespmem:s17], [sflag:$0x8], $0x4000, $0x38;
	[tilespmem:$0x1C000] =	vst v63  }
0x399: {  	_ =	swait.ge [sflag:s26], $0x4000  }
0x39a: {  	s12 =	sld [smem:$0x7F0]  }
0x39b: {  	s13 =	simm.s32 $0x0;
	[sflag:s26] =	ssyncset.done $0x0  }
0x39c: {  	s6 =	sand.u32 $0x2000, s13;
	s8 =	sand.u32 $0x1C00, s11;
	[sflag:s26] =	ssyncadd.s32 $0xFFFFC000  }
0x39d: {  	[tilespmem:s16], [sflag:$0x2] =	stream.linear.gather [hbm4b:s12+s11], $0x4000, $0x38;
	[tilespmem:$0x1C000] =	vst v63  }
0x39e: {  	s4 =	sand.u32 $0x380, s11;
	s6 =	sor.u32 s6, s8;
	_ =	swait.ge [sflag:s28], $0x4000  }
0x39f: {  	s4 =	sor.u32 s4, s6;
	s5 =	sand.u32 $0x40, s13;
	[sflag:s28] =	ssyncset.done $0x0  }
0x3a0: {  	s7 =	sor.u32 s5, s4;
	[sflag:s28] =	ssyncadd.s32 $0xFFFFC000  }
0x3a1: {  	v1 =	vld [tilespmem:s7+$0x18030]  }
0x3a2: {  	v2 =	vld [tilespmem:s7+$0x18000]  }
0x3a3: {  	s6 =	simm.s32 $0x200;
	s4 =	simm.s32 $0x40  }
0x3a4: {  	s10 =	sand.u32 $0x1C00, s6;
	s5 =	simm.s32 $0x8;
	s9 =	sand.u32 $0x2000, s4;
	v3 =	vld [tilespmem:s7+$0x18010]  }
0x3a5: {  	s8 =	sor.u32 s9, s10;
	s9 =	sand.u32 $0x380, s5;
	s12 =	sor.u32 $0xC030, s7;
	v0 =	vld [tilespmem:s7+$0x18020]  }
0x3a6: {  	s13 =	sand.u32 $0x40, s4;
	s8 =	sor.u32 s9, s8;
	s11 =	sor.u32 $0xC000, s7;
	[tilespmem:s12+$0x0] =	vst.add.f32.msk $0xffff, v1  }
0x3a7: {  	s10 =	sor.u32 s13, s8;
	[tilespmem:s11+$0x0] =	vst.add.f32.msk $0xffff, v2  }
0x3a8: {  	v1 =	vld [tilespmem:s10+$0x18030]  }
0x3a9: {  	s12 =	sor.u32 $0xC010, s7;
	v2 =	vld [tilespmem:s10+$0x18000]  }
0x3aa: {  	s9 =	sor.u32 $0xC000, s10;
	[tilespmem:s12+$0x0] =	vst.add.f32.msk $0xffff, v3  }
0x3ab: {  	s8 =	sor.u32 $0xC020, s10;
	s11 =	sor.u32 $0xC020, s7;
	s7 =	sor.u32 $0xC010, s10;
	v3 =	vld [tilespmem:s10+$0x18010]  }
.LBB2_48:
0x3ac: {  	s4 =	sadd.s32 $0x40, s4;
	v4 =	vld [tilespmem:s10+$0x18020];
	s5 =	sadd.s32 $0x8, s5;
	s6 =	sadd.s32 $0x200, s6  }
0x3ad: {  	s10 =	sor.u32 $0xC030, s10;
	s12 =	sand.u32 $0x2000, s4;
	s13 =	sand.u32 $0x1C00, s6;
	[tilespmem:s11+$0x0] =	vst.add.f32.msk $0xffff, v0  }
0x3ae: {  	p0 =	slt.u32 s4, $0x3FC0;
	s11 =	sor.u32 s12, s13;
	s12 =	sand.u32 $0x380, s5;
	[tilespmem:s10+$0x0] =	vst.add.f32.msk $0xffff, v1  }
.Ltmp23:
0x3af: {  	s10 =	sand.u32 $0x40, s4;
	s11 =	sor.u32 s12, s11;
	[tilespmem:s9+$0x0] =	vst.add.f32.msk $0xffff, v2;
	(pc) =	sbr.rel @p0 .LBB2_48-.Ltmp23, $4  }
0x3b0: {  	s10 =	sor.u32 s10, s11;
	[tilespmem:s7+$0x0] =	vst.add.f32.msk $0xffff, v3;
	s11 =	smov.u32 s8  }
0x3b1: {  	s9 =	sor.u32 $0xC000, s10;
	s7 =	sor.u32 $0xC010, s10;
	s8 =	sor.u32 $0xC020, s10;
	v1 =	vld [tilespmem:s10+$0x18030];
	v0 =	vmov v4  }
0x3b2: {  	v2 =	vld [tilespmem:s10+$0x18000]  }
0x3b3: {  	v3 =	vld [tilespmem:s10+$0x18010]  }
0x3b4: {  	v4 =	vld [tilespmem:s10+$0x18020]  }
0x3b5: {  	s4 =	sor.u32 $0xC030, s10;
	[tilespmem:s11+$0x0] =	vst.add.f32.msk $0xffff, v0  }
0x3b6: {  	[tilespmem:s4+$0x0] =	vst.add.f32.msk $0xffff, v1  }
0x3b7: {  	[tilespmem:s9+$0x0] =	vst.add.f32.msk $0xffff, v2  }
0x3b8: {  	[tilespmem:s7+$0x0] =	vst.add.f32.msk $0xffff, v3  }
0x3b9: {  	[tilespmem:s8+$0x0] =	vst.add.f32.msk $0xffff, v4  }
0x3ba: {  	s5 =	sld [smem:$0x7E8];
	_ =	sdelay $0x1  }
0x3bb: {  	s10 =	simm.s32 $0x0;
	s11 =	sld [smem:$0x7EB]  }
0x3bc: {  	[hbm4b:s5+s10] =	stream.linear.scatter [tilespmem:s20], [sflag:$0x9], $0x4000, $0x38;
	[tilespmem:$0x1C000] =	vst v63  }
0x3bd: {  	_ = 	snop  }
0x3be: {  	[tilespmem:s18], [sflag:$0xC] =	stream.linear.gather [hbm4b:s11+s10], $0x4000, $0x38;
	[tilespmem:$0x1C000] =	vst v63  }
0x3bf: {  	_ =	swait.ge [sflag:s19], $0x4000  }
0x3c0: {  	[sflag:s19] =	ssyncset.done $0x0  }
0x3c1: {  	[sflag:s19] =	ssyncadd.s32 $0xFFFFC000  }
0x3c2: {  	_ =	swait.ge [sflag:s30], $0x4000  }
0x3c3: {  	s12 =	sld [smem:$0x7F2]  }
0x3c4: {  	s13 =	simm.s32 $0x0;
	[sflag:s30] =	ssyncset.done $0x0  }
0x3c5: {  	s6 =	sand.u32 $0x2000, s13;
	s8 =	sand.u32 $0x1C00, s10;
	[sflag:s30] =	ssyncadd.s32 $0xFFFFC000  }
0x3c6: {  	[tilespmem:s17], [sflag:$0x3] =	stream.linear.gather [hbm4b:s12+s10], $0x4000, $0x38;
	[tilespmem:$0x1C000] =	vst v63  }
0x3c7: {  	s4 =	sand.u32 $0x380, s10;
	s6 =	sor.u32 s6, s8;
	_ =	swait.ge [sflag:s31], $0x4000  }
0x3c8: {  	s4 =	sor.u32 s4, s6;
	s5 =	sand.u32 $0x40, s13;
	[sflag:s31] =	ssyncset.done $0x0  }
0x3c9: {  	s7 =	sor.u32 s5, s4;
	[sflag:s31] =	ssyncadd.s32 $0xFFFFC000  }
0x3ca: {  	v1 =	vld [tilespmem:s7+$0x14030]  }
0x3cb: {  	v2 =	vld [tilespmem:s7+$0x14000]  }
0x3cc: {  	s6 =	simm.s32 $0x200;
	s4 =	simm.s32 $0x40  }
0x3cd: {  	s5 =	simm.s32 $0x8;
	s9 =	sand.u32 $0x2000, s4;
	s10 =	sand.u32 $0x1C00, s6;
	v3 =	vld [tilespmem:s7+$0x14010]  }
0x3ce: {  	s12 =	sor.u32 $0x10030, s7;
	s8 =	sor.u32 s9, s10;
	s9 =	sand.u32 $0x380, s5;
	v0 =	vld [tilespmem:s7+$0x14020]  }
0x3cf: {  	s11 =	sor.u32 $0x10000, s7;
	s13 =	sand.u32 $0x40, s4;
	s8 =	sor.u32 s9, s8;
	[tilespmem:s12+$0x0] =	vst.add.f32.msk $0xffff, v1  }
0x3d0: {  	s10 =	sor.u32 s13, s8;
	[tilespmem:s11+$0x0] =	vst.add.f32.msk $0xffff, v2  }
0x3d1: {  	v1 =	vld [tilespmem:s10+$0x14030]  }
0x3d2: {  	s12 =	sor.u32 $0x10010, s7;
	v2 =	vld [tilespmem:s10+$0x14000]  }
0x3d3: {  	s9 =	sor.u32 $0x10000, s10;
	[tilespmem:s12+$0x0] =	vst.add.f32.msk $0xffff, v3  }
0x3d4: {  	s8 =	sor.u32 $0x10020, s10;
	s11 =	sor.u32 $0x10020, s7;
	s7 =	sor.u32 $0x10010, s10;
	v3 =	vld [tilespmem:s10+$0x14010]  }
.LBB2_50:
0x3d5: {  	s4 =	sadd.s32 $0x40, s4;
	v4 =	vld [tilespmem:s10+$0x14020];
	s5 =	sadd.s32 $0x8, s5;
	s6 =	sadd.s32 $0x200, s6  }
0x3d6: {  	s10 =	sor.u32 $0x10030, s10;
	s12 =	sand.u32 $0x2000, s4;
	s13 =	sand.u32 $0x1C00, s6;
	[tilespmem:s11+$0x0] =	vst.add.f32.msk $0xffff, v0  }
0x3d7: {  	p0 =	slt.u32 s4, $0x3FC0;
	s11 =	sor.u32 s12, s13;
	s12 =	sand.u32 $0x380, s5;
	[tilespmem:s10+$0x0] =	vst.add.f32.msk $0xffff, v1  }
.Ltmp24:
0x3d8: {  	s10 =	sand.u32 $0x40, s4;
	s11 =	sor.u32 s12, s11;
	[tilespmem:s9+$0x0] =	vst.add.f32.msk $0xffff, v2;
	(pc) =	sbr.rel @p0 .LBB2_50-.Ltmp24, $4  }
0x3d9: {  	s10 =	sor.u32 s10, s11;
	[tilespmem:s7+$0x0] =	vst.add.f32.msk $0xffff, v3;
	s11 =	smov.u32 s8  }
0x3da: {  	s9 =	sor.u32 $0x10000, s10;
	s7 =	sor.u32 $0x10010, s10;
	s8 =	sor.u32 $0x10020, s10;
	v1 =	vld [tilespmem:s10+$0x14030];
	v0 =	vmov v4  }
0x3db: {  	v2 =	vld [tilespmem:s10+$0x14000]  }
0x3dc: {  	v3 =	vld [tilespmem:s10+$0x14010]  }
0x3dd: {  	v4 =	vld [tilespmem:s10+$0x14020]  }
0x3de: {  	s4 =	sor.u32 $0x10030, s10;
	[tilespmem:s11+$0x0] =	vst.add.f32.msk $0xffff, v0  }
0x3df: {  	[tilespmem:s4+$0x0] =	vst.add.f32.msk $0xffff, v1  }
0x3e0: {  	[tilespmem:s9+$0x0] =	vst.add.f32.msk $0xffff, v2  }
0x3e1: {  	[tilespmem:s7+$0x0] =	vst.add.f32.msk $0xffff, v3  }
0x3e2: {  	[tilespmem:s8+$0x0] =	vst.add.f32.msk $0xffff, v4  }
0x3e3: {  	s5 =	sld [smem:$0x7ED];
	_ =	sdelay $0x1  }
0x3e4: {  	s13 =	simm.s32 $0x0  }
0x3e5: {  	[hbm4b:s5+s13] =	stream.linear.scatter [tilespmem:s22], [sflag:$0xA], $0x4000, $0x38;
	[tilespmem:$0x1C000] =	vst v63  }
0x3e6: {  	_ =	swait.ge [sflag:s0], $0x4000  }
0x3e7: {  	s8 =	sld [smem:$0x7F6]  }
0x3e8: {  	s9 =	simm.s32 $0x0;
	[sflag:s0] =	ssyncset.done $0x0  }
0x3e9: {  	s10 =	sand.u32 $0x1C00, s13;
	s6 =	sand.u32 $0x2000, s9;
	[sflag:s0] =	ssyncadd.s32 $0xFFFFC000  }
0x3ea: {  	[tilespmem:s20], [sflag:$0x4] =	stream.linear.gather [hbm4b:s8+s13], $0x4000, $0x38;
	[tilespmem:$0x1C000] =	vst v63  }
0x3eb: {  	s4 =	sand.u32 $0x380, s13;
	s6 =	sor.u32 s6, s10;
	_ =	swait.ge [sflag:s21], $0x4000  }
0x3ec: {  	s4 =	sor.u32 s4, s6;
	s5 =	sand.u32 $0x40, s9;
	[sflag:s21] =	ssyncset.done $0x0  }
0x3ed: {  	s8 =	sor.u32 s5, s4;
	[sflag:s21] =	ssyncadd.s32 $0xFFFFC000  }
0x3ee: {  	v1 =	vld [tilespmem:s8+$0x14030]  }
0x3ef: {  	v2 =	vld [tilespmem:s8+$0x14000]  }
0x3f0: {  	s6 =	simm.s32 $0x200;
	v3 =	vld [tilespmem:s8+$0x14010]  }
0x3f1: {  	s12 =	sand.u32 $0x1C00, s6;
	s4 =	simm.s32 $0x40  }
0x3f2: {  	s5 =	simm.s32 $0x8;
	s11 =	sand.u32 $0x2000, s4;
	s13 =	sor.u32 $0x30, s8;
	v0 =	vld [tilespmem:s8+$0x14020]  }
0x3f3: {  	s7 =	sor.u32 s11, s12;
	s11 =	sand.u32 $0x380, s5;
	[tilespmem:s13+$0x0] =	vst.add.f32.msk $0xffff, v1  }
0x3f4: {  	s12 =	sor.u32 $0x10, s8;
	s7 =	sor.u32 s11, s7;
	s13 =	sand.u32 $0x40, s4;
	[tilespmem:s8+$0x0] =	vst.add.f32.msk $0xffff, v2  }
0x3f5: {  	[tilespmem:s12+$0x0] =	vst.add.f32.msk $0xffff, v3;
	s7 =	sor.u32 s13, s7  }
0x3f6: {  	v2 =	vld [tilespmem:s7+$0x14030]  }
0x3f7: {  	v1 =	vld [tilespmem:s7+$0x14000]  }
0x3f8: {  	s10 =	sor.u32 $0x20, s8;
	s8 =	sor.u32 $0x10, s7;
	s9 =	sor.u32 $0x20, s7;
	v3 =	vld [tilespmem:s7+$0x14010]  }
.LBB2_52:
0x3f9: {  	s4 =	sadd.s32 $0x40, s4;
	v4 =	vld [tilespmem:s7+$0x14020];
	s5 =	sadd.s32 $0x8, s5;
	s6 =	sadd.s32 $0x200, s6  }
0x3fa: {  	s13 =	sor.u32 $0x30, s7;
	s11 =	sand.u32 $0x2000, s4;
	s12 =	sand.u32 $0x1C00, s6;
	[tilespmem:s10+$0x0] =	vst.add.f32.msk $0xffff, v0  }
0x3fb: {  	p0 =	slt.u32 s4, $0x3FC0;
	s10 =	sor.u32 s11, s12;
	s11 =	sand.u32 $0x380, s5;
	[tilespmem:s13+$0x0] =	vst.add.f32.msk $0xffff, v2  }
.Ltmp25:
0x3fc: {  	s12 =	sand.u32 $0x40, s4;
	s10 =	sor.u32 s11, s10;
	[tilespmem:s7+$0x0] =	vst.add.f32.msk $0xffff, v1;
	(pc) =	sbr.rel @p0 .LBB2_52-.Ltmp25, $4  }
0x3fd: {  	s7 =	sor.u32 s12, s10;
	[tilespmem:s8+$0x0] =	vst.add.f32.msk $0xffff, v3;
	s10 =	smov.u32 s9  }
0x3fe: {  	s8 =	sor.u32 $0x10, s7;
	s9 =	sor.u32 $0x20, s7;
	v2 =	vld [tilespmem:s7+$0x14030];
	v0 =	vmov v4  }
0x3ff: {  	v1 =	vld [tilespmem:s7+$0x14000]  }
0x400: {  	v3 =	vld [tilespmem:s7+$0x14010]  }
0x401: {  	v4 =	vld [tilespmem:s7+$0x14020]  }
0x402: {  	s4 =	sor.u32 $0x30, s7;
	[tilespmem:s10+$0x0] =	vst.add.f32.msk $0xffff, v0  }
0x403: {  	[tilespmem:s4+$0x0] =	vst.add.f32.msk $0xffff, v2  }
0x404: {  	[tilespmem:s7+$0x0] =	vst.add.f32.msk $0xffff, v1  }
0x405: {  	[tilespmem:s8+$0x0] =	vst.add.f32.msk $0xffff, v3  }
0x406: {  	[tilespmem:s9+$0x0] =	vst.add.f32.msk $0xffff, v4  }
0x407: {  	s5 =	sld [smem:$0x7EF];
	_ =	sdelay $0x1  }
0x408: {  	s11 =	simm.s32 $0x0  }
0x409: {  	[hbm4b:s5+s11] =	stream.linear.scatter [tilespmem:s11], [sflag:$0x6], $0x4000, $0x38;
	[tilespmem:$0x1C000] =	vst v63  }
0x40a: {  	_ =	swait.ge [sflag:s2], $0x4000  }
0x40b: {  	s12 =	sld [smem:$0x7F7]  }
0x40c: {  	s13 =	simm.s32 $0x0;
	[sflag:s2] =	ssyncset.done $0x0  }
0x40d: {  	s6 =	sand.u32 $0x2000, s13;
	s8 =	sand.u32 $0x1C00, s11;
	[sflag:s2] =	ssyncadd.s32 $0xFFFFC000  }
0x40e: {  	[tilespmem:s22], [sflag:$0x5] =	stream.linear.gather [hbm4b:s12+s11], $0x4000, $0x38;
	[tilespmem:$0x1C000] =	vst v63  }
0x40f: {  	s4 =	sand.u32 $0x380, s11;
	s6 =	sor.u32 s6, s8;
	_ =	swait.ge [sflag:s23], $0x4000  }
0x410: {  	s4 =	sor.u32 s4, s6;
	s5 =	sand.u32 $0x40, s13;
	[sflag:s23] =	ssyncset.done $0x0  }
0x411: {  	s7 =	sor.u32 s5, s4;
	[sflag:s23] =	ssyncadd.s32 $0xFFFFC000  }
0x412: {  	v1 =	vld [tilespmem:s7+$0x14030]  }
0x413: {  	v2 =	vld [tilespmem:s7+$0x14000]  }
0x414: {  	s6 =	simm.s32 $0x200;
	s4 =	simm.s32 $0x40  }
0x415: {  	s10 =	sand.u32 $0x1C00, s6;
	s5 =	simm.s32 $0x8;
	s9 =	sand.u32 $0x2000, s4;
	v3 =	vld [tilespmem:s7+$0x14010]  }
0x416: {  	s8 =	sor.u32 s9, s10;
	s9 =	sand.u32 $0x380, s5;
	s12 =	sor.u32 $0x4030, s7;
	v0 =	vld [tilespmem:s7+$0x14020]  }
0x417: {  	s13 =	sand.u32 $0x40, s4;
	s8 =	sor.u32 s9, s8;
	s11 =	sor.u32 $0x4000, s7;
	[tilespmem:s12+$0x0] =	vst.add.f32.msk $0xffff, v1  }
0x418: {  	s10 =	sor.u32 s13, s8;
	[tilespmem:s11+$0x0] =	vst.add.f32.msk $0xffff, v2  }
0x419: {  	v1 =	vld [tilespmem:s10+$0x14030]  }
0x41a: {  	s12 =	sor.u32 $0x4010, s7;
	v2 =	vld [tilespmem:s10+$0x14000]  }
0x41b: {  	s9 =	sor.u32 $0x4000, s10;
	[tilespmem:s12+$0x0] =	vst.add.f32.msk $0xffff, v3  }
0x41c: {  	s8 =	sor.u32 $0x4020, s10;
	s11 =	sor.u32 $0x4020, s7;
	s7 =	sor.u32 $0x4010, s10;
	v3 =	vld [tilespmem:s10+$0x14010]  }
.LBB2_54:
0x41d: {  	s4 =	sadd.s32 $0x40, s4;
	v4 =	vld [tilespmem:s10+$0x14020];
	s5 =	sadd.s32 $0x8, s5;
	s6 =	sadd.s32 $0x200, s6  }
0x41e: {  	s10 =	sor.u32 $0x4030, s10;
	s12 =	sand.u32 $0x2000, s4;
	s13 =	sand.u32 $0x1C00, s6;
	[tilespmem:s11+$0x0] =	vst.add.f32.msk $0xffff, v0  }
0x41f: {  	p0 =	slt.u32 s4, $0x3FC0;
	s11 =	sor.u32 s12, s13;
	s12 =	sand.u32 $0x380, s5;
	[tilespmem:s10+$0x0] =	vst.add.f32.msk $0xffff, v1  }
.Ltmp26:
0x420: {  	s10 =	sand.u32 $0x40, s4;
	s11 =	sor.u32 s12, s11;
	[tilespmem:s9+$0x0] =	vst.add.f32.msk $0xffff, v2;
	(pc) =	sbr.rel @p0 .LBB2_54-.Ltmp26, $4  }
0x421: {  	s10 =	sor.u32 s10, s11;
	[tilespmem:s7+$0x0] =	vst.add.f32.msk $0xffff, v3;
	s11 =	smov.u32 s8  }
0x422: {  	s9 =	sor.u32 $0x4000, s10;
	s7 =	sor.u32 $0x4010, s10;
	s8 =	sor.u32 $0x4020, s10;
	v1 =	vld [tilespmem:s10+$0x14030];
	v0 =	vmov v4  }
0x423: {  	v2 =	vld [tilespmem:s10+$0x14000]  }
0x424: {  	v3 =	vld [tilespmem:s10+$0x14010]  }
0x425: {  	v4 =	vld [tilespmem:s10+$0x14020]  }
0x426: {  	s4 =	sor.u32 $0x4030, s10;
	[tilespmem:s11+$0x0] =	vst.add.f32.msk $0xffff, v0  }
0x427: {  	[tilespmem:s4+$0x0] =	vst.add.f32.msk $0xffff, v1  }
0x428: {  	[tilespmem:s9+$0x0] =	vst.add.f32.msk $0xffff, v2  }
0x429: {  	[tilespmem:s7+$0x0] =	vst.add.f32.msk $0xffff, v3  }
0x42a: {  	[tilespmem:s8+$0x0] =	vst.add.f32.msk $0xffff, v4  }
0x42b: {  	s5 =	sld [smem:$0x7F1];
	_ =	sdelay $0x1  }
0x42c: {  	s11 =	simm.s32 $0x0  }
0x42d: {  	[hbm4b:s5+s11] =	stream.linear.scatter [tilespmem:s16], [sflag:$0x7], $0x4000, $0x38;
	[tilespmem:$0x1C000] =	vst v63  }
0x42e: {  	_ =	swait.ge [sflag:s24], $0x4000  }
0x42f: {  	s12 =	sld [smem:$0x7F8]  }
0x430: {  	s13 =	simm.s32 $0x0;
	[sflag:s24] =	ssyncset.done $0x0  }
0x431: {  	s6 =	sand.u32 $0x2000, s13;
	s8 =	sand.u32 $0x1C00, s11;
	[sflag:s24] =	ssyncadd.s32 $0xFFFFC000  }
0x432: {  	[tilespmem:s11], [sflag:$0x1] =	stream.linear.gather [hbm4b:s12+s11], $0x4000, $0x38;
	[tilespmem:$0x1C000] =	vst v63  }
0x433: {  	s4 =	sand.u32 $0x380, s11;
	s6 =	sor.u32 s6, s8;
	_ =	swait.ge [sflag:s25], $0x4000  }
0x434: {  	s4 =	sor.u32 s4, s6;
	s5 =	sand.u32 $0x40, s13;
	[sflag:s25] =	ssyncset.done $0x0  }
0x435: {  	s7 =	sor.u32 s5, s4;
	[sflag:s25] =	ssyncadd.s32 $0xFFFFC000  }
0x436: {  	v1 =	vld [tilespmem:s7+$0x14030]  }
0x437: {  	v2 =	vld [tilespmem:s7+$0x14000]  }
0x438: {  	s6 =	simm.s32 $0x200;
	s4 =	simm.s32 $0x40  }
0x439: {  	s10 =	sand.u32 $0x1C00, s6;
	s5 =	simm.s32 $0x8;
	s9 =	sand.u32 $0x2000, s4;
	v3 =	vld [tilespmem:s7+$0x14010]  }
0x43a: {  	s8 =	sor.u32 s9, s10;
	s9 =	sand.u32 $0x380, s5;
	s12 =	sor.u32 $0x8030, s7;
	v0 =	vld [tilespmem:s7+$0x14020]  }
0x43b: {  	s13 =	sand.u32 $0x40, s4;
	s8 =	sor.u32 s9, s8;
	s11 =	sor.u32 $0x8000, s7;
	[tilespmem:s12+$0x0] =	vst.add.f32.msk $0xffff, v1  }
0x43c: {  	s10 =	sor.u32 s13, s8;
	[tilespmem:s11+$0x0] =	vst.add.f32.msk $0xffff, v2  }
0x43d: {  	v1 =	vld [tilespmem:s10+$0x14030]  }
0x43e: {  	s12 =	sor.u32 $0x8010, s7;
	v2 =	vld [tilespmem:s10+$0x14000]  }
0x43f: {  	s9 =	sor.u32 $0x8000, s10;
	[tilespmem:s12+$0x0] =	vst.add.f32.msk $0xffff, v3  }
0x440: {  	s8 =	sor.u32 $0x8020, s10;
	s11 =	sor.u32 $0x8020, s7;
	s7 =	sor.u32 $0x8010, s10;
	v3 =	vld [tilespmem:s10+$0x14010]  }
.LBB2_56:
0x441: {  	s4 =	sadd.s32 $0x40, s4;
	v4 =	vld [tilespmem:s10+$0x14020];
	s5 =	sadd.s32 $0x8, s5;
	s6 =	sadd.s32 $0x200, s6  }
0x442: {  	s10 =	sor.u32 $0x8030, s10;
	s12 =	sand.u32 $0x2000, s4;
	s13 =	sand.u32 $0x1C00, s6;
	[tilespmem:s11+$0x0] =	vst.add.f32.msk $0xffff, v0  }
0x443: {  	p0 =	slt.u32 s4, $0x3FC0;
	s11 =	sor.u32 s12, s13;
	s12 =	sand.u32 $0x380, s5;
	[tilespmem:s10+$0x0] =	vst.add.f32.msk $0xffff, v1  }
.Ltmp27:
0x444: {  	s10 =	sand.u32 $0x40, s4;
	s11 =	sor.u32 s12, s11;
	[tilespmem:s9+$0x0] =	vst.add.f32.msk $0xffff, v2;
	(pc) =	sbr.rel @p0 .LBB2_56-.Ltmp27, $4  }
0x445: {  	s10 =	sor.u32 s10, s11;
	[tilespmem:s7+$0x0] =	vst.add.f32.msk $0xffff, v3;
	s11 =	smov.u32 s8  }
0x446: {  	s9 =	sor.u32 $0x8000, s10;
	s7 =	sor.u32 $0x8010, s10;
	s8 =	sor.u32 $0x8020, s10;
	v1 =	vld [tilespmem:s10+$0x14030];
	v0 =	vmov v4  }
0x447: {  	v2 =	vld [tilespmem:s10+$0x14000]  }
0x448: {  	v3 =	vld [tilespmem:s10+$0x14010]  }
0x449: {  	v4 =	vld [tilespmem:s10+$0x14020]  }
0x44a: {  	s4 =	sor.u32 $0x8030, s10;
	[tilespmem:s11+$0x0] =	vst.add.f32.msk $0xffff, v0  }
0x44b: {  	[tilespmem:s4+$0x0] =	vst.add.f32.msk $0xffff, v1  }
0x44c: {  	[tilespmem:s9+$0x0] =	vst.add.f32.msk $0xffff, v2  }
0x44d: {  	[tilespmem:s7+$0x0] =	vst.add.f32.msk $0xffff, v3  }
0x44e: {  	[tilespmem:s8+$0x0] =	vst.add.f32.msk $0xffff, v4  }
0x44f: {  	s5 =	sld [smem:$0x7F3];
	_ =	sdelay $0x1  }
0x450: {  	s11 =	simm.s32 $0x0  }
0x451: {  	[hbm4b:s5+s11] =	stream.linear.scatter [tilespmem:s17], [sflag:$0x8], $0x4000, $0x38;
	[tilespmem:$0x1C000] =	vst v63  }
0x452: {  	_ =	swait.ge [sflag:s29], $0x4000  }
0x453: {  	[sflag:s29] =	ssyncset.done $0x0  }
0x454: {  	[sflag:s29] =	ssyncadd.s32 $0xFFFFC000  }
0x455: {  	_ =	swait.ge [sflag:s26], $0x4000  }
0x456: {  	s12 =	sld [smem:$0x7F9]  }
0x457: {  	s13 =	simm.s32 $0x0;
	[sflag:s26] =	ssyncset.done $0x0  }
0x458: {  	s6 =	sand.u32 $0x2000, s13;
	s8 =	sand.u32 $0x1C00, s11;
	[sflag:s26] =	ssyncadd.s32 $0xFFFFC000  }
0x459: {  	[tilespmem:s16], [sflag:$0x2] =	stream.linear.gather [hbm4b:s12+s11], $0x4000, $0x38;
	[tilespmem:$0x1C000] =	vst v63  }
0x45a: {  	s4 =	sand.u32 $0x380, s11;
	s6 =	sor.u32 s6, s8;
	_ =	swait.ge [sflag:s28], $0x4000  }
0x45b: {  	s4 =	sor.u32 s4, s6;
	s5 =	sand.u32 $0x40, s13;
	[sflag:s28] =	ssyncset.done $0x0  }
0x45c: {  	s7 =	sor.u32 s5, s4;
	[sflag:s28] =	ssyncadd.s32 $0xFFFFC000  }
0x45d: {  	v1 =	vld [tilespmem:s7+$0x18030]  }
0x45e: {  	v2 =	vld [tilespmem:s7+$0x18000]  }
0x45f: {  	s6 =	simm.s32 $0x200;
	s4 =	simm.s32 $0x40  }
0x460: {  	s10 =	sand.u32 $0x1C00, s6;
	s5 =	simm.s32 $0x8;
	s9 =	sand.u32 $0x2000, s4;
	v3 =	vld [tilespmem:s7+$0x18010]  }
0x461: {  	s8 =	sor.u32 s9, s10;
	s9 =	sand.u32 $0x380, s5;
	s12 =	sor.u32 $0xC030, s7;
	v0 =	vld [tilespmem:s7+$0x18020]  }
0x462: {  	s13 =	sand.u32 $0x40, s4;
	s8 =	sor.u32 s9, s8;
	s11 =	sor.u32 $0xC000, s7;
	[tilespmem:s12+$0x0] =	vst.add.f32.msk $0xffff, v1  }
0x463: {  	s10 =	sor.u32 s13, s8;
	[tilespmem:s11+$0x0] =	vst.add.f32.msk $0xffff, v2  }
0x464: {  	v1 =	vld [tilespmem:s10+$0x18030]  }
0x465: {  	s12 =	sor.u32 $0xC010, s7;
	v2 =	vld [tilespmem:s10+$0x18000]  }
0x466: {  	s9 =	sor.u32 $0xC000, s10;
	[tilespmem:s12+$0x0] =	vst.add.f32.msk $0xffff, v3  }
0x467: {  	s8 =	sor.u32 $0xC020, s10;
	s11 =	sor.u32 $0xC020, s7;
	s7 =	sor.u32 $0xC010, s10;
	v3 =	vld [tilespmem:s10+$0x18010]  }
.LBB2_58:
0x468: {  	s4 =	sadd.s32 $0x40, s4;
	v4 =	vld [tilespmem:s10+$0x18020];
	s5 =	sadd.s32 $0x8, s5;
	s6 =	sadd.s32 $0x200, s6  }
0x469: {  	s10 =	sor.u32 $0xC030, s10;
	s12 =	sand.u32 $0x2000, s4;
	s13 =	sand.u32 $0x1C00, s6;
	[tilespmem:s11+$0x0] =	vst.add.f32.msk $0xffff, v0  }
0x46a: {  	p0 =	slt.u32 s4, $0x3FC0;
	s11 =	sor.u32 s12, s13;
	s12 =	sand.u32 $0x380, s5;
	[tilespmem:s10+$0x0] =	vst.add.f32.msk $0xffff, v1  }
.Ltmp28:
0x46b: {  	s10 =	sand.u32 $0x40, s4;
	s11 =	sor.u32 s12, s11;
	[tilespmem:s9+$0x0] =	vst.add.f32.msk $0xffff, v2;
	(pc) =	sbr.rel @p0 .LBB2_58-.Ltmp28, $4  }
0x46c: {  	s10 =	sor.u32 s10, s11;
	[tilespmem:s7+$0x0] =	vst.add.f32.msk $0xffff, v3;
	s11 =	smov.u32 s8  }
0x46d: {  	s9 =	sor.u32 $0xC000, s10;
	s7 =	sor.u32 $0xC010, s10;
	s8 =	sor.u32 $0xC020, s10;
	v1 =	vld [tilespmem:s10+$0x18030];
	v0 =	vmov v4  }
0x46e: {  	v2 =	vld [tilespmem:s10+$0x18000]  }
0x46f: {  	v3 =	vld [tilespmem:s10+$0x18010]  }
0x470: {  	v4 =	vld [tilespmem:s10+$0x18020]  }
0x471: {  	s4 =	sor.u32 $0xC030, s10;
	[tilespmem:s11+$0x0] =	vst.add.f32.msk $0xffff, v0  }
0x472: {  	[tilespmem:s4+$0x0] =	vst.add.f32.msk $0xffff, v1  }
0x473: {  	[tilespmem:s9+$0x0] =	vst.add.f32.msk $0xffff, v2  }
0x474: {  	[tilespmem:s7+$0x0] =	vst.add.f32.msk $0xffff, v3  }
0x475: {  	[tilespmem:s8+$0x0] =	vst.add.f32.msk $0xffff, v4  }
0x476: {  	s5 =	sld [smem:$0x7FA]  }
0x477: {  	s12 =	simm.s32 $0x0;
	s13 =	simm.s32 $0x0  }
0x478: {  	s6 =	sand.u32 $0x2000, s13;
	s8 =	sand.u32 $0x1C00, s12  }
0x479: {  	[hbm4b:s5+s12] =	stream.linear.scatter [tilespmem:s20], [sflag:$0x9], $0x4000, $0x38;
	[tilespmem:$0x1C000] =	vst v63  }
0x47a: {  	s4 =	sand.u32 $0x380, s12;
	s6 =	sor.u32 s6, s8;
	_ =	swait.ge [sflag:s31], $0x4000  }
0x47b: {  	s4 =	sor.u32 s4, s6;
	s5 =	sand.u32 $0x40, s13;
	[sflag:s31] =	ssyncset.done $0x0  }
0x47c: {  	s7 =	sor.u32 s5, s4;
	[sflag:s31] =	ssyncadd.s32 $0xFFFFC000  }
0x47d: {  	v1 =	vld [tilespmem:s7+$0x18030]  }
0x47e: {  	v2 =	vld [tilespmem:s7+$0x18000]  }
0x47f: {  	s6 =	simm.s32 $0x200;
	s4 =	simm.s32 $0x40  }
0x480: {  	s10 =	sand.u32 $0x1C00, s6;
	s5 =	simm.s32 $0x8;
	s9 =	sand.u32 $0x2000, s4;
	v3 =	vld [tilespmem:s7+$0x18010]  }
0x481: {  	s12 =	sor.u32 $0x10030, s7;
	s8 =	sor.u32 s9, s10;
	s9 =	sand.u32 $0x380, s5;
	v0 =	vld [tilespmem:s7+$0x18020]  }
0x482: {  	s11 =	sor.u32 $0x10000, s7;
	s13 =	sand.u32 $0x40, s4;
	s8 =	sor.u32 s9, s8;
	[tilespmem:s12+$0x0] =	vst.add.f32.msk $0xffff, v1  }
0x483: {  	s10 =	sor.u32 s13, s8;
	[tilespmem:s11+$0x0] =	vst.add.f32.msk $0xffff, v2  }
0x484: {  	v1 =	vld [tilespmem:s10+$0x18030]  }
0x485: {  	s12 =	sor.u32 $0x10010, s7;
	v2 =	vld [tilespmem:s10+$0x18000]  }
0x486: {  	s9 =	sor.u32 $0x10000, s10;
	[tilespmem:s12+$0x0] =	vst.add.f32.msk $0xffff, v3  }
0x487: {  	s8 =	sor.u32 $0x10020, s10;
	s11 =	sor.u32 $0x10020, s7;
	s7 =	sor.u32 $0x10010, s10;
	v3 =	vld [tilespmem:s10+$0x18010]  }
.LBB2_60:
0x488: {  	s4 =	sadd.s32 $0x40, s4;
	v4 =	vld [tilespmem:s10+$0x18020];
	s5 =	sadd.s32 $0x8, s5;
	s6 =	sadd.s32 $0x200, s6  }
0x489: {  	s10 =	sor.u32 $0x10030, s10;
	s12 =	sand.u32 $0x2000, s4;
	s13 =	sand.u32 $0x1C00, s6;
	[tilespmem:s11+$0x0] =	vst.add.f32.msk $0xffff, v0  }
0x48a: {  	p0 =	slt.u32 s4, $0x3FC0;
	s11 =	sor.u32 s12, s13;
	s12 =	sand.u32 $0x380, s5;
	[tilespmem:s10+$0x0] =	vst.add.f32.msk $0xffff, v1  }
.Ltmp29:
0x48b: {  	s10 =	sand.u32 $0x40, s4;
	s11 =	sor.u32 s12, s11;
	[tilespmem:s9+$0x0] =	vst.add.f32.msk $0xffff, v2;
	(pc) =	sbr.rel @p0 .LBB2_60-.Ltmp29, $4  }
0x48c: {  	s10 =	sor.u32 s10, s11;
	[tilespmem:s7+$0x0] =	vst.add.f32.msk $0xffff, v3;
	s11 =	smov.u32 s8  }
0x48d: {  	s9 =	sor.u32 $0x10000, s10;
	s7 =	sor.u32 $0x10010, s10;
	s8 =	sor.u32 $0x10020, s10;
	v1 =	vld [tilespmem:s10+$0x18030];
	v0 =	vmov v4  }
0x48e: {  	v2 =	vld [tilespmem:s10+$0x18000]  }
0x48f: {  	v3 =	vld [tilespmem:s10+$0x18010]  }
0x490: {  	v4 =	vld [tilespmem:s10+$0x18020]  }
0x491: {  	s4 =	sor.u32 $0x10030, s10;
	[tilespmem:s11+$0x0] =	vst.add.f32.msk $0xffff, v0  }
0x492: {  	[tilespmem:s4+$0x0] =	vst.add.f32.msk $0xffff, v1  }
0x493: {  	[tilespmem:s9+$0x0] =	vst.add.f32.msk $0xffff, v2  }
0x494: {  	[tilespmem:s7+$0x0] =	vst.add.f32.msk $0xffff, v3  }
0x495: {  	[tilespmem:s8+$0x0] =	vst.add.f32.msk $0xffff, v4  }
0x496: {  	s5 =	sld [smem:$0x7FB]  }
0x497: {  	s9 =	simm.s32 $0x0;
	s8 =	simm.s32 $0x0  }
0x498: {  	s6 =	sand.u32 $0x2000, s9;
	s10 =	sand.u32 $0x1C00, s8  }
0x499: {  	[hbm4b:s5+s8] =	stream.linear.scatter [tilespmem:s22], [sflag:$0xA], $0x4000, $0x38;
	[tilespmem:$0x1C000] =	vst v63  }
0x49a: {  	s4 =	sand.u32 $0x380, s8;
	s6 =	sor.u32 s6, s10;
	_ =	swait.ge [sflag:s21], $0x4000  }
0x49b: {  	s4 =	sor.u32 s4, s6;
	s5 =	sand.u32 $0x40, s9;
	[sflag:s21] =	ssyncset.done $0x0  }
0x49c: {  	s8 =	sor.u32 s5, s4;
	[sflag:s21] =	ssyncadd.s32 $0xFFFFC000  }
0x49d: {  	v1 =	vld [tilespmem:s8+$0x18030]  }
0x49e: {  	v2 =	vld [tilespmem:s8+$0x18000]  }
0x49f: {  	s6 =	simm.s32 $0x200;
	v3 =	vld [tilespmem:s8+$0x18010]  }
0x4a0: {  	s12 =	sand.u32 $0x1C00, s6;
	s4 =	simm.s32 $0x40  }
0x4a1: {  	s5 =	simm.s32 $0x8;
	s11 =	sand.u32 $0x2000, s4;
	s13 =	sor.u32 $0x30, s8;
	v0 =	vld [tilespmem:s8+$0x18020]  }
0x4a2: {  	s7 =	sor.u32 s11, s12;
	s11 =	sand.u32 $0x380, s5;
	[tilespmem:s13+$0x0] =	vst.add.f32.msk $0xffff, v1  }
0x4a3: {  	s12 =	sor.u32 $0x10, s8;
	s7 =	sor.u32 s11, s7;
	s13 =	sand.u32 $0x40, s4;
	[tilespmem:s8+$0x0] =	vst.add.f32.msk $0xffff, v2  }
0x4a4: {  	[tilespmem:s12+$0x0] =	vst.add.f32.msk $0xffff, v3;
	s7 =	sor.u32 s13, s7  }
0x4a5: {  	v2 =	vld [tilespmem:s7+$0x18030]  }
0x4a6: {  	v1 =	vld [tilespmem:s7+$0x18000]  }
0x4a7: {  	s10 =	sor.u32 $0x20, s8;
	s8 =	sor.u32 $0x10, s7;
	s9 =	sor.u32 $0x20, s7;
	v3 =	vld [tilespmem:s7+$0x18010]  }
.LBB2_62:
0x4a8: {  	s4 =	sadd.s32 $0x40, s4;
	v4 =	vld [tilespmem:s7+$0x18020];
	s5 =	sadd.s32 $0x8, s5;
	s6 =	sadd.s32 $0x200, s6  }
0x4a9: {  	s13 =	sor.u32 $0x30, s7;
	s11 =	sand.u32 $0x2000, s4;
	s12 =	sand.u32 $0x1C00, s6;
	[tilespmem:s10+$0x0] =	vst.add.f32.msk $0xffff, v0  }
0x4aa: {  	p0 =	slt.u32 s4, $0x3FC0;
	s10 =	sor.u32 s11, s12;
	s11 =	sand.u32 $0x380, s5;
	[tilespmem:s13+$0x0] =	vst.add.f32.msk $0xffff, v2  }
.Ltmp30:
0x4ab: {  	s12 =	sand.u32 $0x40, s4;
	s10 =	sor.u32 s11, s10;
	[tilespmem:s7+$0x0] =	vst.add.f32.msk $0xffff, v1;
	(pc) =	sbr.rel @p0 .LBB2_62-.Ltmp30, $4  }
0x4ac: {  	s7 =	sor.u32 s12, s10;
	[tilespmem:s8+$0x0] =	vst.add.f32.msk $0xffff, v3;
	s10 =	smov.u32 s9  }
0x4ad: {  	s8 =	sor.u32 $0x10, s7;
	s9 =	sor.u32 $0x20, s7;
	v2 =	vld [tilespmem:s7+$0x18030];
	v0 =	vmov v4  }
0x4ae: {  	v1 =	vld [tilespmem:s7+$0x18000]  }
0x4af: {  	v3 =	vld [tilespmem:s7+$0x18010]  }
0x4b0: {  	v4 =	vld [tilespmem:s7+$0x18020]  }
0x4b1: {  	s4 =	sor.u32 $0x30, s7;
	[tilespmem:s10+$0x0] =	vst.add.f32.msk $0xffff, v0  }
0x4b2: {  	[tilespmem:s4+$0x0] =	vst.add.f32.msk $0xffff, v2  }
0x4b3: {  	[tilespmem:s7+$0x0] =	vst.add.f32.msk $0xffff, v1  }
0x4b4: {  	[tilespmem:s8+$0x0] =	vst.add.f32.msk $0xffff, v3  }
0x4b5: {  	[tilespmem:s9+$0x0] =	vst.add.f32.msk $0xffff, v4  }
0x4b6: {  	s5 =	sld [smem:$0x7FC]  }
0x4b7: {  	s12 =	simm.s32 $0x0;
	s13 =	simm.s32 $0x0  }
0x4b8: {  	s6 =	sand.u32 $0x2000, s13;
	s8 =	sand.u32 $0x1C00, s12  }
0x4b9: {  	[hbm4b:s5+s12] =	stream.linear.scatter [tilespmem:s12], [sflag:$0x6], $0x4000, $0x38;
	[tilespmem:$0x1C000] =	vst v63  }
0x4ba: {  	s4 =	sand.u32 $0x380, s12;
	s6 =	sor.u32 s6, s8;
	_ =	swait.ge [sflag:s23], $0x4000  }
0x4bb: {  	s4 =	sor.u32 s4, s6;
	s5 =	sand.u32 $0x40, s13;
	[sflag:s23] =	ssyncset.done $0x0  }
0x4bc: {  	s7 =	sor.u32 s5, s4;
	[sflag:s23] =	ssyncadd.s32 $0xFFFFC000  }
0x4bd: {  	v1 =	vld [tilespmem:s7+$0x18030]  }
0x4be: {  	v2 =	vld [tilespmem:s7+$0x18000]  }
0x4bf: {  	s6 =	simm.s32 $0x200;
	s4 =	simm.s32 $0x40  }
0x4c0: {  	s10 =	sand.u32 $0x1C00, s6;
	s5 =	simm.s32 $0x8;
	s9 =	sand.u32 $0x2000, s4;
	v3 =	vld [tilespmem:s7+$0x18010]  }
0x4c1: {  	s12 =	sor.u32 $0x4030, s7;
	s8 =	sor.u32 s9, s10;
	s9 =	sand.u32 $0x380, s5;
	v0 =	vld [tilespmem:s7+$0x18020]  }
0x4c2: {  	s11 =	sor.u32 $0x4000, s7;
	s13 =	sand.u32 $0x40, s4;
	s8 =	sor.u32 s9, s8;
	[tilespmem:s12+$0x0] =	vst.add.f32.msk $0xffff, v1  }
0x4c3: {  	s10 =	sor.u32 s13, s8;
	[tilespmem:s11+$0x0] =	vst.add.f32.msk $0xffff, v2  }
0x4c4: {  	v1 =	vld [tilespmem:s10+$0x18030]  }
0x4c5: {  	s12 =	sor.u32 $0x4010, s7;
	v2 =	vld [tilespmem:s10+$0x18000]  }
0x4c6: {  	s9 =	sor.u32 $0x4000, s10;
	[tilespmem:s12+$0x0] =	vst.add.f32.msk $0xffff, v3  }
0x4c7: {  	s8 =	sor.u32 $0x4020, s10;
	s11 =	sor.u32 $0x4020, s7;
	s7 =	sor.u32 $0x4010, s10;
	v3 =	vld [tilespmem:s10+$0x18010]  }
.LBB2_64:
0x4c8: {  	s4 =	sadd.s32 $0x40, s4;
	v4 =	vld [tilespmem:s10+$0x18020];
	s5 =	sadd.s32 $0x8, s5;
	s6 =	sadd.s32 $0x200, s6  }
0x4c9: {  	s10 =	sor.u32 $0x4030, s10;
	s12 =	sand.u32 $0x2000, s4;
	s13 =	sand.u32 $0x1C00, s6;
	[tilespmem:s11+$0x0] =	vst.add.f32.msk $0xffff, v0  }
0x4ca: {  	p0 =	slt.u32 s4, $0x3FC0;
	s11 =	sor.u32 s12, s13;
	s12 =	sand.u32 $0x380, s5;
	[tilespmem:s10+$0x0] =	vst.add.f32.msk $0xffff, v1  }
.Ltmp31:
0x4cb: {  	s10 =	sand.u32 $0x40, s4;
	s11 =	sor.u32 s12, s11;
	[tilespmem:s9+$0x0] =	vst.add.f32.msk $0xffff, v2;
	(pc) =	sbr.rel @p0 .LBB2_64-.Ltmp31, $4  }
0x4cc: {  	s10 =	sor.u32 s10, s11;
	[tilespmem:s7+$0x0] =	vst.add.f32.msk $0xffff, v3;
	s11 =	smov.u32 s8  }
0x4cd: {  	s9 =	sor.u32 $0x4000, s10;
	s7 =	sor.u32 $0x4010, s10;
	s8 =	sor.u32 $0x4020, s10;
	v1 =	vld [tilespmem:s10+$0x18030];
	v0 =	vmov v4  }
0x4ce: {  	v2 =	vld [tilespmem:s10+$0x18000]  }
0x4cf: {  	v3 =	vld [tilespmem:s10+$0x18010]  }
0x4d0: {  	v4 =	vld [tilespmem:s10+$0x18020]  }
0x4d1: {  	s4 =	sor.u32 $0x4030, s10;
	[tilespmem:s11+$0x0] =	vst.add.f32.msk $0xffff, v0  }
0x4d2: {  	[tilespmem:s4+$0x0] =	vst.add.f32.msk $0xffff, v1  }
0x4d3: {  	[tilespmem:s9+$0x0] =	vst.add.f32.msk $0xffff, v2  }
0x4d4: {  	[tilespmem:s7+$0x0] =	vst.add.f32.msk $0xffff, v3  }
0x4d5: {  	[tilespmem:s8+$0x0] =	vst.add.f32.msk $0xffff, v4  }
0x4d6: {  	s4 =	sld [smem:$0x7FD];
	_ =	sdelay $0x2  }
0x4d7: {  	[hbm4b:s4+s1] =	stream.linear.scatter [tilespmem:s16], [sflag:$0x7], $0x4000, $0x38;
	[tilespmem:$0x1C000] =	vst v63  }
0x4d8: {  	_ =	swait.ge [sflag:s30], $0x4000  }
0x4d9: {  	[sflag:s30] =	ssyncset.done $0x0  }
0x4da: {  	[sflag:s30] =	ssyncadd.s32 $0xFFFFC000  }
0x4db: {  	_ =	swait.ge [sflag:s0], $0x4000  }
0x4dc: {  	[sflag:s0] =	ssyncset.done $0x0  }
0x4dd: {  	[sflag:s0] =	ssyncadd.s32 $0xFFFFC000  }
0x4de: {  	_ =	swait.ge [sflag:s2], $0x4000  }
0x4df: {  	[sflag:s2] =	ssyncset.done $0x0  }
0x4e0: {  	s3 =	sadd.s32 $0x1, s3;
	[sflag:s2] =	ssyncadd.s32 $0xFFFFC000  }
0x4e1: {  	p0 =	sne.s32 s3, s14;
	_ =	swait.ge [sflag:s24], $0x4000  }
.Ltmp32:
0x4e2: {  	[sflag:s24] =	ssyncset.done $0x0;
	(pc) =	sbr.rel @p0 .LBB2_1-.Ltmp32, $4  }
0x4e3: {  	[sflag:s24] =	ssyncadd.s32 $0xFFFFC000  }
0x4e4: {  	_ =	swait.ge [sflag:s26], $0x4000  }
0x4e5: {  	[sflag:s26] =	ssyncset.done $0x0  }
0x4e6: {  	[sflag:s26] =	ssyncadd.s32 $0xFFFFC000  }
0x4e7: {  	_ =	sfence.sel $0x180000  }
0x4e8: {  	[bflag:$0x0] =	sbarrier.arrive $0xFFFF  }
0x4e9: {  	_ =	strace $0x90000047  }
0x4ea: {  	s0 =	stileid.u32;
	[bflag:$0x2] =	sbarrier.arrive $0xFFFF  }
0x4eb: {  	p0 =	sne.s32 s0, $0x0;
	s0 =	rddreg [dreg:$0x3]  }
0x4ec: {  	s0 =	sadd.s32 @!p0 $0x100000, s0  }
0x4ed: {  	[sflag:s0] =	ssyncadd.tile.s32 @!p0 $0x1;
	_ =	shalt  }
.Lfunc_end2:
_tile_overlayer_lowered:
.L_overlay_start_2:
0x4ee: {  	(tag) =	ssettag $0x2  }
0x4ef: {  	s0 =	rddreg [dreg:$0x0];
	s2 =	stileid.u32  }
0x4f0: {  	s1 =	rddreg [dreg:$0x1];
	p0 =	sne.s32 s2, $0x0  }
0x4f1: {  	s3 =	rddreg [dreg:$0x2];
	[bflag:$0x3] =	sbarrier.arrive $0xFFFF;
	s2 =	simm.s32 @!p0 $0x1C0D  }
0x4f2: {  	[timem:s3], [sflag:s2] =	dma.local @!p0 [hbm:s0], s1  }
0x4f3: {  	s0 =	simm.s32 @!p0 $0xD  }
0x4f4: {  	_ =	swait.ge @!p0 [sflag:s0], s1  }
0x4f5: {  	s1 =	ssub.s32 @!p0 $0x0, s1;
	[sflag:s0] =	ssyncset.done @!p0 $0x0  }
0x4f6: {  	[sflag:s0] =	ssyncadd.s32 @!p0 s1  }
0x4f7: {  	[bflag:$0x3] =	sbarrier.arrive $0xFFFF  }
0x4f8: {  	_ =	shalt  }

</sc_bundles>
